<compile_context>
chip_gen: v7x
topology: tpu7x:2x2x1
jax: 0.10.2.dev20260603
libtpu: 0.0.44.dev20260713+nightly
codegen_flags: <defaults>
</compile_context>

<pallas_src>
import functools

import jax
import jax.numpy as jnp
from jax import lax
from jax.experimental import pallas as pl
from jax.experimental.pallas import tpu as pltpu
from jax.experimental.pallas import tpu_sc as plsc

N = 10000
E = 320000
EL = 100000
D = 128
V = 65

TP0 = 112
T1 = 104
T2 = 96
T3 = 88
BN = 50

NC, NS = 2, 16
NW = NC * NS
NPAD = 10240
ROWS_PT = NPAD // NS
CE = 80
EPW = E // NW
ELP = 102400
ELPW = ELP // NW



def _cnn_body(s_ref, emb_ref, w1_ref, b1_ref, w2_ref, b2_ref, w3_ref,
              b3_ref, out_ref):
    bf = jnp.bfloat16
    s = s_ref[...]
    oh = (s == lax.broadcasted_iota(jnp.int32, (1, V), 1)).astype(jnp.float32)
    e2 = jnp.dot(oh, emb_ref[...], preferred_element_type=jnp.float32)
    e3 = e2.reshape(BN, TP0, D)

    x1 = jnp.concatenate(
        [lax.slice(e3, (0, k, 0), (BN, k + T1, D)).reshape(BN * T1, D)
         for k in range(4)], axis=1)
    acc1 = jnp.dot(x1, w1_ref[...], preferred_element_type=jnp.float32)
    h1 = jnp.maximum(acc1 + b1_ref[...], 0.0).reshape(BN, T1, 40)

    x2 = jnp.concatenate(
        [lax.slice(h1, (0, k, 0), (BN, k + T2, 40)).reshape(BN * T2, 40)
         for k in range(6)], axis=1)
    acc2 = jnp.dot(x2, w2_ref[...], preferred_element_type=jnp.float32)
    h2 = jnp.maximum(acc2 + b2_ref[...], 0.0).reshape(BN, T2, 80)

    x3 = jnp.concatenate(
        [lax.slice(h2, (0, k, 0), (BN, k + T3, 80)).reshape(BN * T3, 80)
         for k in range(8)], axis=1)
    acc3 = jnp.dot(x3, w3_ref[...], preferred_element_type=jnp.float32)
    y3 = jnp.maximum(acc3 + b3_ref[...], 0.0)
    out_ref[...] = y3.reshape(BN, T3, 160).astype(bf)


def _fc_body(y_ref, w_ref, b_ref, out_ref):
    @pl.when(pl.program_id(1) == 0)
    def _():
        out_ref[...] = jnp.broadcast_to(b_ref[...], out_ref.shape)

    out_ref[...] += jnp.dot(y_ref[...], w_ref[...],
                            preferred_element_type=jnp.float32)


def _combine1_body(p_ref, dp_ref, x_ref, wl_ref, wr_ref, b_ref, h_ref,
                   dinv_ref):
    s = p_ref[0] + p_ref[1]
    deg = dp_ref[0][:, 0:1] + dp_ref[1][:, 0:1]
    dinv = 1.0 / jnp.maximum(deg, 1.0)
    mean = s * dinv
    h = (jnp.dot(mean, wl_ref[...], preferred_element_type=jnp.float32)
         + jnp.dot(x_ref[...], wr_ref[...], preferred_element_type=jnp.float32)
         + b_ref[...])
    h_ref[...] = jnp.maximum(h, 0.0)
    dinv_ref[...] = dinv


def _combine2_body(p_ref, h_ref, dinv_ref, feat_ref, wl_ref, wr_ref, b_ref,
                   wt_ref, wb_ref, z_ref, u_ref, v_ref):
    s = p_ref[0] + p_ref[1]
    mean = s * dinv_ref[...]
    z = (jnp.dot(mean, wl_ref[...], preferred_element_type=jnp.float32)
         + jnp.dot(h_ref[...], wr_ref[...], preferred_element_type=jnp.float32)
         + b_ref[...] + feat_ref[...])
    z_ref[...] = z
    u_ref[...] = jnp.dot(z, wt_ref[...], preferred_element_type=jnp.float32)
    v_ref[...] = jnp.dot(z, wb_ref[...], preferred_element_type=jnp.float32)


def _dec_body(ur_ref, vc_ref, b1_ref, w2_ref, b2_ref, o_ref):
    h = jnp.maximum(ur_ref[...] + vc_ref[...] + b1_ref[...], 0.0)
    o_ref[...] = jnp.sum(h * w2_ref[...], axis=1, keepdims=True) + b2_ref[...]



DEPTH = 5


def _make_segsum():
    zr = 16
    sdepth = 2
    nch = EPW // CE
    nset = nch // sdepth
    mesh = plsc.VectorSubcoreMesh(core_axis_name="c", subcore_axis_name="s",
                                  num_cores=NC, num_subcores=NS)

    @functools.partial(
        pl.kernel,
        out_type=jax.ShapeDtypeStruct((NC, NPAD, D), jnp.float32),
        mesh=mesh,
        scratch_types=[
            pltpu.VMEM(((nch + 1) // 2, 2, CE), jnp.int32),
            pltpu.VMEM((sdepth, CE, D), jnp.float32),
            pltpu.VMEM_SHARED((NPAD, D), jnp.float32),
            pltpu.SemaphoreType.DMA,
            pltpu.SemaphoreType.DMA,
        ],
    )
    def seg(table_h, sd_h, out_h, idxb, rows, acc, semg, sems):
        cid = lax.axis_index("c")
        sid = lax.axis_index("s")
        wid = sid * NC + cid
        zv = jnp.zeros((16,), jnp.float32)

        @pl.loop(0, CE)
        def _zb(r):
            for j in range(D // 16):
                rows[0, r, pl.ds(j * 16, 16)] = zv

        @pl.loop(0, ROWS_PT // CE)
        def _za(t):
            pltpu.sync_copy(rows.at[0],
                            acc.at[pl.ds(sid * ROWS_PT + t * CE, CE)])

        plsc.subcore_barrier()

        hlen = (nch + 1) // 2
        for ph, nc_ph in ((0, hlen), (1, nch - hlen)):
            pltpu.sync_copy(sd_h.at[pl.ds(wid * nch + ph * hlen, nc_ph)],
                            idxb.at[pl.ds(0, nc_ph)])

            @pl.loop(0, nc_ph // sdepth)
            def _set(j):
                c0 = j * sdepth
                gds = [pltpu.async_copy(table_h.at[idxb.at[c0 + p, 0]],
                                        rows.at[p], semg)
                       for p in range(sdepth)]
                for d in gds:
                    d.wait()
                sds = [pltpu.async_copy(rows.at[p],
                                        acc.at[idxb.at[c0 + p, 1]],
                                        sems, add=True)
                       for p in range(sdepth)]
                for d in sds:
                    d.wait()

            for c in range((nc_ph // sdepth) * sdepth, nc_ph):
                pltpu.async_copy(table_h.at[idxb.at[c, 0]], rows.at[0],
                                 semg).wait()
                pltpu.async_copy(rows.at[0], acc.at[idxb.at[c, 1]], sems,
                                 add=True).wait()

        plsc.subcore_barrier()
        pltpu.sync_copy(acc.at[pl.ds(sid * ROWS_PT, ROWS_PT)],
                        out_h.at[cid, pl.ds(sid * ROWS_PT, ROWS_PT)])

    return seg


def _make_deg():
    zr = 40
    mesh = plsc.VectorSubcoreMesh(core_axis_name="c", subcore_axis_name="s",
                                  num_cores=NC, num_subcores=NS)

    @functools.partial(
        pl.kernel,
        out_type=jax.ShapeDtypeStruct((NC, NPAD, D), jnp.float32),
        mesh=mesh,
        scratch_types=[
            pltpu.VMEM((EPW // CE, CE), jnp.int32),
            pltpu.VMEM((CE, D), jnp.float32),
            pltpu.VMEM((zr, D), jnp.float32),
            pltpu.VMEM_SHARED((NPAD, D), jnp.float32),
            pltpu.SemaphoreType.DMA,
        ],
    )
    def degk(dst_h, out_h, didx, ones_b, zbuf, acc, sems):
        cid = lax.axis_index("c")
        sid = lax.axis_index("s")
        wid = sid * NC + cid
        zv = jnp.zeros((16,), jnp.float32)
        ov = jnp.ones((16,), jnp.float32)
        nch = EPW // CE

        @pl.loop(0, zr)
        def _zb(r):
            for j in range(D // 16):
                zbuf[r, pl.ds(j * 16, 16)] = zv

        @pl.loop(0, CE)
        def _ob(r):
            for j in range(D // 16):
                ones_b[r, pl.ds(j * 16, 16)] = ov

        pltpu.sync_copy(dst_h.at[wid], didx)

        @pl.loop(0, ROWS_PT // zr)
        def _za(t):
            pltpu.sync_copy(zbuf, acc.at[pl.ds(sid * ROWS_PT + t * zr, zr)])

        plsc.subcore_barrier()

        @pl.loop(0, nch // DEPTH)
        def _set(j):
            c0 = j * DEPTH
            sds = [pltpu.async_copy(ones_b, acc.at[didx.at[c0 + p]],
                                    sems, add=True) for p in range(DEPTH)]
            for d in sds:
                d.wait()

        plsc.subcore_barrier()
        pltpu.sync_copy(acc.at[pl.ds(sid * ROWS_PT, ROWS_PT)],
                        out_h.at[cid, pl.ds(sid * ROWS_PT, ROWS_PT)])

    return degk


def _make_dec_gather():
    mesh = plsc.VectorSubcoreMesh(core_axis_name="c", subcore_axis_name="s", num_cores=NC, num_subcores=NS)
    sds = jax.ShapeDtypeStruct((ELP, D), jnp.float32)

    @functools.partial(
        pl.kernel,
        out_type=(sds, sds),
        mesh=mesh,
        scratch_types=[
            pltpu.VMEM((ELPW // CE, 2, CE), jnp.int32),
            pltpu.VMEM((DEPTH, CE, D), jnp.float32),
            pltpu.VMEM((DEPTH, CE, D), jnp.float32),
            pltpu.SemaphoreType.DMA,
            pltpu.SemaphoreType.DMA,
        ],
    )
    def dg(u_h, v_h, rc_h, zr_h, zc_h, idxb, rbuf, cbuf, semg, semw):
        cid = lax.axis_index("c")
        sid = lax.axis_index("s")
        wid = sid * NC + cid
        nch = ELPW // CE

        pltpu.sync_copy(rc_h.at[pl.ds(wid * nch, nch)], idxb)

        @pl.loop(0, nch // DEPTH)
        def _set(j):
            c0 = j * DEPTH
            gds = [pltpu.async_copy(u_h.at[idxb.at[c0 + p, 0]],
                                    rbuf.at[p], semg) for p in range(DEPTH)]
            gds += [pltpu.async_copy(v_h.at[idxb.at[c0 + p, 1]],
                                     cbuf.at[p], semg) for p in range(DEPTH)]
            for d in gds:
                d.wait()
            wds = []
            for p in range(DEPTH):
                base = pl.multiple_of((wid * nch + c0 + p) * CE, 8)
                wds.append(pltpu.async_copy(rbuf.at[p],
                                            zr_h.at[pl.ds(base, CE)], semw))
                wds.append(pltpu.async_copy(cbuf.at[p],
                                            zc_h.at[pl.ds(base, CE)], semw))
            for d in wds:
                d.wait()

    return dg



def kernel(x, edge_index, edge_label_index, smiles, emb,
           c1w, c1b, c2w, c2b, c3w, c3b, fcw, fcb,
           wl1, wr1, b1, wl2, wr2, b2, dw1, db1, dw2, db2):
    src = edge_index[0].astype(jnp.int32)
    dst = edge_index[1].astype(jnp.int32)
    row = jnp.pad(edge_label_index[0], (0, ELP - EL)).astype(jnp.int32)
    col = jnp.pad(edge_label_index[1], (0, ELP - EL)).astype(jnp.int32)

    sp = jnp.pad(smiles.astype(jnp.int32), ((0, 0), (0, TP0 - 100)),
                 constant_values=-1).reshape(N * TP0, 1)
    bf = jnp.bfloat16
    w1c = jnp.transpose(c1w, (2, 1, 0)).reshape(4 * D, 40)
    w2c = jnp.transpose(c2w, (2, 1, 0)).reshape(6 * 40, 80)
    w3c = jnp.transpose(c3w, (2, 1, 0)).reshape(8 * 80, 160)

    yconv = pl.pallas_call(
        _cnn_body,
        grid=(N // BN,),
        in_specs=[
            pl.BlockSpec((BN * TP0, 1), lambda i: (i, 0)),
            pl.BlockSpec((V, D), lambda i: (0, 0)),
            pl.BlockSpec((4 * D, 40), lambda i: (0, 0)),
            pl.BlockSpec((1, 40), lambda i: (0, 0)),
            pl.BlockSpec((240, 80), lambda i: (0, 0)),
            pl.BlockSpec((1, 80), lambda i: (0, 0)),
            pl.BlockSpec((640, 160), lambda i: (0, 0)),
            pl.BlockSpec((1, 160), lambda i: (0, 0)),
        ],
        out_specs=pl.BlockSpec((BN, T3, 160), lambda i: (i, 0, 0)),
        out_shape=jax.ShapeDtypeStruct((N, T3, 160), bf),
    )(sp, emb, w1c, c1b.reshape(1, 40), w2c, c2b.reshape(1, 80),
      w3c, c3b.reshape(1, 160))

    fcp = jnp.transpose(fcw.reshape(160, 85, D), (1, 0, 2))
    fcp = jnp.pad(fcp, ((0, T3 - 85), (0, 0), (0, 0)))
    fcp = fcp.reshape(T3 * 160, D).astype(bf)
    yflat = yconv.reshape(N, T3 * 160)
    kb = T3 * 160 // 10
    feat = pl.pallas_call(
        _fc_body,
        grid=(N // 400, 10),
        in_specs=[
            pl.BlockSpec((400, kb), lambda m, k: (m, k)),
            pl.BlockSpec((kb, D), lambda m, k: (k, 0)),
            pl.BlockSpec((1, D), lambda m, k: (0, 0)),
        ],
        out_specs=pl.BlockSpec((400, D), lambda m, k: (m, 0)),
        out_shape=jax.ShapeDtypeStruct((N, D), jnp.float32),
        compiler_params=pltpu.CompilerParams(
            dimension_semantics=("parallel", "arbitrary")),
    )(yflat, fcp, fcb.reshape(1, D))

    sd3 = jnp.stack([src.reshape(E // CE, CE), dst.reshape(E // CE, CE)],
                    axis=1)
    dst3 = dst.reshape(NW, EPW // CE, CE)
    part1 = _make_segsum()(x, sd3)
    degp = _make_deg()(dst3)

    h1, dinv = pl.pallas_call(
        _combine1_body,
        grid=(N // 400,),
        in_specs=[
            pl.BlockSpec((NC, 400, D), lambda i: (0, i, 0)),
            pl.BlockSpec((NC, 400, D), lambda i: (0, i, 0)),
            pl.BlockSpec((400, D), lambda i: (i, 0)),
            pl.BlockSpec((D, D), lambda i: (0, 0)),
            pl.BlockSpec((D, D), lambda i: (0, 0)),
            pl.BlockSpec((1, D), lambda i: (0, 0)),
        ],
        out_specs=[
            pl.BlockSpec((400, D), lambda i: (i, 0)),
            pl.BlockSpec((400, 1), lambda i: (i, 0)),
        ],
        out_shape=[
            jax.ShapeDtypeStruct((N, D), jnp.float32),
            jax.ShapeDtypeStruct((N, 1), jnp.float32),
        ],
    )(part1, degp, x, wl1, wr1, b1.reshape(1, D))

    part2 = _make_segsum()(h1, sd3)

    z, u, v = pl.pallas_call(
        _combine2_body,
        grid=(N // 400,),
        in_specs=[
            pl.BlockSpec((NC, 400, D), lambda i: (0, i, 0)),
            pl.BlockSpec((400, D), lambda i: (i, 0)),
            pl.BlockSpec((400, 1), lambda i: (i, 0)),
            pl.BlockSpec((400, D), lambda i: (i, 0)),
            pl.BlockSpec((D, D), lambda i: (0, 0)),
            pl.BlockSpec((D, D), lambda i: (0, 0)),
            pl.BlockSpec((1, D), lambda i: (0, 0)),
            pl.BlockSpec((D, D), lambda i: (0, 0)),
            pl.BlockSpec((D, D), lambda i: (0, 0)),
        ],
        out_specs=[
            pl.BlockSpec((400, D), lambda i: (i, 0)),
            pl.BlockSpec((400, D), lambda i: (i, 0)),
            pl.BlockSpec((400, D), lambda i: (i, 0)),
        ],
        out_shape=[
            jax.ShapeDtypeStruct((N, D), jnp.float32),
            jax.ShapeDtypeStruct((N, D), jnp.float32),
            jax.ShapeDtypeStruct((N, D), jnp.float32),
        ],
    )(part2, h1, dinv, feat, wl2, wr2, b2.reshape(1, D), dw1[:D], dw1[D:])

    rc3 = jnp.stack([row.reshape(ELP // CE, CE), col.reshape(ELP // CE, CE)],
                    axis=1)
    ur, vc = _make_dec_gather()(u, v, rc3)

    scores = pl.pallas_call(
        _dec_body,
        grid=(ELP // 512,),
        in_specs=[
            pl.BlockSpec((512, D), lambda i: (i, 0)),
            pl.BlockSpec((512, D), lambda i: (i, 0)),
            pl.BlockSpec((1, D), lambda i: (0, 0)),
            pl.BlockSpec((1, D), lambda i: (0, 0)),
            pl.BlockSpec((1, 1), lambda i: (0, 0)),
        ],
        out_specs=pl.BlockSpec((512, 1), lambda i: (i, 0)),
        out_shape=jax.ShapeDtypeStruct((ELP, 1), jnp.float32),
    )(ur, vc, db1.reshape(1, D), dw2.reshape(1, D), db2.reshape(1, 1))

    return (z, scores[:EL])

# --- scband reference (transcript-rebuilt; emitter-appended) ---
"""Pipeline reference for scband-pretrain-gnn-82171314307436 (READ-ONLY COPY).

The authoritative reference and input builder live on the scoring server;
editing this copy changes nothing except your own understanding.
"""

import jax, jax.numpy as jnp
import numpy as np

N = 10000
E = 320000
EL = 100000
D = 128
L = 100
V = 65
CNN_DIM = 160 * 85  # after 3 valid convs: 100->97->92->85, 160 channels


def _p(k, shape):
    return 0.02 * jax.random.normal(k, shape, dtype=jnp.float32)


def setup_inputs(seed: int = 0) -> dict:
    key = jax.random.key(seed)
    ks = jax.random.split(key, 25)
    emb = _p(ks[4], (V, D)).at[0].set(0.0)  # padding_idx=0
    inp = {
        "x": jax.random.normal(ks[0], (N, D), dtype=jnp.float32),
        "edge_index": jax.random.randint(ks[1], (2, E), 0, N, dtype=jnp.int64) if jax.config.jax_enable_x64 else jax.random.randint(ks[1], (2, E), 0, N, dtype=jnp.int32),
        "edge_label_index": jax.random.randint(ks[2], (2, EL), 0, N, dtype=jnp.int32),
        "smiles": jax.random.randint(ks[3], (N, L), 0, V, dtype=jnp.int32),
        "emb": emb,
        "c1w": _p(ks[5], (40, D, 4)), "c1b": jnp.zeros((40,), jnp.float32),
        "c2w": _p(ks[6], (80, 40, 6)), "c2b": jnp.zeros((80,), jnp.float32),
        "c3w": _p(ks[7], (160, 80, 8)), "c3b": jnp.zeros((160,), jnp.float32),
        "fcw": _p(ks[8], (CNN_DIM, D)), "fcb": jnp.zeros((D,), jnp.float32),
        "wl1": _p(ks[9], (D, D)), "wr1": _p(ks[10], (D, D)), "b1": jnp.zeros((D,), jnp.float32),
        "wl2": _p(ks[11], (D, D)), "wr2": _p(ks[12], (D, D)), "b2": jnp.zeros((D,), jnp.float32),
        "dw1": _p(ks[13], (2 * D, D)), "db1": jnp.zeros((D,), jnp.float32),
        "dw2": _p(ks[14], (D, 1)), "db2": jnp.zeros((1,), jnp.float32),
    }
    return inp


def _conv1d(h, w, b):
    # h: [B, C, L], w: [O, I, K]
    y = jax.lax.conv_general_dilated(h, w, window_strides=(1,), padding="VALID",
                                     dimension_numbers=("NCH", "OIH", "NCH"))
    return y + b[None, :, None]


def _cnn(smiles, emb, c1w, c1b, c2w, c2b, c3w, c3b, fcw, fcb):
    e = jnp.take(emb, smiles, axis=0)           # [N, L, D] embedding gather
    h = jnp.transpose(e, (0, 2, 1))             # [N, D, L]
    h = jax.nn.relu(_conv1d(h, c1w, c1b))
    h = jax.nn.relu(_conv1d(h, c2w, c2b))
    h = jax.nn.relu(_conv1d(h, c3w, c3b))
    h = h.reshape(h.shape[0], -1)               # [N, CNN_DIM]
    return h @ fcw + fcb                        # [N, D]


def _sage(h, src, dst, wl, wr, b):
    msg = jnp.take(h, src, axis=0)              # gather source features [E, D]
    agg = jax.ops.segment_sum(msg, dst, num_segments=N)
    deg = jax.ops.segment_sum(jnp.ones((src.shape[0],), jnp.float32), dst, num_segments=N)
    mean = agg / jnp.clip(deg, 1.0)[:, None]
    return mean @ wl + h @ wr + b


def reference(x, edge_index, edge_label_index, smiles, emb,
              c1w, c1b, c2w, c2b, c3w, c3b, fcw, fcb,
              wl1, wr1, b1, wl2, wr2, b2, dw1, db1, dw2, db2):
    feat = _cnn(smiles, emb, c1w, c1b, c2w, c2b, c3w, c3b, fcw, fcb)
    src, dst = edge_index[0], edge_index[1]
    h1 = jax.nn.relu(_sage(x, src, dst, wl1, wr1, b1))
    z = _sage(h1, src, dst, wl2, wr2, b2)
    z = z + feat                                # z_dict['drug'] + feat
    row, col = edge_label_index[0], edge_label_index[1]
    zc = jnp.concatenate([jnp.take(z, row, axis=0), jnp.take(z, col, axis=0)], axis=-1)
    scores = jax.nn.relu(zc @ dw1 + db1) @ dw2 + db2   # [EL, 1]
    return (z, scores)

if __name__ == "__main__":
    import jax
    _d = setup_inputs()
    print(jax.jit(kernel)(*tuple(_d.values())))

</pallas_src>

<mosaic_0001>
#map = affine_map<(d0, d1) -> (0, 0)>
#map1 = affine_map<(d0, d1) -> (0, 0, 0)>
module attributes {stable_mosaic.version = 14 : i64} {
  func.func @dg(%arg0: i32, %arg1: i32, %arg2: memref<10000x128xf32, #tpu.memory_space<hbm>>, %arg3: memref<10000x128xf32, #tpu.memory_space<hbm>>, %arg4: memref<1280x2x80xi32, #tpu.memory_space<hbm>>, %arg5: memref<102400x128xf32, #tpu.memory_space<hbm>>, %arg6: memref<102400x128xf32, #tpu.memory_space<hbm>>, %arg7: memref<40x2x80xi32, #tpu.memory_space<vmem>>, %arg8: memref<5x80x128xf32, #tpu.memory_space<vmem>>, %arg9: memref<5x80x128xf32, #tpu.memory_space<vmem>>, %arg10: memref<!tpu.dma_semaphore, #tpu.memory_space<semaphore_mem>>, %arg11: memref<!tpu.dma_semaphore, #tpu.memory_space<semaphore_mem>>) attributes {dimension_semantics = [#tpu.dimension_semantics<core_parallel>, #tpu.dimension_semantics<subcore_parallel>], iteration_bounds = array<i64: 2, 16>, scalar_prefetch = 0 : i64, scratch_operands = 5 : i64, tpu.core_type = #tpu.core_type<sc_vector_subcore>, window_params = [{transform_indices = #map}, {transform_indices = #map}, {transform_indices = #map1}, {transform_indices = #map}, {transform_indices = #map}]} {
    %mul3A = arith.constant 2 : i32
    %mul3A_0 = arith.muli %arg1, %mul3A : i32
    %add3A = arith.addi %mul3A_0, %arg0 : i32
    %mul3A_1 = arith.constant 40 : i32
    %mul3A_2 = arith.muli %add3A, %mul3A_1 : i32
    "tpu.region"() ({
      %run_scoped3A = tpu.sem_alloc : memref<!tpu.dma_semaphore, #tpu.memory_space<semaphore_mem>>
      %dma_start3A = arith.constant 0 : i32
      %dma_start3A_7 = arith.constant 0 : i32
      %dma_start3A_8 = tpu.memref_slice %arg4[%mul3A_2, %dma_start3A, %dma_start3A_7] : memref<1280x2x80xi32, #tpu.memory_space<hbm>> -> memref<40x2x80xi32, #tpu.memory_space<hbm>>
      %dma_start3A_9 = arith.constant 0 : i32
      %dma_start3A_10 = arith.constant 0 : i32
      %dma_start3A_11 = tpu.memref_slice %arg4[%mul3A_2, %dma_start3A_9, %dma_start3A_10] : memref<1280x2x80xi32, #tpu.memory_space<hbm>> -> memref<40x2x80xi32, #tpu.memory_space<hbm>>
      tpu.enqueue_dma source(%dma_start3A_11 : memref<40x2x80xi32, #tpu.memory_space<hbm>>) target(%arg7 : memref<40x2x80xi32, #tpu.memory_space<vmem>>) target_semaphore(%run_scoped3A : memref<!tpu.dma_semaphore, #tpu.memory_space<semaphore_mem>>)
      %dma_wait3A = arith.constant 0 : i32
      %dma_wait3A_12 = arith.constant 0 : i32
      %dma_wait3A_13 = tpu.memref_slice %arg4[%mul3A_2, %dma_wait3A, %dma_wait3A_12] : memref<1280x2x80xi32, #tpu.memory_space<hbm>> -> memref<40x2x80xi32, #tpu.memory_space<hbm>>
      %dma_wait3A_14 = arith.constant 0 : i32
      %dma_wait3A_15 = arith.constant 0 : i32
      %dma_wait3A_16 = tpu.memref_slice %arg4[%mul3A_2, %dma_wait3A_14, %dma_wait3A_15] : memref<1280x2x80xi32, #tpu.memory_space<hbm>> -> memref<40x2x80xi32, #tpu.memory_space<hbm>>
      tpu.wait_dma2 semaphore(%run_scoped3A : memref<!tpu.dma_semaphore, #tpu.memory_space<semaphore_mem>>) src(%dma_wait3A_16 : memref<40x2x80xi32, #tpu.memory_space<hbm>>) dst(%arg7 : memref<40x2x80xi32, #tpu.memory_space<vmem>>)
      tpu.yield
    }) : () -> ()
    %scan3A = arith.constant 0 : i32
    %scan3A_3 = arith.constant 8 : i32
    %scan3A_4 = arith.addi %scan3A, %scan3A_3 : i32
    %scan3A_5 = arith.constant 1 : i32
    scf.for %scan3A_7 = %scan3A to %scan3A_4 step %scan3A_5  : i32 {
      %mul3A_8 = arith.constant 1 : i32
      %mul3A_9 = arith.muli %scan3A_7, %mul3A_8 : i32
      %add3A_10 = arith.constant 0 : i32
      %add3A_11 = arith.addi %add3A_10, %mul3A_9 : i32
      %mul3A_12 = arith.constant 5 : i32
      %mul3A_13 = arith.muli %add3A_11, %mul3A_12 : i32
      %add3A_14 = arith.constant 0 : i32
      %add3A_15 = arith.addi %mul3A_13, %add3A_14 : i32
      %dma_start3A = arith.constant 0 : i32
      %dma_start3A_16 = arith.constant 0 : i32
      %dma_start3A_17 = arith.constant 0 : i32
      %dma_start3A_18 = arith.constant 0 : i32
      %dma_start3A_19 = tpu.memref_slice %arg8[%dma_start3A_16, %dma_start3A_17, %dma_start3A_18] : memref<5x80x128xf32, #tpu.memory_space<vmem>> -> memref<1x80x128xf32, #tpu.memory_space<vmem>>
      %dma_start3A_20 = tpu.memref_squeeze %dma_start3A_19 : memref<1x80x128xf32, #tpu.memory_space<vmem>> -> memref<80x128xf32, #tpu.memory_space<vmem>>
      %dma_start3A_21 = arith.constant 0 : i32
      %dma_start3A_22 = tpu.memref_slice %arg7[%add3A_15, %dma_start3A, %dma_start3A_21] : memref<40x2x80xi32, #tpu.memory_space<vmem>> -> memref<1x1x80xi32, #tpu.memory_space<vmem>>
      %dma_start3A_23 = tpu.memref_squeeze %dma_start3A_22 : memref<1x1x80xi32, #tpu.memory_space<vmem>> -> memref<80xi32, #tpu.memory_space<vmem>>
      %dma_start3A_24 = arith.constant 0 : i32
      %dma_start3A_25 = arith.constant 0 : i32
      %dma_start3A_26 = tpu.memref_slice %arg2[%dma_start3A_24, %dma_start3A_25] : memref<10000x128xf32, #tpu.memory_space<hbm>> -> memref<10000x128xf32, #tpu.memory_space<hbm>>
      tpu.enqueue_indirect_dma source(%dma_start3A_26 : memref<10000x128xf32, #tpu.memory_space<hbm>>) target(%dma_start3A_20 : memref<80x128xf32, #tpu.memory_space<vmem>>) offsets(%dma_start3A_23 : memref<80xi32, #tpu.memory_space<vmem>>) semaphore(%arg10 : memref<!tpu.dma_semaphore, #tpu.memory_space<semaphore_mem>>)
      %add3A_27 = arith.constant 1 : i32
      %add3A_28 = arith.addi %mul3A_13, %add3A_27 : i32
      %dma_start3A_29 = arith.constant 0 : i32
      %dma_start3A_30 = arith.constant 1 : i32
      %dma_start3A_31 = arith.constant 0 : i32
      %dma_start3A_32 = arith.constant 0 : i32
      %dma_start3A_33 = tpu.memref_slice %arg8[%dma_start3A_30, %dma_start3A_31, %dma_start3A_32] : memref<5x80x128xf32, #tpu.memory_space<vmem>> -> memref<1x80x128xf32, #tpu.memory_space<vmem>>
      %dma_start3A_34 = tpu.memref_squeeze %dma_start3A_33 : memref<1x80x128xf32, #tpu.memory_space<vmem>> -> memref<80x128xf32, #tpu.memory_space<vmem>>
      %dma_start3A_35 = arith.constant 0 : i32
      %dma_start3A_36 = tpu.memref_slice %arg7[%add3A_28, %dma_start3A_29, %dma_start3A_35] : memref<40x2x80xi32, #tpu.memory_space<vmem>> -> memref<1x1x80xi32, #tpu.memory_space<vmem>>
      %dma_start3A_37 = tpu.memref_squeeze %dma_start3A_36 : memref<1x1x80xi32, #tpu.memory_space<vmem>> -> memref<80xi32, #tpu.memory_space<vmem>>
      %dma_start3A_38 = arith.constant 0 : i32
      %dma_start3A_39 = arith.constant 0 : i32
      %dma_start3A_40 = tpu.memref_slice %arg2[%dma_start3A_38, %dma_start3A_39] : memref<10000x128xf32, #tpu.memory_space<hbm>> -> memref<10000x128xf32, #tpu.memory_space<hbm>>
      tpu.enqueue_indirect_dma source(%dma_start3A_40 : memref<10000x128xf32, #tpu.memory_space<hbm>>) target(%dma_start3A_34 : memref<80x128xf32, #tpu.memory_space<vmem>>) offsets(%dma_start3A_37 : memref<80xi32, #tpu.memory_space<vmem>>) semaphore(%arg10 : memref<!tpu.dma_semaphore, #tpu.memory_space<semaphore_mem>>)
      %add3A_41 = arith.constant 2 : i32
      %add3A_42 = arith.addi %mul3A_13, %add3A_41 : i32
      %dma_start3A_43 = arith.constant 0 : i32
      %dma_start3A_44 = arith.constant 2 : i32
      %dma_start3A_45 = arith.constant 0 : i32
      %dma_start3A_46 = arith.constant 0 : i32
      %dma_start3A_47 = tpu.memref_slice %arg8[%dma_start3A_44, %dma_start3A_45, %dma_start3A_46] : memref<5x80x128xf32, #tpu.memory_space<vmem>> -> memref<1x80x128xf32, #tpu.memory_space<vmem>>
      %dma_start3A_48 = tpu.memref_squeeze %dma_start3A_47 : memref<1x80x128xf32, #tpu.memory_space<vmem>> -> memref<80x128xf32, #tpu.memory_space<vmem>>
      %dma_start3A_49 = arith.constant 0 : i32
      %dma_start3A_50 = tpu.memref_slice %arg7[%add3A_42, %dma_start3A_43, %dma_start3A_49] : memref<40x2x80xi32, #tpu.memory_space<vmem>> -> memref<1x1x80xi32, #tpu.memory_space<vmem>>
      %dma_start3A_51 = tpu.memref_squeeze %dma_start3A_50 : memref<1x1x80xi32, #tpu.memory_space<vmem>> -> memref<80xi32, #tpu.memory_space<vmem>>
      %dma_start3A_52 = arith.constant 0 : i32
      %dma_start3A_53 = arith.constant 0 : i32
      %dma_start3A_54 = tpu.memref_slice %arg2[%dma_start3A_52, %dma_start3A_53] : memref<10000x128xf32, #tpu.memory_space<hbm>> -> memref<10000x128xf32, #tpu.memory_space<hbm>>
      tpu.enqueue_indirect_dma source(%dma_start3A_54 : memref<10000x128xf32, #tpu.memory_space<hbm>>) target(%dma_start3A_48 : memref<80x128xf32, #tpu.memory_space<vmem>>) offsets(%dma_start3A_51 : memref<80xi32, #tpu.memory_space<vmem>>) semaphore(%arg10 : memref<!tpu.dma_semaphore, #tpu.memory_space<semaphore_mem>>)
      %add3A_55 = arith.constant 3 : i32
      %add3A_56 = arith.addi %mul3A_13, %add3A_55 : i32
      %dma_start3A_57 = arith.constant 0 : i32
      %dma_start3A_58 = arith.constant 3 : i32
      %dma_start3A_59 = arith.constant 0 : i32
      %dma_start3A_60 = arith.constant 0 : i32
      %dma_start3A_61 = tpu.memref_slice %arg8[%dma_start3A_58, %dma_start3A_59, %dma_start3A_60] : memref<5x80x128xf32, #tpu.memory_space<vmem>> -> memref<1x80x128xf32, #tpu.memory_space<vmem>>
      %dma_start3A_62 = tpu.memref_squeeze %dma_start3A_61 : memref<1x80x128xf32, #tpu.memory_space<vmem>> -> memref<80x128xf32, #tpu.memory_space<vmem>>
      %dma_start3A_63 = arith.constant 0 : i32
      %dma_start3A_64 = tpu.memref_slice %arg7[%add3A_56, %dma_start3A_57, %dma_start3A_63] : memref<40x2x80xi32, #tpu.memory_space<vmem>> -> memref<1x1x80xi32, #tpu.memory_space<vmem>>
      %dma_start3A_65 = tpu.memref_squeeze %dma_start3A_64 : memref<1x1x80xi32, #tpu.memory_space<vmem>> -> memref<80xi32, #tpu.memory_space<vmem>>
      %dma_start3A_66 = arith.constant 0 : i32
      %dma_start3A_67 = arith.constant 0 : i32
      %dma_start3A_68 = tpu.memref_slice %arg2[%dma_start3A_66, %dma_start3A_67] : memref<10000x128xf32, #tpu.memory_space<hbm>> -> memref<10000x128xf32, #tpu.memory_space<hbm>>
      tpu.enqueue_indirect_dma source(%dma_start3A_68 : memref<10000x128xf32, #tpu.memory_space<hbm>>) target(%dma_start3A_62 : memref<80x128xf32, #tpu.memory_space<vmem>>) offsets(%dma_start3A_65 : memref<80xi32, #tpu.memory_space<vmem>>) semaphore(%arg10 : memref<!tpu.dma_semaphore, #tpu.memory_space<semaphore_mem>>)
      %add3A_69 = arith.constant 4 : i32
      %add3A_70 = arith.addi %mul3A_13, %add3A_69 : i32
      %dma_start3A_71 = arith.constant 0 : i32
      %dma_start3A_72 = arith.constant 4 : i32
      %dma_start3A_73 = arith.constant 0 : i32
      %dma_start3A_74 = arith.constant 0 : i32
      %dma_start3A_75 = tpu.memref_slice %arg8[%dma_start3A_72, %dma_start3A_73, %dma_start3A_74] : memref<5x80x128xf32, #tpu.memory_space<vmem>> -> memref<1x80x128xf32, #tpu.memory_space<vmem>>
      %dma_start3A_76 = tpu.memref_squeeze %dma_start3A_75 : memref<1x80x128xf32, #tpu.memory_space<vmem>> -> memref<80x128xf32, #tpu.memory_space<vmem>>
      %dma_start3A_77 = arith.constant 0 : i32
      %dma_start3A_78 = tpu.memref_slice %arg7[%add3A_70, %dma_start3A_71, %dma_start3A_77] : memref<40x2x80xi32, #tpu.memory_space<vmem>> -> memref<1x1x80xi32, #tpu.memory_space<vmem>>
      %dma_start3A_79 = tpu.memref_squeeze %dma_start3A_78 : memref<1x1x80xi32, #tpu.memory_space<vmem>> -> memref<80xi32, #tpu.memory_space<vmem>>
      %dma_start3A_80 = arith.constant 0 : i32
      %dma_start3A_81 = arith.constant 0 : i32
      %dma_start3A_82 = tpu.memref_slice %arg2[%dma_start3A_80, %dma_start3A_81] : memref<10000x128xf32, #tpu.memory_space<hbm>> -> memref<10000x128xf32, #tpu.memory_space<hbm>>
      tpu.enqueue_indirect_dma source(%dma_start3A_82 : memref<10000x128xf32, #tpu.memory_space<hbm>>) target(%dma_start3A_76 : memref<80x128xf32, #tpu.memory_space<vmem>>) offsets(%dma_start3A_79 : memref<80xi32, #tpu.memory_space<vmem>>) semaphore(%arg10 : memref<!tpu.dma_semaphore, #tpu.memory_space<semaphore_mem>>)
      %add3A_83 = arith.constant 0 : i32
      %add3A_84 = arith.addi %mul3A_13, %add3A_83 : i32
      %dma_start3A_85 = arith.constant 1 : i32
      %dma_start3A_86 = arith.constant 0 : i32
      %dma_start3A_87 = arith.constant 0 : i32
      %dma_start3A_88 = arith.constant 0 : i32
      %dma_start3A_89 = tpu.memref_slice %arg9[%dma_start3A_86, %dma_start3A_87, %dma_start3A_88] : memref<5x80x128xf32, #tpu.memory_space<vmem>> -> memref<1x80x128xf32, #tpu.memory_space<vmem>>
      %dma_start3A_90 = tpu.memref_squeeze %dma_start3A_89 : memref<1x80x128xf32, #tpu.memory_space<vmem>> -> memref<80x128xf32, #tpu.memory_space<vmem>>
      %dma_start3A_91 = arith.constant 0 : i32
      %dma_start3A_92 = tpu.memref_slice %arg7[%add3A_84, %dma_start3A_85, %dma_start3A_91] : memref<40x2x80xi32, #tpu.memory_space<vmem>> -> memref<1x1x80xi32, #tpu.memory_space<vmem>>
      %dma_start3A_93 = tpu.memref_squeeze %dma_start3A_92 : memref<1x1x80xi32, #tpu.memory_space<vmem>> -> memref<80xi32, #tpu.memory_space<vmem>>
      %dma_start3A_94 = arith.constant 0 : i32
      %dma_start3A_95 = arith.constant 0 : i32
      %dma_start3A_96 = tpu.memref_slice %arg3[%dma_start3A_94, %dma_start3A_95] : memref<10000x128xf32, #tpu.memory_space<hbm>> -> memref<10000x128xf32, #tpu.memory_space<hbm>>
      tpu.enqueue_indirect_dma source(%dma_start3A_96 : memref<10000x128xf32, #tpu.memory_space<hbm>>) target(%dma_start3A_90 : memref<80x128xf32, #tpu.memory_space<vmem>>) offsets(%dma_start3A_93 : memref<80xi32, #tpu.memory_space<vmem>>) semaphore(%arg10 : memref<!tpu.dma_semaphore, #tpu.memory_space<semaphore_mem>>)
      %add3A_97 = arith.constant 1 : i32
      %add3A_98 = arith.addi %mul3A_13, %add3A_97 : i32
      %dma_start3A_99 = arith.constant 1 : i32
      %dma_start3A_100 = arith.constant 1 : i32
      %dma_start3A_101 = arith.constant 0 : i32
      %dma_start3A_102 = arith.constant 0 : i32
      %dma_start3A_103 = tpu.memref_slice %arg9[%dma_start3A_100, %dma_start3A_101, %dma_start3A_102] : memref<5x80x128xf32, #tpu.memory_space<vmem>> -> memref<1x80x128xf32, #tpu.memory_space<vmem>>
      %dma_start3A_104 = tpu.memref_squeeze %dma_start3A_103 : memref<1x80x128xf32, #tpu.memory_space<vmem>> -> memref<80x128xf32, #tpu.memory_space<vmem>>
      %dma_start3A_105 = arith.constant 0 : i32
      %dma_start3A_106 = tpu.memref_slice %arg7[%add3A_98, %dma_start3A_99, %dma_start3A_105] : memref<40x2x80xi32, #tpu.memory_space<vmem>> -> memref<1x1x80xi32, #tpu.memory_space<vmem>>
      %dma_start3A_107 = tpu.memref_squeeze %dma_start3A_106 : memref<1x1x80xi32, #tpu.memory_space<vmem>> -> memref<80xi32, #tpu.memory_space<vmem>>
      %dma_start3A_108 = arith.constant 0 : i32
      %dma_start3A_109 = arith.constant 0 : i32
      %dma_start3A_110 = tpu.memref_slice %arg3[%dma_start3A_108, %dma_start3A_109] : memref<10000x128xf32, #tpu.memory_space<hbm>> -> memref<10000x128xf32, #tpu.memory_space<hbm>>
      tpu.enqueue_indirect_dma source(%dma_start3A_110 : memref<10000x128xf32, #tpu.memory_space<hbm>>) target(%dma_start3A_104 : memref<80x128xf32, #tpu.memory_space<vmem>>) offsets(%dma_start3A_107 : memref<80xi32, #tpu.memory_space<vmem>>) semaphore(%arg10 : memref<!tpu.dma_semaphore, #tpu.memory_space<semaphore_mem>>)
      %add3A_111 = arith.constant 2 : i32
      %add3A_112 = arith.addi %mul3A_13, %add3A_111 : i32
      %dma_start3A_113 = arith.constant 1 : i32
      %dma_start3A_114 = arith.constant 2 : i32
      %dma_start3A_115 = arith.constant 0 : i32
      %dma_start3A_116 = arith.constant 0 : i32
      %dma_start3A_117 = tpu.memref_slice %arg9[%dma_start3A_114, %dma_start3A_115, %dma_start3A_116] : memref<5x80x128xf32, #tpu.memory_space<vmem>> -> memref<1x80x128xf32, #tpu.memory_space<vmem>>
      %dma_start3A_118 = tpu.memref_squeeze %dma_start3A_117 : memref<1x80x128xf32, #tpu.memory_space<vmem>> -> memref<80x128xf32, #tpu.memory_space<vmem>>
      %dma_start3A_119 = arith.constant 0 : i32
      %dma_start3A_120 = tpu.memref_slice %arg7[%add3A_112, %dma_start3A_113, %dma_start3A_119] : memref<40x2x80xi32, #tpu.memory_space<vmem>> -> memref<1x1x80xi32, #tpu.memory_space<vmem>>
      %dma_start3A_121 = tpu.memref_squeeze %dma_start3A_120 : memref<1x1x80xi32, #tpu.memory_space<vmem>> -> memref<80xi32, #tpu.memory_space<vmem>>
      %dma_start3A_122 = arith.constant 0 : i32
      %dma_start3A_123 = arith.constant 0 : i32
      %dma_start3A_124 = tpu.memref_slice %arg3[%dma_start3A_122, %dma_start3A_123] : memref<10000x128xf32, #tpu.memory_space<hbm>> -> memref<10000x128xf32, #tpu.memory_space<hbm>>
      tpu.enqueue_indirect_dma source(%dma_start3A_124 : memref<10000x128xf32, #tpu.memory_space<hbm>>) target(%dma_start3A_118 : memref<80x128xf32, #tpu.memory_space<vmem>>) offsets(%dma_start3A_121 : memref<80xi32, #tpu.memory_space<vmem>>) semaphore(%arg10 : memref<!tpu.dma_semaphore, #tpu.memory_space<semaphore_mem>>)
      %add3A_125 = arith.constant 3 : i32
      %add3A_126 = arith.addi %mul3A_13, %add3A_125 : i32
      %dma_start3A_127 = arith.constant 1 : i32
      %dma_start3A_128 = arith.constant 3 : i32
      %dma_start3A_129 = arith.constant 0 : i32
      %dma_start3A_130 = arith.constant 0 : i32
      %dma_start3A_131 = tpu.memref_slice %arg9[%dma_start3A_128, %dma_start3A_129, %dma_start3A_130] : memref<5x80x128xf32, #tpu.memory_space<vmem>> -> memref<1x80x128xf32, #tpu.memory_space<vmem>>
      %dma_start3A_132 = tpu.memref_squeeze %dma_start3A_131 : memref<1x80x128xf32, #tpu.memory_space<vmem>> -> memref<80x128xf32, #tpu.memory_space<vmem>>
      %dma_start3A_133 = arith.constant 0 : i32
      %dma_start3A_134 = tpu.memref_slice %arg7[%add3A_126, %dma_start3A_127, %dma_start3A_133] : memref<40x2x80xi32, #tpu.memory_space<vmem>> -> memref<1x1x80xi32, #tpu.memory_space<vmem>>
      %dma_start3A_135 = tpu.memref_squeeze %dma_start3A_134 : memref<1x1x80xi32, #tpu.memory_space<vmem>> -> memref<80xi32, #tpu.memory_space<vmem>>
      %dma_start3A_136 = arith.constant 0 : i32
      %dma_start3A_137 = arith.constant 0 : i32
      %dma_start3A_138 = tpu.memref_slice %arg3[%dma_start3A_136, %dma_start3A_137] : memref<10000x128xf32, #tpu.memory_space<hbm>> -> memref<10000x128xf32, #tpu.memory_space<hbm>>
      tpu.enqueue_indirect_dma source(%dma_start3A_138 : memref<10000x128xf32, #tpu.memory_space<hbm>>) target(%dma_start3A_132 : memref<80x128xf32, #tpu.memory_space<vmem>>) offsets(%dma_start3A_135 : memref<80xi32, #tpu.memory_space<vmem>>) semaphore(%arg10 : memref<!tpu.dma_semaphore, #tpu.memory_space<semaphore_mem>>)
      %add3A_139 = arith.constant 4 : i32
      %add3A_140 = arith.addi %mul3A_13, %add3A_139 : i32
      %dma_start3A_141 = arith.constant 1 : i32
      %dma_start3A_142 = arith.constant 4 : i32
      %dma_start3A_143 = arith.constant 0 : i32
      %dma_start3A_144 = arith.constant 0 : i32
      %dma_start3A_145 = tpu.memref_slice %arg9[%dma_start3A_142, %dma_start3A_143, %dma_start3A_144] : memref<5x80x128xf32, #tpu.memory_space<vmem>> -> memref<1x80x128xf32, #tpu.memory_space<vmem>>
      %dma_start3A_146 = tpu.memref_squeeze %dma_start3A_145 : memref<1x80x128xf32, #tpu.memory_space<vmem>> -> memref<80x128xf32, #tpu.memory_space<vmem>>
      %dma_start3A_147 = arith.constant 0 : i32
      %dma_start3A_148 = tpu.memref_slice %arg7[%add3A_140, %dma_start3A_141, %dma_start3A_147] : memref<40x2x80xi32, #tpu.memory_space<vmem>> -> memref<1x1x80xi32, #tpu.memory_space<vmem>>
      %dma_start3A_149 = tpu.memref_squeeze %dma_start3A_148 : memref<1x1x80xi32, #tpu.memory_space<vmem>> -> memref<80xi32, #tpu.memory_space<vmem>>
      %dma_start3A_150 = arith.constant 0 : i32
      %dma_start3A_151 = arith.constant 0 : i32
      %dma_start3A_152 = tpu.memref_slice %arg3[%dma_start3A_150, %dma_start3A_151] : memref<10000x128xf32, #tpu.memory_space<hbm>> -> memref<10000x128xf32, #tpu.memory_space<hbm>>
      tpu.enqueue_indirect_dma source(%dma_start3A_152 : memref<10000x128xf32, #tpu.memory_space<hbm>>) target(%dma_start3A_146 : memref<80x128xf32, #tpu.memory_space<vmem>>) offsets(%dma_start3A_149 : memref<80xi32, #tpu.memory_space<vmem>>) semaphore(%arg10 : memref<!tpu.dma_semaphore, #tpu.memory_space<semaphore_mem>>)
      %dma_wait3A = arith.constant 0 : i32
      %dma_wait3A_153 = arith.constant 0 : i32
      %dma_wait3A_154 = arith.constant 0 : i32
      %dma_wait3A_155 = arith.constant 0 : i32
      %dma_wait3A_156 = tpu.memref_slice %arg8[%dma_wait3A_153, %dma_wait3A_154, %dma_wait3A_155] : memref<5x80x128xf32, #tpu.memory_space<vmem>> -> memref<1x80x128xf32, #tpu.memory_space<vmem>>
      %dma_wait3A_157 = tpu.memref_squeeze %dma_wait3A_156 : memref<1x80x128xf32, #tpu.memory_space<vmem>> -> memref<80x128xf32, #tpu.memory_space<vmem>>
      %dma_wait3A_158 = arith.constant 0 : i32
      %dma_wait3A_159 = tpu.memref_slice %arg7[%add3A_15, %dma_wait3A, %dma_wait3A_158] : memref<40x2x80xi32, #tpu.memory_space<vmem>> -> memref<1x1x80xi32, #tpu.memory_space<vmem>>
      %dma_wait3A_160 = tpu.memref_squeeze %dma_wait3A_159 : memref<1x1x80xi32, #tpu.memory_space<vmem>> -> memref<80xi32, #tpu.memory_space<vmem>>
      %dma_wait3A_161 = arith.constant 0 : i32
      %dma_wait3A_162 = arith.constant 0 : i32
      %dma_wait3A_163 = tpu.memref_slice %arg2[%dma_wait3A_161, %dma_wait3A_162] : memref<10000x128xf32, #tpu.memory_space<hbm>> -> memref<10000x128xf32, #tpu.memory_space<hbm>>
      tpu.wait_indirect_dma semaphore(%arg10 : memref<!tpu.dma_semaphore, #tpu.memory_space<semaphore_mem>>) src(%dma_wait3A_163 : memref<10000x128xf32, #tpu.memory_space<hbm>>) dst(%dma_wait3A_157 : memref<80x128xf32, #tpu.memory_space<vmem>>)
      %dma_wait3A_164 = arith.constant 0 : i32
      %dma_wait3A_165 = arith.constant 1 : i32
      %dma_wait3A_166 = arith.constant 0 : i32
      %dma_wait3A_167 = arith.constant 0 : i32
      %dma_wait3A_168 = tpu.memref_slice %arg8[%dma_wait3A_165, %dma_wait3A_166, %dma_wait3A_167] : memref<5x80x128xf32, #tpu.memory_space<vmem>> -> memref<1x80x128xf32, #tpu.memory_space<vmem>>
      %dma_wait3A_169 = tpu.memref_squeeze %dma_wait3A_168 : memref<1x80x128xf32, #tpu.memory_space<vmem>> -> memref<80x128xf32, #tpu.memory_space<vmem>>
      %dma_wait3A_170 = arith.constant 0 : i32
      %dma_wait3A_171 = tpu.memref_slice %arg7[%add3A_28, %dma_wait3A_164, %dma_wait3A_170] : memref<40x2x80xi32, #tpu.memory_space<vmem>> -> memref<1x1x80xi32, #tpu.memory_space<vmem>>
      %dma_wait3A_172 = tpu.memref_squeeze %dma_wait3A_171 : memref<1x1x80xi32, #tpu.memory_space<vmem>> -> memref<80xi32, #tpu.memory_space<vmem>>
      %dma_wait3A_173 = arith.constant 0 : i32
      %dma_wait3A_174 = arith.constant 0 : i32
      %dma_wait3A_175 = tpu.memref_slice %arg2[%dma_wait3A_173, %dma_wait3A_174] : memref<10000x128xf32, #tpu.memory_space<hbm>> -> memref<10000x128xf32, #tpu.memory_space<hbm>>
      tpu.wait_indirect_dma semaphore(%arg10 : memref<!tpu.dma_semaphore, #tpu.memory_space<semaphore_mem>>) src(%dma_wait3A_175 : memref<10000x128xf32, #tpu.memory_space<hbm>>) dst(%dma_wait3A_169 : memref<80x128xf32, #tpu.memory_space<vmem>>)
      %dma_wait3A_176 = arith.constant 0 : i32
      %dma_wait3A_177 = arith.constant 2 : i32
      %dma_wait3A_178 = arith.constant 0 : i32
      %dma_wait3A_179 = arith.constant 0 : i32
      %dma_wait3A_180 = tpu.memref_slice %arg8[%dma_wait3A_177, %dma_wait3A_178, %dma_wait3A_179] : memref<5x80x128xf32, #tpu.memory_space<vmem>> -> memref<1x80x128xf32, #tpu.memory_space<vmem>>
      %dma_wait3A_181 = tpu.memref_squeeze %dma_wait3A_180 : memref<1x80x128xf32, #tpu.memory_space<vmem>> -> memref<80x128xf32, #tpu.memory_space<vmem>>
      %dma_wait3A_182 = arith.constant 0 : i32
      %dma_wait3A_183 = tpu.memref_slice %arg7[%add3A_42, %dma_wait3A_176, %dma_wait3A_182] : memref<40x2x80xi32, #tpu.memory_space<vmem>> -> memref<1x1x80xi32, #tpu.memory_space<vmem>>
      %dma_wait3A_184 = tpu.memref_squeeze %dma_wait3A_183 : memref<1x1x80xi32, #tpu.memory_space<vmem>> -> memref<80xi32, #tpu.memory_space<vmem>>
      %dma_wait3A_185 = arith.constant 0 : i32
      %dma_wait3A_186 = arith.constant 0 : i32
      %dma_wait3A_187 = tpu.memref_slice %arg2[%dma_wait3A_185, %dma_wait3A_186] : memref<10000x128xf32, #tpu.memory_space<hbm>> -> memref<10000x128xf32, #tpu.memory_space<hbm>>
      tpu.wait_indirect_dma semaphore(%arg10 : memref<!tpu.dma_semaphore, #tpu.memory_space<semaphore_mem>>) src(%dma_wait3A_187 : memref<10000x128xf32, #tpu.memory_space<hbm>>) dst(%dma_wait3A_181 : memref<80x128xf32, #tpu.memory_space<vmem>>)
      %dma_wait3A_188 = arith.constant 0 : i32
      %dma_wait3A_189 = arith.constant 3 : i32
      %dma_wait3A_190 = arith.constant 0 : i32
      %dma_wait3A_191 = arith.constant 0 : i32
      %dma_wait3A_192 = tpu.memref_slice %arg8[%dma_wait3A_189, %dma_wait3A_190, %dma_wait3A_191] : memref<5x80x128xf32, #tpu.memory_space<vmem>> -> memref<1x80x128xf32, #tpu.memory_space<vmem>>
      %dma_wait3A_193 = tpu.memref_squeeze %dma_wait3A_192 : memref<1x80x128xf32, #tpu.memory_space<vmem>> -> memref<80x128xf32, #tpu.memory_space<vmem>>
      %dma_wait3A_194 = arith.constant 0 : i32
      %dma_wait3A_195 = tpu.memref_slice %arg7[%add3A_56, %dma_wait3A_188, %dma_wait3A_194] : memref<40x2x80xi32, #tpu.memory_space<vmem>> -> memref<1x1x80xi32, #tpu.memory_space<vmem>>
      %dma_wait3A_196 = tpu.memref_squeeze %dma_wait3A_195 : memref<1x1x80xi32, #tpu.memory_space<vmem>> -> memref<80xi32, #tpu.memory_space<vmem>>
      %dma_wait3A_197 = arith.constant 0 : i32
      %dma_wait3A_198 = arith.constant 0 : i32
      %dma_wait3A_199 = tpu.memref_slice %arg2[%dma_wait3A_197, %dma_wait3A_198] : memref<10000x128xf32, #tpu.memory_space<hbm>> -> memref<10000x128xf32, #tpu.memory_space<hbm>>
      tpu.wait_indirect_dma semaphore(%arg10 : memref<!tpu.dma_semaphore, #tpu.memory_space<semaphore_mem>>) src(%dma_wait3A_199 : memref<10000x128xf32, #tpu.memory_space<hbm>>) dst(%dma_wait3A_193 : memref<80x128xf32, #tpu.memory_space<vmem>>)
      %dma_wait3A_200 = arith.constant 0 : i32
      %dma_wait3A_201 = arith.constant 4 : i32
      %dma_wait3A_202 = arith.constant 0 : i32
      %dma_wait3A_203 = arith.constant 0 : i32
      %dma_wait3A_204 = tpu.memref_slice %arg8[%dma_wait3A_201, %dma_wait3A_202, %dma_wait3A_203] : memref<5x80x128xf32, #tpu.memory_space<vmem>> -> memref<1x80x128xf32, #tpu.memory_space<vmem>>
      %dma_wait3A_205 = tpu.memref_squeeze %dma_wait3A_204 : memref<1x80x128xf32, #tpu.memory_space<vmem>> -> memref<80x128xf32, #tpu.memory_space<vmem>>
      %dma_wait3A_206 = arith.constant 0 : i32
      %dma_wait3A_207 = tpu.memref_slice %arg7[%add3A_70, %dma_wait3A_200, %dma_wait3A_206] : memref<40x2x80xi32, #tpu.memory_space<vmem>> -> memref<1x1x80xi32, #tpu.memory_space<vmem>>
      %dma_wait3A_208 = tpu.memref_squeeze %dma_wait3A_207 : memref<1x1x80xi32, #tpu.memory_space<vmem>> -> memref<80xi32, #tpu.memory_space<vmem>>
      %dma_wait3A_209 = arith.constant 0 : i32
      %dma_wait3A_210 = arith.constant 0 : i32
      %dma_wait3A_211 = tpu.memref_slice %arg2[%dma_wait3A_209, %dma_wait3A_210] : memref<10000x128xf32, #tpu.memory_space<hbm>> -> memref<10000x128xf32, #tpu.memory_space<hbm>>
      tpu.wait_indirect_dma semaphore(%arg10 : memref<!tpu.dma_semaphore, #tpu.memory_space<semaphore_mem>>) src(%dma_wait3A_211 : memref<10000x128xf32, #tpu.memory_space<hbm>>) dst(%dma_wait3A_205 : memref<80x128xf32, #tpu.memory_space<vmem>>)
      %dma_wait3A_212 = arith.constant 1 : i32
      %dma_wait3A_213 = arith.constant 0 : i32
      %dma_wait3A_214 = arith.constant 0 : i32
      %dma_wait3A_215 = arith.constant 0 : i32
      %dma_wait3A_216 = tpu.memref_slice %arg9[%dma_wait3A_213, %dma_wait3A_214, %dma_wait3A_215] : memref<5x80x128xf32, #tpu.memory_space<vmem>> -> memref<1x80x128xf32, #tpu.memory_space<vmem>>
      %dma_wait3A_217 = tpu.memref_squeeze %dma_wait3A_216 : memref<1x80x128xf32, #tpu.memory_space<vmem>> -> memref<80x128xf32, #tpu.memory_space<vmem>>
      %dma_wait3A_218 = arith.constant 0 : i32
      %dma_wait3A_219 = tpu.memref_slice %arg7[%add3A_84, %dma_wait3A_212, %dma_wait3A_218] : memref<40x2x80xi32, #tpu.memory_space<vmem>> -> memref<1x1x80xi32, #tpu.memory_space<vmem>>
      %dma_wait3A_220 = tpu.memref_squeeze %dma_wait3A_219 : memref<1x1x80xi32, #tpu.memory_space<vmem>> -> memref<80xi32, #tpu.memory_space<vmem>>
      %dma_wait3A_221 = arith.constant 0 : i32
      %dma_wait3A_222 = arith.constant 0 : i32
      %dma_wait3A_223 = tpu.memref_slice %arg3[%dma_wait3A_221, %dma_wait3A_222] : memref<10000x128xf32, #tpu.memory_space<hbm>> -> memref<10000x128xf32, #tpu.memory_space<hbm>>
      tpu.wait_indirect_dma semaphore(%arg10 : memref<!tpu.dma_semaphore, #tpu.memory_space<semaphore_mem>>) src(%dma_wait3A_223 : memref<10000x128xf32, #tpu.memory_space<hbm>>) dst(%dma_wait3A_217 : memref<80x128xf32, #tpu.memory_space<vmem>>)
      %dma_wait3A_224 = arith.constant 1 : i32
      %dma_wait3A_225 = arith.constant 1 : i32
      %dma_wait3A_226 = arith.constant 0 : i32
      %dma_wait3A_227 = arith.constant 0 : i32
      %dma_wait3A_228 = tpu.memref_slice %arg9[%dma_wait3A_225, %dma_wait3A_226, %dma_wait3A_227] : memref<5x80x128xf32, #tpu.memory_space<vmem>> -> memref<1x80x128xf32, #tpu.memory_space<vmem>>
      %dma_wait3A_229 = tpu.memref_squeeze %dma_wait3A_228 : memref<1x80x128xf32, #tpu.memory_space<vmem>> -> memref<80x128xf32, #tpu.memory_space<vmem>>
      %dma_wait3A_230 = arith.constant 0 : i32
      %dma_wait3A_231 = tpu.memref_slice %arg7[%add3A_98, %dma_wait3A_224, %dma_wait3A_230] : memref<40x2x80xi32, #tpu.memory_space<vmem>> -> memref<1x1x80xi32, #tpu.memory_space<vmem>>
      %dma_wait3A_232 = tpu.memref_squeeze %dma_wait3A_231 : memref<1x1x80xi32, #tpu.memory_space<vmem>> -> memref<80xi32, #tpu.memory_space<vmem>>
      %dma_wait3A_233 = arith.constant 0 : i32
      %dma_wait3A_234 = arith.constant 0 : i32
      %dma_wait3A_235 = tpu.memref_slice %arg3[%dma_wait3A_233, %dma_wait3A_234] : memref<10000x128xf32, #tpu.memory_space<hbm>> -> memref<10000x128xf32, #tpu.memory_space<hbm>>
      tpu.wait_indirect_dma semaphore(%arg10 : memref<!tpu.dma_semaphore, #tpu.memory_space<semaphore_mem>>) src(%dma_wait3A_235 : memref<10000x128xf32, #tpu.memory_space<hbm>>) dst(%dma_wait3A_229 : memref<80x128xf32, #tpu.memory_space<vmem>>)
      %dma_wait3A_236 = arith.constant 1 : i32
      %dma_wait3A_237 = arith.constant 2 : i32
      %dma_wait3A_238 = arith.constant 0 : i32
      %dma_wait3A_239 = arith.constant 0 : i32
      %dma_wait3A_240 = tpu.memref_slice %arg9[%dma_wait3A_237, %dma_wait3A_238, %dma_wait3A_239] : memref<5x80x128xf32, #tpu.memory_space<vmem>> -> memref<1x80x128xf32, #tpu.memory_space<vmem>>
      %dma_wait3A_241 = tpu.memref_squeeze %dma_wait3A_240 : memref<1x80x128xf32, #tpu.memory_space<vmem>> -> memref<80x128xf32, #tpu.memory_space<vmem>>
      %dma_wait3A_242 = arith.constant 0 : i32
      %dma_wait3A_243 = tpu.memref_slice %arg7[%add3A_112, %dma_wait3A_236, %dma_wait3A_242] : memref<40x2x80xi32, #tpu.memory_space<vmem>> -> memref<1x1x80xi32, #tpu.memory_space<vmem>>
      %dma_wait3A_244 = tpu.memref_squeeze %dma_wait3A_243 : memref<1x1x80xi32, #tpu.memory_space<vmem>> -> memref<80xi32, #tpu.memory_space<vmem>>
      %dma_wait3A_245 = arith.constant 0 : i32
      %dma_wait3A_246 = arith.constant 0 : i32
      %dma_wait3A_247 = tpu.memref_slice %arg3[%dma_wait3A_245, %dma_wait3A_246] : memref<10000x128xf32, #tpu.memory_space<hbm>> -> memref<10000x128xf32, #tpu.memory_space<hbm>>
      tpu.wait_indirect_dma semaphore(%arg10 : memref<!tpu.dma_semaphore, #tpu.memory_space<semaphore_mem>>) src(%dma_wait3A_247 : memref<10000x128xf32, #tpu.memory_space<hbm>>) dst(%dma_wait3A_241 : memref<80x128xf32, #tpu.memory_space<vmem>>)
      %dma_wait3A_248 = arith.constant 1 : i32
      %dma_wait3A_249 = arith.constant 3 : i32
      %dma_wait3A_250 = arith.constant 0 : i32
      %dma_wait3A_251 = arith.constant 0 : i32
      %dma_wait3A_252 = tpu.memref_slice %arg9[%dma_wait3A_249, %dma_wait3A_250, %dma_wait3A_251] : memref<5x80x128xf32, #tpu.memory_space<vmem>> -> memref<1x80x128xf32, #tpu.memory_space<vmem>>
      %dma_wait3A_253 = tpu.memref_squeeze %dma_wait3A_252 : memref<1x80x128xf32, #tpu.memory_space<vmem>> -> memref<80x128xf32, #tpu.memory_space<vmem>>
      %dma_wait3A_254 = arith.constant 0 : i32
      %dma_wait3A_255 = tpu.memref_slice %arg7[%add3A_126, %dma_wait3A_248, %dma_wait3A_254] : memref<40x2x80xi32, #tpu.memory_space<vmem>> -> memref<1x1x80xi32, #tpu.memory_space<vmem>>
      %dma_wait3A_256 = tpu.memref_squeeze %dma_wait3A_255 : memref<1x1x80xi32, #tpu.memory_space<vmem>> -> memref<80xi32, #tpu.memory_space<vmem>>
      %dma_wait3A_257 = arith.constant 0 : i32
      %dma_wait3A_258 = arith.constant 0 : i32
      %dma_wait3A_259 = tpu.memref_slice %arg3[%dma_wait3A_257, %dma_wait3A_258] : memref<10000x128xf32, #tpu.memory_space<hbm>> -> memref<10000x128xf32, #tpu.memory_space<hbm>>
      tpu.wait_indirect_dma semaphore(%arg10 : memref<!tpu.dma_semaphore, #tpu.memory_space<semaphore_mem>>) src(%dma_wait3A_259 : memref<10000x128xf32, #tpu.memory_space<hbm>>) dst(%dma_wait3A_253 : memref<80x128xf32, #tpu.memory_space<vmem>>)
      %dma_wait3A_260 = arith.constant 1 : i32
      %dma_wait3A_261 = arith.constant 4 : i32
      %dma_wait3A_262 = arith.constant 0 : i32
      %dma_wait3A_263 = arith.constant 0 : i32
      %dma_wait3A_264 = tpu.memref_slice %arg9[%dma_wait3A_261, %dma_wait3A_262, %dma_wait3A_263] : memref<5x80x128xf32, #tpu.memory_space<vmem>> -> memref<1x80x128xf32, #tpu.memory_space<vmem>>
      %dma_wait3A_265 = tpu.memref_squeeze %dma_wait3A_264 : memref<1x80x128xf32, #tpu.memory_space<vmem>> -> memref<80x128xf32, #tpu.memory_space<vmem>>
      %dma_wait3A_266 = arith.constant 0 : i32
      %dma_wait3A_267 = tpu.memref_slice %arg7[%add3A_140, %dma_wait3A_260, %dma_wait3A_266] : memref<40x2x80xi32, #tpu.memory_space<vmem>> -> memref<1x1x80xi32, #tpu.memory_space<vmem>>
      %dma_wait3A_268 = tpu.memref_squeeze %dma_wait3A_267 : memref<1x1x80xi32, #tpu.memory_space<vmem>> -> memref<80xi32, #tpu.memory_space<vmem>>
      %dma_wait3A_269 = arith.constant 0 : i32
      %dma_wait3A_270 = arith.constant 0 : i32
      %dma_wait3A_271 = tpu.memref_slice %arg3[%dma_wait3A_269, %dma_wait3A_270] : memref<10000x128xf32, #tpu.memory_space<hbm>> -> memref<10000x128xf32, #tpu.memory_space<hbm>>
      tpu.wait_indirect_dma semaphore(%arg10 : memref<!tpu.dma_semaphore, #tpu.memory_space<semaphore_mem>>) src(%dma_wait3A_271 : memref<10000x128xf32, #tpu.memory_space<hbm>>) dst(%dma_wait3A_265 : memref<80x128xf32, #tpu.memory_space<vmem>>)
      %mul3A_272 = arith.constant 40 : i32
      %mul3A_273 = arith.muli %add3A, %mul3A_272 : i32
      %add3A_274 = arith.addi %mul3A_273, %mul3A_13 : i32
      %add3A_275 = arith.constant 0 : i32
      %add3A_276 = arith.addi %add3A_274, %add3A_275 : i32
      %mul3A_277 = arith.constant 80 : i32
      %mul3A_278 = arith.muli %add3A_276, %mul3A_277 : i32
      %multiple_of3A = tpu.assume_multiple %mul3A_278, 8 : i32
      %dma_start3A_279 = arith.constant 0 : i32
      %dma_start3A_280 = arith.constant 0 : i32
      %dma_start3A_281 = arith.constant 0 : i32
      %dma_start3A_282 = tpu.memref_slice %arg8[%dma_start3A_279, %dma_start3A_280, %dma_start3A_281] : memref<5x80x128xf32, #tpu.memory_space<vmem>> -> memref<1x80x128xf32, #tpu.memory_space<vmem>>
      %dma_start3A_283 = tpu.memref_squeeze %dma_start3A_282 : memref<1x80x128xf32, #tpu.memory_space<vmem>> -> memref<80x128xf32, #tpu.memory_space<vmem>>
      %dma_start3A_284 = arith.constant 0 : i32
      %dma_start3A_285 = tpu.memref_slice %arg5[%multiple_of3A, %dma_start3A_284] : memref<102400x128xf32, #tpu.memory_space<hbm>> -> memref<80x128xf32, #tpu.memory_space<hbm>>
      %dma_start3A_286 = arith.constant 0 : i32
      %dma_start3A_287 = tpu.memref_slice %arg5[%multiple_of3A, %dma_start3A_286] : memref<102400x128xf32, #tpu.memory_space<hbm>> -> memref<80x128xf32, #tpu.memory_space<hbm>>
      %dma_start3A_288 = arith.constant 0 : i32
      %dma_start3A_289 = arith.constant 0 : i32
      %dma_start3A_290 = tpu.memref_slice %arg8[%dma_start3A_279, %dma_start3A_288, %dma_start3A_289] : memref<5x80x128xf32, #tpu.memory_space<vmem>> -> memref<1x80x128xf32, #tpu.memory_space<vmem>>
      %dma_start3A_291 = tpu.memref_squeeze %dma_start3A_290 : memref<1x80x128xf32, #tpu.memory_space<vmem>> -> memref<80x128xf32, #tpu.memory_space<vmem>>
      tpu.enqueue_dma source(%dma_start3A_291 : memref<80x128xf32, #tpu.memory_space<vmem>>) target(%dma_start3A_287 : memref<80x128xf32, #tpu.memory_space<hbm>>) target_semaphore(%arg11 : memref<!tpu.dma_semaphore, #tpu.memory_space<semaphore_mem>>)
      %dma_start3A_292 = arith.constant 0 : i32
      %dma_start3A_293 = arith.constant 0 : i32
      %dma_start3A_294 = arith.constant 0 : i32
      %dma_start3A_295 = tpu.memref_slice %arg9[%dma_start3A_292, %dma_start3A_293, %dma_start3A_294] : memref<5x80x128xf32, #tpu.memory_space<vmem>> -> memref<1x80x128xf32, #tpu.memory_space<vmem>>
      %dma_start3A_296 = tpu.memref_squeeze %dma_start3A_295 : memref<1x80x128xf32, #tpu.memory_space<vmem>> -> memref<80x128xf32, #tpu.memory_space<vmem>>
      %dma_start3A_297 = arith.constant 0 : i32
      %dma_start3A_298 = tpu.memref_slice %arg6[%multiple_of3A, %dma_start3A_297] : memref<102400x128xf32, #tpu.memory_space<hbm>> -> memref<80x128xf32, #tpu.memory_space<hbm>>
      %dma_start3A_299 = arith.constant 0 : i32
      %dma_start3A_300 = tpu.memref_slice %arg6[%multiple_of3A, %dma_start3A_299] : memref<102400x128xf32, #tpu.memory_space<hbm>> -> memref<80x128xf32, #tpu.memory_space<hbm>>
      %dma_start3A_301 = arith.constant 0 : i32
      %dma_start3A_302 = arith.constant 0 : i32
      %dma_start3A_303 = tpu.memref_slice %arg9[%dma_start3A_292, %dma_start3A_301, %dma_start3A_302] : memref<5x80x128xf32, #tpu.memory_space<vmem>> -> memref<1x80x128xf32, #tpu.memory_space<vmem>>
      %dma_start3A_304 = tpu.memref_squeeze %dma_start3A_303 : memref<1x80x128xf32, #tpu.memory_space<vmem>> -> memref<80x128xf32, #tpu.memory_space<vmem>>
      tpu.enqueue_dma source(%dma_start3A_304 : memref<80x128xf32, #tpu.memory_space<vmem>>) target(%dma_start3A_300 : memref<80x128xf32, #tpu.memory_space<hbm>>) target_semaphore(%arg11 : memref<!tpu.dma_semaphore, #tpu.memory_space<semaphore_mem>>)
      %mul3A_305 = arith.constant 40 : i32
      %mul3A_306 = arith.muli %add3A, %mul3A_305 : i32
      %add3A_307 = arith.addi %mul3A_306, %mul3A_13 : i32
      %add3A_308 = arith.constant 1 : i32
      %add3A_309 = arith.addi %add3A_307, %add3A_308 : i32
      %mul3A_310 = arith.constant 80 : i32
      %mul3A_311 = arith.muli %add3A_309, %mul3A_310 : i32
      %multiple_of3A_312 = tpu.assume_multiple %mul3A_311, 8 : i32
      %dma_start3A_313 = arith.constant 1 : i32
      %dma_start3A_314 = arith.constant 0 : i32
      %dma_start3A_315 = arith.constant 0 : i32
      %dma_start3A_316 = tpu.memref_slice %arg8[%dma_start3A_313, %dma_start3A_314, %dma_start3A_315] : memref<5x80x128xf32, #tpu.memory_space<vmem>> -> memref<1x80x128xf32, #tpu.memory_space<vmem>>
      %dma_start3A_317 = tpu.memref_squeeze %dma_start3A_316 : memref<1x80x128xf32, #tpu.memory_space<vmem>> -> memref<80x128xf32, #tpu.memory_space<vmem>>
      %dma_start3A_318 = arith.constant 0 : i32
      %dma_start3A_319 = tpu.memref_slice %arg5[%multiple_of3A_312, %dma_start3A_318] : memref<102400x128xf32, #tpu.memory_space<hbm>> -> memref<80x128xf32, #tpu.memory_space<hbm>>
      %dma_start3A_320 = arith.constant 0 : i32
      %dma_start3A_321 = tpu.memref_slice %arg5[%multiple_of3A_312, %dma_start3A_320] : memref<102400x128xf32, #tpu.memory_space<hbm>> -> memref<80x128xf32, #tpu.memory_space<hbm>>
      %dma_start3A_322 = arith.constant 0 : i32
      %dma_start3A_323 = arith.constant 0 : i32
      %dma_start3A_324 = tpu.memref_slice %arg8[%dma_start3A_313, %dma_start3A_322, %dma_start3A_323] : memref<5x80x128xf32, #tpu.memory_space<vmem>> -> memref<1x80x128xf32, #tpu.memory_space<vmem>>
      %dma_start3A_325 = tpu.memref_squeeze %dma_start3A_324 : memref<1x80x128xf32, #tpu.memory_space<vmem>> -> memref<80x128xf32, #tpu.memory_space<vmem>>
      tpu.enqueue_dma source(%dma_start3A_325 : memref<80x128xf32, #tpu.memory_space<vmem>>) target(%dma_start3A_321 : memref<80x128xf32, #tpu.memory_space<hbm>>) target_semaphore(%arg11 : memref<!tpu.dma_semaphore, #tpu.memory_space<semaphore_mem>>)
      %dma_start3A_326 = arith.constant 1 : i32
      %dma_start3A_327 = arith.constant 0 : i32
      %dma_start3A_328 = arith.constant 0 : i32
      %dma_start3A_329 = tpu.memref_slice %arg9[%dma_start3A_326, %dma_start3A_327, %dma_start3A_328] : memref<5x80x128xf32, #tpu.memory_space<vmem>> -> memref<1x80x128xf32, #tpu.memory_space<vmem>>
      %dma_start3A_330 = tpu.memref_squeeze %dma_start3A_329 : memref<1x80x128xf32, #tpu.memory_space<vmem>> -> memref<80x128xf32, #tpu.memory_space<vmem>>
      %dma_start3A_331 = arith.constant 0 : i32
      %dma_start3A_332 = tpu.memref_slice %arg6[%multiple_of3A_312, %dma_start3A_331] : memref<102400x128xf32, #tpu.memory_space<hbm>> -> memref<80x128xf32, #tpu.memory_space<hbm>>
      %dma_start3A_333 = arith.constant 0 : i32
      %dma_start3A_334 = tpu.memref_slice %arg6[%multiple_of3A_312, %dma_start3A_333] : memref<102400x128xf32, #tpu.memory_space<hbm>> -> memref<80x128xf32, #tpu.memory_space<hbm>>
      %dma_start3A_335 = arith.constant 0 : i32
      %dma_start3A_336 = arith.constant 0 : i32
      %dma_start3A_337 = tpu.memref_slice %arg9[%dma_start3A_326, %dma_start3A_335, %dma_start3A_336] : memref<5x80x128xf32, #tpu.memory_space<vmem>> -> memref<1x80x128xf32, #tpu.memory_space<vmem>>
      %dma_start3A_338 = tpu.memref_squeeze %dma_start3A_337 : memref<1x80x128xf32, #tpu.memory_space<vmem>> -> memref<80x128xf32, #tpu.memory_space<vmem>>
      tpu.enqueue_dma source(%dma_start3A_338 : memref<80x128xf32, #tpu.memory_space<vmem>>) target(%dma_start3A_334 : memref<80x128xf32, #tpu.memory_space<hbm>>) target_semaphore(%arg11 : memref<!tpu.dma_semaphore, #tpu.memory_space<semaphore_mem>>)
      %mul3A_339 = arith.constant 40 : i32
      %mul3A_340 = arith.muli %add3A, %mul3A_339 : i32
      %add3A_341 = arith.addi %mul3A_340, %mul3A_13 : i32
      %add3A_342 = arith.constant 2 : i32
      %add3A_343 = arith.addi %add3A_341, %add3A_342 : i32
      %mul3A_344 = arith.constant 80 : i32
      %mul3A_345 = arith.muli %add3A_343, %mul3A_344 : i32
      %multiple_of3A_346 = tpu.assume_multiple %mul3A_345, 8 : i32
      %dma_start3A_347 = arith.constant 2 : i32
      %dma_start3A_348 = arith.constant 0 : i32
      %dma_start3A_349 = arith.constant 0 : i32
      %dma_start3A_350 = tpu.memref_slice %arg8[%dma_start3A_347, %dma_start3A_348, %dma_start3A_349] : memref<5x80x128xf32, #tpu.memory_space<vmem>> -> memref<1x80x128xf32, #tpu.memory_space<vmem>>
      %dma_start3A_351 = tpu.memref_squeeze %dma_start3A_350 : memref<1x80x128xf32, #tpu.memory_space<vmem>> -> memref<80x128xf32, #tpu.memory_space<vmem>>
      %dma_start3A_352 = arith.constant 0 : i32
      %dma_start3A_353 = tpu.memref_slice %arg5[%multiple_of3A_346, %dma_start3A_352] : memref<102400x128xf32, #tpu.memory_space<hbm>> -> memref<80x128xf32, #tpu.memory_space<hbm>>
      %dma_start3A_354 = arith.constant 0 : i32
      %dma_start3A_355 = tpu.memref_slice %arg5[%multiple_of3A_346, %dma_start3A_354] : memref<102400x128xf32, #tpu.memory_space<hbm>> -> memref<80x128xf32, #tpu.memory_space<hbm>>
      %dma_start3A_356 = arith.constant 0 : i32
      %dma_start3A_357 = arith.constant 0 : i32
      %dma_start3A_358 = tpu.memref_slice %arg8[%dma_start3A_347, %dma_start3A_356, %dma_start3A_357] : memref<5x80x128xf32, #tpu.memory_space<vmem>> -> memref<1x80x128xf32, #tpu.memory_space<vmem>>
      %dma_start3A_359 = tpu.memref_squeeze %dma_start3A_358 : memref<1x80x128xf32, #tpu.memory_space<vmem>> -> memref<80x128xf32, #tpu.memory_space<vmem>>
      tpu.enqueue_dma source(%dma_start3A_359 : memref<80x128xf32, #tpu.memory_space<vmem>>) target(%dma_start3A_355 : memref<80x128xf32, #tpu.memory_space<hbm>>) target_semaphore(%arg11 : memref<!tpu.dma_semaphore, #tpu.memory_space<semaphore_mem>>)
      %dma_start3A_360 = arith.constant 2 : i32
      %dma_start3A_361 = arith.constant 0 : i32
      %dma_start3A_362 = arith.constant 0 : i32
      %dma_start3A_363 = tpu.memref_slice %arg9[%dma_start3A_360, %dma_start3A_361, %dma_start3A_362] : memref<5x80x128xf32, #tpu.memory_space<vmem>> -> memref<1x80x128xf32, #tpu.memory_space<vmem>>
      %dma_start3A_364 = tpu.memref_squeeze %dma_start3A_363 : memref<1x80x128xf32, #tpu.memory_space<vmem>> -> memref<80x128xf32, #tpu.memory_space<vmem>>
      %dma_start3A_365 = arith.constant 0 : i32
      %dma_start3A_366 = tpu.memref_slice %arg6[%multiple_of3A_346, %dma_start3A_365] : memref<102400x128xf32, #tpu.memory_space<hbm>> -> memref<80x128xf32, #tpu.memory_space<hbm>>
      %dma_start3A_367 = arith.constant 0 : i32
      %dma_start3A_368 = tpu.memref_slice %arg6[%multiple_of3A_346, %dma_start3A_367] : memref<102400x128xf32, #tpu.memory_space<hbm>> -> memref<80x128xf32, #tpu.memory_space<hbm>>
      %dma_start3A_369 = arith.constant 0 : i32
      %dma_start3A_370 = arith.constant 0 : i32
      %dma_start3A_371 = tpu.memref_slice %arg9[%dma_start3A_360, %dma_start3A_369, %dma_start3A_370] : memref<5x80x128xf32, #tpu.memory_space<vmem>> -> memref<1x80x128xf32, #tpu.memory_space<vmem>>
      %dma_start3A_372 = tpu.memref_squeeze %dma_start3A_371 : memref<1x80x128xf32, #tpu.memory_space<vmem>> -> memref<80x128xf32, #tpu.memory_space<vmem>>
      tpu.enqueue_dma source(%dma_start3A_372 : memref<80x128xf32, #tpu.memory_space<vmem>>) target(%dma_start3A_368 : memref<80x128xf32, #tpu.memory_space<hbm>>) target_semaphore(%arg11 : memref<!tpu.dma_semaphore, #tpu.memory_space<semaphore_mem>>)
      %mul3A_373 = arith.constant 40 : i32
      %mul3A_374 = arith.muli %add3A, %mul3A_373 : i32
      %add3A_375 = arith.addi %mul3A_374, %mul3A_13 : i32
      %add3A_376 = arith.constant 3 : i32
      %add3A_377 = arith.addi %add3A_375, %add3A_376 : i32
      %mul3A_378 = arith.constant 80 : i32
      %mul3A_379 = arith.muli %add3A_377, %mul3A_378 : i32
      %multiple_of3A_380 = tpu.assume_multiple %mul3A_379, 8 : i32
      %dma_start3A_381 = arith.constant 3 : i32
      %dma_start3A_382 = arith.constant 0 : i32
      %dma_start3A_383 = arith.constant 0 : i32
      %dma_start3A_384 = tpu.memref_slice %arg8[%dma_start3A_381, %dma_start3A_382, %dma_start3A_383] : memref<5x80x128xf32, #tpu.memory_space<vmem>> -> memref<1x80x128xf32, #tpu.memory_space<vmem>>
      %dma_start3A_385 = tpu.memref_squeeze %dma_start3A_384 : memref<1x80x128xf32, #tpu.memory_space<vmem>> -> memref<80x128xf32, #tpu.memory_space<vmem>>
      %dma_start3A_386 = arith.constant 0 : i32
      %dma_start3A_387 = tpu.memref_slice %arg5[%multiple_of3A_380, %dma_start3A_386] : memref<102400x128xf32, #tpu.memory_space<hbm>> -> memref<80x128xf32, #tpu.memory_space<hbm>>
      %dma_start3A_388 = arith.constant 0 : i32
      %dma_start3A_389 = tpu.memref_slice %arg5[%multiple_of3A_380, %dma_start3A_388] : memref<102400x128xf32, #tpu.memory_space<hbm>> -> memref<80x128xf32, #tpu.memory_space<hbm>>
      %dma_start3A_390 = arith.constant 0 : i32
      %dma_start3A_391 = arith.constant 0 : i32
      %dma_start3A_392 = tpu.memref_slice %arg8[%dma_start3A_381, %dma_start3A_390, %dma_start3A_391] : memref<5x80x128xf32, #tpu.memory_space<vmem>> -> memref<1x80x128xf32, #tpu.memory_space<vmem>>
      %dma_start3A_393 = tpu.memref_squeeze %dma_start3A_392 : memref<1x80x128xf32, #tpu.memory_space<vmem>> -> memref<80x128xf32, #tpu.memory_space<vmem>>
      tpu.enqueue_dma source(%dma_start3A_393 : memref<80x128xf32, #tpu.memory_space<vmem>>) target(%dma_start3A_389 : memref<80x128xf32, #tpu.memory_space<hbm>>) target_semaphore(%arg11 : memref<!tpu.dma_semaphore, #tpu.memory_space<semaphore_mem>>)
      %dma_start3A_394 = arith.constant 3 : i32
      %dma_start3A_395 = arith.constant 0 : i32
      %dma_start3A_396 = arith.constant 0 : i32
      %dma_start3A_397 = tpu.memref_slice %arg9[%dma_start3A_394, %dma_start3A_395, %dma_start3A_396] : memref<5x80x128xf32, #tpu.memory_space<vmem>> -> memref<1x80x128xf32, #tpu.memory_space<vmem>>
      %dma_start3A_398 = tpu.memref_squeeze %dma_start3A_397 : memref<1x80x128xf32, #tpu.memory_space<vmem>> -> memref<80x128xf32, #tpu.memory_space<vmem>>
      %dma_start3A_399 = arith.constant 0 : i32
      %dma_start3A_400 = tpu.memref_slice %arg6[%multiple_of3A_380, %dma_start3A_399] : memref<102400x128xf32, #tpu.memory_space<hbm>> -> memref<80x128xf32, #tpu.memory_space<hbm>>
      %dma_start3A_401 = arith.constant 0 : i32
      %dma_start3A_402 = tpu.memref_slice %arg6[%multiple_of3A_380, %dma_start3A_401] : memref<102400x128xf32, #tpu.memory_space<hbm>> -> memref<80x128xf32, #tpu.memory_space<hbm>>
      %dma_start3A_403 = arith.constant 0 : i32
      %dma_start3A_404 = arith.constant 0 : i32
      %dma_start3A_405 = tpu.memref_slice %arg9[%dma_start3A_394, %dma_start3A_403, %dma_start3A_404] : memref<5x80x128xf32, #tpu.memory_space<vmem>> -> memref<1x80x128xf32, #tpu.memory_space<vmem>>
      %dma_start3A_406 = tpu.memref_squeeze %dma_start3A_405 : memref<1x80x128xf32, #tpu.memory_space<vmem>> -> memref<80x128xf32, #tpu.memory_space<vmem>>
      tpu.enqueue_dma source(%dma_start3A_406 : memref<80x128xf32, #tpu.memory_space<vmem>>) target(%dma_start3A_402 : memref<80x128xf32, #tpu.memory_space<hbm>>) target_semaphore(%arg11 : memref<!tpu.dma_semaphore, #tpu.memory_space<semaphore_mem>>)
      %mul3A_407 = arith.constant 40 : i32
      %mul3A_408 = arith.muli %add3A, %mul3A_407 : i32
      %add3A_409 = arith.addi %mul3A_408, %mul3A_13 : i32
      %add3A_410 = arith.constant 4 : i32
      %add3A_411 = arith.addi %add3A_409, %add3A_410 : i32
      %mul3A_412 = arith.constant 80 : i32
      %mul3A_413 = arith.muli %add3A_411, %mul3A_412 : i32
      %multiple_of3A_414 = tpu.assume_multiple %mul3A_413, 8 : i32
      %dma_start3A_415 = arith.constant 4 : i32
      %dma_start3A_416 = arith.constant 0 : i32
      %dma_start3A_417 = arith.constant 0 : i32
      %dma_start3A_418 = tpu.memref_slice %arg8[%dma_start3A_415, %dma_start3A_416, %dma_start3A_417] : memref<5x80x128xf32, #tpu.memory_space<vmem>> -> memref<1x80x128xf32, #tpu.memory_space<vmem>>
      %dma_start3A_419 = tpu.memref_squeeze %dma_start3A_418 : memref<1x80x128xf32, #tpu.memory_space<vmem>> -> memref<80x128xf32, #tpu.memory_space<vmem>>
      %dma_start3A_420 = arith.constant 0 : i32
      %dma_start3A_421 = tpu.memref_slice %arg5[%multiple_of3A_414, %dma_start3A_420] : memref<102400x128xf32, #tpu.memory_space<hbm>> -> memref<80x128xf32, #tpu.memory_space<hbm>>
      %dma_start3A_422 = arith.constant 0 : i32
      %dma_start3A_423 = tpu.memref_slice %arg5[%multiple_of3A_414, %dma_start3A_422] : memref<102400x128xf32, #tpu.memory_space<hbm>> -> memref<80x128xf32, #tpu.memory_space<hbm>>
      %dma_start3A_424 = arith.constant 0 : i32
      %dma_start3A_425 = arith.constant 0 : i32
      %dma_start3A_426 = tpu.memref_slice %arg8[%dma_start3A_415, %dma_start3A_424, %dma_start3A_425] : memref<5x80x128xf32, #tpu.memory_space<vmem>> -> memref<1x80x128xf32, #tpu.memory_space<vmem>>
      %dma_start3A_427 = tpu.memref_squeeze %dma_start3A_426 : memref<1x80x128xf32, #tpu.memory_space<vmem>> -> memref<80x128xf32, #tpu.memory_space<vmem>>
      tpu.enqueue_dma source(%dma_start3A_427 : memref<80x128xf32, #tpu.memory_space<vmem>>) target(%dma_start3A_423 : memref<80x128xf32, #tpu.memory_space<hbm>>) target_semaphore(%arg11 : memref<!tpu.dma_semaphore, #tpu.memory_space<semaphore_mem>>)
      %dma_start3A_428 = arith.constant 4 : i32
      %dma_start3A_429 = arith.constant 0 : i32
      %dma_start3A_430 = arith.constant 0 : i32
      %dma_start3A_431 = tpu.memref_slice %arg9[%dma_start3A_428, %dma_start3A_429, %dma_start3A_430] : memref<5x80x128xf32, #tpu.memory_space<vmem>> -> memref<1x80x128xf32, #tpu.memory_space<vmem>>
      %dma_start3A_432 = tpu.memref_squeeze %dma_start3A_431 : memref<1x80x128xf32, #tpu.memory_space<vmem>> -> memref<80x128xf32, #tpu.memory_space<vmem>>
      %dma_start3A_433 = arith.constant 0 : i32
      %dma_start3A_434 = tpu.memref_slice %arg6[%multiple_of3A_414, %dma_start3A_433] : memref<102400x128xf32, #tpu.memory_space<hbm>> -> memref<80x128xf32, #tpu.memory_space<hbm>>
      %dma_start3A_435 = arith.constant 0 : i32
      %dma_start3A_436 = tpu.memref_slice %arg6[%multiple_of3A_414, %dma_start3A_435] : memref<102400x128xf32, #tpu.memory_space<hbm>> -> memref<80x128xf32, #tpu.memory_space<hbm>>
      %dma_start3A_437 = arith.constant 0 : i32
      %dma_start3A_438 = arith.constant 0 : i32
      %dma_start3A_439 = tpu.memref_slice %arg9[%dma_start3A_428, %dma_start3A_437, %dma_start3A_438] : memref<5x80x128xf32, #tpu.memory_space<vmem>> -> memref<1x80x128xf32, #tpu.memory_space<vmem>>
      %dma_start3A_440 = tpu.memref_squeeze %dma_start3A_439 : memref<1x80x128xf32, #tpu.memory_space<vmem>> -> memref<80x128xf32, #tpu.memory_space<vmem>>
      tpu.enqueue_dma source(%dma_start3A_440 : memref<80x128xf32, #tpu.memory_space<vmem>>) target(%dma_start3A_436 : memref<80x128xf32, #tpu.memory_space<hbm>>) target_semaphore(%arg11 : memref<!tpu.dma_semaphore, #tpu.memory_space<semaphore_mem>>)
      %dma_wait3A_441 = arith.constant 0 : i32
      %dma_wait3A_442 = arith.constant 0 : i32
      %dma_wait3A_443 = arith.constant 0 : i32
      %dma_wait3A_444 = tpu.memref_slice %arg8[%dma_wait3A_441, %dma_wait3A_442, %dma_wait3A_443] : memref<5x80x128xf32, #tpu.memory_space<vmem>> -> memref<1x80x128xf32, #tpu.memory_space<vmem>>
      %dma_wait3A_445 = tpu.memref_squeeze %dma_wait3A_444 : memref<1x80x128xf32, #tpu.memory_space<vmem>> -> memref<80x128xf32, #tpu.memory_space<vmem>>
      %dma_wait3A_446 = arith.constant 0 : i32
      %dma_wait3A_447 = tpu.memref_slice %arg5[%multiple_of3A, %dma_wait3A_446] : memref<102400x128xf32, #tpu.memory_space<hbm>> -> memref<80x128xf32, #tpu.memory_space<hbm>>
      %dma_wait3A_448 = arith.constant 0 : i32
      %dma_wait3A_449 = tpu.memref_slice %arg5[%multiple_of3A, %dma_wait3A_448] : memref<102400x128xf32, #tpu.memory_space<hbm>> -> memref<80x128xf32, #tpu.memory_space<hbm>>
      %dma_wait3A_450 = arith.constant 0 : i32
      %dma_wait3A_451 = arith.constant 0 : i32
      %dma_wait3A_452 = tpu.memref_slice %arg8[%dma_wait3A_441, %dma_wait3A_450, %dma_wait3A_451] : memref<5x80x128xf32, #tpu.memory_space<vmem>> -> memref<1x80x128xf32, #tpu.memory_space<vmem>>
      %dma_wait3A_453 = tpu.memref_squeeze %dma_wait3A_452 : memref<1x80x128xf32, #tpu.memory_space<vmem>> -> memref<80x128xf32, #tpu.memory_space<vmem>>
      tpu.wait_dma2 semaphore(%arg11 : memref<!tpu.dma_semaphore, #tpu.memory_space<semaphore_mem>>) src(%dma_wait3A_453 : memref<80x128xf32, #tpu.memory_space<vmem>>) dst(%dma_wait3A_449 : memref<80x128xf32, #tpu.memory_space<hbm>>)
      %dma_wait3A_454 = arith.constant 0 : i32
      %dma_wait3A_455 = arith.constant 0 : i32
      %dma_wait3A_456 = arith.constant 0 : i32
      %dma_wait3A_457 = tpu.memref_slice %arg9[%dma_wait3A_454, %dma_wait3A_455, %dma_wait3A_456] : memref<5x80x128xf32, #tpu.memory_space<vmem>> -> memref<1x80x128xf32, #tpu.memory_space<vmem>>
      %dma_wait3A_458 = tpu.memref_squeeze %dma_wait3A_457 : memref<1x80x128xf32, #tpu.memory_space<vmem>> -> memref<80x128xf32, #tpu.memory_space<vmem>>
      %dma_wait3A_459 = arith.constant 0 : i32
      %dma_wait3A_460 = tpu.memref_slice %arg6[%multiple_of3A, %dma_wait3A_459] : memref<102400x128xf32, #tpu.memory_space<hbm>> -> memref<80x128xf32, #tpu.memory_space<hbm>>
      %dma_wait3A_461 = arith.constant 0 : i32
      %dma_wait3A_462 = tpu.memref_slice %arg6[%multiple_of3A, %dma_wait3A_461] : memref<102400x128xf32, #tpu.memory_space<hbm>> -> memref<80x128xf32, #tpu.memory_space<hbm>>
      %dma_wait3A_463 = arith.constant 0 : i32
      %dma_wait3A_464 = arith.constant 0 : i32
      %dma_wait3A_465 = tpu.memref_slice %arg9[%dma_wait3A_454, %dma_wait3A_463, %dma_wait3A_464] : memref<5x80x128xf32, #tpu.memory_space<vmem>> -> memref<1x80x128xf32, #tpu.memory_space<vmem>>
      %dma_wait3A_466 = tpu.memref_squeeze %dma_wait3A_465 : memref<1x80x128xf32, #tpu.memory_space<vmem>> -> memref<80x128xf32, #tpu.memory_space<vmem>>
      tpu.wait_dma2 semaphore(%arg11 : memref<!tpu.dma_semaphore, #tpu.memory_space<semaphore_mem>>) src(%dma_wait3A_466 : memref<80x128xf32, #tpu.memory_space<vmem>>) dst(%dma_wait3A_462 : memref<80x128xf32, #tpu.memory_space<hbm>>)
      %dma_wait3A_467 = arith.constant 1 : i32
      %dma_wait3A_468 = arith.constant 0 : i32
      %dma_wait3A_469 = arith.constant 0 : i32
      %dma_wait3A_470 = tpu.memref_slice %arg8[%dma_wait3A_467, %dma_wait3A_468, %dma_wait3A_469] : memref<5x80x128xf32, #tpu.memory_space<vmem>> -> memref<1x80x128xf32, #tpu.memory_space<vmem>>
      %dma_wait3A_471 = tpu.memref_squeeze %dma_wait3A_470 : memref<1x80x128xf32, #tpu.memory_space<vmem>> -> memref<80x128xf32, #tpu.memory_space<vmem>>
      %dma_wait3A_472 = arith.constant 0 : i32
      %dma_wait3A_473 = tpu.memref_slice %arg5[%multiple_of3A_312, %dma_wait3A_472] : memref<102400x128xf32, #tpu.memory_space<hbm>> -> memref<80x128xf32, #tpu.memory_space<hbm>>
      %dma_wait3A_474 = arith.constant 0 : i32
      %dma_wait3A_475 = tpu.memref_slice %arg5[%multiple_of3A_312, %dma_wait3A_474] : memref<102400x128xf32, #tpu.memory_space<hbm>> -> memref<80x128xf32, #tpu.memory_space<hbm>>
      %dma_wait3A_476 = arith.constant 0 : i32
      %dma_wait3A_477 = arith.constant 0 : i32
      %dma_wait3A_478 = tpu.memref_slice %arg8[%dma_wait3A_467, %dma_wait3A_476, %dma_wait3A_477] : memref<5x80x128xf32, #tpu.memory_space<vmem>> -> memref<1x80x128xf32, #tpu.memory_space<vmem>>
      %dma_wait3A_479 = tpu.memref_squeeze %dma_wait3A_478 : memref<1x80x128xf32, #tpu.memory_space<vmem>> -> memref<80x128xf32, #tpu.memory_space<vmem>>
      tpu.wait_dma2 semaphore(%arg11 : memref<!tpu.dma_semaphore, #tpu.memory_space<semaphore_mem>>) src(%dma_wait3A_479 : memref<80x128xf32, #tpu.memory_space<vmem>>) dst(%dma_wait3A_475 : memref<80x128xf32, #tpu.memory_space<hbm>>)
      %dma_wait3A_480 = arith.constant 1 : i32
      %dma_wait3A_481 = arith.constant 0 : i32
      %dma_wait3A_482 = arith.constant 0 : i32
      %dma_wait3A_483 = tpu.memref_slice %arg9[%dma_wait3A_480, %dma_wait3A_481, %dma_wait3A_482] : memref<5x80x128xf32, #tpu.memory_space<vmem>> -> memref<1x80x128xf32, #tpu.memory_space<vmem>>
      %dma_wait3A_484 = tpu.memref_squeeze %dma_wait3A_483 : memref<1x80x128xf32, #tpu.memory_space<vmem>> -> memref<80x128xf32, #tpu.memory_space<vmem>>
      %dma_wait3A_485 = arith.constant 0 : i32
      %dma_wait3A_486 = tpu.memref_slice %arg6[%multiple_of3A_312, %dma_wait3A_485] : memref<102400x128xf32, #tpu.memory_space<hbm>> -> memref<80x128xf32, #tpu.memory_space<hbm>>
      %dma_wait3A_487 = arith.constant 0 : i32
      %dma_wait3A_488 = tpu.memref_slice %arg6[%multiple_of3A_312, %dma_wait3A_487] : memref<102400x128xf32, #tpu.memory_space<hbm>> -> memref<80x128xf32, #tpu.memory_space<hbm>>
      %dma_wait3A_489 = arith.constant 0 : i32
      %dma_wait3A_490 = arith.constant 0 : i32
      %dma_wait3A_491 = tpu.memref_slice %arg9[%dma_wait3A_480, %dma_wait3A_489, %dma_wait3A_490] : memref<5x80x128xf32, #tpu.memory_space<vmem>> -> memref<1x80x128xf32, #tpu.memory_space<vmem>>
      %dma_wait3A_492 = tpu.memref_squeeze %dma_wait3A_491 : memref<1x80x128xf32, #tpu.memory_space<vmem>> -> memref<80x128xf32, #tpu.memory_space<vmem>>
      tpu.wait_dma2 semaphore(%arg11 : memref<!tpu.dma_semaphore, #tpu.memory_space<semaphore_mem>>) src(%dma_wait3A_492 : memref<80x128xf32, #tpu.memory_space<vmem>>) dst(%dma_wait3A_488 : memref<80x128xf32, #tpu.memory_space<hbm>>)
      %dma_wait3A_493 = arith.constant 2 : i32
      %dma_wait3A_494 = arith.constant 0 : i32
      %dma_wait3A_495 = arith.constant 0 : i32
      %dma_wait3A_496 = tpu.memref_slice %arg8[%dma_wait3A_493, %dma_wait3A_494, %dma_wait3A_495] : memref<5x80x128xf32, #tpu.memory_space<vmem>> -> memref<1x80x128xf32, #tpu.memory_space<vmem>>
      %dma_wait3A_497 = tpu.memref_squeeze %dma_wait3A_496 : memref<1x80x128xf32, #tpu.memory_space<vmem>> -> memref<80x128xf32, #tpu.memory_space<vmem>>
      %dma_wait3A_498 = arith.constant 0 : i32
      %dma_wait3A_499 = tpu.memref_slice %arg5[%multiple_of3A_346, %dma_wait3A_498] : memref<102400x128xf32, #tpu.memory_space<hbm>> -> memref<80x128xf32, #tpu.memory_space<hbm>>
      %dma_wait3A_500 = arith.constant 0 : i32
      %dma_wait3A_501 = tpu.memref_slice %arg5[%multiple_of3A_346, %dma_wait3A_500] : memref<102400x128xf32, #tpu.memory_space<hbm>> -> memref<80x128xf32, #tpu.memory_space<hbm>>
      %dma_wait3A_502 = arith.constant 0 : i32
      %dma_wait3A_503 = arith.constant 0 : i32
      %dma_wait3A_504 = tpu.memref_slice %arg8[%dma_wait3A_493, %dma_wait3A_502, %dma_wait3A_503] : memref<5x80x128xf32, #tpu.memory_space<vmem>> -> memref<1x80x128xf32, #tpu.memory_space<vmem>>
      %dma_wait3A_505 = tpu.memref_squeeze %dma_wait3A_504 : memref<1x80x128xf32, #tpu.memory_space<vmem>> -> memref<80x128xf32, #tpu.memory_space<vmem>>
      tpu.wait_dma2 semaphore(%arg11 : memref<!tpu.dma_semaphore, #tpu.memory_space<semaphore_mem>>) src(%dma_wait3A_505 : memref<80x128xf32, #tpu.memory_space<vmem>>) dst(%dma_wait3A_501 : memref<80x128xf32, #tpu.memory_space<hbm>>)
      %dma_wait3A_506 = arith.constant 2 : i32
      %dma_wait3A_507 = arith.constant 0 : i32
      %dma_wait3A_508 = arith.constant 0 : i32
      %dma_wait3A_509 = tpu.memref_slice %arg9[%dma_wait3A_506, %dma_wait3A_507, %dma_wait3A_508] : memref<5x80x128xf32, #tpu.memory_space<vmem>> -> memref<1x80x128xf32, #tpu.memory_space<vmem>>
      %dma_wait3A_510 = tpu.memref_squeeze %dma_wait3A_509 : memref<1x80x128xf32, #tpu.memory_space<vmem>> -> memref<80x128xf32, #tpu.memory_space<vmem>>
      %dma_wait3A_511 = arith.constant 0 : i32
      %dma_wait3A_512 = tpu.memref_slice %arg6[%multiple_of3A_346, %dma_wait3A_511] : memref<102400x128xf32, #tpu.memory_space<hbm>> -> memref<80x128xf32, #tpu.memory_space<hbm>>
      %dma_wait3A_513 = arith.constant 0 : i32
      %dma_wait3A_514 = tpu.memref_slice %arg6[%multiple_of3A_346, %dma_wait3A_513] : memref<102400x128xf32, #tpu.memory_space<hbm>> -> memref<80x128xf32, #tpu.memory_space<hbm>>
      %dma_wait3A_515 = arith.constant 0 : i32
      %dma_wait3A_516 = arith.constant 0 : i32
      %dma_wait3A_517 = tpu.memref_slice %arg9[%dma_wait3A_506, %dma_wait3A_515, %dma_wait3A_516] : memref<5x80x128xf32, #tpu.memory_space<vmem>> -> memref<1x80x128xf32, #tpu.memory_space<vmem>>
      %dma_wait3A_518 = tpu.memref_squeeze %dma_wait3A_517 : memref<1x80x128xf32, #tpu.memory_space<vmem>> -> memref<80x128xf32, #tpu.memory_space<vmem>>
      tpu.wait_dma2 semaphore(%arg11 : memref<!tpu.dma_semaphore, #tpu.memory_space<semaphore_mem>>) src(%dma_wait3A_518 : memref<80x128xf32, #tpu.memory_space<vmem>>) dst(%dma_wait3A_514 : memref<80x128xf32, #tpu.memory_space<hbm>>)
      %dma_wait3A_519 = arith.constant 3 : i32
      %dma_wait3A_520 = arith.constant 0 : i32
      %dma_wait3A_521 = arith.constant 0 : i32
      %dma_wait3A_522 = tpu.memref_slice %arg8[%dma_wait3A_519, %dma_wait3A_520, %dma_wait3A_521] : memref<5x80x128xf32, #tpu.memory_space<vmem>> -> memref<1x80x128xf32, #tpu.memory_space<vmem>>
      %dma_wait3A_523 = tpu.memref_squeeze %dma_wait3A_522 : memref<1x80x128xf32, #tpu.memory_space<vmem>> -> memref<80x128xf32, #tpu.memory_space<vmem>>
      %dma_wait3A_524 = arith.constant 0 : i32
      %dma_wait3A_525 = tpu.memref_slice %arg5[%multiple_of3A_380, %dma_wait3A_524] : memref<102400x128xf32, #tpu.memory_space<hbm>> -> memref<80x128xf32, #tpu.memory_space<hbm>>
      %dma_wait3A_526 = arith.constant 0 : i32
      %dma_wait3A_527 = tpu.memref_slice %arg5[%multiple_of3A_380, %dma_wait3A_526] : memref<102400x128xf32, #tpu.memory_space<hbm>> -> memref<80x128xf32, #tpu.memory_space<hbm>>
      %dma_wait3A_528 = arith.constant 0 : i32
      %dma_wait3A_529 = arith.constant 0 : i32
      %dma_wait3A_530 = tpu.memref_slice %arg8[%dma_wait3A_519, %dma_wait3A_528, %dma_wait3A_529] : memref<5x80x128xf32, #tpu.memory_space<vmem>> -> memref<1x80x128xf32, #tpu.memory_space<vmem>>
      %dma_wait3A_531 = tpu.memref_squeeze %dma_wait3A_530 : memref<1x80x128xf32, #tpu.memory_space<vmem>> -> memref<80x128xf32, #tpu.memory_space<vmem>>
      tpu.wait_dma2 semaphore(%arg11 : memref<!tpu.dma_semaphore, #tpu.memory_space<semaphore_mem>>) src(%dma_wait3A_531 : memref<80x128xf32, #tpu.memory_space<vmem>>) dst(%dma_wait3A_527 : memref<80x128xf32, #tpu.memory_space<hbm>>)
      %dma_wait3A_532 = arith.constant 3 : i32
      %dma_wait3A_533 = arith.constant 0 : i32
      %dma_wait3A_534 = arith.constant 0 : i32
      %dma_wait3A_535 = tpu.memref_slice %arg9[%dma_wait3A_532, %dma_wait3A_533, %dma_wait3A_534] : memref<5x80x128xf32, #tpu.memory_space<vmem>> -> memref<1x80x128xf32, #tpu.memory_space<vmem>>
      %dma_wait3A_536 = tpu.memref_squeeze %dma_wait3A_535 : memref<1x80x128xf32, #tpu.memory_space<vmem>> -> memref<80x128xf32, #tpu.memory_space<vmem>>
      %dma_wait3A_537 = arith.constant 0 : i32
      %dma_wait3A_538 = tpu.memref_slice %arg6[%multiple_of3A_380, %dma_wait3A_537] : memref<102400x128xf32, #tpu.memory_space<hbm>> -> memref<80x128xf32, #tpu.memory_space<hbm>>
      %dma_wait3A_539 = arith.constant 0 : i32
      %dma_wait3A_540 = tpu.memref_slice %arg6[%multiple_of3A_380, %dma_wait3A_539] : memref<102400x128xf32, #tpu.memory_space<hbm>> -> memref<80x128xf32, #tpu.memory_space<hbm>>
      %dma_wait3A_541 = arith.constant 0 : i32
      %dma_wait3A_542 = arith.constant 0 : i32
      %dma_wait3A_543 = tpu.memref_slice %arg9[%dma_wait3A_532, %dma_wait3A_541, %dma_wait3A_542] : memref<5x80x128xf32, #tpu.memory_space<vmem>> -> memref<1x80x128xf32, #tpu.memory_space<vmem>>
      %dma_wait3A_544 = tpu.memref_squeeze %dma_wait3A_543 : memref<1x80x128xf32, #tpu.memory_space<vmem>> -> memref<80x128xf32, #tpu.memory_space<vmem>>
      tpu.wait_dma2 semaphore(%arg11 : memref<!tpu.dma_semaphore, #tpu.memory_space<semaphore_mem>>) src(%dma_wait3A_544 : memref<80x128xf32, #tpu.memory_space<vmem>>) dst(%dma_wait3A_540 : memref<80x128xf32, #tpu.memory_space<hbm>>)
      %dma_wait3A_545 = arith.constant 4 : i32
      %dma_wait3A_546 = arith.constant 0 : i32
      %dma_wait3A_547 = arith.constant 0 : i32
      %dma_wait3A_548 = tpu.memref_slice %arg8[%dma_wait3A_545, %dma_wait3A_546, %dma_wait3A_547] : memref<5x80x128xf32, #tpu.memory_space<vmem>> -> memref<1x80x128xf32, #tpu.memory_space<vmem>>
      %dma_wait3A_549 = tpu.memref_squeeze %dma_wait3A_548 : memref<1x80x128xf32, #tpu.memory_space<vmem>> -> memref<80x128xf32, #tpu.memory_space<vmem>>
      %dma_wait3A_550 = arith.constant 0 : i32
      %dma_wait3A_551 = tpu.memref_slice %arg5[%multiple_of3A_414, %dma_wait3A_550] : memref<102400x128xf32, #tpu.memory_space<hbm>> -> memref<80x128xf32, #tpu.memory_space<hbm>>
      %dma_wait3A_552 = arith.constant 0 : i32
      %dma_wait3A_553 = tpu.memref_slice %arg5[%multiple_of3A_414, %dma_wait3A_552] : memref<102400x128xf32, #tpu.memory_space<hbm>> -> memref<80x128xf32, #tpu.memory_space<hbm>>
      %dma_wait3A_554 = arith.constant 0 : i32
      %dma_wait3A_555 = arith.constant 0 : i32
      %dma_wait3A_556 = tpu.memref_slice %arg8[%dma_wait3A_545, %dma_wait3A_554, %dma_wait3A_555] : memref<5x80x128xf32, #tpu.memory_space<vmem>> -> memref<1x80x128xf32, #tpu.memory_space<vmem>>
      %dma_wait3A_557 = tpu.memref_squeeze %dma_wait3A_556 : memref<1x80x128xf32, #tpu.memory_space<vmem>> -> memref<80x128xf32, #tpu.memory_space<vmem>>
      tpu.wait_dma2 semaphore(%arg11 : memref<!tpu.dma_semaphore, #tpu.memory_space<semaphore_mem>>) src(%dma_wait3A_557 : memref<80x128xf32, #tpu.memory_space<vmem>>) dst(%dma_wait3A_553 : memref<80x128xf32, #tpu.memory_space<hbm>>)
      %dma_wait3A_558 = arith.constant 4 : i32
      %dma_wait3A_559 = arith.constant 0 : i32
      %dma_wait3A_560 = arith.constant 0 : i32
      %dma_wait3A_561 = tpu.memref_slice %arg9[%dma_wait3A_558, %dma_wait3A_559, %dma_wait3A_560] : memref<5x80x128xf32, #tpu.memory_space<vmem>> -> memref<1x80x128xf32, #tpu.memory_space<vmem>>
      %dma_wait3A_562 = tpu.memref_squeeze %dma_wait3A_561 : memref<1x80x128xf32, #tpu.memory_space<vmem>> -> memref<80x128xf32, #tpu.memory_space<vmem>>
      %dma_wait3A_563 = arith.constant 0 : i32
      %dma_wait3A_564 = tpu.memref_slice %arg6[%multiple_of3A_414, %dma_wait3A_563] : memref<102400x128xf32, #tpu.memory_space<hbm>> -> memref<80x128xf32, #tpu.memory_space<hbm>>
      %dma_wait3A_565 = arith.constant 0 : i32
      %dma_wait3A_566 = tpu.memref_slice %arg6[%multiple_of3A_414, %dma_wait3A_565] : memref<102400x128xf32, #tpu.memory_space<hbm>> -> memref<80x128xf32, #tpu.memory_space<hbm>>
      %dma_wait3A_567 = arith.constant 0 : i32
      %dma_wait3A_568 = arith.constant 0 : i32
      %dma_wait3A_569 = tpu.memref_slice %arg9[%dma_wait3A_558, %dma_wait3A_567, %dma_wait3A_568] : memref<5x80x128xf32, #tpu.memory_space<vmem>> -> memref<1x80x128xf32, #tpu.memory_space<vmem>>
      %dma_wait3A_570 = tpu.memref_squeeze %dma_wait3A_569 : memref<1x80x128xf32, #tpu.memory_space<vmem>> -> memref<80x128xf32, #tpu.memory_space<vmem>>
      tpu.wait_dma2 semaphore(%arg11 : memref<!tpu.dma_semaphore, #tpu.memory_space<semaphore_mem>>) src(%dma_wait3A_570 : memref<80x128xf32, #tpu.memory_space<vmem>>) dst(%dma_wait3A_566 : memref<80x128xf32, #tpu.memory_space<hbm>>)
    }
    %scan3A_6 = arith.constant 8 : i32
    return
  }
}

#map = affine_map<(d0, d1) -> (0, 0)>
#map1 = affine_map<(d0, d1) -> (0, 0, 0)>
module attributes {stable_mosaic.version = 14 : i64} {
  func.func @seg(%arg0: i32, %arg1: i32, %arg2: memref<10000x128xf32, #tpu.memory_space<hbm>>, %arg3: memref<4000x2x80xi32, #tpu.memory_space<hbm>>, %arg4: memref<2x10240x128xf32, #tpu.memory_space<hbm>>, %arg5: memref<63x2x80xi32, #tpu.memory_space<vmem>>, %arg6: memref<2x80x128xf32, #tpu.memory_space<vmem>>, %arg7: memref<10240x128xf32, #tpu.memory_space<vmem_shared>>, %arg8: memref<!tpu.dma_semaphore, #tpu.memory_space<semaphore_mem>>, %arg9: memref<!tpu.dma_semaphore, #tpu.memory_space<semaphore_mem>>) attributes {dimension_semantics = [#tpu.dimension_semantics<core_parallel>, #tpu.dimension_semantics<subcore_parallel>], iteration_bounds = array<i64: 2, 16>, scalar_prefetch = 0 : i64, scratch_operands = 5 : i64, tpu.core_type = #tpu.core_type<sc_vector_subcore>, window_params = [{transform_indices = #map}, {transform_indices = #map1}, {transform_indices = #map1}]} {
    %mul3A = arith.constant 2 : i32
    %mul3A_0 = arith.muli %arg1, %mul3A : i32
    %add3A = arith.addi %mul3A_0, %arg0 : i32
    %broadcast_in_dim3A = arith.constant 0.000000e+00 : f32
    %broadcast_in_dim3A_1 = vector.broadcast %broadcast_in_dim3A : f32 to vector<16xf32>
    %scan3A = arith.constant 0 : i32
    %scan3A_2 = arith.constant 80 : i32
    %scan3A_3 = arith.addi %scan3A, %scan3A_2 : i32
    %scan3A_4 = arith.constant 1 : i32
    scf.for %scan3A_84 = %scan3A to %scan3A_3 step %scan3A_4  : i32 {
      %mul3A_85 = arith.constant 1 : i32
      %mul3A_86 = arith.muli %scan3A_84, %mul3A_85 : i32
      %add3A_87 = arith.constant 0 : i32
      %add3A_88 = arith.addi %add3A_87, %mul3A_86 : i32
      %swap3A = arith.constant 0 : i32
      %swap3A_89 = arith.index_cast %swap3A : i32 to index
      %swap3A_90 = arith.index_cast %add3A_88 : i32 to index
      %swap3A_91 = arith.constant 0 : index
      %swap3A_92 = tpu.vector_load %arg6[%swap3A_89, %swap3A_90, %swap3A_91] {strides = array<i32>} : memref<2x80x128xf32, #tpu.memory_space<vmem>>, vector<1x1x16xf32>,
      %swap3A_93 = vector.shape_cast %swap3A_92 : vector<1x1x16xf32> to vector<16xf32>
      %swap3A_94 = vector.shape_cast %broadcast_in_dim3A_1 : vector<16xf32> to vector<1x1x16xf32>
      tpu.vector_store %arg6[%swap3A_89, %swap3A_90, %swap3A_91], %swap3A_94 {strides = array<i32>} : memref<2x80x128xf32, #tpu.memory_space<vmem>>, vector<1x1x16xf32>,
      %swap3A_95 = arith.constant 0 : i32
      %swap3A_96 = arith.index_cast %swap3A_95 : i32 to index
      %swap3A_97 = arith.index_cast %add3A_88 : i32 to index
      %swap3A_98 = arith.constant 16 : index
      %swap3A_99 = tpu.vector_load %arg6[%swap3A_96, %swap3A_97, %swap3A_98] {strides = array<i32>} : memref<2x80x128xf32, #tpu.memory_space<vmem>>, vector<1x1x16xf32>,
      %swap3A_100 = vector.shape_cast %swap3A_99 : vector<1x1x16xf32> to vector<16xf32>
      %swap3A_101 = vector.shape_cast %broadcast_in_dim3A_1 : vector<16xf32> to vector<1x1x16xf32>
      tpu.vector_store %arg6[%swap3A_96, %swap3A_97, %swap3A_98], %swap3A_101 {strides = array<i32>} : memref<2x80x128xf32, #tpu.memory_space<vmem>>, vector<1x1x16xf32>,
      %swap3A_102 = arith.constant 0 : i32
      %swap3A_103 = arith.index_cast %swap3A_102 : i32 to index
      %swap3A_104 = arith.index_cast %add3A_88 : i32 to index
      %swap3A_105 = arith.constant 32 : index
      %swap3A_106 = tpu.vector_load %arg6[%swap3A_103, %swap3A_104, %swap3A_105] {strides = array<i32>} : memref<2x80x128xf32, #tpu.memory_space<vmem>>, vector<1x1x16xf32>,
      %swap3A_107 = vector.shape_cast %swap3A_106 : vector<1x1x16xf32> to vector<16xf32>
      %swap3A_108 = vector.shape_cast %broadcast_in_dim3A_1 : vector<16xf32> to vector<1x1x16xf32>
      tpu.vector_store %arg6[%swap3A_103, %swap3A_104, %swap3A_105], %swap3A_108 {strides = array<i32>} : memref<2x80x128xf32, #tpu.memory_space<vmem>>, vector<1x1x16xf32>,
      %swap3A_109 = arith.constant 0 : i32
      %swap3A_110 = arith.index_cast %swap3A_109 : i32 to index
      %swap3A_111 = arith.index_cast %add3A_88 : i32 to index
      %swap3A_112 = arith.constant 48 : index
      %swap3A_113 = tpu.vector_load %arg6[%swap3A_110, %swap3A_111, %swap3A_112] {strides = array<i32>} : memref<2x80x128xf32, #tpu.memory_space<vmem>>, vector<1x1x16xf32>,
      %swap3A_114 = vector.shape_cast %swap3A_113 : vector<1x1x16xf32> to vector<16xf32>
      %swap3A_115 = vector.shape_cast %broadcast_in_dim3A_1 : vector<16xf32> to vector<1x1x16xf32>
      tpu.vector_store %arg6[%swap3A_110, %swap3A_111, %swap3A_112], %swap3A_115 {strides = array<i32>} : memref<2x80x128xf32, #tpu.memory_space<vmem>>, vector<1x1x16xf32>,
      %swap3A_116 = arith.constant 0 : i32
      %swap3A_117 = arith.index_cast %swap3A_116 : i32 to index
      %swap3A_118 = arith.index_cast %add3A_88 : i32 to index
      %swap3A_119 = arith.constant 64 : index
      %swap3A_120 = tpu.vector_load %arg6[%swap3A_117, %swap3A_118, %swap3A_119] {strides = array<i32>} : memref<2x80x128xf32, #tpu.memory_space<vmem>>, vector<1x1x16xf32>,
      %swap3A_121 = vector.shape_cast %swap3A_120 : vector<1x1x16xf32> to vector<16xf32>
      %swap3A_122 = vector.shape_cast %broadcast_in_dim3A_1 : vector<16xf32> to vector<1x1x16xf32>
      tpu.vector_store %arg6[%swap3A_117, %swap3A_118, %swap3A_119], %swap3A_122 {strides = array<i32>} : memref<2x80x128xf32, #tpu.memory_space<vmem>>, vector<1x1x16xf32>,
      %swap3A_123 = arith.constant 0 : i32
      %swap3A_124 = arith.index_cast %swap3A_123 : i32 to index
      %swap3A_125 = arith.index_cast %add3A_88 : i32 to index
      %swap3A_126 = arith.constant 80 : index
      %swap3A_127 = tpu.vector_load %arg6[%swap3A_124, %swap3A_125, %swap3A_126] {strides = array<i32>} : memref<2x80x128xf32, #tpu.memory_space<vmem>>, vector<1x1x16xf32>,
      %swap3A_128 = vector.shape_cast %swap3A_127 : vector<1x1x16xf32> to vector<16xf32>
      %swap3A_129 = vector.shape_cast %broadcast_in_dim3A_1 : vector<16xf32> to vector<1x1x16xf32>
      tpu.vector_store %arg6[%swap3A_124, %swap3A_125, %swap3A_126], %swap3A_129 {strides = array<i32>} : memref<2x80x128xf32, #tpu.memory_space<vmem>>, vector<1x1x16xf32>,
      %swap3A_130 = arith.constant 0 : i32
      %swap3A_131 = arith.index_cast %swap3A_130 : i32 to index
      %swap3A_132 = arith.index_cast %add3A_88 : i32 to index
      %swap3A_133 = arith.constant 96 : index
      %swap3A_134 = tpu.vector_load %arg6[%swap3A_131, %swap3A_132, %swap3A_133] {strides = array<i32>} : memref<2x80x128xf32, #tpu.memory_space<vmem>>, vector<1x1x16xf32>,
      %swap3A_135 = vector.shape_cast %swap3A_134 : vector<1x1x16xf32> to vector<16xf32>
      %swap3A_136 = vector.shape_cast %broadcast_in_dim3A_1 : vector<16xf32> to vector<1x1x16xf32>
      tpu.vector_store %arg6[%swap3A_131, %swap3A_132, %swap3A_133], %swap3A_136 {strides = array<i32>} : memref<2x80x128xf32, #tpu.memory_space<vmem>>, vector<1x1x16xf32>,
      %swap3A_137 = arith.constant 0 : i32
      %swap3A_138 = arith.index_cast %swap3A_137 : i32 to index
      %swap3A_139 = arith.index_cast %add3A_88 : i32 to index
      %swap3A_140 = arith.constant 112 : index
      %swap3A_141 = tpu.vector_load %arg6[%swap3A_138, %swap3A_139, %swap3A_140] {strides = array<i32>} : memref<2x80x128xf32, #tpu.memory_space<vmem>>, vector<1x1x16xf32>,
      %swap3A_142 = vector.shape_cast %swap3A_141 : vector<1x1x16xf32> to vector<16xf32>
      %swap3A_143 = vector.shape_cast %broadcast_in_dim3A_1 : vector<16xf32> to vector<1x1x16xf32>
      tpu.vector_store %arg6[%swap3A_138, %swap3A_139, %swap3A_140], %swap3A_143 {strides = array<i32>} : memref<2x80x128xf32, #tpu.memory_space<vmem>>, vector<1x1x16xf32>,
    }
    %scan3A_5 = arith.constant 80 : i32
    %scan3A_6 = arith.constant 0 : i32
    %scan3A_7 = arith.constant 8 : i32
    %scan3A_8 = arith.addi %scan3A_6, %scan3A_7 : i32
    %scan3A_9 = arith.constant 1 : i32
    scf.for %scan3A_84 = %scan3A_6 to %scan3A_8 step %scan3A_9  : i32 {
      %mul3A_85 = arith.constant 1 : i32
      %mul3A_86 = arith.muli %scan3A_84, %mul3A_85 : i32
      %add3A_87 = arith.constant 0 : i32
      %add3A_88 = arith.addi %add3A_87, %mul3A_86 : i32
      %mul3A_89 = arith.constant 640 : i32
      %mul3A_90 = arith.muli %arg1, %mul3A_89 : i32
      %mul3A_91 = arith.constant 80 : i32
      %mul3A_92 = arith.muli %add3A_88, %mul3A_91 : i32
      %add3A_93 = arith.addi %mul3A_90, %mul3A_92 : i32
      %run_scoped3A = arith.constant 0 : i32
      "tpu.region"() ({
        %run_scoped3A_94 = tpu.sem_alloc : memref<!tpu.dma_semaphore, #tpu.memory_space<semaphore_mem>>
        %dma_start3A_95 = arith.constant 0 : i32
        %dma_start3A_96 = arith.constant 0 : i32
        %dma_start3A_97 = tpu.memref_slice %arg6[%run_scoped3A, %dma_start3A_95, %dma_start3A_96] : memref<2x80x128xf32, #tpu.memory_space<vmem>> -> memref<1x80x128xf32, #tpu.memory_space<vmem>>
        %dma_start3A_98 = tpu.memref_squeeze %dma_start3A_97 : memref<1x80x128xf32, #tpu.memory_space<vmem>> -> memref<80x128xf32, #tpu.memory_space<vmem>>
        %dma_start3A_99 = arith.constant 0 : i32
        %dma_start3A_100 = tpu.memref_slice %arg7[%add3A_93, %dma_start3A_99] : memref<10240x128xf32, #tpu.memory_space<vmem_shared>> -> memref<80x128xf32, #tpu.memory_space<vmem_shared>>
        %dma_start3A_101 = arith.constant 0 : i32
        %dma_start3A_102 = tpu.memref_slice %arg7[%add3A_93, %dma_start3A_101] : memref<10240x128xf32, #tpu.memory_space<vmem_shared>> -> memref<80x128xf32, #tpu.memory_space<vmem_shared>>
        %dma_start3A_103 = arith.constant 0 : i32
        %dma_start3A_104 = arith.constant 0 : i32
        %dma_start3A_105 = tpu.memref_slice %arg6[%run_scoped3A, %dma_start3A_103, %dma_start3A_104] : memref<2x80x128xf32, #tpu.memory_space<vmem>> -> memref<1x80x128xf32, #tpu.memory_space<vmem>>
        %dma_start3A_106 = tpu.memref_squeeze %dma_start3A_105 : memref<1x80x128xf32, #tpu.memory_space<vmem>> -> memref<80x128xf32, #tpu.memory_space<vmem>>
        tpu.enqueue_dma source(%dma_start3A_106 : memref<80x128xf32, #tpu.memory_space<vmem>>) target(%dma_start3A_102 : memref<80x128xf32, #tpu.memory_space<vmem_shared>>) target_semaphore(%run_scoped3A_94 : memref<!tpu.dma_semaphore, #tpu.memory_space<semaphore_mem>>)
        %dma_wait3A_107 = arith.constant 0 : i32
        %dma_wait3A_108 = arith.constant 0 : i32
        %dma_wait3A_109 = tpu.memref_slice %arg6[%run_scoped3A, %dma_wait3A_107, %dma_wait3A_108] : memref<2x80x128xf32, #tpu.memory_space<vmem>> -> memref<1x80x128xf32, #tpu.memory_space<vmem>>
        %dma_wait3A_110 = tpu.memref_squeeze %dma_wait3A_109 : memref<1x80x128xf32, #tpu.memory_space<vmem>> -> memref<80x128xf32, #tpu.memory_space<vmem>>
        %dma_wait3A_111 = arith.constant 0 : i32
        %dma_wait3A_112 = tpu.memref_slice %arg7[%add3A_93, %dma_wait3A_111] : memref<10240x128xf32, #tpu.memory_space<vmem_shared>> -> memref<80x128xf32, #tpu.memory_space<vmem_shared>>
        %dma_wait3A_113 = arith.constant 0 : i32
        %dma_wait3A_114 = tpu.memref_slice %arg7[%add3A_93, %dma_wait3A_113] : memref<10240x128xf32, #tpu.memory_space<vmem_shared>> -> memref<80x128xf32, #tpu.memory_space<vmem_shared>>
        %dma_wait3A_115 = arith.constant 0 : i32
        %dma_wait3A_116 = arith.constant 0 : i32
        %dma_wait3A_117 = tpu.memref_slice %arg6[%run_scoped3A, %dma_wait3A_115, %dma_wait3A_116] : memref<2x80x128xf32, #tpu.memory_space<vmem>> -> memref<1x80x128xf32, #tpu.memory_space<vmem>>
        %dma_wait3A_118 = tpu.memref_squeeze %dma_wait3A_117 : memref<1x80x128xf32, #tpu.memory_space<vmem>> -> memref<80x128xf32, #tpu.memory_space<vmem>>
        tpu.wait_dma2 semaphore(%run_scoped3A_94 : memref<!tpu.dma_semaphore, #tpu.memory_space<semaphore_mem>>) src(%dma_wait3A_118 : memref<80x128xf32, #tpu.memory_space<vmem>>) dst(%dma_wait3A_114 : memref<80x128xf32, #tpu.memory_space<vmem_shared>>)
        tpu.yield
      }) : () -> ()
    }
    %scan3A_10 = arith.constant 8 : i32
    %barrier3A = arith.constant 0 : index
    tpu.barrier barrier_id(%barrier3A)
    %mul3A_11 = arith.constant 125 : i32
    %mul3A_12 = arith.muli %add3A, %mul3A_11 : i32
    %add3A_13 = arith.constant 0 : i32
    %add3A_14 = arith.addi %mul3A_12, %add3A_13 : i32
    "tpu.region"() ({
      %run_scoped3A = tpu.sem_alloc : memref<!tpu.dma_semaphore, #tpu.memory_space<semaphore_mem>>
      %dma_start3A_84 = arith.constant 0 : i32
      %dma_start3A_85 = arith.constant 0 : i32
      %dma_start3A_86 = arith.constant 0 : i32
      %dma_start3A_87 = tpu.memref_slice %arg5[%dma_start3A_84, %dma_start3A_85, %dma_start3A_86] : memref<63x2x80xi32, #tpu.memory_space<vmem>> -> memref<63x2x80xi32, #tpu.memory_space<vmem>>
      %dma_start3A_88 = arith.constant 0 : i32
      %dma_start3A_89 = arith.constant 0 : i32
      %dma_start3A_90 = tpu.memref_slice %arg3[%add3A_14, %dma_start3A_88, %dma_start3A_89] : memref<4000x2x80xi32, #tpu.memory_space<hbm>> -> memref<63x2x80xi32, #tpu.memory_space<hbm>>
      %dma_start3A_91 = arith.constant 0 : i32
      %dma_start3A_92 = arith.constant 0 : i32
      %dma_start3A_93 = arith.constant 0 : i32
      %dma_start3A_94 = tpu.memref_slice %arg5[%dma_start3A_91, %dma_start3A_92, %dma_start3A_93] : memref<63x2x80xi32, #tpu.memory_space<vmem>> -> memref<63x2x80xi32, #tpu.memory_space<vmem>>
      %dma_start3A_95 = arith.constant 0 : i32
      %dma_start3A_96 = arith.constant 0 : i32
      %dma_start3A_97 = tpu.memref_slice %arg3[%add3A_14, %dma_start3A_95, %dma_start3A_96] : memref<4000x2x80xi32, #tpu.memory_space<hbm>> -> memref<63x2x80xi32, #tpu.memory_space<hbm>>
      tpu.enqueue_dma source(%dma_start3A_97 : memref<63x2x80xi32, #tpu.memory_space<hbm>>) target(%dma_start3A_94 : memref<63x2x80xi32, #tpu.memory_space<vmem>>) target_semaphore(%run_scoped3A : memref<!tpu.dma_semaphore, #tpu.memory_space<semaphore_mem>>)
      %dma_wait3A_98 = arith.constant 0 : i32
      %dma_wait3A_99 = arith.constant 0 : i32
      %dma_wait3A_100 = arith.constant 0 : i32
      %dma_wait3A_101 = tpu.memref_slice %arg5[%dma_wait3A_98, %dma_wait3A_99, %dma_wait3A_100] : memref<63x2x80xi32, #tpu.memory_space<vmem>> -> memref<63x2x80xi32, #tpu.memory_space<vmem>>
      %dma_wait3A_102 = arith.constant 0 : i32
      %dma_wait3A_103 = arith.constant 0 : i32
      %dma_wait3A_104 = tpu.memref_slice %arg3[%add3A_14, %dma_wait3A_102, %dma_wait3A_103] : memref<4000x2x80xi32, #tpu.memory_space<hbm>> -> memref<63x2x80xi32, #tpu.memory_space<hbm>>
      %dma_wait3A_105 = arith.constant 0 : i32
      %dma_wait3A_106 = arith.constant 0 : i32
      %dma_wait3A_107 = arith.constant 0 : i32
      %dma_wait3A_108 = tpu.memref_slice %arg5[%dma_wait3A_105, %dma_wait3A_106, %dma_wait3A_107] : memref<63x2x80xi32, #tpu.memory_space<vmem>> -> memref<63x2x80xi32, #tpu.memory_space<vmem>>
      %dma_wait3A_109 = arith.constant 0 : i32
      %dma_wait3A_110 = arith.constant 0 : i32
      %dma_wait3A_111 = tpu.memref_slice %arg3[%add3A_14, %dma_wait3A_109, %dma_wait3A_110] : memref<4000x2x80xi32, #tpu.memory_space<hbm>> -> memref<63x2x80xi32, #tpu.memory_space<hbm>>
      tpu.wait_dma2 semaphore(%run_scoped3A : memref<!tpu.dma_semaphore, #tpu.memory_space<semaphore_mem>>) src(%dma_wait3A_111 : memref<63x2x80xi32, #tpu.memory_space<hbm>>) dst(%dma_wait3A_108 : memref<63x2x80xi32, #tpu.memory_space<vmem>>)
      tpu.yield
    }) : () -> ()
    %scan3A_15 = arith.constant 0 : i32
    %scan3A_16 = arith.constant 31 : i32
    %scan3A_17 = arith.addi %scan3A_15, %scan3A_16 : i32
    %scan3A_18 = arith.constant 1 : i32
    scf.for %scan3A_84 = %scan3A_15 to %scan3A_17 step %scan3A_18  : i32 {
      %mul3A_85 = arith.constant 1 : i32
      %mul3A_86 = arith.muli %scan3A_84, %mul3A_85 : i32
      %add3A_87 = arith.constant 0 : i32
      %add3A_88 = arith.addi %add3A_87, %mul3A_86 : i32
      %mul3A_89 = arith.constant 2 : i32
      %mul3A_90 = arith.muli %add3A_88, %mul3A_89 : i32
      %add3A_91 = arith.constant 0 : i32
      %add3A_92 = arith.addi %mul3A_90, %add3A_91 : i32
      %dma_start3A_93 = arith.constant 0 : i32
      %dma_start3A_94 = arith.constant 0 : i32
      %dma_start3A_95 = arith.constant 0 : i32
      %dma_start3A_96 = arith.constant 0 : i32
      %dma_start3A_97 = tpu.memref_slice %arg6[%dma_start3A_94, %dma_start3A_95, %dma_start3A_96] : memref<2x80x128xf32, #tpu.memory_space<vmem>> -> memref<1x80x128xf32, #tpu.memory_space<vmem>>
      %dma_start3A_98 = tpu.memref_squeeze %dma_start3A_97 : memref<1x80x128xf32, #tpu.memory_space<vmem>> -> memref<80x128xf32, #tpu.memory_space<vmem>>
      %dma_start3A_99 = arith.constant 0 : i32
      %dma_start3A_100 = tpu.memref_slice %arg5[%add3A_92, %dma_start3A_93, %dma_start3A_99] : memref<63x2x80xi32, #tpu.memory_space<vmem>> -> memref<1x1x80xi32, #tpu.memory_space<vmem>>
      %dma_start3A_101 = tpu.memref_squeeze %dma_start3A_100 : memref<1x1x80xi32, #tpu.memory_space<vmem>> -> memref<80xi32, #tpu.memory_space<vmem>>
      %dma_start3A_102 = arith.constant 0 : i32
      %dma_start3A_103 = arith.constant 0 : i32
      %dma_start3A_104 = tpu.memref_slice %arg2[%dma_start3A_102, %dma_start3A_103] : memref<10000x128xf32, #tpu.memory_space<hbm>> -> memref<10000x128xf32, #tpu.memory_space<hbm>>
      tpu.enqueue_indirect_dma source(%dma_start3A_104 : memref<10000x128xf32, #tpu.memory_space<hbm>>) target(%dma_start3A_98 : memref<80x128xf32, #tpu.memory_space<vmem>>) offsets(%dma_start3A_101 : memref<80xi32, #tpu.memory_space<vmem>>) semaphore(%arg8 : memref<!tpu.dma_semaphore, #tpu.memory_space<semaphore_mem>>)
      %add3A_105 = arith.constant 1 : i32
      %add3A_106 = arith.addi %mul3A_90, %add3A_105 : i32
      %dma_start3A_107 = arith.constant 0 : i32
      %dma_start3A_108 = arith.constant 1 : i32
      %dma_start3A_109 = arith.constant 0 : i32
      %dma_start3A_110 = arith.constant 0 : i32
      %dma_start3A_111 = tpu.memref_slice %arg6[%dma_start3A_108, %dma_start3A_109, %dma_start3A_110] : memref<2x80x128xf32, #tpu.memory_space<vmem>> -> memref<1x80x128xf32, #tpu.memory_space<vmem>>
      %dma_start3A_112 = tpu.memref_squeeze %dma_start3A_111 : memref<1x80x128xf32, #tpu.memory_space<vmem>> -> memref<80x128xf32, #tpu.memory_space<vmem>>
      %dma_start3A_113 = arith.constant 0 : i32
      %dma_start3A_114 = tpu.memref_slice %arg5[%add3A_106, %dma_start3A_107, %dma_start3A_113] : memref<63x2x80xi32, #tpu.memory_space<vmem>> -> memref<1x1x80xi32, #tpu.memory_space<vmem>>
      %dma_start3A_115 = tpu.memref_squeeze %dma_start3A_114 : memref<1x1x80xi32, #tpu.memory_space<vmem>> -> memref<80xi32, #tpu.memory_space<vmem>>
      %dma_start3A_116 = arith.constant 0 : i32
      %dma_start3A_117 = arith.constant 0 : i32
      %dma_start3A_118 = tpu.memref_slice %arg2[%dma_start3A_116, %dma_start3A_117] : memref<10000x128xf32, #tpu.memory_space<hbm>> -> memref<10000x128xf32, #tpu.memory_space<hbm>>
      tpu.enqueue_indirect_dma source(%dma_start3A_118 : memref<10000x128xf32, #tpu.memory_space<hbm>>) target(%dma_start3A_112 : memref<80x128xf32, #tpu.memory_space<vmem>>) offsets(%dma_start3A_115 : memref<80xi32, #tpu.memory_space<vmem>>) semaphore(%arg8 : memref<!tpu.dma_semaphore, #tpu.memory_space<semaphore_mem>>)
      %dma_wait3A_119 = arith.constant 0 : i32
      %dma_wait3A_120 = arith.constant 0 : i32
      %dma_wait3A_121 = arith.constant 0 : i32
      %dma_wait3A_122 = arith.constant 0 : i32
      %dma_wait3A_123 = tpu.memref_slice %arg6[%dma_wait3A_120, %dma_wait3A_121, %dma_wait3A_122] : memref<2x80x128xf32, #tpu.memory_space<vmem>> -> memref<1x80x128xf32, #tpu.memory_space<vmem>>
      %dma_wait3A_124 = tpu.memref_squeeze %dma_wait3A_123 : memref<1x80x128xf32, #tpu.memory_space<vmem>> -> memref<80x128xf32, #tpu.memory_space<vmem>>
      %dma_wait3A_125 = arith.constant 0 : i32
      %dma_wait3A_126 = tpu.memref_slice %arg5[%add3A_92, %dma_wait3A_119, %dma_wait3A_125] : memref<63x2x80xi32, #tpu.memory_space<vmem>> -> memref<1x1x80xi32, #tpu.memory_space<vmem>>
      %dma_wait3A_127 = tpu.memref_squeeze %dma_wait3A_126 : memref<1x1x80xi32, #tpu.memory_space<vmem>> -> memref<80xi32, #tpu.memory_space<vmem>>
      %dma_wait3A_128 = arith.constant 0 : i32
      %dma_wait3A_129 = arith.constant 0 : i32
      %dma_wait3A_130 = tpu.memref_slice %arg2[%dma_wait3A_128, %dma_wait3A_129] : memref<10000x128xf32, #tpu.memory_space<hbm>> -> memref<10000x128xf32, #tpu.memory_space<hbm>>
      tpu.wait_indirect_dma semaphore(%arg8 : memref<!tpu.dma_semaphore, #tpu.memory_space<semaphore_mem>>) src(%dma_wait3A_130 : memref<10000x128xf32, #tpu.memory_space<hbm>>) dst(%dma_wait3A_124 : memref<80x128xf32, #tpu.memory_space<vmem>>)
      %dma_wait3A_131 = arith.constant 0 : i32
      %dma_wait3A_132 = arith.constant 1 : i32
      %dma_wait3A_133 = arith.constant 0 : i32
      %dma_wait3A_134 = arith.constant 0 : i32
      %dma_wait3A_135 = tpu.memref_slice %arg6[%dma_wait3A_132, %dma_wait3A_133, %dma_wait3A_134] : memref<2x80x128xf32, #tpu.memory_space<vmem>> -> memref<1x80x128xf32, #tpu.memory_space<vmem>>
      %dma_wait3A_136 = tpu.memref_squeeze %dma_wait3A_135 : memref<1x80x128xf32, #tpu.memory_space<vmem>> -> memref<80x128xf32, #tpu.memory_space<vmem>>
      %dma_wait3A_137 = arith.constant 0 : i32
      %dma_wait3A_138 = tpu.memref_slice %arg5[%add3A_106, %dma_wait3A_131, %dma_wait3A_137] : memref<63x2x80xi32, #tpu.memory_space<vmem>> -> memref<1x1x80xi32, #tpu.memory_space<vmem>>
      %dma_wait3A_139 = tpu.memref_squeeze %dma_wait3A_138 : memref<1x1x80xi32, #tpu.memory_space<vmem>> -> memref<80xi32, #tpu.memory_space<vmem>>
      %dma_wait3A_140 = arith.constant 0 : i32
      %dma_wait3A_141 = arith.constant 0 : i32
      %dma_wait3A_142 = tpu.memref_slice %arg2[%dma_wait3A_140, %dma_wait3A_141] : memref<10000x128xf32, #tpu.memory_space<hbm>> -> memref<10000x128xf32, #tpu.memory_space<hbm>>
      tpu.wait_indirect_dma semaphore(%arg8 : memref<!tpu.dma_semaphore, #tpu.memory_space<semaphore_mem>>) src(%dma_wait3A_142 : memref<10000x128xf32, #tpu.memory_space<hbm>>) dst(%dma_wait3A_136 : memref<80x128xf32, #tpu.memory_space<vmem>>)
      %add3A_143 = arith.constant 0 : i32
      %add3A_144 = arith.addi %mul3A_90, %add3A_143 : i32
      %dma_start3A_145 = arith.constant 0 : i32
      %dma_start3A_146 = arith.constant 1 : i32
      %dma_start3A_147 = arith.constant 0 : i32
      %dma_start3A_148 = arith.constant 0 : i32
      %dma_start3A_149 = tpu.memref_slice %arg6[%dma_start3A_145, %dma_start3A_147, %dma_start3A_148] : memref<2x80x128xf32, #tpu.memory_space<vmem>> -> memref<1x80x128xf32, #tpu.memory_space<vmem>>
      %dma_start3A_150 = tpu.memref_squeeze %dma_start3A_149 : memref<1x80x128xf32, #tpu.memory_space<vmem>> -> memref<80x128xf32, #tpu.memory_space<vmem>>
      %dma_start3A_151 = arith.constant 0 : i32
      %dma_start3A_152 = tpu.memref_slice %arg5[%add3A_144, %dma_start3A_146, %dma_start3A_151] : memref<63x2x80xi32, #tpu.memory_space<vmem>> -> memref<1x1x80xi32, #tpu.memory_space<vmem>>
      %dma_start3A_153 = tpu.memref_squeeze %dma_start3A_152 : memref<1x1x80xi32, #tpu.memory_space<vmem>> -> memref<80xi32, #tpu.memory_space<vmem>>
      %dma_start3A_154 = arith.constant 0 : i32
      %dma_start3A_155 = arith.constant 0 : i32
      %dma_start3A_156 = tpu.memref_slice %arg7[%dma_start3A_154, %dma_start3A_155] : memref<10240x128xf32, #tpu.memory_space<vmem_shared>> -> memref<10240x128xf32, #tpu.memory_space<vmem_shared>>
      tpu.enqueue_indirect_dma source(%dma_start3A_150 : memref<80x128xf32, #tpu.memory_space<vmem>>) target(%dma_start3A_156 : memref<10240x128xf32, #tpu.memory_space<vmem_shared>>) offsets(%dma_start3A_153 : memref<80xi32, #tpu.memory_space<vmem>>) semaphore(%arg9 : memref<!tpu.dma_semaphore, #tpu.memory_space<semaphore_mem>>) {add = true}
      %add3A_157 = arith.constant 1 : i32
      %add3A_158 = arith.addi %mul3A_90, %add3A_157 : i32
      %dma_start3A_159 = arith.constant 1 : i32
      %dma_start3A_160 = arith.constant 1 : i32
      %dma_start3A_161 = arith.constant 0 : i32
      %dma_start3A_162 = arith.constant 0 : i32
      %dma_start3A_163 = tpu.memref_slice %arg6[%dma_start3A_159, %dma_start3A_161, %dma_start3A_162] : memref<2x80x128xf32, #tpu.memory_space<vmem>> -> memref<1x80x128xf32, #tpu.memory_space<vmem>>
      %dma_start3A_164 = tpu.memref_squeeze %dma_start3A_163 : memref<1x80x128xf32, #tpu.memory_space<vmem>> -> memref<80x128xf32, #tpu.memory_space<vmem>>
      %dma_start3A_165 = arith.constant 0 : i32
      %dma_start3A_166 = tpu.memref_slice %arg5[%add3A_158, %dma_start3A_160, %dma_start3A_165] : memref<63x2x80xi32, #tpu.memory_space<vmem>> -> memref<1x1x80xi32, #tpu.memory_space<vmem>>
      %dma_start3A_167 = tpu.memref_squeeze %dma_start3A_166 : memref<1x1x80xi32, #tpu.memory_space<vmem>> -> memref<80xi32, #tpu.memory_space<vmem>>
      %dma_start3A_168 = arith.constant 0 : i32
      %dma_start3A_169 = arith.constant 0 : i32
      %dma_start3A_170 = tpu.memref_slice %arg7[%dma_start3A_168, %dma_start3A_169] : memref<10240x128xf32, #tpu.memory_space<vmem_shared>> -> memref<10240x128xf32, #tpu.memory_space<vmem_shared>>
      tpu.enqueue_indirect_dma source(%dma_start3A_164 : memref<80x128xf32, #tpu.memory_space<vmem>>) target(%dma_start3A_170 : memref<10240x128xf32, #tpu.memory_space<vmem_shared>>) offsets(%dma_start3A_167 : memref<80xi32, #tpu.memory_space<vmem>>) semaphore(%arg9 : memref<!tpu.dma_semaphore, #tpu.memory_space<semaphore_mem>>) {add = true}
      %dma_wait3A_171 = arith.constant 0 : i32
      %dma_wait3A_172 = arith.constant 1 : i32
      %dma_wait3A_173 = arith.constant 0 : i32
      %dma_wait3A_174 = arith.constant 0 : i32
      %dma_wait3A_175 = tpu.memref_slice %arg6[%dma_wait3A_171, %dma_wait3A_173, %dma_wait3A_174] : memref<2x80x128xf32, #tpu.memory_space<vmem>> -> memref<1x80x128xf32, #tpu.memory_space<vmem>>
      %dma_wait3A_176 = tpu.memref_squeeze %dma_wait3A_175 : memref<1x80x128xf32, #tpu.memory_space<vmem>> -> memref<80x128xf32, #tpu.memory_space<vmem>>
      %dma_wait3A_177 = arith.constant 0 : i32
      %dma_wait3A_178 = tpu.memref_slice %arg5[%add3A_144, %dma_wait3A_172, %dma_wait3A_177] : memref<63x2x80xi32, #tpu.memory_space<vmem>> -> memref<1x1x80xi32, #tpu.memory_space<vmem>>
      %dma_wait3A_179 = tpu.memref_squeeze %dma_wait3A_178 : memref<1x1x80xi32, #tpu.memory_space<vmem>> -> memref<80xi32, #tpu.memory_space<vmem>>
      %dma_wait3A_180 = arith.constant 0 : i32
      %dma_wait3A_181 = arith.constant 0 : i32
      %dma_wait3A_182 = tpu.memref_slice %arg7[%dma_wait3A_180, %dma_wait3A_181] : memref<10240x128xf32, #tpu.memory_space<vmem_shared>> -> memref<10240x128xf32, #tpu.memory_space<vmem_shared>>
      tpu.wait_indirect_dma semaphore(%arg9 : memref<!tpu.dma_semaphore, #tpu.memory_space<semaphore_mem>>) src(%dma_wait3A_176 : memref<80x128xf32, #tpu.memory_space<vmem>>) dst(%dma_wait3A_182 : memref<10240x128xf32, #tpu.memory_space<vmem_shared>>)
      %dma_wait3A_183 = arith.constant 1 : i32
      %dma_wait3A_184 = arith.constant 1 : i32
      %dma_wait3A_185 = arith.constant 0 : i32
      %dma_wait3A_186 = arith.constant 0 : i32
      %dma_wait3A_187 = tpu.memref_slice %arg6[%dma_wait3A_183, %dma_wait3A_185, %dma_wait3A_186] : memref<2x80x128xf32, #tpu.memory_space<vmem>> -> memref<1x80x128xf32, #tpu.memory_space<vmem>>
      %dma_wait3A_188 = tpu.memref_squeeze %dma_wait3A_187 : memref<1x80x128xf32, #tpu.memory_space<vmem>> -> memref<80x128xf32, #tpu.memory_space<vmem>>
      %dma_wait3A_189 = arith.constant 0 : i32
      %dma_wait3A_190 = tpu.memref_slice %arg5[%add3A_158, %dma_wait3A_184, %dma_wait3A_189] : memref<63x2x80xi32, #tpu.memory_space<vmem>> -> memref<1x1x80xi32, #tpu.memory_space<vmem>>
      %dma_wait3A_191 = tpu.memref_squeeze %dma_wait3A_190 : memref<1x1x80xi32, #tpu.memory_space<vmem>> -> memref<80xi32, #tpu.memory_space<vmem>>
      %dma_wait3A_192 = arith.constant 0 : i32
      %dma_wait3A_193 = arith.constant 0 : i32
      %dma_wait3A_194 = tpu.memref_slice %arg7[%dma_wait3A_192, %dma_wait3A_193] : memref<10240x128xf32, #tpu.memory_space<vmem_shared>> -> memref<10240x128xf32, #tpu.memory_space<vmem_shared>>
      tpu.wait_indirect_dma semaphore(%arg9 : memref<!tpu.dma_semaphore, #tpu.memory_space<semaphore_mem>>) src(%dma_wait3A_188 : memref<80x128xf32, #tpu.memory_space<vmem>>) dst(%dma_wait3A_194 : memref<10240x128xf32, #tpu.memory_space<vmem_shared>>)
    }
    %scan3A_19 = arith.constant 31 : i32
    %dma_start3A = arith.constant 62 : i32
    %dma_start3A_20 = arith.constant 0 : i32
    %dma_start3A_21 = arith.constant 0 : i32
    %dma_start3A_22 = arith.constant 0 : i32
    %dma_start3A_23 = arith.constant 0 : i32
    %dma_start3A_24 = tpu.memref_slice %arg6[%dma_start3A_21, %dma_start3A_22, %dma_start3A_23] : memref<2x80x128xf32, #tpu.memory_space<vmem>> -> memref<1x80x128xf32, #tpu.memory_space<vmem>>
    %dma_start3A_25 = tpu.memref_squeeze %dma_start3A_24 : memref<1x80x128xf32, #tpu.memory_space<vmem>> -> memref<80x128xf32, #tpu.memory_space<vmem>>
    %dma_start3A_26 = arith.constant 0 : i32
    %dma_start3A_27 = tpu.memref_slice %arg5[%dma_start3A, %dma_start3A_20, %dma_start3A_26] : memref<63x2x80xi32, #tpu.memory_space<vmem>> -> memref<1x1x80xi32, #tpu.memory_space<vmem>>
    %dma_start3A_28 = tpu.memref_squeeze %dma_start3A_27 : memref<1x1x80xi32, #tpu.memory_space<vmem>> -> memref<80xi32, #tpu.memory_space<vmem>>
    %dma_start3A_29 = arith.constant 0 : i32
    %dma_start3A_30 = arith.constant 0 : i32
    %dma_start3A_31 = tpu.memref_slice %arg2[%dma_start3A_29, %dma_start3A_30] : memref<10000x128xf32, #tpu.memory_space<hbm>> -> memref<10000x128xf32, #tpu.memory_space<hbm>>
    tpu.enqueue_indirect_dma source(%dma_start3A_31 : memref<10000x128xf32, #tpu.memory_space<hbm>>) target(%dma_start3A_25 : memref<80x128xf32, #tpu.memory_space<vmem>>) offsets(%dma_start3A_28 : memref<80xi32, #tpu.memory_space<vmem>>) semaphore(%arg8 : memref<!tpu.dma_semaphore, #tpu.memory_space<semaphore_mem>>)
    %dma_wait3A = arith.constant 62 : i32
    %dma_wait3A_32 = arith.constant 0 : i32
    %dma_wait3A_33 = arith.constant 0 : i32
    %dma_wait3A_34 = arith.constant 0 : i32
    %dma_wait3A_35 = arith.constant 0 : i32
    %dma_wait3A_36 = tpu.memref_slice %arg6[%dma_wait3A_33, %dma_wait3A_34, %dma_wait3A_35] : memref<2x80x128xf32, #tpu.memory_space<vmem>> -> memref<1x80x128xf32, #tpu.memory_space<vmem>>
    %dma_wait3A_37 = tpu.memref_squeeze %dma_wait3A_36 : memref<1x80x128xf32, #tpu.memory_space<vmem>> -> memref<80x128xf32, #tpu.memory_space<vmem>>
    %dma_wait3A_38 = arith.constant 0 : i32
    %dma_wait3A_39 = tpu.memref_slice %arg5[%dma_wait3A, %dma_wait3A_32, %dma_wait3A_38] : memref<63x2x80xi32, #tpu.memory_space<vmem>> -> memref<1x1x80xi32, #tpu.memory_space<vmem>>
    %dma_wait3A_40 = tpu.memref_squeeze %dma_wait3A_39 : memref<1x1x80xi32, #tpu.memory_space<vmem>> -> memref<80xi32, #tpu.memory_space<vmem>>
    %dma_wait3A_41 = arith.constant 0 : i32
    %dma_wait3A_42 = arith.constant 0 : i32
    %dma_wait3A_43 = tpu.memref_slice %arg2[%dma_wait3A_41, %dma_wait3A_42] : memref<10000x128xf32, #tpu.memory_space<hbm>> -> memref<10000x128xf32, #tpu.memory_space<hbm>>
    tpu.wait_indirect_dma semaphore(%arg8 : memref<!tpu.dma_semaphore, #tpu.memory_space<semaphore_mem>>) src(%dma_wait3A_43 : memref<10000x128xf32, #tpu.memory_space<hbm>>) dst(%dma_wait3A_37 : memref<80x128xf32, #tpu.memory_space<vmem>>)
    %dma_start3A_44 = arith.constant 0 : i32
    %dma_start3A_45 = arith.constant 62 : i32
    %dma_start3A_46 = arith.constant 1 : i32
    %dma_start3A_47 = arith.constant 0 : i32
    %dma_start3A_48 = arith.constant 0 : i32
    %dma_start3A_49 = tpu.memref_slice %arg6[%dma_start3A_44, %dma_start3A_47, %dma_start3A_48] : memref<2x80x128xf32, #tpu.memory_space<vmem>> -> memref<1x80x128xf32, #tpu.memory_space<vmem>>
    %dma_start3A_50 = tpu.memref_squeeze %dma_start3A_49 : memref<1x80x128xf32, #tpu.memory_space<vmem>> -> memref<80x128xf32, #tpu.memory_space<vmem>>
    %dma_start3A_51 = arith.constant 0 : i32
    %dma_start3A_52 = tpu.memref_slice %arg5[%dma_start3A_45, %dma_start3A_46, %dma_start3A_51] : memref<63x2x80xi32, #tpu.memory_space<vmem>> -> memref<1x1x80xi32, #tpu.memory_space<vmem>>
    %dma_start3A_53 = tpu.memref_squeeze %dma_start3A_52 : memref<1x1x80xi32, #tpu.memory_space<vmem>> -> memref<80xi32, #tpu.memory_space<vmem>>
    %dma_start3A_54 = arith.constant 0 : i32
    %dma_start3A_55 = arith.constant 0 : i32
    %dma_start3A_56 = tpu.memref_slice %arg7[%dma_start3A_54, %dma_start3A_55] : memref<10240x128xf32, #tpu.memory_space<vmem_shared>> -> memref<10240x128xf32, #tpu.memory_space<vmem_shared>>
    tpu.enqueue_indirect_dma source(%dma_start3A_50 : memref<80x128xf32, #tpu.memory_space<vmem>>) target(%dma_start3A_56 : memref<10240x128xf32, #tpu.memory_space<vmem_shared>>) offsets(%dma_start3A_53 : memref<80xi32, #tpu.memory_space<vmem>>) semaphore(%arg9 : memref<!tpu.dma_semaphore, #tpu.memory_space<semaphore_mem>>) {add = true}
    %dma_wait3A_57 = arith.constant 0 : i32
    %dma_wait3A_58 = arith.constant 62 : i32
    %dma_wait3A_59 = arith.constant 1 : i32
    %dma_wait3A_60 = arith.constant 0 : i32
    %dma_wait3A_61 = arith.constant 0 : i32
    %dma_wait3A_62 = tpu.memref_slice %arg6[%dma_wait3A_57, %dma_wait3A_60, %dma_wait3A_61] : memref<2x80x128xf32, #tpu.memory_space<vmem>> -> memref<1x80x128xf32, #tpu.memory_space<vmem>>
    %dma_wait3A_63 = tpu.memref_squeeze %dma_wait3A_62 : memref<1x80x128xf32, #tpu.memory_space<vmem>> -> memref<80x128xf32, #tpu.memory_space<vmem>>
    %dma_wait3A_64 = arith.constant 0 : i32
    %dma_wait3A_65 = tpu.memref_slice %arg5[%dma_wait3A_58, %dma_wait3A_59, %dma_wait3A_64] : memref<63x2x80xi32, #tpu.memory_space<vmem>> -> memref<1x1x80xi32, #tpu.memory_space<vmem>>
    %dma_wait3A_66 = tpu.memref_squeeze %dma_wait3A_65 : memref<1x1x80xi32, #tpu.memory_space<vmem>> -> memref<80xi32, #tpu.memory_space<vmem>>
    %dma_wait3A_67 = arith.constant 0 : i32
    %dma_wait3A_68 = arith.constant 0 : i32
    %dma_wait3A_69 = tpu.memref_slice %arg7[%dma_wait3A_67, %dma_wait3A_68] : memref<10240x128xf32, #tpu.memory_space<vmem_shared>> -> memref<10240x128xf32, #tpu.memory_space<vmem_shared>>
    tpu.wait_indirect_dma semaphore(%arg9 : memref<!tpu.dma_semaphore, #tpu.memory_space<semaphore_mem>>) src(%dma_wait3A_63 : memref<80x128xf32, #tpu.memory_space<vmem>>) dst(%dma_wait3A_69 : memref<10240x128xf32, #tpu.memory_space<vmem_shared>>)
    %mul3A_70 = arith.constant 125 : i32
    %mul3A_71 = arith.muli %add3A, %mul3A_70 : i32
    %add3A_72 = arith.constant 63 : i32
    %add3A_73 = arith.addi %mul3A_71, %add3A_72 : i32
    "tpu.region"() ({
      %run_scoped3A = tpu.sem_alloc : memref<!tpu.dma_semaphore, #tpu.memory_space<semaphore_mem>>
      %dma_start3A_84 = arith.constant 0 : i32
      %dma_start3A_85 = arith.constant 0 : i32
      %dma_start3A_86 = arith.constant 0 : i32
      %dma_start3A_87 = tpu.memref_slice %arg5[%dma_start3A_84, %dma_start3A_85, %dma_start3A_86] : memref<63x2x80xi32, #tpu.memory_space<vmem>> -> memref<62x2x80xi32, #tpu.memory_space<vmem>>
      %dma_start3A_88 = arith.constant 0 : i32
      %dma_start3A_89 = arith.constant 0 : i32
      %dma_start3A_90 = tpu.memref_slice %arg3[%add3A_73, %dma_start3A_88, %dma_start3A_89] : memref<4000x2x80xi32, #tpu.memory_space<hbm>> -> memref<62x2x80xi32, #tpu.memory_space<hbm>>
      %dma_start3A_91 = arith.constant 0 : i32
      %dma_start3A_92 = arith.constant 0 : i32
      %dma_start3A_93 = arith.constant 0 : i32
      %dma_start3A_94 = tpu.memref_slice %arg5[%dma_start3A_91, %dma_start3A_92, %dma_start3A_93] : memref<63x2x80xi32, #tpu.memory_space<vmem>> -> memref<62x2x80xi32, #tpu.memory_space<vmem>>
      %dma_start3A_95 = arith.constant 0 : i32
      %dma_start3A_96 = arith.constant 0 : i32
      %dma_start3A_97 = tpu.memref_slice %arg3[%add3A_73, %dma_start3A_95, %dma_start3A_96] : memref<4000x2x80xi32, #tpu.memory_space<hbm>> -> memref<62x2x80xi32, #tpu.memory_space<hbm>>
      tpu.enqueue_dma source(%dma_start3A_97 : memref<62x2x80xi32, #tpu.memory_space<hbm>>) target(%dma_start3A_94 : memref<62x2x80xi32, #tpu.memory_space<vmem>>) target_semaphore(%run_scoped3A : memref<!tpu.dma_semaphore, #tpu.memory_space<semaphore_mem>>)
      %dma_wait3A_98 = arith.constant 0 : i32
      %dma_wait3A_99 = arith.constant 0 : i32
      %dma_wait3A_100 = arith.constant 0 : i32
      %dma_wait3A_101 = tpu.memref_slice %arg5[%dma_wait3A_98, %dma_wait3A_99, %dma_wait3A_100] : memref<63x2x80xi32, #tpu.memory_space<vmem>> -> memref<62x2x80xi32, #tpu.memory_space<vmem>>
      %dma_wait3A_102 = arith.constant 0 : i32
      %dma_wait3A_103 = arith.constant 0 : i32
      %dma_wait3A_104 = tpu.memref_slice %arg3[%add3A_73, %dma_wait3A_102, %dma_wait3A_103] : memref<4000x2x80xi32, #tpu.memory_space<hbm>> -> memref<62x2x80xi32, #tpu.memory_space<hbm>>
      %dma_wait3A_105 = arith.constant 0 : i32
      %dma_wait3A_106 = arith.constant 0 : i32
      %dma_wait3A_107 = arith.constant 0 : i32
      %dma_wait3A_108 = tpu.memref_slice %arg5[%dma_wait3A_105, %dma_wait3A_106, %dma_wait3A_107] : memref<63x2x80xi32, #tpu.memory_space<vmem>> -> memref<62x2x80xi32, #tpu.memory_space<vmem>>
      %dma_wait3A_109 = arith.constant 0 : i32
      %dma_wait3A_110 = arith.constant 0 : i32
      %dma_wait3A_111 = tpu.memref_slice %arg3[%add3A_73, %dma_wait3A_109, %dma_wait3A_110] : memref<4000x2x80xi32, #tpu.memory_space<hbm>> -> memref<62x2x80xi32, #tpu.memory_space<hbm>>
      tpu.wait_dma2 semaphore(%run_scoped3A : memref<!tpu.dma_semaphore, #tpu.memory_space<semaphore_mem>>) src(%dma_wait3A_111 : memref<62x2x80xi32, #tpu.memory_space<hbm>>) dst(%dma_wait3A_108 : memref<62x2x80xi32, #tpu.memory_space<vmem>>)
      tpu.yield
    }) : () -> ()
    %scan3A_74 = arith.constant 0 : i32
    %scan3A_75 = arith.constant 31 : i32
    %scan3A_76 = arith.addi %scan3A_74, %scan3A_75 : i32
    %scan3A_77 = arith.constant 1 : i32
    scf.for %scan3A_84 = %scan3A_74 to %scan3A_76 step %scan3A_77  : i32 {
      %mul3A_85 = arith.constant 1 : i32
      %mul3A_86 = arith.muli %scan3A_84, %mul3A_85 : i32
      %add3A_87 = arith.constant 0 : i32
      %add3A_88 = arith.addi %add3A_87, %mul3A_86 : i32
      %mul3A_89 = arith.constant 2 : i32
      %mul3A_90 = arith.muli %add3A_88, %mul3A_89 : i32
      %add3A_91 = arith.constant 0 : i32
      %add3A_92 = arith.addi %mul3A_90, %add3A_91 : i32
      %dma_start3A_93 = arith.constant 0 : i32
      %dma_start3A_94 = arith.constant 0 : i32
      %dma_start3A_95 = arith.constant 0 : i32
      %dma_start3A_96 = arith.constant 0 : i32
      %dma_start3A_97 = tpu.memref_slice %arg6[%dma_start3A_94, %dma_start3A_95, %dma_start3A_96] : memref<2x80x128xf32, #tpu.memory_space<vmem>> -> memref<1x80x128xf32, #tpu.memory_space<vmem>>
      %dma_start3A_98 = tpu.memref_squeeze %dma_start3A_97 : memref<1x80x128xf32, #tpu.memory_space<vmem>> -> memref<80x128xf32, #tpu.memory_space<vmem>>
      %dma_start3A_99 = arith.constant 0 : i32
      %dma_start3A_100 = tpu.memref_slice %arg5[%add3A_92, %dma_start3A_93, %dma_start3A_99] : memref<63x2x80xi32, #tpu.memory_space<vmem>> -> memref<1x1x80xi32, #tpu.memory_space<vmem>>
      %dma_start3A_101 = tpu.memref_squeeze %dma_start3A_100 : memref<1x1x80xi32, #tpu.memory_space<vmem>> -> memref<80xi32, #tpu.memory_space<vmem>>
      %dma_start3A_102 = arith.constant 0 : i32
      %dma_start3A_103 = arith.constant 0 : i32
      %dma_start3A_104 = tpu.memref_slice %arg2[%dma_start3A_102, %dma_start3A_103] : memref<10000x128xf32, #tpu.memory_space<hbm>> -> memref<10000x128xf32, #tpu.memory_space<hbm>>
      tpu.enqueue_indirect_dma source(%dma_start3A_104 : memref<10000x128xf32, #tpu.memory_space<hbm>>) target(%dma_start3A_98 : memref<80x128xf32, #tpu.memory_space<vmem>>) offsets(%dma_start3A_101 : memref<80xi32, #tpu.memory_space<vmem>>) semaphore(%arg8 : memref<!tpu.dma_semaphore, #tpu.memory_space<semaphore_mem>>)
      %add3A_105 = arith.constant 1 : i32
      %add3A_106 = arith.addi %mul3A_90, %add3A_105 : i32
      %dma_start3A_107 = arith.constant 0 : i32
      %dma_start3A_108 = arith.constant 1 : i32
      %dma_start3A_109 = arith.constant 0 : i32
      %dma_start3A_110 = arith.constant 0 : i32
      %dma_start3A_111 = tpu.memref_slice %arg6[%dma_start3A_108, %dma_start3A_109, %dma_start3A_110] : memref<2x80x128xf32, #tpu.memory_space<vmem>> -> memref<1x80x128xf32, #tpu.memory_space<vmem>>
      %dma_start3A_112 = tpu.memref_squeeze %dma_start3A_111 : memref<1x80x128xf32, #tpu.memory_space<vmem>> -> memref<80x128xf32, #tpu.memory_space<vmem>>
      %dma_start3A_113 = arith.constant 0 : i32
      %dma_start3A_114 = tpu.memref_slice %arg5[%add3A_106, %dma_start3A_107, %dma_start3A_113] : memref<63x2x80xi32, #tpu.memory_space<vmem>> -> memref<1x1x80xi32, #tpu.memory_space<vmem>>
      %dma_start3A_115 = tpu.memref_squeeze %dma_start3A_114 : memref<1x1x80xi32, #tpu.memory_space<vmem>> -> memref<80xi32, #tpu.memory_space<vmem>>
      %dma_start3A_116 = arith.constant 0 : i32
      %dma_start3A_117 = arith.constant 0 : i32
      %dma_start3A_118 = tpu.memref_slice %arg2[%dma_start3A_116, %dma_start3A_117] : memref<10000x128xf32, #tpu.memory_space<hbm>> -> memref<10000x128xf32, #tpu.memory_space<hbm>>
      tpu.enqueue_indirect_dma source(%dma_start3A_118 : memref<10000x128xf32, #tpu.memory_space<hbm>>) target(%dma_start3A_112 : memref<80x128xf32, #tpu.memory_space<vmem>>) offsets(%dma_start3A_115 : memref<80xi32, #tpu.memory_space<vmem>>) semaphore(%arg8 : memref<!tpu.dma_semaphore, #tpu.memory_space<semaphore_mem>>)
      %dma_wait3A_119 = arith.constant 0 : i32
      %dma_wait3A_120 = arith.constant 0 : i32
      %dma_wait3A_121 = arith.constant 0 : i32
      %dma_wait3A_122 = arith.constant 0 : i32
      %dma_wait3A_123 = tpu.memref_slice %arg6[%dma_wait3A_120, %dma_wait3A_121, %dma_wait3A_122] : memref<2x80x128xf32, #tpu.memory_space<vmem>> -> memref<1x80x128xf32, #tpu.memory_space<vmem>>
      %dma_wait3A_124 = tpu.memref_squeeze %dma_wait3A_123 : memref<1x80x128xf32, #tpu.memory_space<vmem>> -> memref<80x128xf32, #tpu.memory_space<vmem>>
      %dma_wait3A_125 = arith.constant 0 : i32
      %dma_wait3A_126 = tpu.memref_slice %arg5[%add3A_92, %dma_wait3A_119, %dma_wait3A_125] : memref<63x2x80xi32, #tpu.memory_space<vmem>> -> memref<1x1x80xi32, #tpu.memory_space<vmem>>
      %dma_wait3A_127 = tpu.memref_squeeze %dma_wait3A_126 : memref<1x1x80xi32, #tpu.memory_space<vmem>> -> memref<80xi32, #tpu.memory_space<vmem>>
      %dma_wait3A_128 = arith.constant 0 : i32
      %dma_wait3A_129 = arith.constant 0 : i32
      %dma_wait3A_130 = tpu.memref_slice %arg2[%dma_wait3A_128, %dma_wait3A_129] : memref<10000x128xf32, #tpu.memory_space<hbm>> -> memref<10000x128xf32, #tpu.memory_space<hbm>>
      tpu.wait_indirect_dma semaphore(%arg8 : memref<!tpu.dma_semaphore, #tpu.memory_space<semaphore_mem>>) src(%dma_wait3A_130 : memref<10000x128xf32, #tpu.memory_space<hbm>>) dst(%dma_wait3A_124 : memref<80x128xf32, #tpu.memory_space<vmem>>)
      %dma_wait3A_131 = arith.constant 0 : i32
      %dma_wait3A_132 = arith.constant 1 : i32
      %dma_wait3A_133 = arith.constant 0 : i32
      %dma_wait3A_134 = arith.constant 0 : i32
      %dma_wait3A_135 = tpu.memref_slice %arg6[%dma_wait3A_132, %dma_wait3A_133, %dma_wait3A_134] : memref<2x80x128xf32, #tpu.memory_space<vmem>> -> memref<1x80x128xf32, #tpu.memory_space<vmem>>
      %dma_wait3A_136 = tpu.memref_squeeze %dma_wait3A_135 : memref<1x80x128xf32, #tpu.memory_space<vmem>> -> memref<80x128xf32, #tpu.memory_space<vmem>>
      %dma_wait3A_137 = arith.constant 0 : i32
      %dma_wait3A_138 = tpu.memref_slice %arg5[%add3A_106, %dma_wait3A_131, %dma_wait3A_137] : memref<63x2x80xi32, #tpu.memory_space<vmem>> -> memref<1x1x80xi32, #tpu.memory_space<vmem>>
      %dma_wait3A_139 = tpu.memref_squeeze %dma_wait3A_138 : memref<1x1x80xi32, #tpu.memory_space<vmem>> -> memref<80xi32, #tpu.memory_space<vmem>>
      %dma_wait3A_140 = arith.constant 0 : i32
      %dma_wait3A_141 = arith.constant 0 : i32
      %dma_wait3A_142 = tpu.memref_slice %arg2[%dma_wait3A_140, %dma_wait3A_141] : memref<10000x128xf32, #tpu.memory_space<hbm>> -> memref<10000x128xf32, #tpu.memory_space<hbm>>
      tpu.wait_indirect_dma semaphore(%arg8 : memref<!tpu.dma_semaphore, #tpu.memory_space<semaphore_mem>>) src(%dma_wait3A_142 : memref<10000x128xf32, #tpu.memory_space<hbm>>) dst(%dma_wait3A_136 : memref<80x128xf32, #tpu.memory_space<vmem>>)
      %add3A_143 = arith.constant 0 : i32
      %add3A_144 = arith.addi %mul3A_90, %add3A_143 : i32
      %dma_start3A_145 = arith.constant 0 : i32
      %dma_start3A_146 = arith.constant 1 : i32
      %dma_start3A_147 = arith.constant 0 : i32
      %dma_start3A_148 = arith.constant 0 : i32
      %dma_start3A_149 = tpu.memref_slice %arg6[%dma_start3A_145, %dma_start3A_147, %dma_start3A_148] : memref<2x80x128xf32, #tpu.memory_space<vmem>> -> memref<1x80x128xf32, #tpu.memory_space<vmem>>
      %dma_start3A_150 = tpu.memref_squeeze %dma_start3A_149 : memref<1x80x128xf32, #tpu.memory_space<vmem>> -> memref<80x128xf32, #tpu.memory_space<vmem>>
      %dma_start3A_151 = arith.constant 0 : i32
      %dma_start3A_152 = tpu.memref_slice %arg5[%add3A_144, %dma_start3A_146, %dma_start3A_151] : memref<63x2x80xi32, #tpu.memory_space<vmem>> -> memref<1x1x80xi32, #tpu.memory_space<vmem>>
      %dma_start3A_153 = tpu.memref_squeeze %dma_start3A_152 : memref<1x1x80xi32, #tpu.memory_space<vmem>> -> memref<80xi32, #tpu.memory_space<vmem>>
      %dma_start3A_154 = arith.constant 0 : i32
      %dma_start3A_155 = arith.constant 0 : i32
      %dma_start3A_156 = tpu.memref_slice %arg7[%dma_start3A_154, %dma_start3A_155] : memref<10240x128xf32, #tpu.memory_space<vmem_shared>> -> memref<10240x128xf32, #tpu.memory_space<vmem_shared>>
      tpu.enqueue_indirect_dma source(%dma_start3A_150 : memref<80x128xf32, #tpu.memory_space<vmem>>) target(%dma_start3A_156 : memref<10240x128xf32, #tpu.memory_space<vmem_shared>>) offsets(%dma_start3A_153 : memref<80xi32, #tpu.memory_space<vmem>>) semaphore(%arg9 : memref<!tpu.dma_semaphore, #tpu.memory_space<semaphore_mem>>) {add = true}
      %add3A_157 = arith.constant 1 : i32
      %add3A_158 = arith.addi %mul3A_90, %add3A_157 : i32
      %dma_start3A_159 = arith.constant 1 : i32
      %dma_start3A_160 = arith.constant 1 : i32
      %dma_start3A_161 = arith.constant 0 : i32
      %dma_start3A_162 = arith.constant 0 : i32
      %dma_start3A_163 = tpu.memref_slice %arg6[%dma_start3A_159, %dma_start3A_161, %dma_start3A_162] : memref<2x80x128xf32, #tpu.memory_space<vmem>> -> memref<1x80x128xf32, #tpu.memory_space<vmem>>
      %dma_start3A_164 = tpu.memref_squeeze %dma_start3A_163 : memref<1x80x128xf32, #tpu.memory_space<vmem>> -> memref<80x128xf32, #tpu.memory_space<vmem>>
      %dma_start3A_165 = arith.constant 0 : i32
      %dma_start3A_166 = tpu.memref_slice %arg5[%add3A_158, %dma_start3A_160, %dma_start3A_165] : memref<63x2x80xi32, #tpu.memory_space<vmem>> -> memref<1x1x80xi32, #tpu.memory_space<vmem>>
      %dma_start3A_167 = tpu.memref_squeeze %dma_start3A_166 : memref<1x1x80xi32, #tpu.memory_space<vmem>> -> memref<80xi32, #tpu.memory_space<vmem>>
      %dma_start3A_168 = arith.constant 0 : i32
      %dma_start3A_169 = arith.constant 0 : i32
      %dma_start3A_170 = tpu.memref_slice %arg7[%dma_start3A_168, %dma_start3A_169] : memref<10240x128xf32, #tpu.memory_space<vmem_shared>> -> memref<10240x128xf32, #tpu.memory_space<vmem_shared>>
      tpu.enqueue_indirect_dma source(%dma_start3A_164 : memref<80x128xf32, #tpu.memory_space<vmem>>) target(%dma_start3A_170 : memref<10240x128xf32, #tpu.memory_space<vmem_shared>>) offsets(%dma_start3A_167 : memref<80xi32, #tpu.memory_space<vmem>>) semaphore(%arg9 : memref<!tpu.dma_semaphore, #tpu.memory_space<semaphore_mem>>) {add = true}
      %dma_wait3A_171 = arith.constant 0 : i32
      %dma_wait3A_172 = arith.constant 1 : i32
      %dma_wait3A_173 = arith.constant 0 : i32
      %dma_wait3A_174 = arith.constant 0 : i32
      %dma_wait3A_175 = tpu.memref_slice %arg6[%dma_wait3A_171, %dma_wait3A_173, %dma_wait3A_174] : memref<2x80x128xf32, #tpu.memory_space<vmem>> -> memref<1x80x128xf32, #tpu.memory_space<vmem>>
      %dma_wait3A_176 = tpu.memref_squeeze %dma_wait3A_175 : memref<1x80x128xf32, #tpu.memory_space<vmem>> -> memref<80x128xf32, #tpu.memory_space<vmem>>
      %dma_wait3A_177 = arith.constant 0 : i32
      %dma_wait3A_178 = tpu.memref_slice %arg5[%add3A_144, %dma_wait3A_172, %dma_wait3A_177] : memref<63x2x80xi32, #tpu.memory_space<vmem>> -> memref<1x1x80xi32, #tpu.memory_space<vmem>>
      %dma_wait3A_179 = tpu.memref_squeeze %dma_wait3A_178 : memref<1x1x80xi32, #tpu.memory_space<vmem>> -> memref<80xi32, #tpu.memory_space<vmem>>
      %dma_wait3A_180 = arith.constant 0 : i32
      %dma_wait3A_181 = arith.constant 0 : i32
      %dma_wait3A_182 = tpu.memref_slice %arg7[%dma_wait3A_180, %dma_wait3A_181] : memref<10240x128xf32, #tpu.memory_space<vmem_shared>> -> memref<10240x128xf32, #tpu.memory_space<vmem_shared>>
      tpu.wait_indirect_dma semaphore(%arg9 : memref<!tpu.dma_semaphore, #tpu.memory_space<semaphore_mem>>) src(%dma_wait3A_176 : memref<80x128xf32, #tpu.memory_space<vmem>>) dst(%dma_wait3A_182 : memref<10240x128xf32, #tpu.memory_space<vmem_shared>>)
      %dma_wait3A_183 = arith.constant 1 : i32
      %dma_wait3A_184 = arith.constant 1 : i32
      %dma_wait3A_185 = arith.constant 0 : i32
      %dma_wait3A_186 = arith.constant 0 : i32
      %dma_wait3A_187 = tpu.memref_slice %arg6[%dma_wait3A_183, %dma_wait3A_185, %dma_wait3A_186] : memref<2x80x128xf32, #tpu.memory_space<vmem>> -> memref<1x80x128xf32, #tpu.memory_space<vmem>>
      %dma_wait3A_188 = tpu.memref_squeeze %dma_wait3A_187 : memref<1x80x128xf32, #tpu.memory_space<vmem>> -> memref<80x128xf32, #tpu.memory_space<vmem>>
      %dma_wait3A_189 = arith.constant 0 : i32
      %dma_wait3A_190 = tpu.memref_slice %arg5[%add3A_158, %dma_wait3A_184, %dma_wait3A_189] : memref<63x2x80xi32, #tpu.memory_space<vmem>> -> memref<1x1x80xi32, #tpu.memory_space<vmem>>
      %dma_wait3A_191 = tpu.memref_squeeze %dma_wait3A_190 : memref<1x1x80xi32, #tpu.memory_space<vmem>> -> memref<80xi32, #tpu.memory_space<vmem>>
      %dma_wait3A_192 = arith.constant 0 : i32
      %dma_wait3A_193 = arith.constant 0 : i32
      %dma_wait3A_194 = tpu.memref_slice %arg7[%dma_wait3A_192, %dma_wait3A_193] : memref<10240x128xf32, #tpu.memory_space<vmem_shared>> -> memref<10240x128xf32, #tpu.memory_space<vmem_shared>>
      tpu.wait_indirect_dma semaphore(%arg9 : memref<!tpu.dma_semaphore, #tpu.memory_space<semaphore_mem>>) src(%dma_wait3A_188 : memref<80x128xf32, #tpu.memory_space<vmem>>) dst(%dma_wait3A_194 : memref<10240x128xf32, #tpu.memory_space<vmem_shared>>)
    }
    %scan3A_78 = arith.constant 31 : i32
    %barrier3A_79 = arith.constant 0 : index
    tpu.barrier barrier_id(%barrier3A_79)
    %mul3A_80 = arith.constant 640 : i32
    %mul3A_81 = arith.muli %arg1, %mul3A_80 : i32
    %mul3A_82 = arith.constant 640 : i32
    %mul3A_83 = arith.muli %arg1, %mul3A_82 : i32
    "tpu.region"() ({
      %run_scoped3A = tpu.sem_alloc : memref<!tpu.dma_semaphore, #tpu.memory_space<semaphore_mem>>
      %dma_start3A_84 = arith.constant 0 : i32
      %dma_start3A_85 = tpu.memref_slice %arg4[%arg0, %mul3A_83, %dma_start3A_84] : memref<2x10240x128xf32, #tpu.memory_space<hbm>> -> memref<1x640x128xf32, #tpu.memory_space<hbm>>
      %dma_start3A_86 = tpu.memref_squeeze %dma_start3A_85 : memref<1x640x128xf32, #tpu.memory_space<hbm>> -> memref<640x128xf32, #tpu.memory_space<hbm>>
      %dma_start3A_87 = arith.constant 0 : i32
      %dma_start3A_88 = tpu.memref_slice %arg7[%mul3A_81, %dma_start3A_87] : memref<10240x128xf32, #tpu.memory_space<vmem_shared>> -> memref<640x128xf32, #tpu.memory_space<vmem_shared>>
      tpu.enqueue_dma source(%dma_start3A_88 : memref<640x128xf32, #tpu.memory_space<vmem_shared>>) target(%dma_start3A_86 : memref<640x128xf32, #tpu.memory_space<hbm>>) target_semaphore(%run_scoped3A : memref<!tpu.dma_semaphore, #tpu.memory_space<semaphore_mem>>)
      %dma_wait3A_89 = arith.constant 0 : i32
      %dma_wait3A_90 = tpu.memref_slice %arg4[%arg0, %mul3A_83, %dma_wait3A_89] : memref<2x10240x128xf32, #tpu.memory_space<hbm>> -> memref<1x640x128xf32, #tpu.memory_space<hbm>>
      %dma_wait3A_91 = tpu.memref_squeeze %dma_wait3A_90 : memref<1x640x128xf32, #tpu.memory_space<hbm>> -> memref<640x128xf32, #tpu.memory_space<hbm>>
      %dma_wait3A_92 = arith.constant 0 : i32
      %dma_wait3A_93 = tpu.memref_slice %arg7[%mul3A_81, %dma_wait3A_92] : memref<10240x128xf32, #tpu.memory_space<vmem_shared>> -> memref<640x128xf32, #tpu.memory_space<vmem_shared>>
      tpu.wait_dma2 semaphore(%run_scoped3A : memref<!tpu.dma_semaphore, #tpu.memory_space<semaphore_mem>>) src(%dma_wait3A_93 : memref<640x128xf32, #tpu.memory_space<vmem_shared>>) dst(%dma_wait3A_91 : memref<640x128xf32, #tpu.memory_space<hbm>>)
      tpu.yield
    }) : () -> ()
    return
  }
}

#map = affine_map<(d0, d1) -> (0, 0)>
#map1 = affine_map<(d0, d1) -> (0, 0, 0)>
module attributes {stable_mosaic.version = 14 : i64} {
  func.func @seg(%arg0: i32, %arg1: i32, %arg2: memref<10000x128xf32, #tpu.memory_space<hbm>>, %arg3: memref<4000x2x80xi32, #tpu.memory_space<hbm>>, %arg4: memref<2x10240x128xf32, #tpu.memory_space<hbm>>, %arg5: memref<63x2x80xi32, #tpu.memory_space<vmem>>, %arg6: memref<2x80x128xf32, #tpu.memory_space<vmem>>, %arg7: memref<10240x128xf32, #tpu.memory_space<vmem_shared>>, %arg8: memref<!tpu.dma_semaphore, #tpu.memory_space<semaphore_mem>>, %arg9: memref<!tpu.dma_semaphore, #tpu.memory_space<semaphore_mem>>) attributes {dimension_semantics = [#tpu.dimension_semantics<core_parallel>, #tpu.dimension_semantics<subcore_parallel>], iteration_bounds = array<i64: 2, 16>, scalar_prefetch = 0 : i64, scratch_operands = 5 : i64, tpu.core_type = #tpu.core_type<sc_vector_subcore>, window_params = [{transform_indices = #map}, {transform_indices = #map1}, {transform_indices = #map1}]} {
    %mul3A = arith.constant 2 : i32
    %mul3A_0 = arith.muli %arg1, %mul3A : i32
    %add3A = arith.addi %mul3A_0, %arg0 : i32
    %broadcast_in_dim3A = arith.constant 0.000000e+00 : f32
    %broadcast_in_dim3A_1 = vector.broadcast %broadcast_in_dim3A : f32 to vector<16xf32>
    %scan3A = arith.constant 0 : i32
    %scan3A_2 = arith.constant 80 : i32
    %scan3A_3 = arith.addi %scan3A, %scan3A_2 : i32
    %scan3A_4 = arith.constant 1 : i32
    scf.for %scan3A_84 = %scan3A to %scan3A_3 step %scan3A_4  : i32 {
      %mul3A_85 = arith.constant 1 : i32
      %mul3A_86 = arith.muli %scan3A_84, %mul3A_85 : i32
      %add3A_87 = arith.constant 0 : i32
      %add3A_88 = arith.addi %add3A_87, %mul3A_86 : i32
      %swap3A = arith.constant 0 : i32
      %swap3A_89 = arith.index_cast %swap3A : i32 to index
      %swap3A_90 = arith.index_cast %add3A_88 : i32 to index
      %swap3A_91 = arith.constant 0 : index
      %swap3A_92 = tpu.vector_load %arg6[%swap3A_89, %swap3A_90, %swap3A_91] {strides = array<i32>} : memref<2x80x128xf32, #tpu.memory_space<vmem>>, vector<1x1x16xf32>,
      %swap3A_93 = vector.shape_cast %swap3A_92 : vector<1x1x16xf32> to vector<16xf32>
      %swap3A_94 = vector.shape_cast %broadcast_in_dim3A_1 : vector<16xf32> to vector<1x1x16xf32>
      tpu.vector_store %arg6[%swap3A_89, %swap3A_90, %swap3A_91], %swap3A_94 {strides = array<i32>} : memref<2x80x128xf32, #tpu.memory_space<vmem>>, vector<1x1x16xf32>,
      %swap3A_95 = arith.constant 0 : i32
      %swap3A_96 = arith.index_cast %swap3A_95 : i32 to index
      %swap3A_97 = arith.index_cast %add3A_88 : i32 to index
      %swap3A_98 = arith.constant 16 : index
      %swap3A_99 = tpu.vector_load %arg6[%swap3A_96, %swap3A_97, %swap3A_98] {strides = array<i32>} : memref<2x80x128xf32, #tpu.memory_space<vmem>>, vector<1x1x16xf32>,
      %swap3A_100 = vector.shape_cast %swap3A_99 : vector<1x1x16xf32> to vector<16xf32>
      %swap3A_101 = vector.shape_cast %broadcast_in_dim3A_1 : vector<16xf32> to vector<1x1x16xf32>
      tpu.vector_store %arg6[%swap3A_96, %swap3A_97, %swap3A_98], %swap3A_101 {strides = array<i32>} : memref<2x80x128xf32, #tpu.memory_space<vmem>>, vector<1x1x16xf32>,
      %swap3A_102 = arith.constant 0 : i32
      %swap3A_103 = arith.index_cast %swap3A_102 : i32 to index
      %swap3A_104 = arith.index_cast %add3A_88 : i32 to index
      %swap3A_105 = arith.constant 32 : index
      %swap3A_106 = tpu.vector_load %arg6[%swap3A_103, %swap3A_104, %swap3A_105] {strides = array<i32>} : memref<2x80x128xf32, #tpu.memory_space<vmem>>, vector<1x1x16xf32>,
      %swap3A_107 = vector.shape_cast %swap3A_106 : vector<1x1x16xf32> to vector<16xf32>
      %swap3A_108 = vector.shape_cast %broadcast_in_dim3A_1 : vector<16xf32> to vector<1x1x16xf32>
      tpu.vector_store %arg6[%swap3A_103, %swap3A_104, %swap3A_105], %swap3A_108 {strides = array<i32>} : memref<2x80x128xf32, #tpu.memory_space<vmem>>, vector<1x1x16xf32>,
      %swap3A_109 = arith.constant 0 : i32
      %swap3A_110 = arith.index_cast %swap3A_109 : i32 to index
      %swap3A_111 = arith.index_cast %add3A_88 : i32 to index
      %swap3A_112 = arith.constant 48 : index
      %swap3A_113 = tpu.vector_load %arg6[%swap3A_110, %swap3A_111, %swap3A_112] {strides = array<i32>} : memref<2x80x128xf32, #tpu.memory_space<vmem>>, vector<1x1x16xf32>,
      %swap3A_114 = vector.shape_cast %swap3A_113 : vector<1x1x16xf32> to vector<16xf32>
      %swap3A_115 = vector.shape_cast %broadcast_in_dim3A_1 : vector<16xf32> to vector<1x1x16xf32>
      tpu.vector_store %arg6[%swap3A_110, %swap3A_111, %swap3A_112], %swap3A_115 {strides = array<i32>} : memref<2x80x128xf32, #tpu.memory_space<vmem>>, vector<1x1x16xf32>,
      %swap3A_116 = arith.constant 0 : i32
      %swap3A_117 = arith.index_cast %swap3A_116 : i32 to index
      %swap3A_118 = arith.index_cast %add3A_88 : i32 to index
      %swap3A_119 = arith.constant 64 : index
      %swap3A_120 = tpu.vector_load %arg6[%swap3A_117, %swap3A_118, %swap3A_119] {strides = array<i32>} : memref<2x80x128xf32, #tpu.memory_space<vmem>>, vector<1x1x16xf32>,
      %swap3A_121 = vector.shape_cast %swap3A_120 : vector<1x1x16xf32> to vector<16xf32>
      %swap3A_122 = vector.shape_cast %broadcast_in_dim3A_1 : vector<16xf32> to vector<1x1x16xf32>
      tpu.vector_store %arg6[%swap3A_117, %swap3A_118, %swap3A_119], %swap3A_122 {strides = array<i32>} : memref<2x80x128xf32, #tpu.memory_space<vmem>>, vector<1x1x16xf32>,
      %swap3A_123 = arith.constant 0 : i32
      %swap3A_124 = arith.index_cast %swap3A_123 : i32 to index
      %swap3A_125 = arith.index_cast %add3A_88 : i32 to index
      %swap3A_126 = arith.constant 80 : index
      %swap3A_127 = tpu.vector_load %arg6[%swap3A_124, %swap3A_125, %swap3A_126] {strides = array<i32>} : memref<2x80x128xf32, #tpu.memory_space<vmem>>, vector<1x1x16xf32>,
      %swap3A_128 = vector.shape_cast %swap3A_127 : vector<1x1x16xf32> to vector<16xf32>
      %swap3A_129 = vector.shape_cast %broadcast_in_dim3A_1 : vector<16xf32> to vector<1x1x16xf32>
      tpu.vector_store %arg6[%swap3A_124, %swap3A_125, %swap3A_126], %swap3A_129 {strides = array<i32>} : memref<2x80x128xf32, #tpu.memory_space<vmem>>, vector<1x1x16xf32>,
      %swap3A_130 = arith.constant 0 : i32
      %swap3A_131 = arith.index_cast %swap3A_130 : i32 to index
      %swap3A_132 = arith.index_cast %add3A_88 : i32 to index
      %swap3A_133 = arith.constant 96 : index
      %swap3A_134 = tpu.vector_load %arg6[%swap3A_131, %swap3A_132, %swap3A_133] {strides = array<i32>} : memref<2x80x128xf32, #tpu.memory_space<vmem>>, vector<1x1x16xf32>,
      %swap3A_135 = vector.shape_cast %swap3A_134 : vector<1x1x16xf32> to vector<16xf32>
      %swap3A_136 = vector.shape_cast %broadcast_in_dim3A_1 : vector<16xf32> to vector<1x1x16xf32>
      tpu.vector_store %arg6[%swap3A_131, %swap3A_132, %swap3A_133], %swap3A_136 {strides = array<i32>} : memref<2x80x128xf32, #tpu.memory_space<vmem>>, vector<1x1x16xf32>,
      %swap3A_137 = arith.constant 0 : i32
      %swap3A_138 = arith.index_cast %swap3A_137 : i32 to index
      %swap3A_139 = arith.index_cast %add3A_88 : i32 to index
      %swap3A_140 = arith.constant 112 : index
      %swap3A_141 = tpu.vector_load %arg6[%swap3A_138, %swap3A_139, %swap3A_140] {strides = array<i32>} : memref<2x80x128xf32, #tpu.memory_space<vmem>>, vector<1x1x16xf32>,
      %swap3A_142 = vector.shape_cast %swap3A_141 : vector<1x1x16xf32> to vector<16xf32>
      %swap3A_143 = vector.shape_cast %broadcast_in_dim3A_1 : vector<16xf32> to vector<1x1x16xf32>
      tpu.vector_store %arg6[%swap3A_138, %swap3A_139, %swap3A_140], %swap3A_143 {strides = array<i32>} : memref<2x80x128xf32, #tpu.memory_space<vmem>>, vector<1x1x16xf32>,
    }
    %scan3A_5 = arith.constant 80 : i32
    %scan3A_6 = arith.constant 0 : i32
    %scan3A_7 = arith.constant 8 : i32
    %scan3A_8 = arith.addi %scan3A_6, %scan3A_7 : i32
    %scan3A_9 = arith.constant 1 : i32
    scf.for %scan3A_84 = %scan3A_6 to %scan3A_8 step %scan3A_9  : i32 {
      %mul3A_85 = arith.constant 1 : i32
      %mul3A_86 = arith.muli %scan3A_84, %mul3A_85 : i32
      %add3A_87 = arith.constant 0 : i32
      %add3A_88 = arith.addi %add3A_87, %mul3A_86 : i32
      %mul3A_89 = arith.constant 640 : i32
      %mul3A_90 = arith.muli %arg1, %mul3A_89 : i32
      %mul3A_91 = arith.constant 80 : i32
      %mul3A_92 = arith.muli %add3A_88, %mul3A_91 : i32
      %add3A_93 = arith.addi %mul3A_90, %mul3A_92 : i32
      %run_scoped3A = arith.constant 0 : i32
      "tpu.region"() ({
        %run_scoped3A_94 = tpu.sem_alloc : memref<!tpu.dma_semaphore, #tpu.memory_space<semaphore_mem>>
        %dma_start3A_95 = arith.constant 0 : i32
        %dma_start3A_96 = arith.constant 0 : i32
        %dma_start3A_97 = tpu.memref_slice %arg6[%run_scoped3A, %dma_start3A_95, %dma_start3A_96] : memref<2x80x128xf32, #tpu.memory_space<vmem>> -> memref<1x80x128xf32, #tpu.memory_space<vmem>>
        %dma_start3A_98 = tpu.memref_squeeze %dma_start3A_97 : memref<1x80x128xf32, #tpu.memory_space<vmem>> -> memref<80x128xf32, #tpu.memory_space<vmem>>
        %dma_start3A_99 = arith.constant 0 : i32
        %dma_start3A_100 = tpu.memref_slice %arg7[%add3A_93, %dma_start3A_99] : memref<10240x128xf32, #tpu.memory_space<vmem_shared>> -> memref<80x128xf32, #tpu.memory_space<vmem_shared>>
        %dma_start3A_101 = arith.constant 0 : i32
        %dma_start3A_102 = tpu.memref_slice %arg7[%add3A_93, %dma_start3A_101] : memref<10240x128xf32, #tpu.memory_space<vmem_shared>> -> memref<80x128xf32, #tpu.memory_space<vmem_shared>>
        %dma_start3A_103 = arith.constant 0 : i32
        %dma_start3A_104 = arith.constant 0 : i32
        %dma_start3A_105 = tpu.memref_slice %arg6[%run_scoped3A, %dma_start3A_103, %dma_start3A_104] : memref<2x80x128xf32, #tpu.memory_space<vmem>> -> memref<1x80x128xf32, #tpu.memory_space<vmem>>
        %dma_start3A_106 = tpu.memref_squeeze %dma_start3A_105 : memref<1x80x128xf32, #tpu.memory_space<vmem>> -> memref<80x128xf32, #tpu.memory_space<vmem>>
        tpu.enqueue_dma source(%dma_start3A_106 : memref<80x128xf32, #tpu.memory_space<vmem>>) target(%dma_start3A_102 : memref<80x128xf32, #tpu.memory_space<vmem_shared>>) target_semaphore(%run_scoped3A_94 : memref<!tpu.dma_semaphore, #tpu.memory_space<semaphore_mem>>)
        %dma_wait3A_107 = arith.constant 0 : i32
        %dma_wait3A_108 = arith.constant 0 : i32
        %dma_wait3A_109 = tpu.memref_slice %arg6[%run_scoped3A, %dma_wait3A_107, %dma_wait3A_108] : memref<2x80x128xf32, #tpu.memory_space<vmem>> -> memref<1x80x128xf32, #tpu.memory_space<vmem>>
        %dma_wait3A_110 = tpu.memref_squeeze %dma_wait3A_109 : memref<1x80x128xf32, #tpu.memory_space<vmem>> -> memref<80x128xf32, #tpu.memory_space<vmem>>
        %dma_wait3A_111 = arith.constant 0 : i32
        %dma_wait3A_112 = tpu.memref_slice %arg7[%add3A_93, %dma_wait3A_111] : memref<10240x128xf32, #tpu.memory_space<vmem_shared>> -> memref<80x128xf32, #tpu.memory_space<vmem_shared>>
        %dma_wait3A_113 = arith.constant 0 : i32
        %dma_wait3A_114 = tpu.memref_slice %arg7[%add3A_93, %dma_wait3A_113] : memref<10240x128xf32, #tpu.memory_space<vmem_shared>> -> memref<80x128xf32, #tpu.memory_space<vmem_shared>>
        %dma_wait3A_115 = arith.constant 0 : i32
        %dma_wait3A_116 = arith.constant 0 : i32
        %dma_wait3A_117 = tpu.memref_slice %arg6[%run_scoped3A, %dma_wait3A_115, %dma_wait3A_116] : memref<2x80x128xf32, #tpu.memory_space<vmem>> -> memref<1x80x128xf32, #tpu.memory_space<vmem>>
        %dma_wait3A_118 = tpu.memref_squeeze %dma_wait3A_117 : memref<1x80x128xf32, #tpu.memory_space<vmem>> -> memref<80x128xf32, #tpu.memory_space<vmem>>
        tpu.wait_dma2 semaphore(%run_scoped3A_94 : memref<!tpu.dma_semaphore, #tpu.memory_space<semaphore_mem>>) src(%dma_wait3A_118 : memref<80x128xf32, #tpu.memory_space<vmem>>) dst(%dma_wait3A_114 : memref<80x128xf32, #tpu.memory_space<vmem_shared>>)
        tpu.yield
      }) : () -> ()
    }
    %scan3A_10 = arith.constant 8 : i32
    %barrier3A = arith.constant 0 : index
    tpu.barrier barrier_id(%barrier3A)
    %mul3A_11 = arith.constant 125 : i32
    %mul3A_12 = arith.muli %add3A, %mul3A_11 : i32
    %add3A_13 = arith.constant 0 : i32
    %add3A_14 = arith.addi %mul3A_12, %add3A_13 : i32
    "tpu.region"() ({
      %run_scoped3A = tpu.sem_alloc : memref<!tpu.dma_semaphore, #tpu.memory_space<semaphore_mem>>
      %dma_start3A_84 = arith.constant 0 : i32
      %dma_start3A_85 = arith.constant 0 : i32
      %dma_start3A_86 = arith.constant 0 : i32
      %dma_start3A_87 = tpu.memref_slice %arg5[%dma_start3A_84, %dma_start3A_85, %dma_start3A_86] : memref<63x2x80xi32, #tpu.memory_space<vmem>> -> memref<63x2x80xi32, #tpu.memory_space<vmem>>
      %dma_start3A_88 = arith.constant 0 : i32
      %dma_start3A_89 = arith.constant 0 : i32
      %dma_start3A_90 = tpu.memref_slice %arg3[%add3A_14, %dma_start3A_88, %dma_start3A_89] : memref<4000x2x80xi32, #tpu.memory_space<hbm>> -> memref<63x2x80xi32, #tpu.memory_space<hbm>>
      %dma_start3A_91 = arith.constant 0 : i32
      %dma_start3A_92 = arith.constant 0 : i32
      %dma_start3A_93 = arith.constant 0 : i32
      %dma_start3A_94 = tpu.memref_slice %arg5[%dma_start3A_91, %dma_start3A_92, %dma_start3A_93] : memref<63x2x80xi32, #tpu.memory_space<vmem>> -> memref<63x2x80xi32, #tpu.memory_space<vmem>>
      %dma_start3A_95 = arith.constant 0 : i32
      %dma_start3A_96 = arith.constant 0 : i32
      %dma_start3A_97 = tpu.memref_slice %arg3[%add3A_14, %dma_start3A_95, %dma_start3A_96] : memref<4000x2x80xi32, #tpu.memory_space<hbm>> -> memref<63x2x80xi32, #tpu.memory_space<hbm>>
      tpu.enqueue_dma source(%dma_start3A_97 : memref<63x2x80xi32, #tpu.memory_space<hbm>>) target(%dma_start3A_94 : memref<63x2x80xi32, #tpu.memory_space<vmem>>) target_semaphore(%run_scoped3A : memref<!tpu.dma_semaphore, #tpu.memory_space<semaphore_mem>>)
      %dma_wait3A_98 = arith.constant 0 : i32
      %dma_wait3A_99 = arith.constant 0 : i32
      %dma_wait3A_100 = arith.constant 0 : i32
      %dma_wait3A_101 = tpu.memref_slice %arg5[%dma_wait3A_98, %dma_wait3A_99, %dma_wait3A_100] : memref<63x2x80xi32, #tpu.memory_space<vmem>> -> memref<63x2x80xi32, #tpu.memory_space<vmem>>
      %dma_wait3A_102 = arith.constant 0 : i32
      %dma_wait3A_103 = arith.constant 0 : i32
      %dma_wait3A_104 = tpu.memref_slice %arg3[%add3A_14, %dma_wait3A_102, %dma_wait3A_103] : memref<4000x2x80xi32, #tpu.memory_space<hbm>> -> memref<63x2x80xi32, #tpu.memory_space<hbm>>
      %dma_wait3A_105 = arith.constant 0 : i32
      %dma_wait3A_106 = arith.constant 0 : i32
      %dma_wait3A_107 = arith.constant 0 : i32
      %dma_wait3A_108 = tpu.memref_slice %arg5[%dma_wait3A_105, %dma_wait3A_106, %dma_wait3A_107] : memref<63x2x80xi32, #tpu.memory_space<vmem>> -> memref<63x2x80xi32, #tpu.memory_space<vmem>>
      %dma_wait3A_109 = arith.constant 0 : i32
      %dma_wait3A_110 = arith.constant 0 : i32
      %dma_wait3A_111 = tpu.memref_slice %arg3[%add3A_14, %dma_wait3A_109, %dma_wait3A_110] : memref<4000x2x80xi32, #tpu.memory_space<hbm>> -> memref<63x2x80xi32, #tpu.memory_space<hbm>>
      tpu.wait_dma2 semaphore(%run_scoped3A : memref<!tpu.dma_semaphore, #tpu.memory_space<semaphore_mem>>) src(%dma_wait3A_111 : memref<63x2x80xi32, #tpu.memory_space<hbm>>) dst(%dma_wait3A_108 : memref<63x2x80xi32, #tpu.memory_space<vmem>>)
      tpu.yield
    }) : () -> ()
    %scan3A_15 = arith.constant 0 : i32
    %scan3A_16 = arith.constant 31 : i32
    %scan3A_17 = arith.addi %scan3A_15, %scan3A_16 : i32
    %scan3A_18 = arith.constant 1 : i32
    scf.for %scan3A_84 = %scan3A_15 to %scan3A_17 step %scan3A_18  : i32 {
      %mul3A_85 = arith.constant 1 : i32
      %mul3A_86 = arith.muli %scan3A_84, %mul3A_85 : i32
      %add3A_87 = arith.constant 0 : i32
      %add3A_88 = arith.addi %add3A_87, %mul3A_86 : i32
      %mul3A_89 = arith.constant 2 : i32
      %mul3A_90 = arith.muli %add3A_88, %mul3A_89 : i32
      %add3A_91 = arith.constant 0 : i32
      %add3A_92 = arith.addi %mul3A_90, %add3A_91 : i32
      %dma_start3A_93 = arith.constant 0 : i32
      %dma_start3A_94 = arith.constant 0 : i32
      %dma_start3A_95 = arith.constant 0 : i32
      %dma_start3A_96 = arith.constant 0 : i32
      %dma_start3A_97 = tpu.memref_slice %arg6[%dma_start3A_94, %dma_start3A_95, %dma_start3A_96] : memref<2x80x128xf32, #tpu.memory_space<vmem>> -> memref<1x80x128xf32, #tpu.memory_space<vmem>>
      %dma_start3A_98 = tpu.memref_squeeze %dma_start3A_97 : memref<1x80x128xf32, #tpu.memory_space<vmem>> -> memref<80x128xf32, #tpu.memory_space<vmem>>
      %dma_start3A_99 = arith.constant 0 : i32
      %dma_start3A_100 = tpu.memref_slice %arg5[%add3A_92, %dma_start3A_93, %dma_start3A_99] : memref<63x2x80xi32, #tpu.memory_space<vmem>> -> memref<1x1x80xi32, #tpu.memory_space<vmem>>
      %dma_start3A_101 = tpu.memref_squeeze %dma_start3A_100 : memref<1x1x80xi32, #tpu.memory_space<vmem>> -> memref<80xi32, #tpu.memory_space<vmem>>
      %dma_start3A_102 = arith.constant 0 : i32
      %dma_start3A_103 = arith.constant 0 : i32
      %dma_start3A_104 = tpu.memref_slice %arg2[%dma_start3A_102, %dma_start3A_103] : memref<10000x128xf32, #tpu.memory_space<hbm>> -> memref<10000x128xf32, #tpu.memory_space<hbm>>
      tpu.enqueue_indirect_dma source(%dma_start3A_104 : memref<10000x128xf32, #tpu.memory_space<hbm>>) target(%dma_start3A_98 : memref<80x128xf32, #tpu.memory_space<vmem>>) offsets(%dma_start3A_101 : memref<80xi32, #tpu.memory_space<vmem>>) semaphore(%arg8 : memref<!tpu.dma_semaphore, #tpu.memory_space<semaphore_mem>>)
      %add3A_105 = arith.constant 1 : i32
      %add3A_106 = arith.addi %mul3A_90, %add3A_105 : i32
      %dma_start3A_107 = arith.constant 0 : i32
      %dma_start3A_108 = arith.constant 1 : i32
      %dma_start3A_109 = arith.constant 0 : i32
      %dma_start3A_110 = arith.constant 0 : i32
      %dma_start3A_111 = tpu.memref_slice %arg6[%dma_start3A_108, %dma_start3A_109, %dma_start3A_110] : memref<2x80x128xf32, #tpu.memory_space<vmem>> -> memref<1x80x128xf32, #tpu.memory_space<vmem>>
      %dma_start3A_112 = tpu.memref_squeeze %dma_start3A_111 : memref<1x80x128xf32, #tpu.memory_space<vmem>> -> memref<80x128xf32, #tpu.memory_space<vmem>>
      %dma_start3A_113 = arith.constant 0 : i32
      %dma_start3A_114 = tpu.memref_slice %arg5[%add3A_106, %dma_start3A_107, %dma_start3A_113] : memref<63x2x80xi32, #tpu.memory_space<vmem>> -> memref<1x1x80xi32, #tpu.memory_space<vmem>>
      %dma_start3A_115 = tpu.memref_squeeze %dma_start3A_114 : memref<1x1x80xi32, #tpu.memory_space<vmem>> -> memref<80xi32, #tpu.memory_space<vmem>>
      %dma_start3A_116 = arith.constant 0 : i32
      %dma_start3A_117 = arith.constant 0 : i32
      %dma_start3A_118 = tpu.memref_slice %arg2[%dma_start3A_116, %dma_start3A_117] : memref<10000x128xf32, #tpu.memory_space<hbm>> -> memref<10000x128xf32, #tpu.memory_space<hbm>>
      tpu.enqueue_indirect_dma source(%dma_start3A_118 : memref<10000x128xf32, #tpu.memory_space<hbm>>) target(%dma_start3A_112 : memref<80x128xf32, #tpu.memory_space<vmem>>) offsets(%dma_start3A_115 : memref<80xi32, #tpu.memory_space<vmem>>) semaphore(%arg8 : memref<!tpu.dma_semaphore, #tpu.memory_space<semaphore_mem>>)
      %dma_wait3A_119 = arith.constant 0 : i32
      %dma_wait3A_120 = arith.constant 0 : i32
      %dma_wait3A_121 = arith.constant 0 : i32
      %dma_wait3A_122 = arith.constant 0 : i32
      %dma_wait3A_123 = tpu.memref_slice %arg6[%dma_wait3A_120, %dma_wait3A_121, %dma_wait3A_122] : memref<2x80x128xf32, #tpu.memory_space<vmem>> -> memref<1x80x128xf32, #tpu.memory_space<vmem>>
      %dma_wait3A_124 = tpu.memref_squeeze %dma_wait3A_123 : memref<1x80x128xf32, #tpu.memory_space<vmem>> -> memref<80x128xf32, #tpu.memory_space<vmem>>
      %dma_wait3A_125 = arith.constant 0 : i32
      %dma_wait3A_126 = tpu.memref_slice %arg5[%add3A_92, %dma_wait3A_119, %dma_wait3A_125] : memref<63x2x80xi32, #tpu.memory_space<vmem>> -> memref<1x1x80xi32, #tpu.memory_space<vmem>>
      %dma_wait3A_127 = tpu.memref_squeeze %dma_wait3A_126 : memref<1x1x80xi32, #tpu.memory_space<vmem>> -> memref<80xi32, #tpu.memory_space<vmem>>
      %dma_wait3A_128 = arith.constant 0 : i32
      %dma_wait3A_129 = arith.constant 0 : i32
      %dma_wait3A_130 = tpu.memref_slice %arg2[%dma_wait3A_128, %dma_wait3A_129] : memref<10000x128xf32, #tpu.memory_space<hbm>> -> memref<10000x128xf32, #tpu.memory_space<hbm>>
      tpu.wait_indirect_dma semaphore(%arg8 : memref<!tpu.dma_semaphore, #tpu.memory_space<semaphore_mem>>) src(%dma_wait3A_130 : memref<10000x128xf32, #tpu.memory_space<hbm>>) dst(%dma_wait3A_124 : memref<80x128xf32, #tpu.memory_space<vmem>>)
      %dma_wait3A_131 = arith.constant 0 : i32
      %dma_wait3A_132 = arith.constant 1 : i32
      %dma_wait3A_133 = arith.constant 0 : i32
      %dma_wait3A_134 = arith.constant 0 : i32
      %dma_wait3A_135 = tpu.memref_slice %arg6[%dma_wait3A_132, %dma_wait3A_133, %dma_wait3A_134] : memref<2x80x128xf32, #tpu.memory_space<vmem>> -> memref<1x80x128xf32, #tpu.memory_space<vmem>>
      %dma_wait3A_136 = tpu.memref_squeeze %dma_wait3A_135 : memref<1x80x128xf32, #tpu.memory_space<vmem>> -> memref<80x128xf32, #tpu.memory_space<vmem>>
      %dma_wait3A_137 = arith.constant 0 : i32
      %dma_wait3A_138 = tpu.memref_slice %arg5[%add3A_106, %dma_wait3A_131, %dma_wait3A_137] : memref<63x2x80xi32, #tpu.memory_space<vmem>> -> memref<1x1x80xi32, #tpu.memory_space<vmem>>
      %dma_wait3A_139 = tpu.memref_squeeze %dma_wait3A_138 : memref<1x1x80xi32, #tpu.memory_space<vmem>> -> memref<80xi32, #tpu.memory_space<vmem>>
      %dma_wait3A_140 = arith.constant 0 : i32
      %dma_wait3A_141 = arith.constant 0 : i32
      %dma_wait3A_142 = tpu.memref_slice %arg2[%dma_wait3A_140, %dma_wait3A_141] : memref<10000x128xf32, #tpu.memory_space<hbm>> -> memref<10000x128xf32, #tpu.memory_space<hbm>>
      tpu.wait_indirect_dma semaphore(%arg8 : memref<!tpu.dma_semaphore, #tpu.memory_space<semaphore_mem>>) src(%dma_wait3A_142 : memref<10000x128xf32, #tpu.memory_space<hbm>>) dst(%dma_wait3A_136 : memref<80x128xf32, #tpu.memory_space<vmem>>)
      %add3A_143 = arith.constant 0 : i32
      %add3A_144 = arith.addi %mul3A_90, %add3A_143 : i32
      %dma_start3A_145 = arith.constant 0 : i32
      %dma_start3A_146 = arith.constant 1 : i32
      %dma_start3A_147 = arith.constant 0 : i32
      %dma_start3A_148 = arith.constant 0 : i32
      %dma_start3A_149 = tpu.memref_slice %arg6[%dma_start3A_145, %dma_start3A_147, %dma_start3A_148] : memref<2x80x128xf32, #tpu.memory_space<vmem>> -> memref<1x80x128xf32, #tpu.memory_space<vmem>>
      %dma_start3A_150 = tpu.memref_squeeze %dma_start3A_149 : memref<1x80x128xf32, #tpu.memory_space<vmem>> -> memref<80x128xf32, #tpu.memory_space<vmem>>
      %dma_start3A_151 = arith.constant 0 : i32
      %dma_start3A_152 = tpu.memref_slice %arg5[%add3A_144, %dma_start3A_146, %dma_start3A_151] : memref<63x2x80xi32, #tpu.memory_space<vmem>> -> memref<1x1x80xi32, #tpu.memory_space<vmem>>
      %dma_start3A_153 = tpu.memref_squeeze %dma_start3A_152 : memref<1x1x80xi32, #tpu.memory_space<vmem>> -> memref<80xi32, #tpu.memory_space<vmem>>
      %dma_start3A_154 = arith.constant 0 : i32
      %dma_start3A_155 = arith.constant 0 : i32
      %dma_start3A_156 = tpu.memref_slice %arg7[%dma_start3A_154, %dma_start3A_155] : memref<10240x128xf32, #tpu.memory_space<vmem_shared>> -> memref<10240x128xf32, #tpu.memory_space<vmem_shared>>
      tpu.enqueue_indirect_dma source(%dma_start3A_150 : memref<80x128xf32, #tpu.memory_space<vmem>>) target(%dma_start3A_156 : memref<10240x128xf32, #tpu.memory_space<vmem_shared>>) offsets(%dma_start3A_153 : memref<80xi32, #tpu.memory_space<vmem>>) semaphore(%arg9 : memref<!tpu.dma_semaphore, #tpu.memory_space<semaphore_mem>>) {add = true}
      %add3A_157 = arith.constant 1 : i32
      %add3A_158 = arith.addi %mul3A_90, %add3A_157 : i32
      %dma_start3A_159 = arith.constant 1 : i32
      %dma_start3A_160 = arith.constant 1 : i32
      %dma_start3A_161 = arith.constant 0 : i32
      %dma_start3A_162 = arith.constant 0 : i32
      %dma_start3A_163 = tpu.memref_slice %arg6[%dma_start3A_159, %dma_start3A_161, %dma_start3A_162] : memref<2x80x128xf32, #tpu.memory_space<vmem>> -> memref<1x80x128xf32, #tpu.memory_space<vmem>>
      %dma_start3A_164 = tpu.memref_squeeze %dma_start3A_163 : memref<1x80x128xf32, #tpu.memory_space<vmem>> -> memref<80x128xf32, #tpu.memory_space<vmem>>
      %dma_start3A_165 = arith.constant 0 : i32
      %dma_start3A_166 = tpu.memref_slice %arg5[%add3A_158, %dma_start3A_160, %dma_start3A_165] : memref<63x2x80xi32, #tpu.memory_space<vmem>> -> memref<1x1x80xi32, #tpu.memory_space<vmem>>
      %dma_start3A_167 = tpu.memref_squeeze %dma_start3A_166 : memref<1x1x80xi32, #tpu.memory_space<vmem>> -> memref<80xi32, #tpu.memory_space<vmem>>
      %dma_start3A_168 = arith.constant 0 : i32
      %dma_start3A_169 = arith.constant 0 : i32
      %dma_start3A_170 = tpu.memref_slice %arg7[%dma_start3A_168, %dma_start3A_169] : memref<10240x128xf32, #tpu.memory_space<vmem_shared>> -> memref<10240x128xf32, #tpu.memory_space<vmem_shared>>
      tpu.enqueue_indirect_dma source(%dma_start3A_164 : memref<80x128xf32, #tpu.memory_space<vmem>>) target(%dma_start3A_170 : memref<10240x128xf32, #tpu.memory_space<vmem_shared>>) offsets(%dma_start3A_167 : memref<80xi32, #tpu.memory_space<vmem>>) semaphore(%arg9 : memref<!tpu.dma_semaphore, #tpu.memory_space<semaphore_mem>>) {add = true}
      %dma_wait3A_171 = arith.constant 0 : i32
      %dma_wait3A_172 = arith.constant 1 : i32
      %dma_wait3A_173 = arith.constant 0 : i32
      %dma_wait3A_174 = arith.constant 0 : i32
      %dma_wait3A_175 = tpu.memref_slice %arg6[%dma_wait3A_171, %dma_wait3A_173, %dma_wait3A_174] : memref<2x80x128xf32, #tpu.memory_space<vmem>> -> memref<1x80x128xf32, #tpu.memory_space<vmem>>
      %dma_wait3A_176 = tpu.memref_squeeze %dma_wait3A_175 : memref<1x80x128xf32, #tpu.memory_space<vmem>> -> memref<80x128xf32, #tpu.memory_space<vmem>>
      %dma_wait3A_177 = arith.constant 0 : i32
      %dma_wait3A_178 = tpu.memref_slice %arg5[%add3A_144, %dma_wait3A_172, %dma_wait3A_177] : memref<63x2x80xi32, #tpu.memory_space<vmem>> -> memref<1x1x80xi32, #tpu.memory_space<vmem>>
      %dma_wait3A_179 = tpu.memref_squeeze %dma_wait3A_178 : memref<1x1x80xi32, #tpu.memory_space<vmem>> -> memref<80xi32, #tpu.memory_space<vmem>>
      %dma_wait3A_180 = arith.constant 0 : i32
      %dma_wait3A_181 = arith.constant 0 : i32
      %dma_wait3A_182 = tpu.memref_slice %arg7[%dma_wait3A_180, %dma_wait3A_181] : memref<10240x128xf32, #tpu.memory_space<vmem_shared>> -> memref<10240x128xf32, #tpu.memory_space<vmem_shared>>
      tpu.wait_indirect_dma semaphore(%arg9 : memref<!tpu.dma_semaphore, #tpu.memory_space<semaphore_mem>>) src(%dma_wait3A_176 : memref<80x128xf32, #tpu.memory_space<vmem>>) dst(%dma_wait3A_182 : memref<10240x128xf32, #tpu.memory_space<vmem_shared>>)
      %dma_wait3A_183 = arith.constant 1 : i32
      %dma_wait3A_184 = arith.constant 1 : i32
      %dma_wait3A_185 = arith.constant 0 : i32
      %dma_wait3A_186 = arith.constant 0 : i32
      %dma_wait3A_187 = tpu.memref_slice %arg6[%dma_wait3A_183, %dma_wait3A_185, %dma_wait3A_186] : memref<2x80x128xf32, #tpu.memory_space<vmem>> -> memref<1x80x128xf32, #tpu.memory_space<vmem>>
      %dma_wait3A_188 = tpu.memref_squeeze %dma_wait3A_187 : memref<1x80x128xf32, #tpu.memory_space<vmem>> -> memref<80x128xf32, #tpu.memory_space<vmem>>
      %dma_wait3A_189 = arith.constant 0 : i32
      %dma_wait3A_190 = tpu.memref_slice %arg5[%add3A_158, %dma_wait3A_184, %dma_wait3A_189] : memref<63x2x80xi32, #tpu.memory_space<vmem>> -> memref<1x1x80xi32, #tpu.memory_space<vmem>>
      %dma_wait3A_191 = tpu.memref_squeeze %dma_wait3A_190 : memref<1x1x80xi32, #tpu.memory_space<vmem>> -> memref<80xi32, #tpu.memory_space<vmem>>
      %dma_wait3A_192 = arith.constant 0 : i32
      %dma_wait3A_193 = arith.constant 0 : i32
      %dma_wait3A_194 = tpu.memref_slice %arg7[%dma_wait3A_192, %dma_wait3A_193] : memref<10240x128xf32, #tpu.memory_space<vmem_shared>> -> memref<10240x128xf32, #tpu.memory_space<vmem_shared>>
      tpu.wait_indirect_dma semaphore(%arg9 : memref<!tpu.dma_semaphore, #tpu.memory_space<semaphore_mem>>) src(%dma_wait3A_188 : memref<80x128xf32, #tpu.memory_space<vmem>>) dst(%dma_wait3A_194 : memref<10240x128xf32, #tpu.memory_space<vmem_shared>>)
    }
    %scan3A_19 = arith.constant 31 : i32
    %dma_start3A = arith.constant 62 : i32
    %dma_start3A_20 = arith.constant 0 : i32
    %dma_start3A_21 = arith.constant 0 : i32
    %dma_start3A_22 = arith.constant 0 : i32
    %dma_start3A_23 = arith.constant 0 : i32
    %dma_start3A_24 = tpu.memref_slice %arg6[%dma_start3A_21, %dma_start3A_22, %dma_start3A_23] : memref<2x80x128xf32, #tpu.memory_space<vmem>> -> memref<1x80x128xf32, #tpu.memory_space<vmem>>
    %dma_start3A_25 = tpu.memref_squeeze %dma_start3A_24 : memref<1x80x128xf32, #tpu.memory_space<vmem>> -> memref<80x128xf32, #tpu.memory_space<vmem>>
    %dma_start3A_26 = arith.constant 0 : i32
    %dma_start3A_27 = tpu.memref_slice %arg5[%dma_start3A, %dma_start3A_20, %dma_start3A_26] : memref<63x2x80xi32, #tpu.memory_space<vmem>> -> memref<1x1x80xi32, #tpu.memory_space<vmem>>
    %dma_start3A_28 = tpu.memref_squeeze %dma_start3A_27 : memref<1x1x80xi32, #tpu.memory_space<vmem>> -> memref<80xi32, #tpu.memory_space<vmem>>
    %dma_start3A_29 = arith.constant 0 : i32
    %dma_start3A_30 = arith.constant 0 : i32
    %dma_start3A_31 = tpu.memref_slice %arg2[%dma_start3A_29, %dma_start3A_30] : memref<10000x128xf32, #tpu.memory_space<hbm>> -> memref<10000x128xf32, #tpu.memory_space<hbm>>
    tpu.enqueue_indirect_dma source(%dma_start3A_31 : memref<10000x128xf32, #tpu.memory_space<hbm>>) target(%dma_start3A_25 : memref<80x128xf32, #tpu.memory_space<vmem>>) offsets(%dma_start3A_28 : memref<80xi32, #tpu.memory_space<vmem>>) semaphore(%arg8 : memref<!tpu.dma_semaphore, #tpu.memory_space<semaphore_mem>>)
    %dma_wait3A = arith.constant 62 : i32
    %dma_wait3A_32 = arith.constant 0 : i32
    %dma_wait3A_33 = arith.constant 0 : i32
    %dma_wait3A_34 = arith.constant 0 : i32
    %dma_wait3A_35 = arith.constant 0 : i32
    %dma_wait3A_36 = tpu.memref_slice %arg6[%dma_wait3A_33, %dma_wait3A_34, %dma_wait3A_35] : memref<2x80x128xf32, #tpu.memory_space<vmem>> -> memref<1x80x128xf32, #tpu.memory_space<vmem>>
    %dma_wait3A_37 = tpu.memref_squeeze %dma_wait3A_36 : memref<1x80x128xf32, #tpu.memory_space<vmem>> -> memref<80x128xf32, #tpu.memory_space<vmem>>
    %dma_wait3A_38 = arith.constant 0 : i32
    %dma_wait3A_39 = tpu.memref_slice %arg5[%dma_wait3A, %dma_wait3A_32, %dma_wait3A_38] : memref<63x2x80xi32, #tpu.memory_space<vmem>> -> memref<1x1x80xi32, #tpu.memory_space<vmem>>
    %dma_wait3A_40 = tpu.memref_squeeze %dma_wait3A_39 : memref<1x1x80xi32, #tpu.memory_space<vmem>> -> memref<80xi32, #tpu.memory_space<vmem>>
    %dma_wait3A_41 = arith.constant 0 : i32
    %dma_wait3A_42 = arith.constant 0 : i32
    %dma_wait3A_43 = tpu.memref_slice %arg2[%dma_wait3A_41, %dma_wait3A_42] : memref<10000x128xf32, #tpu.memory_space<hbm>> -> memref<10000x128xf32, #tpu.memory_space<hbm>>
    tpu.wait_indirect_dma semaphore(%arg8 : memref<!tpu.dma_semaphore, #tpu.memory_space<semaphore_mem>>) src(%dma_wait3A_43 : memref<10000x128xf32, #tpu.memory_space<hbm>>) dst(%dma_wait3A_37 : memref<80x128xf32, #tpu.memory_space<vmem>>)
    %dma_start3A_44 = arith.constant 0 : i32
    %dma_start3A_45 = arith.constant 62 : i32
    %dma_start3A_46 = arith.constant 1 : i32
    %dma_start3A_47 = arith.constant 0 : i32
    %dma_start3A_48 = arith.constant 0 : i32
    %dma_start3A_49 = tpu.memref_slice %arg6[%dma_start3A_44, %dma_start3A_47, %dma_start3A_48] : memref<2x80x128xf32, #tpu.memory_space<vmem>> -> memref<1x80x128xf32, #tpu.memory_space<vmem>>
    %dma_start3A_50 = tpu.memref_squeeze %dma_start3A_49 : memref<1x80x128xf32, #tpu.memory_space<vmem>> -> memref<80x128xf32, #tpu.memory_space<vmem>>
    %dma_start3A_51 = arith.constant 0 : i32
    %dma_start3A_52 = tpu.memref_slice %arg5[%dma_start3A_45, %dma_start3A_46, %dma_start3A_51] : memref<63x2x80xi32, #tpu.memory_space<vmem>> -> memref<1x1x80xi32, #tpu.memory_space<vmem>>
    %dma_start3A_53 = tpu.memref_squeeze %dma_start3A_52 : memref<1x1x80xi32, #tpu.memory_space<vmem>> -> memref<80xi32, #tpu.memory_space<vmem>>
    %dma_start3A_54 = arith.constant 0 : i32
    %dma_start3A_55 = arith.constant 0 : i32
    %dma_start3A_56 = tpu.memref_slice %arg7[%dma_start3A_54, %dma_start3A_55] : memref<10240x128xf32, #tpu.memory_space<vmem_shared>> -> memref<10240x128xf32, #tpu.memory_space<vmem_shared>>
    tpu.enqueue_indirect_dma source(%dma_start3A_50 : memref<80x128xf32, #tpu.memory_space<vmem>>) target(%dma_start3A_56 : memref<10240x128xf32, #tpu.memory_space<vmem_shared>>) offsets(%dma_start3A_53 : memref<80xi32, #tpu.memory_space<vmem>>) semaphore(%arg9 : memref<!tpu.dma_semaphore, #tpu.memory_space<semaphore_mem>>) {add = true}
    %dma_wait3A_57 = arith.constant 0 : i32
    %dma_wait3A_58 = arith.constant 62 : i32
    %dma_wait3A_59 = arith.constant 1 : i32
    %dma_wait3A_60 = arith.constant 0 : i32
    %dma_wait3A_61 = arith.constant 0 : i32
    %dma_wait3A_62 = tpu.memref_slice %arg6[%dma_wait3A_57, %dma_wait3A_60, %dma_wait3A_61] : memref<2x80x128xf32, #tpu.memory_space<vmem>> -> memref<1x80x128xf32, #tpu.memory_space<vmem>>
    %dma_wait3A_63 = tpu.memref_squeeze %dma_wait3A_62 : memref<1x80x128xf32, #tpu.memory_space<vmem>> -> memref<80x128xf32, #tpu.memory_space<vmem>>
    %dma_wait3A_64 = arith.constant 0 : i32
    %dma_wait3A_65 = tpu.memref_slice %arg5[%dma_wait3A_58, %dma_wait3A_59, %dma_wait3A_64] : memref<63x2x80xi32, #tpu.memory_space<vmem>> -> memref<1x1x80xi32, #tpu.memory_space<vmem>>
    %dma_wait3A_66 = tpu.memref_squeeze %dma_wait3A_65 : memref<1x1x80xi32, #tpu.memory_space<vmem>> -> memref<80xi32, #tpu.memory_space<vmem>>
    %dma_wait3A_67 = arith.constant 0 : i32
    %dma_wait3A_68 = arith.constant 0 : i32
    %dma_wait3A_69 = tpu.memref_slice %arg7[%dma_wait3A_67, %dma_wait3A_68] : memref<10240x128xf32, #tpu.memory_space<vmem_shared>> -> memref<10240x128xf32, #tpu.memory_space<vmem_shared>>
    tpu.wait_indirect_dma semaphore(%arg9 : memref<!tpu.dma_semaphore, #tpu.memory_space<semaphore_mem>>) src(%dma_wait3A_63 : memref<80x128xf32, #tpu.memory_space<vmem>>) dst(%dma_wait3A_69 : memref<10240x128xf32, #tpu.memory_space<vmem_shared>>)
    %mul3A_70 = arith.constant 125 : i32
    %mul3A_71 = arith.muli %add3A, %mul3A_70 : i32
    %add3A_72 = arith.constant 63 : i32
    %add3A_73 = arith.addi %mul3A_71, %add3A_72 : i32
    "tpu.region"() ({
      %run_scoped3A = tpu.sem_alloc : memref<!tpu.dma_semaphore, #tpu.memory_space<semaphore_mem>>
      %dma_start3A_84 = arith.constant 0 : i32
      %dma_start3A_85 = arith.constant 0 : i32
      %dma_start3A_86 = arith.constant 0 : i32
      %dma_start3A_87 = tpu.memref_slice %arg5[%dma_start3A_84, %dma_start3A_85, %dma_start3A_86] : memref<63x2x80xi32, #tpu.memory_space<vmem>> -> memref<62x2x80xi32, #tpu.memory_space<vmem>>
      %dma_start3A_88 = arith.constant 0 : i32
      %dma_start3A_89 = arith.constant 0 : i32
      %dma_start3A_90 = tpu.memref_slice %arg3[%add3A_73, %dma_start3A_88, %dma_start3A_89] : memref<4000x2x80xi32, #tpu.memory_space<hbm>> -> memref<62x2x80xi32, #tpu.memory_space<hbm>>
      %dma_start3A_91 = arith.constant 0 : i32
      %dma_start3A_92 = arith.constant 0 : i32
      %dma_start3A_93 = arith.constant 0 : i32
      %dma_start3A_94 = tpu.memref_slice %arg5[%dma_start3A_91, %dma_start3A_92, %dma_start3A_93] : memref<63x2x80xi32, #tpu.memory_space<vmem>> -> memref<62x2x80xi32, #tpu.memory_space<vmem>>
      %dma_start3A_95 = arith.constant 0 : i32
      %dma_start3A_96 = arith.constant 0 : i32
      %dma_start3A_97 = tpu.memref_slice %arg3[%add3A_73, %dma_start3A_95, %dma_start3A_96] : memref<4000x2x80xi32, #tpu.memory_space<hbm>> -> memref<62x2x80xi32, #tpu.memory_space<hbm>>
      tpu.enqueue_dma source(%dma_start3A_97 : memref<62x2x80xi32, #tpu.memory_space<hbm>>) target(%dma_start3A_94 : memref<62x2x80xi32, #tpu.memory_space<vmem>>) target_semaphore(%run_scoped3A : memref<!tpu.dma_semaphore, #tpu.memory_space<semaphore_mem>>)
      %dma_wait3A_98 = arith.constant 0 : i32
      %dma_wait3A_99 = arith.constant 0 : i32
      %dma_wait3A_100 = arith.constant 0 : i32
      %dma_wait3A_101 = tpu.memref_slice %arg5[%dma_wait3A_98, %dma_wait3A_99, %dma_wait3A_100] : memref<63x2x80xi32, #tpu.memory_space<vmem>> -> memref<62x2x80xi32, #tpu.memory_space<vmem>>
      %dma_wait3A_102 = arith.constant 0 : i32
      %dma_wait3A_103 = arith.constant 0 : i32
      %dma_wait3A_104 = tpu.memref_slice %arg3[%add3A_73, %dma_wait3A_102, %dma_wait3A_103] : memref<4000x2x80xi32, #tpu.memory_space<hbm>> -> memref<62x2x80xi32, #tpu.memory_space<hbm>>
      %dma_wait3A_105 = arith.constant 0 : i32
      %dma_wait3A_106 = arith.constant 0 : i32
      %dma_wait3A_107 = arith.constant 0 : i32
      %dma_wait3A_108 = tpu.memref_slice %arg5[%dma_wait3A_105, %dma_wait3A_106, %dma_wait3A_107] : memref<63x2x80xi32, #tpu.memory_space<vmem>> -> memref<62x2x80xi32, #tpu.memory_space<vmem>>
      %dma_wait3A_109 = arith.constant 0 : i32
      %dma_wait3A_110 = arith.constant 0 : i32
      %dma_wait3A_111 = tpu.memref_slice %arg3[%add3A_73, %dma_wait3A_109, %dma_wait3A_110] : memref<4000x2x80xi32, #tpu.memory_space<hbm>> -> memref<62x2x80xi32, #tpu.memory_space<hbm>>
      tpu.wait_dma2 semaphore(%run_scoped3A : memref<!tpu.dma_semaphore, #tpu.memory_space<semaphore_mem>>) src(%dma_wait3A_111 : memref<62x2x80xi32, #tpu.memory_space<hbm>>) dst(%dma_wait3A_108 : memref<62x2x80xi32, #tpu.memory_space<vmem>>)
      tpu.yield
    }) : () -> ()
    %scan3A_74 = arith.constant 0 : i32
    %scan3A_75 = arith.constant 31 : i32
    %scan3A_76 = arith.addi %scan3A_74, %scan3A_75 : i32
    %scan3A_77 = arith.constant 1 : i32
    scf.for %scan3A_84 = %scan3A_74 to %scan3A_76 step %scan3A_77  : i32 {
      %mul3A_85 = arith.constant 1 : i32
      %mul3A_86 = arith.muli %scan3A_84, %mul3A_85 : i32
      %add3A_87 = arith.constant 0 : i32
      %add3A_88 = arith.addi %add3A_87, %mul3A_86 : i32
      %mul3A_89 = arith.constant 2 : i32
      %mul3A_90 = arith.muli %add3A_88, %mul3A_89 : i32
      %add3A_91 = arith.constant 0 : i32
      %add3A_92 = arith.addi %mul3A_90, %add3A_91 : i32
      %dma_start3A_93 = arith.constant 0 : i32
      %dma_start3A_94 = arith.constant 0 : i32
      %dma_start3A_95 = arith.constant 0 : i32
      %dma_start3A_96 = arith.constant 0 : i32
      %dma_start3A_97 = tpu.memref_slice %arg6[%dma_start3A_94, %dma_start3A_95, %dma_start3A_96] : memref<2x80x128xf32, #tpu.memory_space<vmem>> -> memref<1x80x128xf32, #tpu.memory_space<vmem>>
      %dma_start3A_98 = tpu.memref_squeeze %dma_start3A_97 : memref<1x80x128xf32, #tpu.memory_space<vmem>> -> memref<80x128xf32, #tpu.memory_space<vmem>>
      %dma_start3A_99 = arith.constant 0 : i32
      %dma_start3A_100 = tpu.memref_slice %arg5[%add3A_92, %dma_start3A_93, %dma_start3A_99] : memref<63x2x80xi32, #tpu.memory_space<vmem>> -> memref<1x1x80xi32, #tpu.memory_space<vmem>>
      %dma_start3A_101 = tpu.memref_squeeze %dma_start3A_100 : memref<1x1x80xi32, #tpu.memory_space<vmem>> -> memref<80xi32, #tpu.memory_space<vmem>>
      %dma_start3A_102 = arith.constant 0 : i32
      %dma_start3A_103 = arith.constant 0 : i32
      %dma_start3A_104 = tpu.memref_slice %arg2[%dma_start3A_102, %dma_start3A_103] : memref<10000x128xf32, #tpu.memory_space<hbm>> -> memref<10000x128xf32, #tpu.memory_space<hbm>>
      tpu.enqueue_indirect_dma source(%dma_start3A_104 : memref<10000x128xf32, #tpu.memory_space<hbm>>) target(%dma_start3A_98 : memref<80x128xf32, #tpu.memory_space<vmem>>) offsets(%dma_start3A_101 : memref<80xi32, #tpu.memory_space<vmem>>) semaphore(%arg8 : memref<!tpu.dma_semaphore, #tpu.memory_space<semaphore_mem>>)
      %add3A_105 = arith.constant 1 : i32
      %add3A_106 = arith.addi %mul3A_90, %add3A_105 : i32
      %dma_start3A_107 = arith.constant 0 : i32
      %dma_start3A_108 = arith.constant 1 : i32
      %dma_start3A_109 = arith.constant 0 : i32
      %dma_start3A_110 = arith.constant 0 : i32
      %dma_start3A_111 = tpu.memref_slice %arg6[%dma_start3A_108, %dma_start3A_109, %dma_start3A_110] : memref<2x80x128xf32, #tpu.memory_space<vmem>> -> memref<1x80x128xf32, #tpu.memory_space<vmem>>
      %dma_start3A_112 = tpu.memref_squeeze %dma_start3A_111 : memref<1x80x128xf32, #tpu.memory_space<vmem>> -> memref<80x128xf32, #tpu.memory_space<vmem>>
      %dma_start3A_113 = arith.constant 0 : i32
      %dma_start3A_114 = tpu.memref_slice %arg5[%add3A_106, %dma_start3A_107, %dma_start3A_113] : memref<63x2x80xi32, #tpu.memory_space<vmem>> -> memref<1x1x80xi32, #tpu.memory_space<vmem>>
      %dma_start3A_115 = tpu.memref_squeeze %dma_start3A_114 : memref<1x1x80xi32, #tpu.memory_space<vmem>> -> memref<80xi32, #tpu.memory_space<vmem>>
      %dma_start3A_116 = arith.constant 0 : i32
      %dma_start3A_117 = arith.constant 0 : i32
      %dma_start3A_118 = tpu.memref_slice %arg2[%dma_start3A_116, %dma_start3A_117] : memref<10000x128xf32, #tpu.memory_space<hbm>> -> memref<10000x128xf32, #tpu.memory_space<hbm>>
      tpu.enqueue_indirect_dma source(%dma_start3A_118 : memref<10000x128xf32, #tpu.memory_space<hbm>>) target(%dma_start3A_112 : memref<80x128xf32, #tpu.memory_space<vmem>>) offsets(%dma_start3A_115 : memref<80xi32, #tpu.memory_space<vmem>>) semaphore(%arg8 : memref<!tpu.dma_semaphore, #tpu.memory_space<semaphore_mem>>)
      %dma_wait3A_119 = arith.constant 0 : i32
      %dma_wait3A_120 = arith.constant 0 : i32
      %dma_wait3A_121 = arith.constant 0 : i32
      %dma_wait3A_122 = arith.constant 0 : i32
      %dma_wait3A_123 = tpu.memref_slice %arg6[%dma_wait3A_120, %dma_wait3A_121, %dma_wait3A_122] : memref<2x80x128xf32, #tpu.memory_space<vmem>> -> memref<1x80x128xf32, #tpu.memory_space<vmem>>
      %dma_wait3A_124 = tpu.memref_squeeze %dma_wait3A_123 : memref<1x80x128xf32, #tpu.memory_space<vmem>> -> memref<80x128xf32, #tpu.memory_space<vmem>>
      %dma_wait3A_125 = arith.constant 0 : i32
      %dma_wait3A_126 = tpu.memref_slice %arg5[%add3A_92, %dma_wait3A_119, %dma_wait3A_125] : memref<63x2x80xi32, #tpu.memory_space<vmem>> -> memref<1x1x80xi32, #tpu.memory_space<vmem>>
      %dma_wait3A_127 = tpu.memref_squeeze %dma_wait3A_126 : memref<1x1x80xi32, #tpu.memory_space<vmem>> -> memref<80xi32, #tpu.memory_space<vmem>>
      %dma_wait3A_128 = arith.constant 0 : i32
      %dma_wait3A_129 = arith.constant 0 : i32
      %dma_wait3A_130 = tpu.memref_slice %arg2[%dma_wait3A_128, %dma_wait3A_129] : memref<10000x128xf32, #tpu.memory_space<hbm>> -> memref<10000x128xf32, #tpu.memory_space<hbm>>
      tpu.wait_indirect_dma semaphore(%arg8 : memref<!tpu.dma_semaphore, #tpu.memory_space<semaphore_mem>>) src(%dma_wait3A_130 : memref<10000x128xf32, #tpu.memory_space<hbm>>) dst(%dma_wait3A_124 : memref<80x128xf32, #tpu.memory_space<vmem>>)
      %dma_wait3A_131 = arith.constant 0 : i32
      %dma_wait3A_132 = arith.constant 1 : i32
      %dma_wait3A_133 = arith.constant 0 : i32
      %dma_wait3A_134 = arith.constant 0 : i32
      %dma_wait3A_135 = tpu.memref_slice %arg6[%dma_wait3A_132, %dma_wait3A_133, %dma_wait3A_134] : memref<2x80x128xf32, #tpu.memory_space<vmem>> -> memref<1x80x128xf32, #tpu.memory_space<vmem>>
      %dma_wait3A_136 = tpu.memref_squeeze %dma_wait3A_135 : memref<1x80x128xf32, #tpu.memory_space<vmem>> -> memref<80x128xf32, #tpu.memory_space<vmem>>
      %dma_wait3A_137 = arith.constant 0 : i32
      %dma_wait3A_138 = tpu.memref_slice %arg5[%add3A_106, %dma_wait3A_131, %dma_wait3A_137] : memref<63x2x80xi32, #tpu.memory_space<vmem>> -> memref<1x1x80xi32, #tpu.memory_space<vmem>>
      %dma_wait3A_139 = tpu.memref_squeeze %dma_wait3A_138 : memref<1x1x80xi32, #tpu.memory_space<vmem>> -> memref<80xi32, #tpu.memory_space<vmem>>
      %dma_wait3A_140 = arith.constant 0 : i32
      %dma_wait3A_141 = arith.constant 0 : i32
      %dma_wait3A_142 = tpu.memref_slice %arg2[%dma_wait3A_140, %dma_wait3A_141] : memref<10000x128xf32, #tpu.memory_space<hbm>> -> memref<10000x128xf32, #tpu.memory_space<hbm>>
      tpu.wait_indirect_dma semaphore(%arg8 : memref<!tpu.dma_semaphore, #tpu.memory_space<semaphore_mem>>) src(%dma_wait3A_142 : memref<10000x128xf32, #tpu.memory_space<hbm>>) dst(%dma_wait3A_136 : memref<80x128xf32, #tpu.memory_space<vmem>>)
      %add3A_143 = arith.constant 0 : i32
      %add3A_144 = arith.addi %mul3A_90, %add3A_143 : i32
      %dma_start3A_145 = arith.constant 0 : i32
      %dma_start3A_146 = arith.constant 1 : i32
      %dma_start3A_147 = arith.constant 0 : i32
      %dma_start3A_148 = arith.constant 0 : i32
      %dma_start3A_149 = tpu.memref_slice %arg6[%dma_start3A_145, %dma_start3A_147, %dma_start3A_148] : memref<2x80x128xf32, #tpu.memory_space<vmem>> -> memref<1x80x128xf32, #tpu.memory_space<vmem>>
      %dma_start3A_150 = tpu.memref_squeeze %dma_start3A_149 : memref<1x80x128xf32, #tpu.memory_space<vmem>> -> memref<80x128xf32, #tpu.memory_space<vmem>>
      %dma_start3A_151 = arith.constant 0 : i32
      %dma_start3A_152 = tpu.memref_slice %arg5[%add3A_144, %dma_start3A_146, %dma_start3A_151] : memref<63x2x80xi32, #tpu.memory_space<vmem>> -> memref<1x1x80xi32, #tpu.memory_space<vmem>>
      %dma_start3A_153 = tpu.memref_squeeze %dma_start3A_152 : memref<1x1x80xi32, #tpu.memory_space<vmem>> -> memref<80xi32, #tpu.memory_space<vmem>>
      %dma_start3A_154 = arith.constant 0 : i32
      %dma_start3A_155 = arith.constant 0 : i32
      %dma_start3A_156 = tpu.memref_slice %arg7[%dma_start3A_154, %dma_start3A_155] : memref<10240x128xf32, #tpu.memory_space<vmem_shared>> -> memref<10240x128xf32, #tpu.memory_space<vmem_shared>>
      tpu.enqueue_indirect_dma source(%dma_start3A_150 : memref<80x128xf32, #tpu.memory_space<vmem>>) target(%dma_start3A_156 : memref<10240x128xf32, #tpu.memory_space<vmem_shared>>) offsets(%dma_start3A_153 : memref<80xi32, #tpu.memory_space<vmem>>) semaphore(%arg9 : memref<!tpu.dma_semaphore, #tpu.memory_space<semaphore_mem>>) {add = true}
      %add3A_157 = arith.constant 1 : i32
      %add3A_158 = arith.addi %mul3A_90, %add3A_157 : i32
      %dma_start3A_159 = arith.constant 1 : i32
      %dma_start3A_160 = arith.constant 1 : i32
      %dma_start3A_161 = arith.constant 0 : i32
      %dma_start3A_162 = arith.constant 0 : i32
      %dma_start3A_163 = tpu.memref_slice %arg6[%dma_start3A_159, %dma_start3A_161, %dma_start3A_162] : memref<2x80x128xf32, #tpu.memory_space<vmem>> -> memref<1x80x128xf32, #tpu.memory_space<vmem>>
      %dma_start3A_164 = tpu.memref_squeeze %dma_start3A_163 : memref<1x80x128xf32, #tpu.memory_space<vmem>> -> memref<80x128xf32, #tpu.memory_space<vmem>>
      %dma_start3A_165 = arith.constant 0 : i32
      %dma_start3A_166 = tpu.memref_slice %arg5[%add3A_158, %dma_start3A_160, %dma_start3A_165] : memref<63x2x80xi32, #tpu.memory_space<vmem>> -> memref<1x1x80xi32, #tpu.memory_space<vmem>>
      %dma_start3A_167 = tpu.memref_squeeze %dma_start3A_166 : memref<1x1x80xi32, #tpu.memory_space<vmem>> -> memref<80xi32, #tpu.memory_space<vmem>>
      %dma_start3A_168 = arith.constant 0 : i32
      %dma_start3A_169 = arith.constant 0 : i32
      %dma_start3A_170 = tpu.memref_slice %arg7[%dma_start3A_168, %dma_start3A_169] : memref<10240x128xf32, #tpu.memory_space<vmem_shared>> -> memref<10240x128xf32, #tpu.memory_space<vmem_shared>>
      tpu.enqueue_indirect_dma source(%dma_start3A_164 : memref<80x128xf32, #tpu.memory_space<vmem>>) target(%dma_start3A_170 : memref<10240x128xf32, #tpu.memory_space<vmem_shared>>) offsets(%dma_start3A_167 : memref<80xi32, #tpu.memory_space<vmem>>) semaphore(%arg9 : memref<!tpu.dma_semaphore, #tpu.memory_space<semaphore_mem>>) {add = true}
      %dma_wait3A_171 = arith.constant 0 : i32
      %dma_wait3A_172 = arith.constant 1 : i32
      %dma_wait3A_173 = arith.constant 0 : i32
      %dma_wait3A_174 = arith.constant 0 : i32
      %dma_wait3A_175 = tpu.memref_slice %arg6[%dma_wait3A_171, %dma_wait3A_173, %dma_wait3A_174] : memref<2x80x128xf32, #tpu.memory_space<vmem>> -> memref<1x80x128xf32, #tpu.memory_space<vmem>>
      %dma_wait3A_176 = tpu.memref_squeeze %dma_wait3A_175 : memref<1x80x128xf32, #tpu.memory_space<vmem>> -> memref<80x128xf32, #tpu.memory_space<vmem>>
      %dma_wait3A_177 = arith.constant 0 : i32
      %dma_wait3A_178 = tpu.memref_slice %arg5[%add3A_144, %dma_wait3A_172, %dma_wait3A_177] : memref<63x2x80xi32, #tpu.memory_space<vmem>> -> memref<1x1x80xi32, #tpu.memory_space<vmem>>
      %dma_wait3A_179 = tpu.memref_squeeze %dma_wait3A_178 : memref<1x1x80xi32, #tpu.memory_space<vmem>> -> memref<80xi32, #tpu.memory_space<vmem>>
      %dma_wait3A_180 = arith.constant 0 : i32
      %dma_wait3A_181 = arith.constant 0 : i32
      %dma_wait3A_182 = tpu.memref_slice %arg7[%dma_wait3A_180, %dma_wait3A_181] : memref<10240x128xf32, #tpu.memory_space<vmem_shared>> -> memref<10240x128xf32, #tpu.memory_space<vmem_shared>>
      tpu.wait_indirect_dma semaphore(%arg9 : memref<!tpu.dma_semaphore, #tpu.memory_space<semaphore_mem>>) src(%dma_wait3A_176 : memref<80x128xf32, #tpu.memory_space<vmem>>) dst(%dma_wait3A_182 : memref<10240x128xf32, #tpu.memory_space<vmem_shared>>)
      %dma_wait3A_183 = arith.constant 1 : i32
      %dma_wait3A_184 = arith.constant 1 : i32
      %dma_wait3A_185 = arith.constant 0 : i32
      %dma_wait3A_186 = arith.constant 0 : i32
      %dma_wait3A_187 = tpu.memref_slice %arg6[%dma_wait3A_183, %dma_wait3A_185, %dma_wait3A_186] : memref<2x80x128xf32, #tpu.memory_space<vmem>> -> memref<1x80x128xf32, #tpu.memory_space<vmem>>
      %dma_wait3A_188 = tpu.memref_squeeze %dma_wait3A_187 : memref<1x80x128xf32, #tpu.memory_space<vmem>> -> memref<80x128xf32, #tpu.memory_space<vmem>>
      %dma_wait3A_189 = arith.constant 0 : i32
      %dma_wait3A_190 = tpu.memref_slice %arg5[%add3A_158, %dma_wait3A_184, %dma_wait3A_189] : memref<63x2x80xi32, #tpu.memory_space<vmem>> -> memref<1x1x80xi32, #tpu.memory_space<vmem>>
      %dma_wait3A_191 = tpu.memref_squeeze %dma_wait3A_190 : memref<1x1x80xi32, #tpu.memory_space<vmem>> -> memref<80xi32, #tpu.memory_space<vmem>>
      %dma_wait3A_192 = arith.constant 0 : i32
      %dma_wait3A_193 = arith.constant 0 : i32
      %dma_wait3A_194 = tpu.memref_slice %arg7[%dma_wait3A_192, %dma_wait3A_193] : memref<10240x128xf32, #tpu.memory_space<vmem_shared>> -> memref<10240x128xf32, #tpu.memory_space<vmem_shared>>
      tpu.wait_indirect_dma semaphore(%arg9 : memref<!tpu.dma_semaphore, #tpu.memory_space<semaphore_mem>>) src(%dma_wait3A_188 : memref<80x128xf32, #tpu.memory_space<vmem>>) dst(%dma_wait3A_194 : memref<10240x128xf32, #tpu.memory_space<vmem_shared>>)
    }
    %scan3A_78 = arith.constant 31 : i32
    %barrier3A_79 = arith.constant 0 : index
    tpu.barrier barrier_id(%barrier3A_79)
    %mul3A_80 = arith.constant 640 : i32
    %mul3A_81 = arith.muli %arg1, %mul3A_80 : i32
    %mul3A_82 = arith.constant 640 : i32
    %mul3A_83 = arith.muli %arg1, %mul3A_82 : i32
    "tpu.region"() ({
      %run_scoped3A = tpu.sem_alloc : memref<!tpu.dma_semaphore, #tpu.memory_space<semaphore_mem>>
      %dma_start3A_84 = arith.constant 0 : i32
      %dma_start3A_85 = tpu.memref_slice %arg4[%arg0, %mul3A_83, %dma_start3A_84] : memref<2x10240x128xf32, #tpu.memory_space<hbm>> -> memref<1x640x128xf32, #tpu.memory_space<hbm>>
      %dma_start3A_86 = tpu.memref_squeeze %dma_start3A_85 : memref<1x640x128xf32, #tpu.memory_space<hbm>> -> memref<640x128xf32, #tpu.memory_space<hbm>>
      %dma_start3A_87 = arith.constant 0 : i32
      %dma_start3A_88 = tpu.memref_slice %arg7[%mul3A_81, %dma_start3A_87] : memref<10240x128xf32, #tpu.memory_space<vmem_shared>> -> memref<640x128xf32, #tpu.memory_space<vmem_shared>>
      tpu.enqueue_dma source(%dma_start3A_88 : memref<640x128xf32, #tpu.memory_space<vmem_shared>>) target(%dma_start3A_86 : memref<640x128xf32, #tpu.memory_space<hbm>>) target_semaphore(%run_scoped3A : memref<!tpu.dma_semaphore, #tpu.memory_space<semaphore_mem>>)
      %dma_wait3A_89 = arith.constant 0 : i32
      %dma_wait3A_90 = tpu.memref_slice %arg4[%arg0, %mul3A_83, %dma_wait3A_89] : memref<2x10240x128xf32, #tpu.memory_space<hbm>> -> memref<1x640x128xf32, #tpu.memory_space<hbm>>
      %dma_wait3A_91 = tpu.memref_squeeze %dma_wait3A_90 : memref<1x640x128xf32, #tpu.memory_space<hbm>> -> memref<640x128xf32, #tpu.memory_space<hbm>>
      %dma_wait3A_92 = arith.constant 0 : i32
      %dma_wait3A_93 = tpu.memref_slice %arg7[%mul3A_81, %dma_wait3A_92] : memref<10240x128xf32, #tpu.memory_space<vmem_shared>> -> memref<640x128xf32, #tpu.memory_space<vmem_shared>>
      tpu.wait_dma2 semaphore(%run_scoped3A : memref<!tpu.dma_semaphore, #tpu.memory_space<semaphore_mem>>) src(%dma_wait3A_93 : memref<640x128xf32, #tpu.memory_space<vmem_shared>>) dst(%dma_wait3A_91 : memref<640x128xf32, #tpu.memory_space<hbm>>)
      tpu.yield
    }) : () -> ()
    return
  }
}

#map = affine_map<(d0, d1) -> (0, 0, 0)>
module attributes {stable_mosaic.version = 14 : i64} {
  func.func @degk(%arg0: i32, %arg1: i32, %arg2: memref<32x125x80xi32, #tpu.memory_space<hbm>>, %arg3: memref<2x10240x128xf32, #tpu.memory_space<hbm>>, %arg4: memref<125x80xi32, #tpu.memory_space<vmem>>, %arg5: memref<80x128xf32, #tpu.memory_space<vmem>>, %arg6: memref<40x128xf32, #tpu.memory_space<vmem>>, %arg7: memref<10240x128xf32, #tpu.memory_space<vmem_shared>>, %arg8: memref<!tpu.dma_semaphore, #tpu.memory_space<semaphore_mem>>) attributes {dimension_semantics = [#tpu.dimension_semantics<core_parallel>, #tpu.dimension_semantics<subcore_parallel>], iteration_bounds = array<i64: 2, 16>, scalar_prefetch = 0 : i64, scratch_operands = 5 : i64, tpu.core_type = #tpu.core_type<sc_vector_subcore>, window_params = [{transform_indices = #map}, {transform_indices = #map}]} {
    %mul3A = arith.constant 2 : i32
    %mul3A_0 = arith.muli %arg1, %mul3A : i32
    %add3A = arith.addi %mul3A_0, %arg0 : i32
    %broadcast_in_dim3A = arith.constant 0.000000e+00 : f32
    %broadcast_in_dim3A_1 = vector.broadcast %broadcast_in_dim3A : f32 to vector<16xf32>
    %broadcast_in_dim3A_2 = arith.constant 1.000000e+00 : f32
    %broadcast_in_dim3A_3 = vector.broadcast %broadcast_in_dim3A_2 : f32 to vector<16xf32>
    %scan3A = arith.constant 0 : i32
    %scan3A_4 = arith.constant 40 : i32
    %scan3A_5 = arith.addi %scan3A, %scan3A_4 : i32
    %scan3A_6 = arith.constant 1 : i32
    scf.for %scan3A_28 = %scan3A to %scan3A_5 step %scan3A_6  : i32 {
      %mul3A_29 = arith.constant 1 : i32
      %mul3A_30 = arith.muli %scan3A_28, %mul3A_29 : i32
      %add3A_31 = arith.constant 0 : i32
      %add3A_32 = arith.addi %add3A_31, %mul3A_30 : i32
      %swap3A = arith.index_cast %add3A_32 : i32 to index
      %swap3A_33 = arith.constant 0 : index
      %swap3A_34 = tpu.vector_load %arg6[%swap3A, %swap3A_33] {strides = array<i32>} : memref<40x128xf32, #tpu.memory_space<vmem>>, vector<1x16xf32>,
      %swap3A_35 = vector.shape_cast %swap3A_34 : vector<1x16xf32> to vector<16xf32>
      %swap3A_36 = vector.shape_cast %broadcast_in_dim3A_1 : vector<16xf32> to vector<1x16xf32>
      tpu.vector_store %arg6[%swap3A, %swap3A_33], %swap3A_36 {strides = array<i32>} : memref<40x128xf32, #tpu.memory_space<vmem>>, vector<1x16xf32>,
      %swap3A_37 = arith.index_cast %add3A_32 : i32 to index
      %swap3A_38 = arith.constant 16 : index
      %swap3A_39 = tpu.vector_load %arg6[%swap3A_37, %swap3A_38] {strides = array<i32>} : memref<40x128xf32, #tpu.memory_space<vmem>>, vector<1x16xf32>,
      %swap3A_40 = vector.shape_cast %swap3A_39 : vector<1x16xf32> to vector<16xf32>
      %swap3A_41 = vector.shape_cast %broadcast_in_dim3A_1 : vector<16xf32> to vector<1x16xf32>
      tpu.vector_store %arg6[%swap3A_37, %swap3A_38], %swap3A_41 {strides = array<i32>} : memref<40x128xf32, #tpu.memory_space<vmem>>, vector<1x16xf32>,
      %swap3A_42 = arith.index_cast %add3A_32 : i32 to index
      %swap3A_43 = arith.constant 32 : index
      %swap3A_44 = tpu.vector_load %arg6[%swap3A_42, %swap3A_43] {strides = array<i32>} : memref<40x128xf32, #tpu.memory_space<vmem>>, vector<1x16xf32>,
      %swap3A_45 = vector.shape_cast %swap3A_44 : vector<1x16xf32> to vector<16xf32>
      %swap3A_46 = vector.shape_cast %broadcast_in_dim3A_1 : vector<16xf32> to vector<1x16xf32>
      tpu.vector_store %arg6[%swap3A_42, %swap3A_43], %swap3A_46 {strides = array<i32>} : memref<40x128xf32, #tpu.memory_space<vmem>>, vector<1x16xf32>,
      %swap3A_47 = arith.index_cast %add3A_32 : i32 to index
      %swap3A_48 = arith.constant 48 : index
      %swap3A_49 = tpu.vector_load %arg6[%swap3A_47, %swap3A_48] {strides = array<i32>} : memref<40x128xf32, #tpu.memory_space<vmem>>, vector<1x16xf32>,
      %swap3A_50 = vector.shape_cast %swap3A_49 : vector<1x16xf32> to vector<16xf32>
      %swap3A_51 = vector.shape_cast %broadcast_in_dim3A_1 : vector<16xf32> to vector<1x16xf32>
      tpu.vector_store %arg6[%swap3A_47, %swap3A_48], %swap3A_51 {strides = array<i32>} : memref<40x128xf32, #tpu.memory_space<vmem>>, vector<1x16xf32>,
      %swap3A_52 = arith.index_cast %add3A_32 : i32 to index
      %swap3A_53 = arith.constant 64 : index
      %swap3A_54 = tpu.vector_load %arg6[%swap3A_52, %swap3A_53] {strides = array<i32>} : memref<40x128xf32, #tpu.memory_space<vmem>>, vector<1x16xf32>,
      %swap3A_55 = vector.shape_cast %swap3A_54 : vector<1x16xf32> to vector<16xf32>
      %swap3A_56 = vector.shape_cast %broadcast_in_dim3A_1 : vector<16xf32> to vector<1x16xf32>
      tpu.vector_store %arg6[%swap3A_52, %swap3A_53], %swap3A_56 {strides = array<i32>} : memref<40x128xf32, #tpu.memory_space<vmem>>, vector<1x16xf32>,
      %swap3A_57 = arith.index_cast %add3A_32 : i32 to index
      %swap3A_58 = arith.constant 80 : index
      %swap3A_59 = tpu.vector_load %arg6[%swap3A_57, %swap3A_58] {strides = array<i32>} : memref<40x128xf32, #tpu.memory_space<vmem>>, vector<1x16xf32>,
      %swap3A_60 = vector.shape_cast %swap3A_59 : vector<1x16xf32> to vector<16xf32>
      %swap3A_61 = vector.shape_cast %broadcast_in_dim3A_1 : vector<16xf32> to vector<1x16xf32>
      tpu.vector_store %arg6[%swap3A_57, %swap3A_58], %swap3A_61 {strides = array<i32>} : memref<40x128xf32, #tpu.memory_space<vmem>>, vector<1x16xf32>,
      %swap3A_62 = arith.index_cast %add3A_32 : i32 to index
      %swap3A_63 = arith.constant 96 : index
      %swap3A_64 = tpu.vector_load %arg6[%swap3A_62, %swap3A_63] {strides = array<i32>} : memref<40x128xf32, #tpu.memory_space<vmem>>, vector<1x16xf32>,
      %swap3A_65 = vector.shape_cast %swap3A_64 : vector<1x16xf32> to vector<16xf32>
      %swap3A_66 = vector.shape_cast %broadcast_in_dim3A_1 : vector<16xf32> to vector<1x16xf32>
      tpu.vector_store %arg6[%swap3A_62, %swap3A_63], %swap3A_66 {strides = array<i32>} : memref<40x128xf32, #tpu.memory_space<vmem>>, vector<1x16xf32>,
      %swap3A_67 = arith.index_cast %add3A_32 : i32 to index
      %swap3A_68 = arith.constant 112 : index
      %swap3A_69 = tpu.vector_load %arg6[%swap3A_67, %swap3A_68] {strides = array<i32>} : memref<40x128xf32, #tpu.memory_space<vmem>>, vector<1x16xf32>,
      %swap3A_70 = vector.shape_cast %swap3A_69 : vector<1x16xf32> to vector<16xf32>
      %swap3A_71 = vector.shape_cast %broadcast_in_dim3A_1 : vector<16xf32> to vector<1x16xf32>
      tpu.vector_store %arg6[%swap3A_67, %swap3A_68], %swap3A_71 {strides = array<i32>} : memref<40x128xf32, #tpu.memory_space<vmem>>, vector<1x16xf32>,
    }
    %scan3A_7 = arith.constant 40 : i32
    %scan3A_8 = arith.constant 0 : i32
    %scan3A_9 = arith.constant 80 : i32
    %scan3A_10 = arith.addi %scan3A_8, %scan3A_9 : i32
    %scan3A_11 = arith.constant 1 : i32
    scf.for %scan3A_28 = %scan3A_8 to %scan3A_10 step %scan3A_11  : i32 {
      %mul3A_29 = arith.constant 1 : i32
      %mul3A_30 = arith.muli %scan3A_28, %mul3A_29 : i32
      %add3A_31 = arith.constant 0 : i32
      %add3A_32 = arith.addi %add3A_31, %mul3A_30 : i32
      %swap3A = arith.index_cast %add3A_32 : i32 to index
      %swap3A_33 = arith.constant 0 : index
      %swap3A_34 = tpu.vector_load %arg5[%swap3A, %swap3A_33] {strides = array<i32>} : memref<80x128xf32, #tpu.memory_space<vmem>>, vector<1x16xf32>,
      %swap3A_35 = vector.shape_cast %swap3A_34 : vector<1x16xf32> to vector<16xf32>
      %swap3A_36 = vector.shape_cast %broadcast_in_dim3A_3 : vector<16xf32> to vector<1x16xf32>
      tpu.vector_store %arg5[%swap3A, %swap3A_33], %swap3A_36 {strides = array<i32>} : memref<80x128xf32, #tpu.memory_space<vmem>>, vector<1x16xf32>,
      %swap3A_37 = arith.index_cast %add3A_32 : i32 to index
      %swap3A_38 = arith.constant 16 : index
      %swap3A_39 = tpu.vector_load %arg5[%swap3A_37, %swap3A_38] {strides = array<i32>} : memref<80x128xf32, #tpu.memory_space<vmem>>, vector<1x16xf32>,
      %swap3A_40 = vector.shape_cast %swap3A_39 : vector<1x16xf32> to vector<16xf32>
      %swap3A_41 = vector.shape_cast %broadcast_in_dim3A_3 : vector<16xf32> to vector<1x16xf32>
      tpu.vector_store %arg5[%swap3A_37, %swap3A_38], %swap3A_41 {strides = array<i32>} : memref<80x128xf32, #tpu.memory_space<vmem>>, vector<1x16xf32>,
      %swap3A_42 = arith.index_cast %add3A_32 : i32 to index
      %swap3A_43 = arith.constant 32 : index
      %swap3A_44 = tpu.vector_load %arg5[%swap3A_42, %swap3A_43] {strides = array<i32>} : memref<80x128xf32, #tpu.memory_space<vmem>>, vector<1x16xf32>,
      %swap3A_45 = vector.shape_cast %swap3A_44 : vector<1x16xf32> to vector<16xf32>
      %swap3A_46 = vector.shape_cast %broadcast_in_dim3A_3 : vector<16xf32> to vector<1x16xf32>
      tpu.vector_store %arg5[%swap3A_42, %swap3A_43], %swap3A_46 {strides = array<i32>} : memref<80x128xf32, #tpu.memory_space<vmem>>, vector<1x16xf32>,
      %swap3A_47 = arith.index_cast %add3A_32 : i32 to index
      %swap3A_48 = arith.constant 48 : index
      %swap3A_49 = tpu.vector_load %arg5[%swap3A_47, %swap3A_48] {strides = array<i32>} : memref<80x128xf32, #tpu.memory_space<vmem>>, vector<1x16xf32>,
      %swap3A_50 = vector.shape_cast %swap3A_49 : vector<1x16xf32> to vector<16xf32>
      %swap3A_51 = vector.shape_cast %broadcast_in_dim3A_3 : vector<16xf32> to vector<1x16xf32>
      tpu.vector_store %arg5[%swap3A_47, %swap3A_48], %swap3A_51 {strides = array<i32>} : memref<80x128xf32, #tpu.memory_space<vmem>>, vector<1x16xf32>,
      %swap3A_52 = arith.index_cast %add3A_32 : i32 to index
      %swap3A_53 = arith.constant 64 : index
      %swap3A_54 = tpu.vector_load %arg5[%swap3A_52, %swap3A_53] {strides = array<i32>} : memref<80x128xf32, #tpu.memory_space<vmem>>, vector<1x16xf32>,
      %swap3A_55 = vector.shape_cast %swap3A_54 : vector<1x16xf32> to vector<16xf32>
      %swap3A_56 = vector.shape_cast %broadcast_in_dim3A_3 : vector<16xf32> to vector<1x16xf32>
      tpu.vector_store %arg5[%swap3A_52, %swap3A_53], %swap3A_56 {strides = array<i32>} : memref<80x128xf32, #tpu.memory_space<vmem>>, vector<1x16xf32>,
      %swap3A_57 = arith.index_cast %add3A_32 : i32 to index
      %swap3A_58 = arith.constant 80 : index
      %swap3A_59 = tpu.vector_load %arg5[%swap3A_57, %swap3A_58] {strides = array<i32>} : memref<80x128xf32, #tpu.memory_space<vmem>>, vector<1x16xf32>,
      %swap3A_60 = vector.shape_cast %swap3A_59 : vector<1x16xf32> to vector<16xf32>
      %swap3A_61 = vector.shape_cast %broadcast_in_dim3A_3 : vector<16xf32> to vector<1x16xf32>
      tpu.vector_store %arg5[%swap3A_57, %swap3A_58], %swap3A_61 {strides = array<i32>} : memref<80x128xf32, #tpu.memory_space<vmem>>, vector<1x16xf32>,
      %swap3A_62 = arith.index_cast %add3A_32 : i32 to index
      %swap3A_63 = arith.constant 96 : index
      %swap3A_64 = tpu.vector_load %arg5[%swap3A_62, %swap3A_63] {strides = array<i32>} : memref<80x128xf32, #tpu.memory_space<vmem>>, vector<1x16xf32>,
      %swap3A_65 = vector.shape_cast %swap3A_64 : vector<1x16xf32> to vector<16xf32>
      %swap3A_66 = vector.shape_cast %broadcast_in_dim3A_3 : vector<16xf32> to vector<1x16xf32>
      tpu.vector_store %arg5[%swap3A_62, %swap3A_63], %swap3A_66 {strides = array<i32>} : memref<80x128xf32, #tpu.memory_space<vmem>>, vector<1x16xf32>,
      %swap3A_67 = arith.index_cast %add3A_32 : i32 to index
      %swap3A_68 = arith.constant 112 : index
      %swap3A_69 = tpu.vector_load %arg5[%swap3A_67, %swap3A_68] {strides = array<i32>} : memref<80x128xf32, #tpu.memory_space<vmem>>, vector<1x16xf32>,
      %swap3A_70 = vector.shape_cast %swap3A_69 : vector<1x16xf32> to vector<16xf32>
      %swap3A_71 = vector.shape_cast %broadcast_in_dim3A_3 : vector<16xf32> to vector<1x16xf32>
      tpu.vector_store %arg5[%swap3A_67, %swap3A_68], %swap3A_71 {strides = array<i32>} : memref<80x128xf32, #tpu.memory_space<vmem>>, vector<1x16xf32>,
    }
    %scan3A_12 = arith.constant 80 : i32
    "tpu.region"() ({
      %run_scoped3A = tpu.sem_alloc : memref<!tpu.dma_semaphore, #tpu.memory_space<semaphore_mem>>
      %dma_start3A = arith.constant 0 : i32
      %dma_start3A_28 = arith.constant 0 : i32
      %dma_start3A_29 = tpu.memref_slice %arg2[%add3A, %dma_start3A, %dma_start3A_28] : memref<32x125x80xi32, #tpu.memory_space<hbm>> -> memref<1x125x80xi32, #tpu.memory_space<hbm>>
      %dma_start3A_30 = tpu.memref_squeeze %dma_start3A_29 : memref<1x125x80xi32, #tpu.memory_space<hbm>> -> memref<125x80xi32, #tpu.memory_space<hbm>>
      %dma_start3A_31 = arith.constant 0 : i32
      %dma_start3A_32 = arith.constant 0 : i32
      %dma_start3A_33 = tpu.memref_slice %arg2[%add3A, %dma_start3A_31, %dma_start3A_32] : memref<32x125x80xi32, #tpu.memory_space<hbm>> -> memref<1x125x80xi32, #tpu.memory_space<hbm>>
      %dma_start3A_34 = tpu.memref_squeeze %dma_start3A_33 : memref<1x125x80xi32, #tpu.memory_space<hbm>> -> memref<125x80xi32, #tpu.memory_space<hbm>>
      tpu.enqueue_dma source(%dma_start3A_34 : memref<125x80xi32, #tpu.memory_space<hbm>>) target(%arg4 : memref<125x80xi32, #tpu.memory_space<vmem>>) target_semaphore(%run_scoped3A : memref<!tpu.dma_semaphore, #tpu.memory_space<semaphore_mem>>)
      %dma_wait3A = arith.constant 0 : i32
      %dma_wait3A_35 = arith.constant 0 : i32
      %dma_wait3A_36 = tpu.memref_slice %arg2[%add3A, %dma_wait3A, %dma_wait3A_35] : memref<32x125x80xi32, #tpu.memory_space<hbm>> -> memref<1x125x80xi32, #tpu.memory_space<hbm>>
      %dma_wait3A_37 = tpu.memref_squeeze %dma_wait3A_36 : memref<1x125x80xi32, #tpu.memory_space<hbm>> -> memref<125x80xi32, #tpu.memory_space<hbm>>
      %dma_wait3A_38 = arith.constant 0 : i32
      %dma_wait3A_39 = arith.constant 0 : i32
      %dma_wait3A_40 = tpu.memref_slice %arg2[%add3A, %dma_wait3A_38, %dma_wait3A_39] : memref<32x125x80xi32, #tpu.memory_space<hbm>> -> memref<1x125x80xi32, #tpu.memory_space<hbm>>
      %dma_wait3A_41 = tpu.memref_squeeze %dma_wait3A_40 : memref<1x125x80xi32, #tpu.memory_space<hbm>> -> memref<125x80xi32, #tpu.memory_space<hbm>>
      tpu.wait_dma2 semaphore(%run_scoped3A : memref<!tpu.dma_semaphore, #tpu.memory_space<semaphore_mem>>) src(%dma_wait3A_41 : memref<125x80xi32, #tpu.memory_space<hbm>>) dst(%arg4 : memref<125x80xi32, #tpu.memory_space<vmem>>)
      tpu.yield
    }) : () -> ()
    %scan3A_13 = arith.constant 0 : i32
    %scan3A_14 = arith.constant 16 : i32
    %scan3A_15 = arith.addi %scan3A_13, %scan3A_14 : i32
    %scan3A_16 = arith.constant 1 : i32
    scf.for %scan3A_28 = %scan3A_13 to %scan3A_15 step %scan3A_16  : i32 {
      %mul3A_29 = arith.constant 1 : i32
      %mul3A_30 = arith.muli %scan3A_28, %mul3A_29 : i32
      %add3A_31 = arith.constant 0 : i32
      %add3A_32 = arith.addi %add3A_31, %mul3A_30 : i32
      %mul3A_33 = arith.constant 640 : i32
      %mul3A_34 = arith.muli %arg1, %mul3A_33 : i32
      %mul3A_35 = arith.constant 40 : i32
      %mul3A_36 = arith.muli %add3A_32, %mul3A_35 : i32
      %add3A_37 = arith.addi %mul3A_34, %mul3A_36 : i32
      "tpu.region"() ({
        %run_scoped3A = tpu.sem_alloc : memref<!tpu.dma_semaphore, #tpu.memory_space<semaphore_mem>>
        %dma_start3A = arith.constant 0 : i32
        %dma_start3A_38 = tpu.memref_slice %arg7[%add3A_37, %dma_start3A] : memref<10240x128xf32, #tpu.memory_space<vmem_shared>> -> memref<40x128xf32, #tpu.memory_space<vmem_shared>>
        %dma_start3A_39 = arith.constant 0 : i32
        %dma_start3A_40 = tpu.memref_slice %arg7[%add3A_37, %dma_start3A_39] : memref<10240x128xf32, #tpu.memory_space<vmem_shared>> -> memref<40x128xf32, #tpu.memory_space<vmem_shared>>
        tpu.enqueue_dma source(%arg6 : memref<40x128xf32, #tpu.memory_space<vmem>>) target(%dma_start3A_40 : memref<40x128xf32, #tpu.memory_space<vmem_shared>>) target_semaphore(%run_scoped3A : memref<!tpu.dma_semaphore, #tpu.memory_space<semaphore_mem>>)
        %dma_wait3A = arith.constant 0 : i32
        %dma_wait3A_41 = tpu.memref_slice %arg7[%add3A_37, %dma_wait3A] : memref<10240x128xf32, #tpu.memory_space<vmem_shared>> -> memref<40x128xf32, #tpu.memory_space<vmem_shared>>
        %dma_wait3A_42 = arith.constant 0 : i32
        %dma_wait3A_43 = tpu.memref_slice %arg7[%add3A_37, %dma_wait3A_42] : memref<10240x128xf32, #tpu.memory_space<vmem_shared>> -> memref<40x128xf32, #tpu.memory_space<vmem_shared>>
        tpu.wait_dma2 semaphore(%run_scoped3A : memref<!tpu.dma_semaphore, #tpu.memory_space<semaphore_mem>>) src(%arg6 : memref<40x128xf32, #tpu.memory_space<vmem>>) dst(%dma_wait3A_43 : memref<40x128xf32, #tpu.memory_space<vmem_shared>>)
        tpu.yield
      }) : () -> ()
    }
    %scan3A_17 = arith.constant 16 : i32
    %barrier3A = arith.constant 0 : index
    tpu.barrier barrier_id(%barrier3A)
    %scan3A_18 = arith.constant 0 : i32
    %scan3A_19 = arith.constant 25 : i32
    %scan3A_20 = arith.addi %scan3A_18, %scan3A_19 : i32
    %scan3A_21 = arith.constant 1 : i32
    scf.for %scan3A_28 = %scan3A_18 to %scan3A_20 step %scan3A_21  : i32 {
      %mul3A_29 = arith.constant 1 : i32
      %mul3A_30 = arith.muli %scan3A_28, %mul3A_29 : i32
      %add3A_31 = arith.constant 0 : i32
      %add3A_32 = arith.addi %add3A_31, %mul3A_30 : i32
      %mul3A_33 = arith.constant 5 : i32
      %mul3A_34 = arith.muli %add3A_32, %mul3A_33 : i32
      %add3A_35 = arith.constant 0 : i32
      %add3A_36 = arith.addi %mul3A_34, %add3A_35 : i32
      %dma_start3A = arith.constant 0 : i32
      %dma_start3A_37 = tpu.memref_slice %arg4[%add3A_36, %dma_start3A] : memref<125x80xi32, #tpu.memory_space<vmem>> -> memref<1x80xi32, #tpu.memory_space<vmem>>
      %dma_start3A_38 = tpu.memref_squeeze %dma_start3A_37 : memref<1x80xi32, #tpu.memory_space<vmem>> -> memref<80xi32, #tpu.memory_space<vmem>>
      %dma_start3A_39 = arith.constant 0 : i32
      %dma_start3A_40 = arith.constant 0 : i32
      %dma_start3A_41 = tpu.memref_slice %arg7[%dma_start3A_39, %dma_start3A_40] : memref<10240x128xf32, #tpu.memory_space<vmem_shared>> -> memref<10240x128xf32, #tpu.memory_space<vmem_shared>>
      tpu.enqueue_indirect_dma source(%arg5 : memref<80x128xf32, #tpu.memory_space<vmem>>) target(%dma_start3A_41 : memref<10240x128xf32, #tpu.memory_space<vmem_shared>>) offsets(%dma_start3A_38 : memref<80xi32, #tpu.memory_space<vmem>>) semaphore(%arg8 : memref<!tpu.dma_semaphore, #tpu.memory_space<semaphore_mem>>) {add = true}
      %add3A_42 = arith.constant 1 : i32
      %add3A_43 = arith.addi %mul3A_34, %add3A_42 : i32
      %dma_start3A_44 = arith.constant 0 : i32
      %dma_start3A_45 = tpu.memref_slice %arg4[%add3A_43, %dma_start3A_44] : memref<125x80xi32, #tpu.memory_space<vmem>> -> memref<1x80xi32, #tpu.memory_space<vmem>>
      %dma_start3A_46 = tpu.memref_squeeze %dma_start3A_45 : memref<1x80xi32, #tpu.memory_space<vmem>> -> memref<80xi32, #tpu.memory_space<vmem>>
      %dma_start3A_47 = arith.constant 0 : i32
      %dma_start3A_48 = arith.constant 0 : i32
      %dma_start3A_49 = tpu.memref_slice %arg7[%dma_start3A_47, %dma_start3A_48] : memref<10240x128xf32, #tpu.memory_space<vmem_shared>> -> memref<10240x128xf32, #tpu.memory_space<vmem_shared>>
      tpu.enqueue_indirect_dma source(%arg5 : memref<80x128xf32, #tpu.memory_space<vmem>>) target(%dma_start3A_49 : memref<10240x128xf32, #tpu.memory_space<vmem_shared>>) offsets(%dma_start3A_46 : memref<80xi32, #tpu.memory_space<vmem>>) semaphore(%arg8 : memref<!tpu.dma_semaphore, #tpu.memory_space<semaphore_mem>>) {add = true}
      %add3A_50 = arith.constant 2 : i32
      %add3A_51 = arith.addi %mul3A_34, %add3A_50 : i32
      %dma_start3A_52 = arith.constant 0 : i32
      %dma_start3A_53 = tpu.memref_slice %arg4[%add3A_51, %dma_start3A_52] : memref<125x80xi32, #tpu.memory_space<vmem>> -> memref<1x80xi32, #tpu.memory_space<vmem>>
      %dma_start3A_54 = tpu.memref_squeeze %dma_start3A_53 : memref<1x80xi32, #tpu.memory_space<vmem>> -> memref<80xi32, #tpu.memory_space<vmem>>
      %dma_start3A_55 = arith.constant 0 : i32
      %dma_start3A_56 = arith.constant 0 : i32
      %dma_start3A_57 = tpu.memref_slice %arg7[%dma_start3A_55, %dma_start3A_56] : memref<10240x128xf32, #tpu.memory_space<vmem_shared>> -> memref<10240x128xf32, #tpu.memory_space<vmem_shared>>
      tpu.enqueue_indirect_dma source(%arg5 : memref<80x128xf32, #tpu.memory_space<vmem>>) target(%dma_start3A_57 : memref<10240x128xf32, #tpu.memory_space<vmem_shared>>) offsets(%dma_start3A_54 : memref<80xi32, #tpu.memory_space<vmem>>) semaphore(%arg8 : memref<!tpu.dma_semaphore, #tpu.memory_space<semaphore_mem>>) {add = true}
      %add3A_58 = arith.constant 3 : i32
      %add3A_59 = arith.addi %mul3A_34, %add3A_58 : i32
      %dma_start3A_60 = arith.constant 0 : i32
      %dma_start3A_61 = tpu.memref_slice %arg4[%add3A_59, %dma_start3A_60] : memref<125x80xi32, #tpu.memory_space<vmem>> -> memref<1x80xi32, #tpu.memory_space<vmem>>
      %dma_start3A_62 = tpu.memref_squeeze %dma_start3A_61 : memref<1x80xi32, #tpu.memory_space<vmem>> -> memref<80xi32, #tpu.memory_space<vmem>>
      %dma_start3A_63 = arith.constant 0 : i32
      %dma_start3A_64 = arith.constant 0 : i32
      %dma_start3A_65 = tpu.memref_slice %arg7[%dma_start3A_63, %dma_start3A_64] : memref<10240x128xf32, #tpu.memory_space<vmem_shared>> -> memref<10240x128xf32, #tpu.memory_space<vmem_shared>>
      tpu.enqueue_indirect_dma source(%arg5 : memref<80x128xf32, #tpu.memory_space<vmem>>) target(%dma_start3A_65 : memref<10240x128xf32, #tpu.memory_space<vmem_shared>>) offsets(%dma_start3A_62 : memref<80xi32, #tpu.memory_space<vmem>>) semaphore(%arg8 : memref<!tpu.dma_semaphore, #tpu.memory_space<semaphore_mem>>) {add = true}
      %add3A_66 = arith.constant 4 : i32
      %add3A_67 = arith.addi %mul3A_34, %add3A_66 : i32
      %dma_start3A_68 = arith.constant 0 : i32
      %dma_start3A_69 = tpu.memref_slice %arg4[%add3A_67, %dma_start3A_68] : memref<125x80xi32, #tpu.memory_space<vmem>> -> memref<1x80xi32, #tpu.memory_space<vmem>>
      %dma_start3A_70 = tpu.memref_squeeze %dma_start3A_69 : memref<1x80xi32, #tpu.memory_space<vmem>> -> memref<80xi32, #tpu.memory_space<vmem>>
      %dma_start3A_71 = arith.constant 0 : i32
      %dma_start3A_72 = arith.constant 0 : i32
      %dma_start3A_73 = tpu.memref_slice %arg7[%dma_start3A_71, %dma_start3A_72] : memref<10240x128xf32, #tpu.memory_space<vmem_shared>> -> memref<10240x128xf32, #tpu.memory_space<vmem_shared>>
      tpu.enqueue_indirect_dma source(%arg5 : memref<80x128xf32, #tpu.memory_space<vmem>>) target(%dma_start3A_73 : memref<10240x128xf32, #tpu.memory_space<vmem_shared>>) offsets(%dma_start3A_70 : memref<80xi32, #tpu.memory_space<vmem>>) semaphore(%arg8 : memref<!tpu.dma_semaphore, #tpu.memory_space<semaphore_mem>>) {add = true}
      %dma_wait3A = arith.constant 0 : i32
      %dma_wait3A_74 = tpu.memref_slice %arg4[%add3A_36, %dma_wait3A] : memref<125x80xi32, #tpu.memory_space<vmem>> -> memref<1x80xi32, #tpu.memory_space<vmem>>
      %dma_wait3A_75 = tpu.memref_squeeze %dma_wait3A_74 : memref<1x80xi32, #tpu.memory_space<vmem>> -> memref<80xi32, #tpu.memory_space<vmem>>
      %dma_wait3A_76 = arith.constant 0 : i32
      %dma_wait3A_77 = arith.constant 0 : i32
      %dma_wait3A_78 = tpu.memref_slice %arg7[%dma_wait3A_76, %dma_wait3A_77] : memref<10240x128xf32, #tpu.memory_space<vmem_shared>> -> memref<10240x128xf32, #tpu.memory_space<vmem_shared>>
      tpu.wait_indirect_dma semaphore(%arg8 : memref<!tpu.dma_semaphore, #tpu.memory_space<semaphore_mem>>) src(%arg5 : memref<80x128xf32, #tpu.memory_space<vmem>>) dst(%dma_wait3A_78 : memref<10240x128xf32, #tpu.memory_space<vmem_shared>>)
      %dma_wait3A_79 = arith.constant 0 : i32
      %dma_wait3A_80 = tpu.memref_slice %arg4[%add3A_43, %dma_wait3A_79] : memref<125x80xi32, #tpu.memory_space<vmem>> -> memref<1x80xi32, #tpu.memory_space<vmem>>
      %dma_wait3A_81 = tpu.memref_squeeze %dma_wait3A_80 : memref<1x80xi32, #tpu.memory_space<vmem>> -> memref<80xi32, #tpu.memory_space<vmem>>
      %dma_wait3A_82 = arith.constant 0 : i32
      %dma_wait3A_83 = arith.constant 0 : i32
      %dma_wait3A_84 = tpu.memref_slice %arg7[%dma_wait3A_82, %dma_wait3A_83] : memref<10240x128xf32, #tpu.memory_space<vmem_shared>> -> memref<10240x128xf32, #tpu.memory_space<vmem_shared>>
      tpu.wait_indirect_dma semaphore(%arg8 : memref<!tpu.dma_semaphore, #tpu.memory_space<semaphore_mem>>) src(%arg5 : memref<80x128xf32, #tpu.memory_space<vmem>>) dst(%dma_wait3A_84 : memref<10240x128xf32, #tpu.memory_space<vmem_shared>>)
      %dma_wait3A_85 = arith.constant 0 : i32
      %dma_wait3A_86 = tpu.memref_slice %arg4[%add3A_51, %dma_wait3A_85] : memref<125x80xi32, #tpu.memory_space<vmem>> -> memref<1x80xi32, #tpu.memory_space<vmem>>
      %dma_wait3A_87 = tpu.memref_squeeze %dma_wait3A_86 : memref<1x80xi32, #tpu.memory_space<vmem>> -> memref<80xi32, #tpu.memory_space<vmem>>
      %dma_wait3A_88 = arith.constant 0 : i32
      %dma_wait3A_89 = arith.constant 0 : i32
      %dma_wait3A_90 = tpu.memref_slice %arg7[%dma_wait3A_88, %dma_wait3A_89] : memref<10240x128xf32, #tpu.memory_space<vmem_shared>> -> memref<10240x128xf32, #tpu.memory_space<vmem_shared>>
      tpu.wait_indirect_dma semaphore(%arg8 : memref<!tpu.dma_semaphore, #tpu.memory_space<semaphore_mem>>) src(%arg5 : memref<80x128xf32, #tpu.memory_space<vmem>>) dst(%dma_wait3A_90 : memref<10240x128xf32, #tpu.memory_space<vmem_shared>>)
      %dma_wait3A_91 = arith.constant 0 : i32
      %dma_wait3A_92 = tpu.memref_slice %arg4[%add3A_59, %dma_wait3A_91] : memref<125x80xi32, #tpu.memory_space<vmem>> -> memref<1x80xi32, #tpu.memory_space<vmem>>
      %dma_wait3A_93 = tpu.memref_squeeze %dma_wait3A_92 : memref<1x80xi32, #tpu.memory_space<vmem>> -> memref<80xi32, #tpu.memory_space<vmem>>
      %dma_wait3A_94 = arith.constant 0 : i32
      %dma_wait3A_95 = arith.constant 0 : i32
      %dma_wait3A_96 = tpu.memref_slice %arg7[%dma_wait3A_94, %dma_wait3A_95] : memref<10240x128xf32, #tpu.memory_space<vmem_shared>> -> memref<10240x128xf32, #tpu.memory_space<vmem_shared>>
      tpu.wait_indirect_dma semaphore(%arg8 : memref<!tpu.dma_semaphore, #tpu.memory_space<semaphore_mem>>) src(%arg5 : memref<80x128xf32, #tpu.memory_space<vmem>>) dst(%dma_wait3A_96 : memref<10240x128xf32, #tpu.memory_space<vmem_shared>>)
      %dma_wait3A_97 = arith.constant 0 : i32
      %dma_wait3A_98 = tpu.memref_slice %arg4[%add3A_67, %dma_wait3A_97] : memref<125x80xi32, #tpu.memory_space<vmem>> -> memref<1x80xi32, #tpu.memory_space<vmem>>
      %dma_wait3A_99 = tpu.memref_squeeze %dma_wait3A_98 : memref<1x80xi32, #tpu.memory_space<vmem>> -> memref<80xi32, #tpu.memory_space<vmem>>
      %dma_wait3A_100 = arith.constant 0 : i32
      %dma_wait3A_101 = arith.constant 0 : i32
      %dma_wait3A_102 = tpu.memref_slice %arg7[%dma_wait3A_100, %dma_wait3A_101] : memref<10240x128xf32, #tpu.memory_space<vmem_shared>> -> memref<10240x128xf32, #tpu.memory_space<vmem_shared>>
      tpu.wait_indirect_dma semaphore(%arg8 : memref<!tpu.dma_semaphore, #tpu.memory_space<semaphore_mem>>) src(%arg5 : memref<80x128xf32, #tpu.memory_space<vmem>>) dst(%dma_wait3A_102 : memref<10240x128xf32, #tpu.memory_space<vmem_shared>>)
    }
    %scan3A_22 = arith.constant 25 : i32
    %barrier3A_23 = arith.constant 0 : index
    tpu.barrier barrier_id(%barrier3A_23)
    %mul3A_24 = arith.constant 640 : i32
    %mul3A_25 = arith.muli %arg1, %mul3A_24 : i32
    %mul3A_26 = arith.constant 640 : i32
    %mul3A_27 = arith.muli %arg1, %mul3A_26 : i32
    "tpu.region"() ({
      %run_scoped3A = tpu.sem_alloc : memref<!tpu.dma_semaphore, #tpu.memory_space<semaphore_mem>>
      %dma_start3A = arith.constant 0 : i32
      %dma_start3A_28 = tpu.memref_slice %arg3[%arg0, %mul3A_27, %dma_start3A] : memref<2x10240x128xf32, #tpu.memory_space<hbm>> -> memref<1x640x128xf32, #tpu.memory_space<hbm>>
      %dma_start3A_29 = tpu.memref_squeeze %dma_start3A_28 : memref<1x640x128xf32, #tpu.memory_space<hbm>> -> memref<640x128xf32, #tpu.memory_space<hbm>>
      %dma_start3A_30 = arith.constant 0 : i32
      %dma_start3A_31 = tpu.memref_slice %arg7[%mul3A_25, %dma_start3A_30] : memref<10240x128xf32, #tpu.memory_space<vmem_shared>> -> memref<640x128xf32, #tpu.memory_space<vmem_shared>>
      tpu.enqueue_dma source(%dma_start3A_31 : memref<640x128xf32, #tpu.memory_space<vmem_shared>>) target(%dma_start3A_29 : memref<640x128xf32, #tpu.memory_space<hbm>>) target_semaphore(%run_scoped3A : memref<!tpu.dma_semaphore, #tpu.memory_space<semaphore_mem>>)
      %dma_wait3A = arith.constant 0 : i32
      %dma_wait3A_32 = tpu.memref_slice %arg3[%arg0, %mul3A_27, %dma_wait3A] : memref<2x10240x128xf32, #tpu.memory_space<hbm>> -> memref<1x640x128xf32, #tpu.memory_space<hbm>>
      %dma_wait3A_33 = tpu.memref_squeeze %dma_wait3A_32 : memref<1x640x128xf32, #tpu.memory_space<hbm>> -> memref<640x128xf32, #tpu.memory_space<hbm>>
      %dma_wait3A_34 = arith.constant 0 : i32
      %dma_wait3A_35 = tpu.memref_slice %arg7[%mul3A_25, %dma_wait3A_34] : memref<10240x128xf32, #tpu.memory_space<vmem_shared>> -> memref<640x128xf32, #tpu.memory_space<vmem_shared>>
      tpu.wait_dma2 semaphore(%run_scoped3A : memref<!tpu.dma_semaphore, #tpu.memory_space<semaphore_mem>>) src(%dma_wait3A_35 : memref<640x128xf32, #tpu.memory_space<vmem_shared>>) dst(%dma_wait3A_33 : memref<640x128xf32, #tpu.memory_space<hbm>>)
      tpu.yield
    }) : () -> ()
    return
  }
}

module attributes {stable_mosaic.version = 14 : i64} {
  func.func @_combine1_body(%arg0: i32, %arg1: memref<2x400x128xf32, #tpu.memory_space<vmem>>, %arg2: memref<2x400x128xf32, #tpu.memory_space<vmem>>, %arg3: memref<400x128xf32, #tpu.memory_space<vmem>>, %arg4: memref<128x128xf32, #tpu.memory_space<vmem>>, %arg5: memref<128x128xf32, #tpu.memory_space<vmem>>, %arg6: memref<1x128xf32, #tpu.memory_space<vmem>>, %arg7: memref<400x128xf32, #tpu.memory_space<vmem>>, %arg8: memref<400x1xf32, #tpu.memory_space<vmem>>) attributes {dimension_semantics = [#tpu.dimension_semantics<arbitrary>], iteration_bounds = array<i64: 25>, scalar_prefetch = 0 : i64, scratch_operands = 0 : i64, tpu.core_type = #tpu.core_type<tc>, window_params = [{transform_indices = @transform_0, window_bounds = array<i64: 2, 400, 128>}, {transform_indices = @transform_1, window_bounds = array<i64: 2, 400, 128>}, {transform_indices = @transform_2, window_bounds = array<i64: 400, 128>}, {pipeline_mode = #tpu.pipeline_mode<synchronous>, transform_indices = @transform_3, window_bounds = array<i64: 128, 128>}, {pipeline_mode = #tpu.pipeline_mode<synchronous>, transform_indices = @transform_4, window_bounds = array<i64: 128, 128>}, {pipeline_mode = #tpu.pipeline_mode<synchronous>, transform_indices = @transform_5, window_bounds = array<i64: 1, 128>}, {transform_indices = @transform_6, window_bounds = array<i64: 400, 128>}, {transform_indices = @transform_7, window_bounds = array<i64: 400, 1>}]} {
    %get3A = arith.constant 0 : index
    %get3A_0 = arith.constant 0 : index
    %get3A_1 = arith.constant 0 : index
    %get3A_2 = vector.load %arg1[%get3A, %get3A_0, %get3A_1] : memref<2x400x128xf32, #tpu.memory_space<vmem>>, vector<1x400x128xf32>
    %get3A_3 = vector.shape_cast %get3A_2 : vector<1x400x128xf32> to vector<400x128xf32>
    %get3A_4 = arith.constant 1 : index
    %get3A_5 = arith.constant 0 : index
    %get3A_6 = arith.constant 0 : index
    %get3A_7 = vector.load %arg1[%get3A_4, %get3A_5, %get3A_6] : memref<2x400x128xf32, #tpu.memory_space<vmem>>, vector<1x400x128xf32>
    %get3A_8 = vector.shape_cast %get3A_7 : vector<1x400x128xf32> to vector<400x128xf32>
    %add3A = arith.addf %get3A_3, %get3A_8 : vector<400x128xf32>
    %get3A_9 = arith.constant 0 : index
    %get3A_10 = arith.constant 0 : index
    %get3A_11 = arith.constant 0 : index
    %get3A_12 = vector.load %arg2[%get3A_9, %get3A_10, %get3A_11] : memref<2x400x128xf32, #tpu.memory_space<vmem>>, vector<1x400x128xf32>
    %get3A_13 = vector.shape_cast %get3A_12 : vector<1x400x128xf32> to vector<400x128xf32>
    %slice3A = vector.extract_strided_slice %get3A_13 {offsets = [0, 0], sizes = [400, 1], strides = [1, 1]} : vector<400x128xf32> to vector<400x1xf32>
    %get3A_14 = arith.constant 1 : index
    %get3A_15 = arith.constant 0 : index
    %get3A_16 = arith.constant 0 : index
    %get3A_17 = vector.load %arg2[%get3A_14, %get3A_15, %get3A_16] : memref<2x400x128xf32, #tpu.memory_space<vmem>>, vector<1x400x128xf32>
    %get3A_18 = vector.shape_cast %get3A_17 : vector<1x400x128xf32> to vector<400x128xf32>
    %slice3A_19 = vector.extract_strided_slice %get3A_18 {offsets = [0, 0], sizes = [400, 1], strides = [1, 1]} : vector<400x128xf32> to vector<400x1xf32>
    %add3A_20 = arith.addf %slice3A, %slice3A_19 : vector<400x1xf32>
    %max3A = arith.constant 1.000000e+00 : f32
    %max3A_21 = vector.broadcast %max3A : f32 to vector<400x1xf32>
    %max3A_22 = arith.maximumf %add3A_20, %max3A_21 : vector<400x1xf32>
    %div3A = arith.constant 1.000000e+00 : f32
    %div3A_23 = vector.broadcast %div3A : f32 to vector<400x1xf32>
    %div3A_24 = arith.divf %div3A_23, %max3A_22 : vector<400x1xf32>
    %mul3A = vector.broadcast %div3A_24 : vector<400x1xf32> to vector<400x128xf32>
    %mul3A_25 = arith.mulf %add3A, %mul3A : vector<400x128xf32>
    %get3A_26 = arith.constant 0 : index
    %get3A_27 = arith.constant 0 : index
    %get3A_28 = vector.load %arg4[%get3A_26, %get3A_27] : memref<128x128xf32, #tpu.memory_space<vmem>>, vector<128x128xf32>
    %dot_general3A = arith.constant dense<0.000000e+00> : vector<400x128xf32>
    %dot_general3A_29 = tpu.matmul %mul3A_25, %get3A_28, %dot_general3A {dimension_numbers = #tpu.dot_dimension_numbers<[1], [0], [0], [1], [0, 0, 1, 1], [], []>, transpose_lhs_hint = false} : vector<400x128xf32>, vector<128x128xf32>, vector<400x128xf32> -> vector<400x128xf32>
    %get3A_30 = arith.constant 0 : index
    %get3A_31 = arith.constant 0 : index
    %get3A_32 = vector.load %arg3[%get3A_30, %get3A_31] : memref<400x128xf32, #tpu.memory_space<vmem>>, vector<400x128xf32>
    %get3A_33 = arith.constant 0 : index
    %get3A_34 = arith.constant 0 : index
    %get3A_35 = vector.load %arg5[%get3A_33, %get3A_34] : memref<128x128xf32, #tpu.memory_space<vmem>>, vector<128x128xf32>
    %dot_general3A_36 = arith.constant dense<0.000000e+00> : vector<400x128xf32>
    %dot_general3A_37 = tpu.matmul %get3A_32, %get3A_35, %dot_general3A_36 {dimension_numbers = #tpu.dot_dimension_numbers<[1], [0], [0], [1], [0, 0, 1, 1], [], []>, transpose_lhs_hint = false} : vector<400x128xf32>, vector<128x128xf32>, vector<400x128xf32> -> vector<400x128xf32>
    %add3A_38 = arith.addf %dot_general3A_29, %dot_general3A_37 : vector<400x128xf32>
    %get3A_39 = arith.constant 0 : index
    %get3A_40 = arith.constant 0 : index
    %get3A_41 = vector.load %arg6[%get3A_39, %get3A_40] : memref<1x128xf32, #tpu.memory_space<vmem>>, vector<1x128xf32>
    %add3A_42 = vector.broadcast %get3A_41 : vector<1x128xf32> to vector<400x128xf32>
    %add3A_43 = arith.addf %add3A_38, %add3A_42 : vector<400x128xf32>
    %max3A_44 = arith.constant 0.000000e+00 : f32
    %max3A_45 = vector.broadcast %max3A_44 : f32 to vector<400x128xf32>
    %max3A_46 = arith.maximumf %add3A_43, %max3A_45 : vector<400x128xf32>
    %swap3A = arith.constant 0 : index
    %swap3A_47 = arith.constant 0 : index
    %swap3A_48 = vector.load %arg7[%swap3A, %swap3A_47] : memref<400x128xf32, #tpu.memory_space<vmem>>, vector<400x128xf32>
    tpu.vector_store %arg7[%swap3A, %swap3A_47], %max3A_46 {strides = array<i32>} : memref<400x128xf32, #tpu.memory_space<vmem>>, vector<400x128xf32>,
    %swap3A_49 = arith.constant 0 : index
    %swap3A_50 = arith.constant 0 : index
    %swap3A_51 = vector.load %arg8[%swap3A_49, %swap3A_50] : memref<400x1xf32, #tpu.memory_space<vmem>>, vector<400x1xf32>
    tpu.vector_store %arg8[%swap3A_49, %swap3A_50], %div3A_24 {strides = array<i32>} : memref<400x1xf32, #tpu.memory_space<vmem>>, vector<400x1xf32>,
    return
  }
  func.func @transform_0(%arg0: i32) -> (i32, i32, i32) {
    %c0_i32 = arith.constant 0 : i32
    %c0_i32_0 = arith.constant 0 : i32
    %c0_i32_1 = arith.constant 0 : i32
    return %c0_i32, %arg0, %c0_i32_0 : i32, i32, i32
  }
  func.func @transform_1(%arg0: i32) -> (i32, i32, i32) {
    %c0_i32 = arith.constant 0 : i32
    %c0_i32_0 = arith.constant 0 : i32
    %c0_i32_1 = arith.constant 0 : i32
    return %c0_i32, %arg0, %c0_i32_0 : i32, i32, i32
  }
  func.func @transform_2(%arg0: i32) -> (i32, i32) {
    %c0_i32 = arith.constant 0 : i32
    %c0_i32_0 = arith.constant 0 : i32
    return %arg0, %c0_i32 : i32, i32
  }
  func.func @transform_3(%arg0: i32) -> (i32, i32) {
    %c0_i32 = arith.constant 0 : i32
    %c0_i32_0 = arith.constant 0 : i32
    %c0_i32_1 = arith.constant 0 : i32
    return %c0_i32, %c0_i32_0 : i32, i32
  }
  func.func @transform_4(%arg0: i32) -> (i32, i32) {
    %c0_i32 = arith.constant 0 : i32
    %c0_i32_0 = arith.constant 0 : i32
    %c0_i32_1 = arith.constant 0 : i32
    return %c0_i32, %c0_i32_0 : i32, i32
  }
  func.func @transform_5(%arg0: i32) -> (i32, i32) {
    %c0_i32 = arith.constant 0 : i32
    %c0_i32_0 = arith.constant 0 : i32
    %c0_i32_1 = arith.constant 0 : i32
    return %c0_i32, %c0_i32_0 : i32, i32
  }
  func.func @transform_6(%arg0: i32) -> (i32, i32) {
    %c0_i32 = arith.constant 0 : i32
    %c0_i32_0 = arith.constant 0 : i32
    return %arg0, %c0_i32 : i32, i32
  }
  func.func @transform_7(%arg0: i32) -> (i32, i32) {
    %c0_i32 = arith.constant 0 : i32
    %c0_i32_0 = arith.constant 0 : i32
    return %arg0, %c0_i32 : i32, i32
  }
}

module attributes {stable_mosaic.version = 14 : i64} {
  func.func @_cnn_body(%arg0: i32, %arg1: memref<5600x1xi32, #tpu.memory_space<vmem>>, %arg2: memref<65x128xf32, #tpu.memory_space<vmem>>, %arg3: memref<512x40xf32, #tpu.memory_space<vmem>>, %arg4: memref<1x40xf32, #tpu.memory_space<vmem>>, %arg5: memref<240x80xf32, #tpu.memory_space<vmem>>, %arg6: memref<1x80xf32, #tpu.memory_space<vmem>>, %arg7: memref<640x160xf32, #tpu.memory_space<vmem>>, %arg8: memref<1x160xf32, #tpu.memory_space<vmem>>, %arg9: memref<50x88x160xbf16, #tpu.memory_space<vmem>>) attributes {dimension_semantics = [#tpu.dimension_semantics<arbitrary>], iteration_bounds = array<i64: 200>, scalar_prefetch = 0 : i64, scratch_operands = 0 : i64, tpu.core_type = #tpu.core_type<tc>, window_params = [{transform_indices = @transform_0, window_bounds = array<i64: 5600, 1>}, {pipeline_mode = #tpu.pipeline_mode<synchronous>, transform_indices = @transform_1, window_bounds = array<i64: 65, 128>}, {pipeline_mode = #tpu.pipeline_mode<synchronous>, transform_indices = @transform_2, window_bounds = array<i64: 512, 40>}, {pipeline_mode = #tpu.pipeline_mode<synchronous>, transform_indices = @transform_3, window_bounds = array<i64: 1, 40>}, {pipeline_mode = #tpu.pipeline_mode<synchronous>, transform_indices = @transform_4, window_bounds = array<i64: 240, 80>}, {pipeline_mode = #tpu.pipeline_mode<synchronous>, transform_indices = @transform_5, window_bounds = array<i64: 1, 80>}, {pipeline_mode = #tpu.pipeline_mode<synchronous>, transform_indices = @transform_6, window_bounds = array<i64: 640, 160>}, {pipeline_mode = #tpu.pipeline_mode<synchronous>, transform_indices = @transform_7, window_bounds = array<i64: 1, 160>}, {transform_indices = @transform_8, window_bounds = array<i64: 50, 88, 160>}]} {
    %get3A = arith.constant 0 : index
    %get3A_0 = arith.constant 0 : index
    %get3A_1 = vector.load %arg1[%get3A, %get3A_0] : memref<5600x1xi32, #tpu.memory_space<vmem>>, vector<5600x1xi32>
    %iota3A = tpu.iota {dimensions = array<i32: 1>} : vector<1x65xi32>
    %eq3A = vector.broadcast %get3A_1 : vector<5600x1xi32> to vector<5600x65xi32>
    %eq3A_2 = vector.broadcast %iota3A : vector<1x65xi32> to vector<5600x65xi32>
    %eq3A_3 = arith.cmpi eq, %eq3A, %eq3A_2 : vector<5600x65xi32>
    %convert_element_type3A = arith.extui %eq3A_3 : vector<5600x65xi1> to vector<5600x65xi32>
    %convert_element_type3A_4 = arith.sitofp %convert_element_type3A : vector<5600x65xi32> to vector<5600x65xf32>
    %get3A_5 = arith.constant 0 : index
    %get3A_6 = arith.constant 0 : index
    %get3A_7 = vector.load %arg2[%get3A_5, %get3A_6] : memref<65x128xf32, #tpu.memory_space<vmem>>, vector<65x128xf32>
    %dot_general3A = arith.constant dense<0.000000e+00> : vector<5600x128xf32>
    %dot_general3A_8 = tpu.matmul %convert_element_type3A_4, %get3A_7, %dot_general3A {dimension_numbers = #tpu.dot_dimension_numbers<[1], [0], [0], [1], [0, 0, 1, 1], [], []>, transpose_lhs_hint = false} : vector<5600x65xf32>, vector<65x128xf32>, vector<5600x128xf32> -> vector<5600x128xf32>
    %reshape3A = vector.shape_cast %dot_general3A_8 : vector<5600x128xf32> to vector<50x112x128xf32>
    %slice3A = vector.extract_strided_slice %reshape3A {offsets = [0, 0, 0], sizes = [50, 104, 128], strides = [1, 1, 1]} : vector<50x112x128xf32> to vector<50x104x128xf32>
    %reshape3A_9 = vector.shape_cast %slice3A : vector<50x104x128xf32> to vector<5200x128xf32>
    %slice3A_10 = vector.extract_strided_slice %reshape3A {offsets = [0, 1, 0], sizes = [50, 104, 128], strides = [1, 1, 1]} : vector<50x112x128xf32> to vector<50x104x128xf32>
    %reshape3A_11 = vector.shape_cast %slice3A_10 : vector<50x104x128xf32> to vector<5200x128xf32>
    %slice3A_12 = vector.extract_strided_slice %reshape3A {offsets = [0, 2, 0], sizes = [50, 104, 128], strides = [1, 1, 1]} : vector<50x112x128xf32> to vector<50x104x128xf32>
    %reshape3A_13 = vector.shape_cast %slice3A_12 : vector<50x104x128xf32> to vector<5200x128xf32>
    %slice3A_14 = vector.extract_strided_slice %reshape3A {offsets = [0, 3, 0], sizes = [50, 104, 128], strides = [1, 1, 1]} : vector<50x112x128xf32> to vector<50x104x128xf32>
    %reshape3A_15 = vector.shape_cast %slice3A_14 : vector<50x104x128xf32> to vector<5200x128xf32>
    %concatenate3A = tpu.concatenate %reshape3A_9, %reshape3A_11, %reshape3A_13, %reshape3A_15 in 1 : vector<5200x128xf32>, vector<5200x128xf32>, vector<5200x128xf32>, vector<5200x128xf32> -> vector<5200x512xf32>
    %get3A_16 = arith.constant 0 : index
    %get3A_17 = arith.constant 0 : index
    %get3A_18 = vector.load %arg3[%get3A_16, %get3A_17] : memref<512x40xf32, #tpu.memory_space<vmem>>, vector<512x40xf32>
    %dot_general3A_19 = arith.constant dense<0.000000e+00> : vector<5200x40xf32>
    %dot_general3A_20 = tpu.matmul %concatenate3A, %get3A_18, %dot_general3A_19 {dimension_numbers = #tpu.dot_dimension_numbers<[1], [0], [0], [1], [0, 0, 1, 1], [], []>, transpose_lhs_hint = false} : vector<5200x512xf32>, vector<512x40xf32>, vector<5200x40xf32> -> vector<5200x40xf32>
    %get3A_21 = arith.constant 0 : index
    %get3A_22 = arith.constant 0 : index
    %get3A_23 = vector.load %arg4[%get3A_21, %get3A_22] : memref<1x40xf32, #tpu.memory_space<vmem>>, vector<1x40xf32>
    %add3A = vector.broadcast %get3A_23 : vector<1x40xf32> to vector<5200x40xf32>
    %add3A_24 = arith.addf %dot_general3A_20, %add3A : vector<5200x40xf32>
    %max3A = arith.constant 0.000000e+00 : f32
    %max3A_25 = vector.broadcast %max3A : f32 to vector<5200x40xf32>
    %max3A_26 = arith.maximumf %add3A_24, %max3A_25 : vector<5200x40xf32>
    %reshape3A_27 = vector.shape_cast %max3A_26 : vector<5200x40xf32> to vector<50x104x40xf32>
    %slice3A_28 = vector.extract_strided_slice %reshape3A_27 {offsets = [0, 0, 0], sizes = [50, 96, 40], strides = [1, 1, 1]} : vector<50x104x40xf32> to vector<50x96x40xf32>
    %reshape3A_29 = vector.shape_cast %slice3A_28 : vector<50x96x40xf32> to vector<4800x40xf32>
    %slice3A_30 = vector.extract_strided_slice %reshape3A_27 {offsets = [0, 1, 0], sizes = [50, 96, 40], strides = [1, 1, 1]} : vector<50x104x40xf32> to vector<50x96x40xf32>
    %reshape3A_31 = vector.shape_cast %slice3A_30 : vector<50x96x40xf32> to vector<4800x40xf32>
    %slice3A_32 = vector.extract_strided_slice %reshape3A_27 {offsets = [0, 2, 0], sizes = [50, 96, 40], strides = [1, 1, 1]} : vector<50x104x40xf32> to vector<50x96x40xf32>
    %reshape3A_33 = vector.shape_cast %slice3A_32 : vector<50x96x40xf32> to vector<4800x40xf32>
    %slice3A_34 = vector.extract_strided_slice %reshape3A_27 {offsets = [0, 3, 0], sizes = [50, 96, 40], strides = [1, 1, 1]} : vector<50x104x40xf32> to vector<50x96x40xf32>
    %reshape3A_35 = vector.shape_cast %slice3A_34 : vector<50x96x40xf32> to vector<4800x40xf32>
    %slice3A_36 = vector.extract_strided_slice %reshape3A_27 {offsets = [0, 4, 0], sizes = [50, 96, 40], strides = [1, 1, 1]} : vector<50x104x40xf32> to vector<50x96x40xf32>
    %reshape3A_37 = vector.shape_cast %slice3A_36 : vector<50x96x40xf32> to vector<4800x40xf32>
    %slice3A_38 = vector.extract_strided_slice %reshape3A_27 {offsets = [0, 5, 0], sizes = [50, 96, 40], strides = [1, 1, 1]} : vector<50x104x40xf32> to vector<50x96x40xf32>
    %reshape3A_39 = vector.shape_cast %slice3A_38 : vector<50x96x40xf32> to vector<4800x40xf32>
    %concatenate3A_40 = tpu.concatenate %reshape3A_29, %reshape3A_31, %reshape3A_33, %reshape3A_35, %reshape3A_37, %reshape3A_39 in 1 : vector<4800x40xf32>, vector<4800x40xf32>, vector<4800x40xf32>, vector<4800x40xf32>, vector<4800x40xf32>, vector<4800x40xf32> -> vector<4800x240xf32>
    %get3A_41 = arith.constant 0 : index
    %get3A_42 = arith.constant 0 : index
    %get3A_43 = vector.load %arg5[%get3A_41, %get3A_42] : memref<240x80xf32, #tpu.memory_space<vmem>>, vector<240x80xf32>
    %dot_general3A_44 = arith.constant dense<0.000000e+00> : vector<4800x80xf32>
    %dot_general3A_45 = tpu.matmul %concatenate3A_40, %get3A_43, %dot_general3A_44 {dimension_numbers = #tpu.dot_dimension_numbers<[1], [0], [0], [1], [0, 0, 1, 1], [], []>, transpose_lhs_hint = false} : vector<4800x240xf32>, vector<240x80xf32>, vector<4800x80xf32> -> vector<4800x80xf32>
    %get3A_46 = arith.constant 0 : index
    %get3A_47 = arith.constant 0 : index
    %get3A_48 = vector.load %arg6[%get3A_46, %get3A_47] : memref<1x80xf32, #tpu.memory_space<vmem>>, vector<1x80xf32>
    %add3A_49 = vector.broadcast %get3A_48 : vector<1x80xf32> to vector<4800x80xf32>
    %add3A_50 = arith.addf %dot_general3A_45, %add3A_49 : vector<4800x80xf32>
    %max3A_51 = arith.constant 0.000000e+00 : f32
    %max3A_52 = vector.broadcast %max3A_51 : f32 to vector<4800x80xf32>
    %max3A_53 = arith.maximumf %add3A_50, %max3A_52 : vector<4800x80xf32>
    %reshape3A_54 = vector.shape_cast %max3A_53 : vector<4800x80xf32> to vector<50x96x80xf32>
    %slice3A_55 = vector.extract_strided_slice %reshape3A_54 {offsets = [0, 0, 0], sizes = [50, 88, 80], strides = [1, 1, 1]} : vector<50x96x80xf32> to vector<50x88x80xf32>
    %reshape3A_56 = vector.shape_cast %slice3A_55 : vector<50x88x80xf32> to vector<4400x80xf32>
    %slice3A_57 = vector.extract_strided_slice %reshape3A_54 {offsets = [0, 1, 0], sizes = [50, 88, 80], strides = [1, 1, 1]} : vector<50x96x80xf32> to vector<50x88x80xf32>
    %reshape3A_58 = vector.shape_cast %slice3A_57 : vector<50x88x80xf32> to vector<4400x80xf32>
    %slice3A_59 = vector.extract_strided_slice %reshape3A_54 {offsets = [0, 2, 0], sizes = [50, 88, 80], strides = [1, 1, 1]} : vector<50x96x80xf32> to vector<50x88x80xf32>
    %reshape3A_60 = vector.shape_cast %slice3A_59 : vector<50x88x80xf32> to vector<4400x80xf32>
    %slice3A_61 = vector.extract_strided_slice %reshape3A_54 {offsets = [0, 3, 0], sizes = [50, 88, 80], strides = [1, 1, 1]} : vector<50x96x80xf32> to vector<50x88x80xf32>
    %reshape3A_62 = vector.shape_cast %slice3A_61 : vector<50x88x80xf32> to vector<4400x80xf32>
    %slice3A_63 = vector.extract_strided_slice %reshape3A_54 {offsets = [0, 4, 0], sizes = [50, 88, 80], strides = [1, 1, 1]} : vector<50x96x80xf32> to vector<50x88x80xf32>
    %reshape3A_64 = vector.shape_cast %slice3A_63 : vector<50x88x80xf32> to vector<4400x80xf32>
    %slice3A_65 = vector.extract_strided_slice %reshape3A_54 {offsets = [0, 5, 0], sizes = [50, 88, 80], strides = [1, 1, 1]} : vector<50x96x80xf32> to vector<50x88x80xf32>
    %reshape3A_66 = vector.shape_cast %slice3A_65 : vector<50x88x80xf32> to vector<4400x80xf32>
    %slice3A_67 = vector.extract_strided_slice %reshape3A_54 {offsets = [0, 6, 0], sizes = [50, 88, 80], strides = [1, 1, 1]} : vector<50x96x80xf32> to vector<50x88x80xf32>
    %reshape3A_68 = vector.shape_cast %slice3A_67 : vector<50x88x80xf32> to vector<4400x80xf32>
    %slice3A_69 = vector.extract_strided_slice %reshape3A_54 {offsets = [0, 7, 0], sizes = [50, 88, 80], strides = [1, 1, 1]} : vector<50x96x80xf32> to vector<50x88x80xf32>
    %reshape3A_70 = vector.shape_cast %slice3A_69 : vector<50x88x80xf32> to vector<4400x80xf32>
    %concatenate3A_71 = tpu.concatenate %reshape3A_56, %reshape3A_58, %reshape3A_60, %reshape3A_62, %reshape3A_64, %reshape3A_66, %reshape3A_68, %reshape3A_70 in 1 : vector<4400x80xf32>, vector<4400x80xf32>, vector<4400x80xf32>, vector<4400x80xf32>, vector<4400x80xf32>, vector<4400x80xf32>, vector<4400x80xf32>, vector<4400x80xf32> -> vector<4400x640xf32>
    %get3A_72 = arith.constant 0 : index
    %get3A_73 = arith.constant 0 : index
    %get3A_74 = vector.load %arg7[%get3A_72, %get3A_73] : memref<640x160xf32, #tpu.memory_space<vmem>>, vector<640x160xf32>
    %dot_general3A_75 = arith.constant dense<0.000000e+00> : vector<4400x160xf32>
    %dot_general3A_76 = tpu.matmul %concatenate3A_71, %get3A_74, %dot_general3A_75 {dimension_numbers = #tpu.dot_dimension_numbers<[1], [0], [0], [1], [0, 0, 1, 1], [], []>, transpose_lhs_hint = false} : vector<4400x640xf32>, vector<640x160xf32>, vector<4400x160xf32> -> vector<4400x160xf32>
    %get3A_77 = arith.constant 0 : index
    %get3A_78 = arith.constant 0 : index
    %get3A_79 = vector.load %arg8[%get3A_77, %get3A_78] : memref<1x160xf32, #tpu.memory_space<vmem>>, vector<1x160xf32>
    %add3A_80 = vector.broadcast %get3A_79 : vector<1x160xf32> to vector<4400x160xf32>
    %add3A_81 = arith.addf %dot_general3A_76, %add3A_80 : vector<4400x160xf32>
    %max3A_82 = arith.constant 0.000000e+00 : f32
    %max3A_83 = vector.broadcast %max3A_82 : f32 to vector<4400x160xf32>
    %max3A_84 = arith.maximumf %add3A_81, %max3A_83 : vector<4400x160xf32>
    %reshape3A_85 = vector.shape_cast %max3A_84 : vector<4400x160xf32> to vector<50x88x160xf32>
    %convert_element_type3A_86 = arith.truncf %reshape3A_85 : vector<50x88x160xf32> to vector<50x88x160xbf16>
    %swap3A = arith.constant 0 : index
    %swap3A_87 = arith.constant 0 : index
    %swap3A_88 = arith.constant 0 : index
    %swap3A_89 = vector.load %arg9[%swap3A, %swap3A_87, %swap3A_88] : memref<50x88x160xbf16, #tpu.memory_space<vmem>>, vector<50x88x160xbf16>
    tpu.vector_store %arg9[%swap3A, %swap3A_87, %swap3A_88], %convert_element_type3A_86 {strides = array<i32>} : memref<50x88x160xbf16, #tpu.memory_space<vmem>>, vector<50x88x160xbf16>,
    return
  }
  func.func @transform_0(%arg0: i32) -> (i32, i32) {
    %c0_i32 = arith.constant 0 : i32
    %c0_i32_0 = arith.constant 0 : i32
    return %arg0, %c0_i32 : i32, i32
  }
  func.func @transform_1(%arg0: i32) -> (i32, i32) {
    %c0_i32 = arith.constant 0 : i32
    %c0_i32_0 = arith.constant 0 : i32
    %c0_i32_1 = arith.constant 0 : i32
    return %c0_i32, %c0_i32_0 : i32, i32
  }
  func.func @transform_2(%arg0: i32) -> (i32, i32) {
    %c0_i32 = arith.constant 0 : i32
    %c0_i32_0 = arith.constant 0 : i32
    %c0_i32_1 = arith.constant 0 : i32
    return %c0_i32, %c0_i32_0 : i32, i32
  }
  func.func @transform_3(%arg0: i32) -> (i32, i32) {
    %c0_i32 = arith.constant 0 : i32
    %c0_i32_0 = arith.constant 0 : i32
    %c0_i32_1 = arith.constant 0 : i32
    return %c0_i32, %c0_i32_0 : i32, i32
  }
  func.func @transform_4(%arg0: i32) -> (i32, i32) {
    %c0_i32 = arith.constant 0 : i32
    %c0_i32_0 = arith.constant 0 : i32
    %c0_i32_1 = arith.constant 0 : i32
    return %c0_i32, %c0_i32_0 : i32, i32
  }
  func.func @transform_5(%arg0: i32) -> (i32, i32) {
    %c0_i32 = arith.constant 0 : i32
    %c0_i32_0 = arith.constant 0 : i32
    %c0_i32_1 = arith.constant 0 : i32
    return %c0_i32, %c0_i32_0 : i32, i32
  }
  func.func @transform_6(%arg0: i32) -> (i32, i32) {
    %c0_i32 = arith.constant 0 : i32
    %c0_i32_0 = arith.constant 0 : i32
    %c0_i32_1 = arith.constant 0 : i32
    return %c0_i32, %c0_i32_0 : i32, i32
  }
  func.func @transform_7(%arg0: i32) -> (i32, i32) {
    %c0_i32 = arith.constant 0 : i32
    %c0_i32_0 = arith.constant 0 : i32
    %c0_i32_1 = arith.constant 0 : i32
    return %c0_i32, %c0_i32_0 : i32, i32
  }
  func.func @transform_8(%arg0: i32) -> (i32, i32, i32) {
    %c0_i32 = arith.constant 0 : i32
    %c0_i32_0 = arith.constant 0 : i32
    %c0_i32_1 = arith.constant 0 : i32
    return %arg0, %c0_i32, %c0_i32_0 : i32, i32, i32
  }
}

module attributes {stable_mosaic.version = 14 : i64} {
  func.func @_fc_body(%arg0: i32, %arg1: i32, %arg2: memref<400x1408xbf16, #tpu.memory_space<vmem>>, %arg3: memref<1408x128xbf16, #tpu.memory_space<vmem>>, %arg4: memref<1x128xf32, #tpu.memory_space<vmem>>, %arg5: memref<400x128xf32, #tpu.memory_space<vmem>>) attributes {dimension_semantics = [#tpu.dimension_semantics<parallel>, #tpu.dimension_semantics<arbitrary>], iteration_bounds = array<i64: 25, 10>, scalar_prefetch = 0 : i64, scratch_operands = 0 : i64, tpu.core_type = #tpu.core_type<tc>, window_params = [{transform_indices = @transform_0, window_bounds = array<i64: 400, 1408>}, {transform_indices = @transform_1, window_bounds = array<i64: 1408, 128>}, {pipeline_mode = #tpu.pipeline_mode<synchronous>, transform_indices = @transform_2, window_bounds = array<i64: 1, 128>}, {transform_indices = @transform_3, window_bounds = array<i64: 400, 128>}]} {
    %eq3A = arith.constant 0 : i32
    %eq3A_0 = arith.cmpi eq, %arg1, %eq3A : i32
    %convert_element_type3A = arith.extui %eq3A_0 : i1 to i32
    %cond3A = arith.constant 0 : i32
    %cond3A_1 = arith.cmpi ne, %convert_element_type3A, %cond3A : i32
    scf.if %cond3A_1 {
      %get3A_13 = arith.constant 0 : index
      %get3A_14 = arith.constant 0 : index
      %get3A_15 = vector.load %arg4[%get3A_13, %get3A_14] : memref<1x128xf32, #tpu.memory_space<vmem>>, vector<1x128xf32>
      %broadcast_in_dim3A = vector.shape_cast %get3A_15 : vector<1x128xf32> to vector<1x128xf32>
      %broadcast_in_dim3A_16 = vector.broadcast %broadcast_in_dim3A : vector<1x128xf32> to vector<400x128xf32>
      %swap3A_17 = arith.constant 0 : index
      %swap3A_18 = arith.constant 0 : index
      %swap3A_19 = vector.load %arg5[%swap3A_17, %swap3A_18] : memref<400x128xf32, #tpu.memory_space<vmem>>, vector<400x128xf32>
      tpu.vector_store %arg5[%swap3A_17, %swap3A_18], %broadcast_in_dim3A_16 {strides = array<i32>} : memref<400x128xf32, #tpu.memory_space<vmem>>, vector<400x128xf32>,
    } else {
    }
    %get3A = arith.constant 0 : index
    %get3A_2 = arith.constant 0 : index
    %get3A_3 = vector.load %arg5[%get3A, %get3A_2] : memref<400x128xf32, #tpu.memory_space<vmem>>, vector<400x128xf32>
    %get3A_4 = arith.constant 0 : index
    %get3A_5 = arith.constant 0 : index
    %get3A_6 = vector.load %arg2[%get3A_4, %get3A_5] : memref<400x1408xbf16, #tpu.memory_space<vmem>>, vector<400x1408xbf16>
    %get3A_7 = arith.constant 0 : index
    %get3A_8 = arith.constant 0 : index
    %get3A_9 = vector.load %arg3[%get3A_7, %get3A_8] : memref<1408x128xbf16, #tpu.memory_space<vmem>>, vector<1408x128xbf16>
    %dot_general3A = arith.constant dense<0.000000e+00> : vector<400x128xf32>
    %dot_general3A_10 = tpu.matmul %get3A_6, %get3A_9, %dot_general3A {dimension_numbers = #tpu.dot_dimension_numbers<[1], [0], [0], [1], [0, 0, 1, 1], [], []>, transpose_lhs_hint = false} : vector<400x1408xbf16>, vector<1408x128xbf16>, vector<400x128xf32> -> vector<400x128xf32>
    %add3A = arith.addf %get3A_3, %dot_general3A_10 : vector<400x128xf32>
    %swap3A = arith.constant 0 : index
    %swap3A_11 = arith.constant 0 : index
    %swap3A_12 = vector.load %arg5[%swap3A, %swap3A_11] : memref<400x128xf32, #tpu.memory_space<vmem>>, vector<400x128xf32>
    tpu.vector_store %arg5[%swap3A, %swap3A_11], %add3A {strides = array<i32>} : memref<400x128xf32, #tpu.memory_space<vmem>>, vector<400x128xf32>,
    return
  }
  func.func @transform_0(%arg0: i32, %arg1: i32) -> (i32, i32) {
    %c0_i32 = arith.constant 0 : i32
    return %arg0, %arg1 : i32, i32
  }
  func.func @transform_1(%arg0: i32, %arg1: i32) -> (i32, i32) {
    %c0_i32 = arith.constant 0 : i32
    %c0_i32_0 = arith.constant 0 : i32
    return %arg1, %c0_i32 : i32, i32
  }
  func.func @transform_2(%arg0: i32, %arg1: i32) -> (i32, i32) {
    %c0_i32 = arith.constant 0 : i32
    %c0_i32_0 = arith.constant 0 : i32
    %c0_i32_1 = arith.constant 0 : i32
    return %c0_i32, %c0_i32_0 : i32, i32
  }
  func.func @transform_3(%arg0: i32, %arg1: i32) -> (i32, i32) {
    %c0_i32 = arith.constant 0 : i32
    %c0_i32_0 = arith.constant 0 : i32
    return %arg0, %c0_i32 : i32, i32
  }
}

module attributes {stable_mosaic.version = 14 : i64} {
  func.func @_combine2_body(%arg0: i32, %arg1: memref<2x400x128xf32, #tpu.memory_space<vmem>>, %arg2: memref<400x128xf32, #tpu.memory_space<vmem>>, %arg3: memref<400x1xf32, #tpu.memory_space<vmem>>, %arg4: memref<400x128xf32, #tpu.memory_space<vmem>>, %arg5: memref<128x128xf32, #tpu.memory_space<vmem>>, %arg6: memref<128x128xf32, #tpu.memory_space<vmem>>, %arg7: memref<1x128xf32, #tpu.memory_space<vmem>>, %arg8: memref<128x128xf32, #tpu.memory_space<vmem>>, %arg9: memref<128x128xf32, #tpu.memory_space<vmem>>, %arg10: memref<400x128xf32, #tpu.memory_space<vmem>>, %arg11: memref<400x128xf32, #tpu.memory_space<vmem>>, %arg12: memref<400x128xf32, #tpu.memory_space<vmem>>) attributes {dimension_semantics = [#tpu.dimension_semantics<arbitrary>], iteration_bounds = array<i64: 25>, scalar_prefetch = 0 : i64, scratch_operands = 0 : i64, tpu.core_type = #tpu.core_type<tc>, window_params = [{transform_indices = @transform_0, window_bounds = array<i64: 2, 400, 128>}, {transform_indices = @transform_1, window_bounds = array<i64: 400, 128>}, {transform_indices = @transform_2, window_bounds = array<i64: 400, 1>}, {transform_indices = @transform_3, window_bounds = array<i64: 400, 128>}, {pipeline_mode = #tpu.pipeline_mode<synchronous>, transform_indices = @transform_4, window_bounds = array<i64: 128, 128>}, {pipeline_mode = #tpu.pipeline_mode<synchronous>, transform_indices = @transform_5, window_bounds = array<i64: 128, 128>}, {pipeline_mode = #tpu.pipeline_mode<synchronous>, transform_indices = @transform_6, window_bounds = array<i64: 1, 128>}, {pipeline_mode = #tpu.pipeline_mode<synchronous>, transform_indices = @transform_7, window_bounds = array<i64: 128, 128>}, {pipeline_mode = #tpu.pipeline_mode<synchronous>, transform_indices = @transform_8, window_bounds = array<i64: 128, 128>}, {transform_indices = @transform_9, window_bounds = array<i64: 400, 128>}, {transform_indices = @transform_10, window_bounds = array<i64: 400, 128>}, {transform_indices = @transform_11, window_bounds = array<i64: 400, 128>}]} {
    %get3A = arith.constant 0 : index
    %get3A_0 = arith.constant 0 : index
    %get3A_1 = arith.constant 0 : index
    %get3A_2 = vector.load %arg1[%get3A, %get3A_0, %get3A_1] : memref<2x400x128xf32, #tpu.memory_space<vmem>>, vector<1x400x128xf32>
    %get3A_3 = vector.shape_cast %get3A_2 : vector<1x400x128xf32> to vector<400x128xf32>
    %get3A_4 = arith.constant 1 : index
    %get3A_5 = arith.constant 0 : index
    %get3A_6 = arith.constant 0 : index
    %get3A_7 = vector.load %arg1[%get3A_4, %get3A_5, %get3A_6] : memref<2x400x128xf32, #tpu.memory_space<vmem>>, vector<1x400x128xf32>
    %get3A_8 = vector.shape_cast %get3A_7 : vector<1x400x128xf32> to vector<400x128xf32>
    %add3A = arith.addf %get3A_3, %get3A_8 : vector<400x128xf32>
    %get3A_9 = arith.constant 0 : index
    %get3A_10 = arith.constant 0 : index
    %get3A_11 = vector.load %arg3[%get3A_9, %get3A_10] : memref<400x1xf32, #tpu.memory_space<vmem>>, vector<400x1xf32>
    %mul3A = vector.broadcast %get3A_11 : vector<400x1xf32> to vector<400x128xf32>
    %mul3A_12 = arith.mulf %add3A, %mul3A : vector<400x128xf32>
    %get3A_13 = arith.constant 0 : index
    %get3A_14 = arith.constant 0 : index
    %get3A_15 = vector.load %arg5[%get3A_13, %get3A_14] : memref<128x128xf32, #tpu.memory_space<vmem>>, vector<128x128xf32>
    %dot_general3A = arith.constant dense<0.000000e+00> : vector<400x128xf32>
    %dot_general3A_16 = tpu.matmul %mul3A_12, %get3A_15, %dot_general3A {dimension_numbers = #tpu.dot_dimension_numbers<[1], [0], [0], [1], [0, 0, 1, 1], [], []>, transpose_lhs_hint = false} : vector<400x128xf32>, vector<128x128xf32>, vector<400x128xf32> -> vector<400x128xf32>
    %get3A_17 = arith.constant 0 : index
    %get3A_18 = arith.constant 0 : index
    %get3A_19 = vector.load %arg2[%get3A_17, %get3A_18] : memref<400x128xf32, #tpu.memory_space<vmem>>, vector<400x128xf32>
    %get3A_20 = arith.constant 0 : index
    %get3A_21 = arith.constant 0 : index
    %get3A_22 = vector.load %arg6[%get3A_20, %get3A_21] : memref<128x128xf32, #tpu.memory_space<vmem>>, vector<128x128xf32>
    %dot_general3A_23 = arith.constant dense<0.000000e+00> : vector<400x128xf32>
    %dot_general3A_24 = tpu.matmul %get3A_19, %get3A_22, %dot_general3A_23 {dimension_numbers = #tpu.dot_dimension_numbers<[1], [0], [0], [1], [0, 0, 1, 1], [], []>, transpose_lhs_hint = false} : vector<400x128xf32>, vector<128x128xf32>, vector<400x128xf32> -> vector<400x128xf32>
    %add3A_25 = arith.addf %dot_general3A_16, %dot_general3A_24 : vector<400x128xf32>
    %get3A_26 = arith.constant 0 : index
    %get3A_27 = arith.constant 0 : index
    %get3A_28 = vector.load %arg7[%get3A_26, %get3A_27] : memref<1x128xf32, #tpu.memory_space<vmem>>, vector<1x128xf32>
    %add3A_29 = vector.broadcast %get3A_28 : vector<1x128xf32> to vector<400x128xf32>
    %add3A_30 = arith.addf %add3A_25, %add3A_29 : vector<400x128xf32>
    %get3A_31 = arith.constant 0 : index
    %get3A_32 = arith.constant 0 : index
    %get3A_33 = vector.load %arg4[%get3A_31, %get3A_32] : memref<400x128xf32, #tpu.memory_space<vmem>>, vector<400x128xf32>
    %add3A_34 = arith.addf %add3A_30, %get3A_33 : vector<400x128xf32>
    %swap3A = arith.constant 0 : index
    %swap3A_35 = arith.constant 0 : index
    %swap3A_36 = vector.load %arg10[%swap3A, %swap3A_35] : memref<400x128xf32, #tpu.memory_space<vmem>>, vector<400x128xf32>
    tpu.vector_store %arg10[%swap3A, %swap3A_35], %add3A_34 {strides = array<i32>} : memref<400x128xf32, #tpu.memory_space<vmem>>, vector<400x128xf32>,
    %get3A_37 = arith.constant 0 : index
    %get3A_38 = arith.constant 0 : index
    %get3A_39 = vector.load %arg8[%get3A_37, %get3A_38] : memref<128x128xf32, #tpu.memory_space<vmem>>, vector<128x128xf32>
    %dot_general3A_40 = arith.constant dense<0.000000e+00> : vector<400x128xf32>
    %dot_general3A_41 = tpu.matmul %add3A_34, %get3A_39, %dot_general3A_40 {dimension_numbers = #tpu.dot_dimension_numbers<[1], [0], [0], [1], [0, 0, 1, 1], [], []>, transpose_lhs_hint = false} : vector<400x128xf32>, vector<128x128xf32>, vector<400x128xf32> -> vector<400x128xf32>
    %swap3A_42 = arith.constant 0 : index
    %swap3A_43 = arith.constant 0 : index
    %swap3A_44 = vector.load %arg11[%swap3A_42, %swap3A_43] : memref<400x128xf32, #tpu.memory_space<vmem>>, vector<400x128xf32>
    tpu.vector_store %arg11[%swap3A_42, %swap3A_43], %dot_general3A_41 {strides = array<i32>} : memref<400x128xf32, #tpu.memory_space<vmem>>, vector<400x128xf32>,
    %get3A_45 = arith.constant 0 : index
    %get3A_46 = arith.constant 0 : index
    %get3A_47 = vector.load %arg9[%get3A_45, %get3A_46] : memref<128x128xf32, #tpu.memory_space<vmem>>, vector<128x128xf32>
    %dot_general3A_48 = arith.constant dense<0.000000e+00> : vector<400x128xf32>
    %dot_general3A_49 = tpu.matmul %add3A_34, %get3A_47, %dot_general3A_48 {dimension_numbers = #tpu.dot_dimension_numbers<[1], [0], [0], [1], [0, 0, 1, 1], [], []>, transpose_lhs_hint = false} : vector<400x128xf32>, vector<128x128xf32>, vector<400x128xf32> -> vector<400x128xf32>
    %swap3A_50 = arith.constant 0 : index
    %swap3A_51 = arith.constant 0 : index
    %swap3A_52 = vector.load %arg12[%swap3A_50, %swap3A_51] : memref<400x128xf32, #tpu.memory_space<vmem>>, vector<400x128xf32>
    tpu.vector_store %arg12[%swap3A_50, %swap3A_51], %dot_general3A_49 {strides = array<i32>} : memref<400x128xf32, #tpu.memory_space<vmem>>, vector<400x128xf32>,
    return
  }
  func.func @transform_0(%arg0: i32) -> (i32, i32, i32) {
    %c0_i32 = arith.constant 0 : i32
    %c0_i32_0 = arith.constant 0 : i32
    %c0_i32_1 = arith.constant 0 : i32
    return %c0_i32, %arg0, %c0_i32_0 : i32, i32, i32
  }
  func.func @transform_1(%arg0: i32) -> (i32, i32) {
    %c0_i32 = arith.constant 0 : i32
    %c0_i32_0 = arith.constant 0 : i32
    return %arg0, %c0_i32 : i32, i32
  }
  func.func @transform_2(%arg0: i32) -> (i32, i32) {
    %c0_i32 = arith.constant 0 : i32
    %c0_i32_0 = arith.constant 0 : i32
    return %arg0, %c0_i32 : i32, i32
  }
  func.func @transform_3(%arg0: i32) -> (i32, i32) {
    %c0_i32 = arith.constant 0 : i32
    %c0_i32_0 = arith.constant 0 : i32
    return %arg0, %c0_i32 : i32, i32
  }
  func.func @transform_4(%arg0: i32) -> (i32, i32) {
    %c0_i32 = arith.constant 0 : i32
    %c0_i32_0 = arith.constant 0 : i32
    %c0_i32_1 = arith.constant 0 : i32
    return %c0_i32, %c0_i32_0 : i32, i32
  }
  func.func @transform_5(%arg0: i32) -> (i32, i32) {
    %c0_i32 = arith.constant 0 : i32
    %c0_i32_0 = arith.constant 0 : i32
    %c0_i32_1 = arith.constant 0 : i32
    return %c0_i32, %c0_i32_0 : i32, i32
  }
  func.func @transform_6(%arg0: i32) -> (i32, i32) {
    %c0_i32 = arith.constant 0 : i32
    %c0_i32_0 = arith.constant 0 : i32
    %c0_i32_1 = arith.constant 0 : i32
    return %c0_i32, %c0_i32_0 : i32, i32
  }
  func.func @transform_7(%arg0: i32) -> (i32, i32) {
    %c0_i32 = arith.constant 0 : i32
    %c0_i32_0 = arith.constant 0 : i32
    %c0_i32_1 = arith.constant 0 : i32
    return %c0_i32, %c0_i32_0 : i32, i32
  }
  func.func @transform_8(%arg0: i32) -> (i32, i32) {
    %c0_i32 = arith.constant 0 : i32
    %c0_i32_0 = arith.constant 0 : i32
    %c0_i32_1 = arith.constant 0 : i32
    return %c0_i32, %c0_i32_0 : i32, i32
  }
  func.func @transform_9(%arg0: i32) -> (i32, i32) {
    %c0_i32 = arith.constant 0 : i32
    %c0_i32_0 = arith.constant 0 : i32
    return %arg0, %c0_i32 : i32, i32
  }
  func.func @transform_10(%arg0: i32) -> (i32, i32) {
    %c0_i32 = arith.constant 0 : i32
    %c0_i32_0 = arith.constant 0 : i32
    return %arg0, %c0_i32 : i32, i32
  }
  func.func @transform_11(%arg0: i32) -> (i32, i32) {
    %c0_i32 = arith.constant 0 : i32
    %c0_i32_0 = arith.constant 0 : i32
    return %arg0, %c0_i32 : i32, i32
  }
}

module attributes {stable_mosaic.version = 14 : i64} {
  func.func @_dec_body(%arg0: i32, %arg1: memref<512x128xf32, #tpu.memory_space<vmem>>, %arg2: memref<512x128xf32, #tpu.memory_space<vmem>>, %arg3: memref<1x128xf32, #tpu.memory_space<vmem>>, %arg4: memref<1x128xf32, #tpu.memory_space<vmem>>, %arg5: memref<1x1xf32, #tpu.memory_space<vmem>>, %arg6: memref<512x1xf32, #tpu.memory_space<vmem>>) attributes {dimension_semantics = [#tpu.dimension_semantics<arbitrary>], iteration_bounds = array<i64: 200>, scalar_prefetch = 0 : i64, scratch_operands = 0 : i64, tpu.core_type = #tpu.core_type<tc>, window_params = [{transform_indices = @transform_0, window_bounds = array<i64: 512, 128>}, {transform_indices = @transform_1, window_bounds = array<i64: 512, 128>}, {pipeline_mode = #tpu.pipeline_mode<synchronous>, transform_indices = @transform_2, window_bounds = array<i64: 1, 128>}, {pipeline_mode = #tpu.pipeline_mode<synchronous>, transform_indices = @transform_3, window_bounds = array<i64: 1, 128>}, {pipeline_mode = #tpu.pipeline_mode<synchronous>, transform_indices = @transform_4, window_bounds = array<i64: 1, 1>}, {transform_indices = @transform_5, window_bounds = array<i64: 512, 1>}]} {
    %get3A = arith.constant 0 : index
    %get3A_0 = arith.constant 0 : index
    %get3A_1 = vector.load %arg1[%get3A, %get3A_0] : memref<512x128xf32, #tpu.memory_space<vmem>>, vector<512x128xf32>
    %get3A_2 = arith.constant 0 : index
    %get3A_3 = arith.constant 0 : index
    %get3A_4 = vector.load %arg2[%get3A_2, %get3A_3] : memref<512x128xf32, #tpu.memory_space<vmem>>, vector<512x128xf32>
    %add3A = arith.addf %get3A_1, %get3A_4 : vector<512x128xf32>
    %get3A_5 = arith.constant 0 : index
    %get3A_6 = arith.constant 0 : index
    %get3A_7 = vector.load %arg3[%get3A_5, %get3A_6] : memref<1x128xf32, #tpu.memory_space<vmem>>, vector<1x128xf32>
    %add3A_8 = vector.broadcast %get3A_7 : vector<1x128xf32> to vector<512x128xf32>
    %add3A_9 = arith.addf %add3A, %add3A_8 : vector<512x128xf32>
    %max3A = arith.constant 0.000000e+00 : f32
    %max3A_10 = vector.broadcast %max3A : f32 to vector<512x128xf32>
    %max3A_11 = arith.maximumf %add3A_9, %max3A_10 : vector<512x128xf32>
    %get3A_12 = arith.constant 0 : index
    %get3A_13 = arith.constant 0 : index
    %get3A_14 = vector.load %arg4[%get3A_12, %get3A_13] : memref<1x128xf32, #tpu.memory_space<vmem>>, vector<1x128xf32>
    %mul3A = vector.broadcast %get3A_14 : vector<1x128xf32> to vector<512x128xf32>
    %mul3A_15 = arith.mulf %max3A_11, %mul3A : vector<512x128xf32>
    %reduce_sum3A = arith.constant dense<0.000000e+00> : vector<512xf32>
    %reduce_sum3A_16 = vector.multi_reduction <add>, %mul3A_15, %reduce_sum3A [1] : vector<512x128xf32> to vector<512xf32>
    %broadcast_in_dim3A = vector.shape_cast %reduce_sum3A_16 : vector<512xf32> to vector<512x1xf32>
    %get3A_17 = arith.constant 0 : index
    %get3A_18 = arith.constant 0 : index
    %get3A_19 = vector.load %arg5[%get3A_17, %get3A_18] : memref<1x1xf32, #tpu.memory_space<vmem>>, vector<1x1xf32>
    %add3A_20 = vector.broadcast %get3A_19 : vector<1x1xf32> to vector<512x1xf32>
    %add3A_21 = arith.addf %broadcast_in_dim3A, %add3A_20 : vector<512x1xf32>
    %swap3A = arith.constant 0 : index
    %swap3A_22 = arith.constant 0 : index
    %swap3A_23 = vector.load %arg6[%swap3A, %swap3A_22] : memref<512x1xf32, #tpu.memory_space<vmem>>, vector<512x1xf32>
    tpu.vector_store %arg6[%swap3A, %swap3A_22], %add3A_21 {strides = array<i32>} : memref<512x1xf32, #tpu.memory_space<vmem>>, vector<512x1xf32>,
    return
  }
  func.func @transform_0(%arg0: i32) -> (i32, i32) {
    %c0_i32 = arith.constant 0 : i32
    %c0_i32_0 = arith.constant 0 : i32
    return %arg0, %c0_i32 : i32, i32
  }
  func.func @transform_1(%arg0: i32) -> (i32, i32) {
    %c0_i32 = arith.constant 0 : i32
    %c0_i32_0 = arith.constant 0 : i32
    return %arg0, %c0_i32 : i32, i32
  }
  func.func @transform_2(%arg0: i32) -> (i32, i32) {
    %c0_i32 = arith.constant 0 : i32
    %c0_i32_0 = arith.constant 0 : i32
    %c0_i32_1 = arith.constant 0 : i32
    return %c0_i32, %c0_i32_0 : i32, i32
  }
  func.func @transform_3(%arg0: i32) -> (i32, i32) {
    %c0_i32 = arith.constant 0 : i32
    %c0_i32_0 = arith.constant 0 : i32
    %c0_i32_1 = arith.constant 0 : i32
    return %c0_i32, %c0_i32_0 : i32, i32
  }
  func.func @transform_4(%arg0: i32) -> (i32, i32) {
    %c0_i32 = arith.constant 0 : i32
    %c0_i32_0 = arith.constant 0 : i32
    %c0_i32_1 = arith.constant 0 : i32
    return %c0_i32, %c0_i32_0 : i32, i32
  }
  func.func @transform_5(%arg0: i32) -> (i32, i32) {
    %c0_i32 = arith.constant 0 : i32
    %c0_i32_0 = arith.constant 0 : i32
    return %arg0, %c0_i32 : i32, i32
  }
}

</mosaic_0001>

<sc_bundles>
// kernel: kernel.11.cloned.1.call-start
scs
__scs_entry_jumppad:
0x0: {  	(pc) =	sbr.rel $0x88, $3  }
0x1: {  	(tag) =	ssettag $0x0;
	lr =	simm.s32 $0x1  }
0x2: {  	[smem:$0x3F8A] =	sst lr;
	_ =	strace $0xD0000000  }
0x3: {  	_ = 	snop  }
0x4: {  	_ = 	snop  }
0x5: {  	_ = 	snop  }
0x6: {  	_ = 	snop  }
0x7: {  	_ = 	snop  }
__scs_overlays_trampoline_lowered:
0x8: {  	[smem:$0x3F99] =	sst s0  }
0x9: {  	[smem:$0x3F9A] =	sst s1  }
0xa: {  	[smem:$0x3F9B] =	sst s2  }
0xb: {  	[smem:$0x3F9C] =	sst s3  }
0xc: {  	[smem:$0x3F9D] =	sst s4  }
0xd: {  	[smem:$0x3F9E] =	sst s5  }
0xe: {  	[smem:$0x3F9F] =	sst s6  }
0xf: {  	[smem:$0x3FA0] =	sst s7  }
0x10: {  	[smem:$0x3FA1] =	sst s8  }
0x11: {  	[smem:$0x3FA2] =	sst s9;
	s0 =	simm.s32 @!p0 $0x0  }
0x12: {  	s1 =	sld [smem:$0x3F88];
	s0 =	simm.s32 @p0 $0x1  }
0x13: {  	[smem:$0x3FA3] =	sst s0;
	s0 =	simm.s32 @!p1 $0x0  }
0x14: {  	s2 =	sld [smem:$0x3F87];
	s0 =	simm.s32 @p1 $0x1  }
0x15: {  	[smem:$0x3FA4] =	sst s0;
	s0 =	simm.s32 @!p2 $0x0  }
0x16: {  	s3 =	sld [smem:$0x3FDB];
	s0 =	simm.s32 @p2 $0x1  }
0x17: {  	s4 =	simm.s32 $0x1BF5;
	[smem:$0x3FA6] =	sst s0  }
0x18: {  	s0 =	sld [smem:$0x3F89];
	_ =	swait.ge [sflag:s4], $0x0  }
0x19: {  	s7 =	sld [smem:$0x3F8A]  }
0x1a: {  	s8 =	sadd.s32 $0xFFFFE003, lr  }
0x1b: {  	s9 =	sadd.s32 $0xFFFFFEF7, lr;
	s5 =	simm.s32 $0xFFFFFFFF;
	p2 =	slt.u32 s8, $0xFFFFF086  }
0x1c: {  	p1 =	slt.u32 s9, $0xF7A;
	s5 =	simm.s32 @!p2 $0x0  }
0x1d: {  	s5 =	simm.s32 @p1 $0x1;
	p0 =	seq.s32 s7, s2  }
0x1e: {  	s7 =	smul.u32 @!p0 $0xF7A, s2;
	p2 =	seq.s32 @!p0 s5, $0x0  }
0x1f: {  	s9 =	smul.u32 $0xF7A, s1;
	s8 =	simm.s32 @!p0 $0x1BF5;
	p2 =	por !p2, p0  }
0x20: {  	[sflag:s8] =	ssyncset.s32 @!p0 $0xFFFFF086;
	s6 =	sadd.s32 @!p0 s3, s7;
	s7 =	simm.s32 @!p0 $0x108  }
0x21: {  	s3 =	sadd.s32 s3, s9;
	s6 =	sadd.s32 @!p0 $0x88, s6;
	s7 =	simm.s32 @p2 $0x1082  }
0x22: {  	[simem:s7], [sflag:s8] =	dma.local @!p0 [hbm:s6], $0xF7A  }
0x23: {  	s9 =	sor.u32 $0xD0000000, s2;
	s6 =	simm.s32 $0x108;
	_ =	swait.ge @!p0 [sflag:s8], $0x0  }
0x24: {  	s3 =	sadd.s32 $0x88, s3;
	s6 =	simm.s32 @!p1 $0x1082;
	[sflag:s4] =	ssyncset.s32 $0xFFFFF086  }
0x25: {  	[simem:s6], [sflag:s4] =	dma.local [hbm:s3], $0xF7A  }
0x26: {  	[smem:$0x3F8A] =	sst s1;
	(tag) =	ssettag s2;
	_ =	strace s9  }
0x27: {  	s1 =	sld [smem:$0x3F9A]  }
0x28: {  	s2 =	sld [smem:$0x3F9B]  }
0x29: {  	s4 =	sld [smem:$0x3F9D]  }
0x2a: {  	p0 =	seq.s32 s5, $0x0;
	s5 =	sld [smem:$0x3F9E]  }
0x2b: {  	s6 =	sld [smem:$0x3F9F]  }
0x2c: {  	s7 =	sld [smem:$0x3FA0]  }
0x2d: {  	s3 =	simm.s32 $0x108;
	s8 =	sld [smem:$0x3FA1]  }
0x2e: {  	s3 =	simm.s32 @!p0 $0x1082;
	s9 =	sld [smem:$0x3FA2]  }
0x2f: {  	lr =	sadd.s32 s0, s3;
	s0 =	sld [smem:$0x3F99]  }
0x30: {  	s3 =	sld [smem:$0x3F9C]  }
0x31: {  	[smem:$0x3FA5] =	sst s10  }
0x32: {  	s10 =	sld [smem:$0x3FA3];
	_ =	sdelay $0x3  }
0x33: {  	p0 =	seq.s32 s10, $0x1;
	s10 =	sld [smem:$0x3FA5];
	_ =	sdelay $0x3  }
0x34: {  	[smem:$0x3FA5] =	sst s10  }
0x35: {  	s10 =	sld [smem:$0x3FA4];
	_ =	sdelay $0x3  }
0x36: {  	p1 =	seq.s32 s10, $0x1;
	s10 =	sld [smem:$0x3FA5];
	_ =	sdelay $0x3  }
0x37: {  	[smem:$0x3FA5] =	sst s10  }
0x38: {  	s10 =	sld [smem:$0x3FA6]  }
0x39: {  	_ = 	snop;
	(pc) =	sbr.ind lr, $3  }
0x3a: {  	_ = 	snop  }
0x3b: {  	_ = 	snop  }
0x3c: {  	p2 =	seq.s32 s10, $0x1;
	s10 =	sld [smem:$0x3FA5]  }
0x3d: {  	_ =	shalt  }
0x3e: {  	_ =	shalt  }
0x3f: {  	_ =	shalt  }
0x40: {  	_ =	shalt  }
0x41: {  	_ =	shalt  }
0x42: {  	_ =	shalt  }
0x43: {  	_ =	shalt  }
0x44: {  	_ =	shalt  }
0x45: {  	_ =	shalt  }
0x46: {  	_ =	shalt  }
0x47: {  	_ =	shalt  }
0x48: {  	_ =	shalt  }
0x49: {  	_ =	shalt  }
0x4a: {  	_ =	shalt  }
0x4b: {  	_ =	shalt  }
0x4c: {  	_ =	shalt  }
0x4d: {  	_ =	shalt  }
0x4e: {  	_ =	shalt  }
0x4f: {  	_ =	shalt  }
0x50: {  	_ =	shalt  }
0x51: {  	_ =	shalt  }
0x52: {  	_ =	shalt  }
0x53: {  	_ =	shalt  }
0x54: {  	_ =	shalt  }
0x55: {  	_ =	shalt  }
0x56: {  	_ =	shalt  }
0x57: {  	_ =	shalt  }
0x58: {  	_ =	shalt  }
0x59: {  	_ =	shalt  }
0x5a: {  	_ =	shalt  }
0x5b: {  	_ =	shalt  }
0x5c: {  	_ =	shalt  }
0x5d: {  	_ =	shalt  }
0x5e: {  	_ =	shalt  }
0x5f: {  	_ =	shalt  }
0x60: {  	_ =	shalt  }
0x61: {  	_ =	shalt  }
0x62: {  	_ =	shalt  }
0x63: {  	_ =	shalt  }
0x64: {  	_ =	shalt  }
0x65: {  	_ =	shalt  }
0x66: {  	_ =	shalt  }
0x67: {  	_ =	shalt  }
0x68: {  	_ =	shalt  }
0x69: {  	_ =	shalt  }
0x6a: {  	_ =	shalt  }
0x6b: {  	_ =	shalt  }
0x6c: {  	_ =	shalt  }
0x6d: {  	_ =	shalt  }
0x6e: {  	_ =	shalt  }
0x6f: {  	_ =	shalt  }
0x70: {  	_ =	shalt  }
0x71: {  	_ =	shalt  }
0x72: {  	_ =	shalt  }
0x73: {  	_ =	shalt  }
0x74: {  	_ =	shalt  }
0x75: {  	_ =	shalt  }
0x76: {  	_ =	shalt  }
0x77: {  	_ =	shalt  }
0x78: {  	_ =	shalt  }
0x79: {  	_ =	shalt  }
0x7a: {  	_ =	shalt  }
0x7b: {  	_ =	shalt  }
0x7c: {  	_ =	shalt  }
0x7d: {  	_ =	shalt  }
0x7e: {  	_ =	shalt  }
0x7f: {  	_ =	shalt  }
0x80: {  	_ =	shalt  }
0x81: {  	_ =	shalt  }
0x82: {  	_ =	shalt  }
0x83: {  	_ =	shalt  }
0x84: {  	_ =	shalt  }
0x85: {  	_ =	shalt  }
0x86: {  	_ =	shalt  }
0x87: {  	_ =	shalt  }
.Lfunc_end0:
.L_simem_size_0:
called_computation_lowered:
.L_overlay_start_0:
0x88: {  	s2 =	sld [smem:$0x3FD9]  }
0x89: {  	s3 =	sld [smem:$0x3FFE];
	_ =	sdelay $0x1  }
0x8a: {  	s1 =	srdreg.scid  }
0x8b: {  	s0 =	sand.u32 $0x1, s1  }
0x8c: {  	s17 =	sshll.u32 s0, $0xA;
	s2 =	sadd.s32 s3, s2  }
0x8d: {  	s2 =	sadd.s32 s2, s17  }
0x8e: {  	[smem:$0x3FB1] =	sst s2  }
0x8f: {  	_ = 	snop  }
0x90: {  	s2 =	sld [smem:$0x3FC9];
	(tm) =	ssettm $0x1  }
0x91: {  	s18 =	sld [smem:$0x3FFB];
	_ =	sdelay $0x3  }
0x92: {  	_ =	strace s18  }
0x93: {  	s3 =	sld [smem:$0x3FFC];
	_ =	sdelay $0x3  }
0x94: {  	_ =	strace s3  }
0x95: {  	s3 =	sld [smem:$0x3FFD];
	_ =	sdelay $0x3  }
0x96: {  	_ =	strace s3  }
0x97: {  	_ =	strace $0x8FFFFFFF  }
0x98: {  	s19 =	sld [smem:$0x3FDB];
	_ =	sdelay $0x1  }
0x99: {  	s4 =	simm.s32 $_scs_section_size  }
0x9a: {  	s5 =	simm.s32 $_size__tile_overlayer_lowered;
	s6 =	simm.s32 $_tile_overlayer_lowered  }
0x9b: {  	s22 =	simm.s32 $0x1BFF;
	s21 =	sshll.u32 s6, $0x1;
	s3 =	sadd.s32 s4, s19  }
0x9c: {  	s7 =	simm.s32 $0x0;
	s20 =	sshll.u32 s5, $0x1;
	s5 =	sadd.s32 s21, s3  }
0x9d: {  	[timem:s7], [sflag:s22] =	dma.local [hbm:s5], s20  }
0x9e: {  	_ =	swait.ge [sflag:s22], s20  }
0x9f: {  	s4 =	ssub.s32 $0x0, s20;
	[sflag:s22] =	ssyncset.done $0x0  }
0xa0: {  	[sflag:s22] =	ssyncadd.s32 s4;
	_ =	sdelay $0x1  }
0xa1: {  	s23 =	simm.s32 $0x1B8B  }
0xa2: {  	_ =	swait.ge [sflag:s23], $0x1  }
0xa3: {  	[sflag:s23] =	ssyncset.done $0x0  }
0xa4: {  	s25 =	simm.s32 $0x1B8E;
	s24 =	sld [smem:$0x3FFE];
	[sflag:s23] =	ssyncadd.s32 $0xFFFFFFFF  }
0xa5: {  	s26 =	simm.s32 $execute0_lowered;
	[smem:$0x3FD2] =	sst s25  }
0xa6: {  	s5 =	sshll.u32 s26, $0x1;
	_ =	strace $0x80000046;
	[dreg:$0x1] =	wrdreg $0xFFFFFFFF  }
0xa7: {  	s28 =	simm.s32 $_size_execute0_lowered;
	s3 =	sadd.s32 s3, s5;
	[dreg:$0x0] =	wrdreg $0x0  }
0xa8: {  	s5 =	sshll.u32 s28, $0x1;
	[dreg:$0x2] =	wrdreg s3  }
0xa9: {  	[dreg:$0x3] =	wrdreg s5  }
0xaa: {  	[dreg:$0x4] =	wrdreg $0xC0  }
0xab: {  	_ =	task [dreg:s7], $0x5FFFF  }
0xac: {  	[dreg:$0x1] =	wrdreg $0xFFFFFFFF  }
0xad: {  	[dreg:$0x0] =	wrdreg $0x60  }
0xae: {  	[dreg:$0x2] =	wrdreg s2  }
0xaf: {  	[dreg:$0x3] =	wrdreg s24  }
0xb0: {  	[dreg:$0x4] =	wrdreg $0x8F000  }
0xb1: {  	[dreg:$0x5] =	wrdreg $0x9  }
0xb2: {  	_ =	task.clear_ibuf [dreg:s7], $0x6FFFF;
	_ =	strace $0x90000046  }
0xb3: {  	s29 =	simm.s32 $0x9;
	_ =	strace $0x80000048  }
0xb4: {  	_ =	swait.ge [sflag:s29], $0x1  }
0xb5: {  	[sflag:s29] =	ssyncadd.s32 $0xFFFFFFFF  }
0xb6: {  	_ =	strace $0x90000048  }
0xb7: {  	_ =	sfence  }
0xb8: {  	s30 =	sld [smem:$0x0];
	_ =	sdelay $0x2  }
0xb9: {  	s31 =	sshll.u32 s1, $0xD;
	s1 =	sshrl.u32 s1, $0x2  }
0xba: {  	s3 =	sand.u32 $0x4000, s31;
	s1 =	sadd.s32 s1, s30  }
0xbb: {  	s0 =	sor.u32 s3, s0;
	s1 =	sshll.u32 s1, $0x11  }
0xbc: {  	s0 =	sor.u32 s1, s0  }
0xbd: {  	s0 =	sadd.s32 $0x8F2B, s0  }
0xbe: {  	[sflag:s0] =	ssyncadd.remote.s32 $0x1  }
0xbf: {  	_ =	sfence.sel $0xFFFF  }
0xc0: {  	[dreg:$0x0] =	wrdreg $0xFFFFFFFF;
	(pc) =	sbr.abs _section_cstart, $3  }
0xc1: {  	[dreg:$0x1] =	wrdreg $0xFFFFFFFF  }
0xc2: {  	_ =	task.clear_ibuf [dreg:s7], $0x2FFFF;
	_ =	strace $0x9FFFFFFF  }
0xc3: {  	(tm) =	ssettm $0x7FFFFFFF  }
tec
execute0_lowered:
.L_overlay_start_1:
0x0: {  	(tag) =	ssettag $0x1  }
0x1: {  	s1 =	rddreg [dreg:$0x0]  }
0x2: {  	s5 =	rddreg [dreg:$0x1]  }
0x3: {  	s2 =	rddreg [dreg:$0x2]  }
0x4: {  	s3 =	srdreg.scid;
	s0 =	rddreg [dreg:$0x3]  }
0x5: {  	s4 =	simm.s32 $0x0;
	s17 =	simm.s32 $0x3F00;
	s18 =	simm.s32 $0x3  }
0x6: {  	s19 =	simm.s32 $0x50;
	s20 =	simm.s32 $0x6700;
	s21 =	simm.s32 $0x1  }
0x7: {  	s22 =	simm.s32 $0x2;
	s23 =	simm.s32 $0x3E00;
	s6 =	sand.u32 $0x1, s3  }
0x8: {  	s24 =	simm.s32 $0x3E80;
	s3 =	stileid.u32;
	s7 =	smul.u32 $0x140000, s6  }
0x9: {  	[smem:$0x7FF] =	sst s4;
	s8 =	smul.u32 $0x14000, s3;
	s9 =	sshll.u32 s3, $0x1  }
0xa: {  	s10 =	sadd.s32 $0x5600, s5;
	s12 =	smul.u32 $0x50000, s3;
	s9 =	sor.u32 s6, s9  }
0xb: {  	_ =	strace $0x80000047;
	s6 =	ssub.s32 $0x2, s6;
	s29 =	smul.u32 $0x7D00, s9  }
0xc: {  	s7 =	sadd.s32 s8, s7;
	s9 =	smul.u32 $0xFA0, s9;
	s11 =	sshrl.u32 s6, $0x1  }
0xd: {  	s31 =	sshrl.u32 s12, $0x2;
	s7 =	sshrl.u32 s7, $0x3;
	s11 =	ssub.s32 s6, s11  }
0xe: {  	s8 =	sshrl.u32 s29, $0x3;
	s7 =	sadd.s32 s7, s5;
	s5 =	sadd.s32 s10, s9  }
0xf: {  	s9 =	smax.u32 s11, $0x1;
	s30 =	sadd.s32 s10, s8;
	s8 =	sadd.s32 s31, s2  }
0x10: {  	s7 =	sadd.s32 $0x24A00, s7;
	s6 =	sadd.s32 $0x7E0, s30;
	s10 =	sadd.s32 $0x2800, s8  }
0x11: {  	s11 =	sadd.s32 $0x5000, s8;
	s12 =	sadd.s32 $0x7800, s8;
	s13 =	sadd.s32 $0xA000, s8  }
0x12: {  	v0 =	vimm.f32 $0.0e+00;
	s14 =	sadd.s32 $0xC800, s8;
	s15 =	sadd.s32 $0xF000, s8;
	s16 =	sadd.s32 $0x11800, s8  }
.LBB2_1:
0x13: {  	s25 =	simm.s32 $0x0;
	s26 =	simm.s32 $0x200  }
.LBB2_2:
0x14: {  	p0 =	sne.s32 s26, $0x9E00;
	[tilespmem:s25+$0x3F70] =	vst v0  }
0x15: {  	[tilespmem:s25+$0x3F00] =	vst v0  }
0x16: {  	[tilespmem:s25+$0x3F10] =	vst v0  }
.Ltmp0:
0x17: {  	[tilespmem:s25+$0x3F20] =	vst v0;
	(pc) =	sbr.rel @p0 .LBB2_2-.Ltmp0, $4  }
0x18: {  	[tilespmem:s25+$0x3F30] =	vst v0  }
0x19: {  	[tilespmem:s25+$0x3F40] =	vst v0  }
0x1a: {  	[tilespmem:s25+$0x3F50] =	vst v0  }
0x1b: {  	[tilespmem:s25+$0x3F60] =	vst v0;
	s25 =	sshra.s32 s26, $0x2;
	s26 =	sadd.s32 $0x200, s26  }
0x1c: {  	[tilespmem:s25+$0x3F70] =	vst v0  }
0x1d: {  	[tilespmem:s25+$0x3F00] =	vst v0  }
0x1e: {  	[tilespmem:s25+$0x3F10] =	vst v0  }
0x1f: {  	[tilespmem:s25+$0x3F20] =	vst v0  }
0x20: {  	[tilespmem:s25+$0x3F30] =	vst v0  }
0x21: {  	[tilespmem:s25+$0x3F40] =	vst v0  }
0x22: {  	[tilespmem:s25+$0x3F50] =	vst v0  }
0x23: {  	[tilespmem:s25+$0x3F60] =	vst v0  }
0x24: {  	[spmem:s8] =	stream.linear.scatter [tilespmem:s17], [sflag:$0x3], $0x2800, $0x38;
	[tilespmem:$0x1CF00] =	vst v63  }
0x25: {  	_ =	swait.ge [sflag:s18], $0x2800  }
0x26: {  	[sflag:s18] =	ssyncset.done $0x0  }
0x27: {  	[sflag:s18] =	ssyncadd.s32 $0xFFFFD800  }
0x28: {  	[spmem:s10] =	stream.linear.scatter [tilespmem:s17], [sflag:$0x3], $0x2800, $0x38;
	[tilespmem:$0x1CF00] =	vst v63  }
0x29: {  	_ =	swait.ge [sflag:s18], $0x2800  }
0x2a: {  	[sflag:s18] =	ssyncset.done $0x0  }
0x2b: {  	[sflag:s18] =	ssyncadd.s32 $0xFFFFD800  }
0x2c: {  	[spmem:s11] =	stream.linear.scatter [tilespmem:s17], [sflag:$0x3], $0x2800, $0x38;
	[tilespmem:$0x1CF00] =	vst v63  }
0x2d: {  	_ =	swait.ge [sflag:s18], $0x2800  }
0x2e: {  	[sflag:s18] =	ssyncset.done $0x0  }
0x2f: {  	[sflag:s18] =	ssyncadd.s32 $0xFFFFD800  }
0x30: {  	[spmem:s12] =	stream.linear.scatter [tilespmem:s17], [sflag:$0x3], $0x2800, $0x38;
	[tilespmem:$0x1CF00] =	vst v63  }
0x31: {  	_ =	swait.ge [sflag:s18], $0x2800  }
0x32: {  	[sflag:s18] =	ssyncset.done $0x0  }
0x33: {  	[sflag:s18] =	ssyncadd.s32 $0xFFFFD800  }
0x34: {  	[spmem:s13] =	stream.linear.scatter [tilespmem:s17], [sflag:$0x3], $0x2800, $0x38;
	[tilespmem:$0x1CF00] =	vst v63  }
0x35: {  	_ =	swait.ge [sflag:s18], $0x2800  }
0x36: {  	[sflag:s18] =	ssyncset.done $0x0  }
0x37: {  	[sflag:s18] =	ssyncadd.s32 $0xFFFFD800  }
0x38: {  	[spmem:s14] =	stream.linear.scatter [tilespmem:s17], [sflag:$0x3], $0x2800, $0x38;
	[tilespmem:$0x1CF00] =	vst v63  }
0x39: {  	_ =	swait.ge [sflag:s18], $0x2800  }
0x3a: {  	[sflag:s18] =	ssyncset.done $0x0  }
0x3b: {  	[sflag:s18] =	ssyncadd.s32 $0xFFFFD800  }
0x3c: {  	[spmem:s15] =	stream.linear.scatter [tilespmem:s17], [sflag:$0x3], $0x2800, $0x38;
	[tilespmem:$0x1CF00] =	vst v63  }
0x3d: {  	_ =	swait.ge [sflag:s18], $0x2800  }
0x3e: {  	[sflag:s18] =	ssyncset.done $0x0  }
0x3f: {  	[sflag:s18] =	ssyncadd.s32 $0xFFFFD800  }
0x40: {  	[spmem:s16] =	stream.linear.scatter [tilespmem:s17], [sflag:$0x3], $0x2800, $0x38;
	[tilespmem:$0x1CF00] =	vst v63  }
0x41: {  	_ =	swait.ge [sflag:s18], $0x2800  }
0x42: {  	[sflag:s18] =	ssyncset.done $0x0  }
0x43: {  	[sflag:s18] =	ssyncadd.s32 $0xFFFFD800  }
0x44: {  	s26 =	simm.s32 $0x0;
	[bflag:$0x0] =	sbarrier.arrive $0xFFFF  }
0x45: {  	[tilespmem:s26], [sflag:$0x3] =	stream.linear.gather [hbm4b:s5+s26], $0x3F00, $0x38;
	[tilespmem:$0x1CF00] =	vst v63  }
0x46: {  	_ =	swait.ge [sflag:s18], $0x3F00  }
0x47: {  	[sflag:s18] =	ssyncset.done $0x0  }
0x48: {  	s28 =	simm.s32 $0x0;
	[sflag:s18] =	ssyncadd.s32 $0xFFFFC100  }
0x49: {  	[tilespmem:s17], [sflag:$0x1] =	stream.indirect.gather [hbm4b:s1+s19], $0x80, s28, s19, $0xb8;
	[tilespmem:$0x1CF00] =	vst v63  }
0x4a: {  	s29 =	simm.s32 $0x100  }
0x4b: {  	[tilespmem:s20], [sflag:$0x1] =	stream.indirect.gather [hbm4b:s1+s19], $0x80, s29, s19, $0xb8;
	[tilespmem:$0x1CF00] =	vst v63  }
0x4c: {  	_ =	swait.ge [sflag:s21], $0x2800  }
0x4d: {  	[sflag:s21] =	ssyncset.done $0x0  }
0x4e: {  	[sflag:s21] =	ssyncadd.s32 $0xFFFFD800  }
0x4f: {  	_ =	swait.ge [sflag:s21], $0x2800  }
0x50: {  	[sflag:s21] =	ssyncset.done $0x0  }
0x51: {  	s30 =	simm.s32 $0x80;
	[sflag:s21] =	ssyncadd.s32 $0xFFFFD800  }
0x52: {  	[spmem:s2] =	stream.indirect.scatter.add.f32 [tilespmem:s17], [sflag:$0x2], $0x80, s30, s19, $0xb8;
	[tilespmem:$0x1CF00] =	vst v63  }
0x53: {  	s31 =	simm.s32 $0x180  }
0x54: {  	[spmem:s2] =	stream.indirect.scatter.add.f32 [tilespmem:s20], [sflag:$0x2], $0x80, s31, s19, $0xb8;
	[tilespmem:$0x1CF00] =	vst v63  }
0x55: {  	_ =	swait.ge [sflag:s22], $0x2800  }
0x56: {  	[sflag:s22] =	ssyncset.done $0x0  }
0x57: {  	[sflag:s22] =	ssyncadd.s32 $0xFFFFD800  }
0x58: {  	_ =	swait.ge [sflag:s22], $0x2800  }
0x59: {  	s25 =	simm.s32 $0x800;
	s26 =	simm.s32 $0x1000;
	[sflag:s22] =	ssyncset.done $0x0  }
.LBB2_4:
0x5a: {  	s28 =	sshra.s32 s25, $0x2  }
0x5b: {  	[sflag:s22] =	ssyncadd.s32 $0xFFFFD800;
	s25 =	smov.u32 s26;
	s29 =	sadd.s32 $0x800, s26  }
0x5c: {  	[tilespmem:s17], [sflag:$0x1] =	stream.indirect.gather [hbm4b:s1+s19], $0x80, s28, s19, $0xb8;
	[tilespmem:$0x1CF00] =	vst v63  }
0x5d: {  	p0 =	sne.s32 s26, $0xF000;
	s26 =	sadd.s32 $0x100, s28  }
0x5e: {  	[tilespmem:s20], [sflag:$0x1] =	stream.indirect.gather [hbm4b:s1+s19], $0x80, s26, s19, $0xb8;
	[tilespmem:$0x1CF00] =	vst v63  }
0x5f: {  	_ =	swait.ge [sflag:s21], $0x2800  }
0x60: {  	[sflag:s21] =	ssyncset.done $0x0  }
0x61: {  	[sflag:s21] =	ssyncadd.s32 $0xFFFFD800  }
0x62: {  	_ =	swait.ge [sflag:s21], $0x2800  }
0x63: {  	[sflag:s21] =	ssyncset.done $0x0  }
0x64: {  	s26 =	sadd.s32 $0x80, s28;
	[sflag:s21] =	ssyncadd.s32 $0xFFFFD800  }
0x65: {  	[spmem:s2] =	stream.indirect.scatter.add.f32 [tilespmem:s17], [sflag:$0x2], $0x80, s26, s19, $0xb8;
	[tilespmem:$0x1CF00] =	vst v63  }
0x66: {  	s26 =	sadd.s32 $0x180, s28  }
0x67: {  	[spmem:s2] =	stream.indirect.scatter.add.f32 [tilespmem:s20], [sflag:$0x2], $0x80, s26, s19, $0xb8;
	[tilespmem:$0x1CF00] =	vst v63  }
.Ltmp1:
0x68: {  	_ =	swait.ge [sflag:s22], $0x2800;
	(pc) =	sbr.rel @p0 .LBB2_4-.Ltmp1, $4  }
0x69: {  	[sflag:s22] =	ssyncset.done $0x0  }
0x6a: {  	[sflag:s22] =	ssyncadd.s32 $0xFFFFD800  }
0x6b: {  	_ =	swait.ge [sflag:s22], $0x2800  }
0x6c: {  	s26 =	smov.u32 s29;
	[sflag:s22] =	ssyncset.done $0x0  }
0x6d: {  	s25 =	sshra.s32 s25, $0x2;
	[sflag:s22] =	ssyncadd.s32 $0xFFFFD800  }
0x6e: {  	[tilespmem:s17], [sflag:$0x1] =	stream.indirect.gather [hbm4b:s1+s19], $0x80, s25, s19, $0xb8;
	[tilespmem:$0x1CF00] =	vst v63  }
0x6f: {  	s26 =	sadd.s32 $0x100, s25  }
0x70: {  	[tilespmem:s20], [sflag:$0x1] =	stream.indirect.gather [hbm4b:s1+s19], $0x80, s26, s19, $0xb8;
	[tilespmem:$0x1CF00] =	vst v63  }
0x71: {  	_ =	swait.ge [sflag:s21], $0x2800  }
0x72: {  	[sflag:s21] =	ssyncset.done $0x0  }
0x73: {  	[sflag:s21] =	ssyncadd.s32 $0xFFFFD800  }
0x74: {  	_ =	swait.ge [sflag:s21], $0x2800  }
0x75: {  	[sflag:s21] =	ssyncset.done $0x0  }
0x76: {  	s31 =	sadd.s32 $0x80, s25;
	[sflag:s21] =	ssyncadd.s32 $0xFFFFD800  }
0x77: {  	[spmem:s2] =	stream.indirect.scatter.add.f32 [tilespmem:s17], [sflag:$0x2], $0x80, s31, s19, $0xb8;
	[tilespmem:$0x1CF00] =	vst v63  }
0x78: {  	s25 =	sadd.s32 $0x180, s25  }
0x79: {  	[spmem:s2] =	stream.indirect.scatter.add.f32 [tilespmem:s20], [sflag:$0x2], $0x80, s25, s19, $0xb8;
	[tilespmem:$0x1CF00] =	vst v63  }
0x7a: {  	_ =	swait.ge [sflag:s22], $0x2800  }
0x7b: {  	[sflag:s22] =	ssyncset.done $0x0  }
0x7c: {  	[sflag:s22] =	ssyncadd.s32 $0xFFFFD800  }
0x7d: {  	_ =	swait.ge [sflag:s22], $0x2800  }
0x7e: {  	[sflag:s22] =	ssyncset.done $0x0  }
0x7f: {  	[sflag:s22] =	ssyncadd.s32 $0xFFFFD800  }
0x80: {  	[tilespmem:s17], [sflag:$0x1] =	stream.indirect.gather [hbm4b:s1+s19], $0x80, s23, s19, $0xb8;
	[tilespmem:$0x1CF00] =	vst v63  }
0x81: {  	_ =	swait.ge [sflag:s21], $0x2800  }
0x82: {  	[sflag:s21] =	ssyncset.done $0x0  }
0x83: {  	[sflag:s21] =	ssyncadd.s32 $0xFFFFD800  }
0x84: {  	[spmem:s2] =	stream.indirect.scatter.add.f32 [tilespmem:s17], [sflag:$0x2], $0x80, s24, s19, $0xb8;
	[tilespmem:$0x1CF00] =	vst v63  }
0x85: {  	_ =	swait.ge [sflag:s22], $0x2800  }
0x86: {  	[sflag:s22] =	ssyncset.done $0x0  }
0x87: {  	s26 =	simm.s32 $0x0;
	[sflag:s22] =	ssyncadd.s32 $0xFFFFD800  }
0x88: {  	[tilespmem:s26], [sflag:$0x3] =	stream.linear.gather [hbm4b:s6+s26], $0x3E00, $0x38;
	[tilespmem:$0x1CF00] =	vst v63  }
0x89: {  	_ =	swait.ge [sflag:s18], $0x3E00  }
0x8a: {  	[sflag:s18] =	ssyncset.done $0x0  }
0x8b: {  	s28 =	simm.s32 $0x0;
	[sflag:s18] =	ssyncadd.s32 $0xFFFFC200  }
0x8c: {  	[tilespmem:s17], [sflag:$0x1] =	stream.indirect.gather [hbm4b:s1+s19], $0x80, s28, s19, $0xb8;
	[tilespmem:$0x1CF00] =	vst v63  }
0x8d: {  	s29 =	simm.s32 $0x100  }
0x8e: {  	[tilespmem:s20], [sflag:$0x1] =	stream.indirect.gather [hbm4b:s1+s19], $0x80, s29, s19, $0xb8;
	[tilespmem:$0x1CF00] =	vst v63  }
0x8f: {  	_ =	swait.ge [sflag:s21], $0x2800  }
0x90: {  	[sflag:s21] =	ssyncset.done $0x0  }
0x91: {  	[sflag:s21] =	ssyncadd.s32 $0xFFFFD800  }
0x92: {  	_ =	swait.ge [sflag:s21], $0x2800  }
0x93: {  	[sflag:s21] =	ssyncset.done $0x0  }
0x94: {  	s30 =	simm.s32 $0x80;
	[sflag:s21] =	ssyncadd.s32 $0xFFFFD800  }
0x95: {  	[spmem:s2] =	stream.indirect.scatter.add.f32 [tilespmem:s17], [sflag:$0x2], $0x80, s30, s19, $0xb8;
	[tilespmem:$0x1CF00] =	vst v63  }
0x96: {  	s31 =	simm.s32 $0x180  }
0x97: {  	[spmem:s2] =	stream.indirect.scatter.add.f32 [tilespmem:s20], [sflag:$0x2], $0x80, s31, s19, $0xb8;
	[tilespmem:$0x1CF00] =	vst v63  }
0x98: {  	_ =	swait.ge [sflag:s22], $0x2800  }
0x99: {  	[sflag:s22] =	ssyncset.done $0x0  }
0x9a: {  	[sflag:s22] =	ssyncadd.s32 $0xFFFFD800  }
0x9b: {  	_ =	swait.ge [sflag:s22], $0x2800  }
0x9c: {  	s25 =	simm.s32 $0x800;
	s26 =	simm.s32 $0x1000;
	[sflag:s22] =	ssyncset.done $0x0  }
.LBB2_6:
0x9d: {  	s28 =	sshra.s32 s25, $0x2  }
0x9e: {  	[sflag:s22] =	ssyncadd.s32 $0xFFFFD800;
	s25 =	smov.u32 s26;
	s29 =	sadd.s32 $0x800, s26  }
0x9f: {  	[tilespmem:s17], [sflag:$0x1] =	stream.indirect.gather [hbm4b:s1+s19], $0x80, s28, s19, $0xb8;
	[tilespmem:$0x1CF00] =	vst v63  }
0xa0: {  	p0 =	sne.s32 s26, $0xF000;
	s26 =	sadd.s32 $0x100, s28  }
0xa1: {  	[tilespmem:s20], [sflag:$0x1] =	stream.indirect.gather [hbm4b:s1+s19], $0x80, s26, s19, $0xb8;
	[tilespmem:$0x1CF00] =	vst v63  }
0xa2: {  	_ =	swait.ge [sflag:s21], $0x2800  }
0xa3: {  	[sflag:s21] =	ssyncset.done $0x0  }
0xa4: {  	[sflag:s21] =	ssyncadd.s32 $0xFFFFD800  }
0xa5: {  	_ =	swait.ge [sflag:s21], $0x2800  }
0xa6: {  	[sflag:s21] =	ssyncset.done $0x0  }
0xa7: {  	s26 =	sadd.s32 $0x80, s28;
	[sflag:s21] =	ssyncadd.s32 $0xFFFFD800  }
0xa8: {  	[spmem:s2] =	stream.indirect.scatter.add.f32 [tilespmem:s17], [sflag:$0x2], $0x80, s26, s19, $0xb8;
	[tilespmem:$0x1CF00] =	vst v63  }
0xa9: {  	s26 =	sadd.s32 $0x180, s28  }
0xaa: {  	[spmem:s2] =	stream.indirect.scatter.add.f32 [tilespmem:s20], [sflag:$0x2], $0x80, s26, s19, $0xb8;
	[tilespmem:$0x1CF00] =	vst v63  }
.Ltmp2:
0xab: {  	_ =	swait.ge [sflag:s22], $0x2800;
	(pc) =	sbr.rel @p0 .LBB2_6-.Ltmp2, $4  }
0xac: {  	[sflag:s22] =	ssyncset.done $0x0  }
0xad: {  	[sflag:s22] =	ssyncadd.s32 $0xFFFFD800  }
0xae: {  	_ =	swait.ge [sflag:s22], $0x2800  }
0xaf: {  	s26 =	smov.u32 s29;
	[sflag:s22] =	ssyncset.done $0x0  }
0xb0: {  	s25 =	sshra.s32 s25, $0x2;
	[sflag:s22] =	ssyncadd.s32 $0xFFFFD800  }
0xb1: {  	[tilespmem:s17], [sflag:$0x1] =	stream.indirect.gather [hbm4b:s1+s19], $0x80, s25, s19, $0xb8;
	[tilespmem:$0x1CF00] =	vst v63  }
0xb2: {  	s26 =	sadd.s32 $0x100, s25  }
0xb3: {  	[tilespmem:s20], [sflag:$0x1] =	stream.indirect.gather [hbm4b:s1+s19], $0x80, s26, s19, $0xb8;
	[tilespmem:$0x1CF00] =	vst v63  }
0xb4: {  	_ =	swait.ge [sflag:s21], $0x2800  }
0xb5: {  	[sflag:s21] =	ssyncset.done $0x0  }
0xb6: {  	[sflag:s21] =	ssyncadd.s32 $0xFFFFD800  }
0xb7: {  	_ =	swait.ge [sflag:s21], $0x2800  }
0xb8: {  	[sflag:s21] =	ssyncset.done $0x0  }
0xb9: {  	s29 =	sadd.s32 $0x80, s25;
	[sflag:s21] =	ssyncadd.s32 $0xFFFFD800  }
0xba: {  	[spmem:s2] =	stream.indirect.scatter.add.f32 [tilespmem:s17], [sflag:$0x2], $0x80, s29, s19, $0xb8;
	[tilespmem:$0x1CF00] =	vst v63  }
0xbb: {  	s25 =	sadd.s32 $0x180, s25  }
0xbc: {  	[spmem:s2] =	stream.indirect.scatter.add.f32 [tilespmem:s20], [sflag:$0x2], $0x80, s25, s19, $0xb8;
	[tilespmem:$0x1CF00] =	vst v63  }
0xbd: {  	_ =	swait.ge [sflag:s22], $0x2800  }
0xbe: {  	[sflag:s22] =	ssyncset.done $0x0  }
0xbf: {  	[sflag:s22] =	ssyncadd.s32 $0xFFFFD800  }
0xc0: {  	_ =	swait.ge [sflag:s22], $0x2800  }
0xc1: {  	s30 =	sshll.u32 s3, $0x6;
	s4 =	sadd.s32 $0x1, s4;
	[sflag:s22] =	ssyncset.done $0x0  }
0xc2: {  	s31 =	sshrl.u32 s8, $0x3;
	p0 =	sne.s32 s4, s9;
	[sflag:s22] =	ssyncadd.s32 $0xFFFFD800  }
.Ltmp3:
0xc3: {  	s25 =	sor.u32 $0x1C03, s30;
	[bflag:$0x0] =	sbarrier.arrive $0xFFFF;
	(pc) =	sbr.rel @p0 .LBB2_1-.Ltmp3, $4  }
0xc4: {  	[hbm:s7], [sflag:s25] =	dma.local [spmem:s31], $0x2800  }
0xc5: {  	_ =	swait.ge [sflag:s18], $0x2800  }
0xc6: {  	[sflag:s18] =	ssyncset.done $0x0  }
0xc7: {  	[sflag:s18] =	ssyncadd.s32 $0xFFFFD800  }
0xc8: {  	_ =	sfence.sel $0x180000  }
0xc9: {  	[bflag:$0x0] =	sbarrier.arrive $0xFFFF  }
0xca: {  	p0 =	sne.s32 s3, $0x0;
	_ =	strace $0x90000047  }
0xcb: {  	s0 =	sadd.s32 @!p0 $0x100000, s0;
	[bflag:$0x2] =	sbarrier.arrive $0xFFFF  }
0xcc: {  	[sflag:s0] =	ssyncadd.tile.s32 @!p0 $0x1;
	_ =	shalt  }
.Lfunc_end2:
_tile_overlayer_lowered:
.L_overlay_start_2:
0xcd: {  	(tag) =	ssettag $0x2  }
0xce: {  	s0 =	rddreg [dreg:$0x0];
	s2 =	stileid.u32  }
0xcf: {  	s1 =	rddreg [dreg:$0x1];
	p0 =	sne.s32 s2, $0x0  }
0xd0: {  	s3 =	rddreg [dreg:$0x2];
	[bflag:$0x3] =	sbarrier.arrive $0xFFFF;
	s2 =	simm.s32 @!p0 $0x1C03  }
0xd1: {  	[timem:s3], [sflag:s2] =	dma.local @!p0 [hbm:s0], s1  }
0xd2: {  	s0 =	simm.s32 @!p0 $0x3  }
0xd3: {  	_ =	swait.ge @!p0 [sflag:s0], s1  }
0xd4: {  	s1 =	ssub.s32 @!p0 $0x0, s1;
	[sflag:s0] =	ssyncset.done @!p0 $0x0  }
0xd5: {  	[sflag:s0] =	ssyncadd.s32 @!p0 s1  }
0xd6: {  	[bflag:$0x3] =	sbarrier.arrive $0xFFFF  }
0xd7: {  	_ =	shalt  }

// kernel: kernel.14.cloned.1.call-start
scs
__scs_entry_jumppad:
0x0: {  	(pc) =	sbr.rel $0x88, $3  }
0x1: {  	(tag) =	ssettag $0x0;
	lr =	simm.s32 $0x1  }
0x2: {  	[smem:$0x3F8A] =	sst lr;
	_ =	strace $0xD0000000  }
0x3: {  	_ = 	snop  }
0x4: {  	_ = 	snop  }
0x5: {  	_ = 	snop  }
0x6: {  	_ = 	snop  }
0x7: {  	_ = 	snop  }
__scs_overlays_trampoline_lowered:
0x8: {  	[smem:$0x3F99] =	sst s0  }
0x9: {  	[smem:$0x3F9A] =	sst s1  }
0xa: {  	[smem:$0x3F9B] =	sst s2  }
0xb: {  	[smem:$0x3F9C] =	sst s3  }
0xc: {  	[smem:$0x3F9D] =	sst s4  }
0xd: {  	[smem:$0x3F9E] =	sst s5  }
0xe: {  	[smem:$0x3F9F] =	sst s6  }
0xf: {  	[smem:$0x3FA0] =	sst s7  }
0x10: {  	[smem:$0x3FA1] =	sst s8  }
0x11: {  	[smem:$0x3FA2] =	sst s9;
	s0 =	simm.s32 @!p0 $0x0  }
0x12: {  	s1 =	sld [smem:$0x3F88];
	s0 =	simm.s32 @p0 $0x1  }
0x13: {  	[smem:$0x3FA3] =	sst s0;
	s0 =	simm.s32 @!p1 $0x0  }
0x14: {  	s2 =	sld [smem:$0x3F87];
	s0 =	simm.s32 @p1 $0x1  }
0x15: {  	[smem:$0x3FA4] =	sst s0;
	s0 =	simm.s32 @!p2 $0x0  }
0x16: {  	s3 =	sld [smem:$0x3FDB];
	s0 =	simm.s32 @p2 $0x1  }
0x17: {  	s4 =	simm.s32 $0x1BF5;
	[smem:$0x3FA6] =	sst s0  }
0x18: {  	s0 =	sld [smem:$0x3F89];
	_ =	swait.ge [sflag:s4], $0x0  }
0x19: {  	s7 =	sld [smem:$0x3F8A]  }
0x1a: {  	s8 =	sadd.s32 $0xFFFFE003, lr  }
0x1b: {  	s9 =	sadd.s32 $0xFFFFFEF7, lr;
	s5 =	simm.s32 $0xFFFFFFFF;
	p2 =	slt.u32 s8, $0xFFFFF086  }
0x1c: {  	p1 =	slt.u32 s9, $0xF7A;
	s5 =	simm.s32 @!p2 $0x0  }
0x1d: {  	s5 =	simm.s32 @p1 $0x1;
	p0 =	seq.s32 s7, s2  }
0x1e: {  	s7 =	smul.u32 @!p0 $0xF7A, s2;
	p2 =	seq.s32 @!p0 s5, $0x0  }
0x1f: {  	s9 =	smul.u32 $0xF7A, s1;
	s8 =	simm.s32 @!p0 $0x1BF5;
	p2 =	por !p2, p0  }
0x20: {  	[sflag:s8] =	ssyncset.s32 @!p0 $0xFFFFF086;
	s6 =	sadd.s32 @!p0 s3, s7;
	s7 =	simm.s32 @!p0 $0x108  }
0x21: {  	s3 =	sadd.s32 s3, s9;
	s6 =	sadd.s32 @!p0 $0x88, s6;
	s7 =	simm.s32 @p2 $0x1082  }
0x22: {  	[simem:s7], [sflag:s8] =	dma.local @!p0 [hbm:s6], $0xF7A  }
0x23: {  	s9 =	sor.u32 $0xD0000000, s2;
	s6 =	simm.s32 $0x108;
	_ =	swait.ge @!p0 [sflag:s8], $0x0  }
0x24: {  	s3 =	sadd.s32 $0x88, s3;
	s6 =	simm.s32 @!p1 $0x1082;
	[sflag:s4] =	ssyncset.s32 $0xFFFFF086  }
0x25: {  	[simem:s6], [sflag:s4] =	dma.local [hbm:s3], $0xF7A  }
0x26: {  	[smem:$0x3F8A] =	sst s1;
	(tag) =	ssettag s2;
	_ =	strace s9  }
0x27: {  	s1 =	sld [smem:$0x3F9A]  }
0x28: {  	s2 =	sld [smem:$0x3F9B]  }
0x29: {  	s4 =	sld [smem:$0x3F9D]  }
0x2a: {  	p0 =	seq.s32 s5, $0x0;
	s5 =	sld [smem:$0x3F9E]  }
0x2b: {  	s6 =	sld [smem:$0x3F9F]  }
0x2c: {  	s7 =	sld [smem:$0x3FA0]  }
0x2d: {  	s3 =	simm.s32 $0x108;
	s8 =	sld [smem:$0x3FA1]  }
0x2e: {  	s3 =	simm.s32 @!p0 $0x1082;
	s9 =	sld [smem:$0x3FA2]  }
0x2f: {  	lr =	sadd.s32 s0, s3;
	s0 =	sld [smem:$0x3F99]  }
0x30: {  	s3 =	sld [smem:$0x3F9C]  }
0x31: {  	[smem:$0x3FA5] =	sst s10  }
0x32: {  	s10 =	sld [smem:$0x3FA3];
	_ =	sdelay $0x3  }
0x33: {  	p0 =	seq.s32 s10, $0x1;
	s10 =	sld [smem:$0x3FA5];
	_ =	sdelay $0x3  }
0x34: {  	[smem:$0x3FA5] =	sst s10  }
0x35: {  	s10 =	sld [smem:$0x3FA4];
	_ =	sdelay $0x3  }
0x36: {  	p1 =	seq.s32 s10, $0x1;
	s10 =	sld [smem:$0x3FA5];
	_ =	sdelay $0x3  }
0x37: {  	[smem:$0x3FA5] =	sst s10  }
0x38: {  	s10 =	sld [smem:$0x3FA6]  }
0x39: {  	_ = 	snop;
	(pc) =	sbr.ind lr, $3  }
0x3a: {  	_ = 	snop  }
0x3b: {  	_ = 	snop  }
0x3c: {  	p2 =	seq.s32 s10, $0x1;
	s10 =	sld [smem:$0x3FA5]  }
0x3d: {  	_ =	shalt  }
0x3e: {  	_ =	shalt  }
0x3f: {  	_ =	shalt  }
0x40: {  	_ =	shalt  }
0x41: {  	_ =	shalt  }
0x42: {  	_ =	shalt  }
0x43: {  	_ =	shalt  }
0x44: {  	_ =	shalt  }
0x45: {  	_ =	shalt  }
0x46: {  	_ =	shalt  }
0x47: {  	_ =	shalt  }
0x48: {  	_ =	shalt  }
0x49: {  	_ =	shalt  }
0x4a: {  	_ =	shalt  }
0x4b: {  	_ =	shalt  }
0x4c: {  	_ =	shalt  }
0x4d: {  	_ =	shalt  }
0x4e: {  	_ =	shalt  }
0x4f: {  	_ =	shalt  }
0x50: {  	_ =	shalt  }
0x51: {  	_ =	shalt  }
0x52: {  	_ =	shalt  }
0x53: {  	_ =	shalt  }
0x54: {  	_ =	shalt  }
0x55: {  	_ =	shalt  }
0x56: {  	_ =	shalt  }
0x57: {  	_ =	shalt  }
0x58: {  	_ =	shalt  }
0x59: {  	_ =	shalt  }
0x5a: {  	_ =	shalt  }
0x5b: {  	_ =	shalt  }
0x5c: {  	_ =	shalt  }
0x5d: {  	_ =	shalt  }
0x5e: {  	_ =	shalt  }
0x5f: {  	_ =	shalt  }
0x60: {  	_ =	shalt  }
0x61: {  	_ =	shalt  }
0x62: {  	_ =	shalt  }
0x63: {  	_ =	shalt  }
0x64: {  	_ =	shalt  }
0x65: {  	_ =	shalt  }
0x66: {  	_ =	shalt  }
0x67: {  	_ =	shalt  }
0x68: {  	_ =	shalt  }
0x69: {  	_ =	shalt  }
0x6a: {  	_ =	shalt  }
0x6b: {  	_ =	shalt  }
0x6c: {  	_ =	shalt  }
0x6d: {  	_ =	shalt  }
0x6e: {  	_ =	shalt  }
0x6f: {  	_ =	shalt  }
0x70: {  	_ =	shalt  }
0x71: {  	_ =	shalt  }
0x72: {  	_ =	shalt  }
0x73: {  	_ =	shalt  }
0x74: {  	_ =	shalt  }
0x75: {  	_ =	shalt  }
0x76: {  	_ =	shalt  }
0x77: {  	_ =	shalt  }
0x78: {  	_ =	shalt  }
0x79: {  	_ =	shalt  }
0x7a: {  	_ =	shalt  }
0x7b: {  	_ =	shalt  }
0x7c: {  	_ =	shalt  }
0x7d: {  	_ =	shalt  }
0x7e: {  	_ =	shalt  }
0x7f: {  	_ =	shalt  }
0x80: {  	_ =	shalt  }
0x81: {  	_ =	shalt  }
0x82: {  	_ =	shalt  }
0x83: {  	_ =	shalt  }
0x84: {  	_ =	shalt  }
0x85: {  	_ =	shalt  }
0x86: {  	_ =	shalt  }
0x87: {  	_ =	shalt  }
.Lfunc_end0:
.L_simem_size_0:
called_computation.1_lowered:
.L_overlay_start_0:
0x88: {  	s2 =	sld [smem:$0x3FD9]  }
0x89: {  	s3 =	sld [smem:$0x3FFE];
	_ =	sdelay $0x1  }
0x8a: {  	s1 =	srdreg.scid  }
0x8b: {  	s0 =	sand.u32 $0x1, s1  }
0x8c: {  	s15 =	sshll.u32 s0, $0xA;
	s2 =	sadd.s32 s3, s2  }
0x8d: {  	s2 =	sadd.s32 s2, s15  }
0x8e: {  	[smem:$0x3FB1] =	sst s2  }
0x8f: {  	_ = 	snop  }
0x90: {  	s2 =	sld [smem:$0x3FD0];
	_ =	sdelay $0x2  }
0x91: {  	s16 =	simm.s32 $0xB;
	s4 =	simm.s32 $0x10  }
0x92: {  	[smem:s4], [sflag:s16] =	dma.local [hbm:s2], $0x1  }
0x93: {  	_ =	swait.eq [sflag:s16], $0x1  }
0x94: {  	[sflag:s16] =	ssyncset.done $0x0  }
0x95: {  	[sflag:s16] =	ssyncadd.s32 $0xFFFFFFFF  }
0x96: {  	s17 =	sld [smem:$0x10];
	(tm) =	ssettm $0x1  }
0x97: {  	s18 =	sld [smem:$0x3FFB];
	_ =	sdelay $0x3  }
0x98: {  	_ =	strace s18  }
0x99: {  	s2 =	sld [smem:$0x3FFC];
	_ =	sdelay $0x3  }
0x9a: {  	_ =	strace s2  }
0x9b: {  	s2 =	sld [smem:$0x3FFD];
	_ =	sdelay $0x3  }
0x9c: {  	_ =	strace s2  }
0x9d: {  	_ =	strace $0x8FFFFFFF  }
0x9e: {  	s19 =	sld [smem:$0x3FDB];
	_ =	sdelay $0x1  }
0x9f: {  	s20 =	simm.s32 $_scs_section_size  }
0xa0: {  	s5 =	simm.s32 $_size__tile_overlayer_lowered;
	s6 =	simm.s32 $_tile_overlayer_lowered  }
0xa1: {  	s7 =	simm.s32 $0x1BFF;
	s21 =	sshll.u32 s6, $0x1;
	s4 =	sadd.s32 s20, s19  }
0xa2: {  	s22 =	simm.s32 $0x0;
	s5 =	sshll.u32 s5, $0x1;
	s6 =	sadd.s32 s21, s4  }
0xa3: {  	[timem:s22], [sflag:s7] =	dma.local [hbm:s6], s5  }
0xa4: {  	_ =	swait.ge [sflag:s7], s5  }
0xa5: {  	s5 =	ssub.s32 $0x0, s5;
	[sflag:s7] =	ssyncset.done $0x0  }
0xa6: {  	[sflag:s7] =	ssyncadd.s32 s5;
	_ =	sdelay $0x1  }
0xa7: {  	s23 =	simm.s32 $0x1B8B  }
0xa8: {  	_ =	swait.ge [sflag:s23], $0x1  }
0xa9: {  	[sflag:s23] =	ssyncset.done $0x0  }
0xaa: {  	[sflag:s23] =	ssyncadd.s32 $0xFFFFFFFF  }
0xab: {  	s5 =	sld [smem:$0x0]  }
0xac: {  	s6 =	sand.u32 $0xFFFFFFFE, s1  }
0xad: {  	p0 =	sne.s32 s1, s6  }
0xae: {  	s6 =	sshll.u32 @p0 s6, $0xE  }
0xaf: {  	s6 =	sadd.s32 @p0 $0x11B8D, s6;
	s7 =	sshll.u32 @p0 s5, $0x11  }
0xb0: {  	s6 =	sor.u32 @p0 s7, s6  }
0xb1: {  	[sflag:s6] =	ssyncadd.remote.s32 @p0 $0x1;
	_ =	sdelay $0x1  }
0xb2: {  	s6 =	simm.s32 @p0 $0x1B8D  }
0xb3: {  	_ =	swait.eq @p0 [sflag:s6], $0x1  }
0xb4: {  	[sflag:s6] =	ssyncadd.s32 @p0 $0xFFFFFFFF  }
0xb5: {  	s7 =	sshll.u32 @!p0 s1, $0xE  }
0xb6: {  	s7 =	sor.u32 @!p0 $0x4000, s7;
	s6 =	simm.s32 @!p0 $0x1B8D  }
0xb7: {  	s5 =	sshll.u32 @!p0 s5, $0x11;
	s7 =	sadd.s32 @!p0 $0x11B8D, s7;
	_ =	swait.eq @!p0 [sflag:s6], $0x1  }
0xb8: {  	s5 =	sor.u32 @!p0 s5, s7;
	[sflag:s6] =	ssyncadd.s32 @!p0 $0xFFFFFFFF  }
0xb9: {  	s25 =	simm.s32 $0x1B8E;
	s24 =	sld [smem:$0x3FFE];
	[sflag:s5] =	ssyncadd.remote.s32 @!p0 $0x1  }
0xba: {  	s26 =	simm.s32 $execute0_lowered;
	[smem:$0x3FD2] =	sst s25  }
0xbb: {  	s6 =	sshll.u32 s26, $0x1;
	_ =	strace $0x80000049;
	[dreg:$0x1] =	wrdreg $0xFFFFFFFF  }
0xbc: {  	s28 =	simm.s32 $_size_execute0_lowered;
	s4 =	sadd.s32 s4, s6;
	[dreg:$0x0] =	wrdreg $0x0  }
0xbd: {  	s6 =	sshll.u32 s28, $0x1;
	[dreg:$0x2] =	wrdreg s4  }
0xbe: {  	[dreg:$0x3] =	wrdreg s6  }
0xbf: {  	[dreg:$0x4] =	wrdreg $0xC0  }
0xc0: {  	_ =	task [dreg:s22], $0x5FFFF  }
0xc1: {  	[dreg:$0x1] =	wrdreg $0xFFFFFFFF  }
0xc2: {  	[dreg:$0x0] =	wrdreg $0x60  }
0xc3: {  	[dreg:$0x2] =	wrdreg s17  }
0xc4: {  	[dreg:$0x3] =	wrdreg s24  }
0xc5: {  	[dreg:$0x4] =	wrdreg $0x7C000  }
0xc6: {  	[dreg:$0x5] =	wrdreg $0xA  }
0xc7: {  	_ =	task.clear_ibuf [dreg:s22], $0x6FFFF;
	_ =	strace $0x90000049  }
0xc8: {  	s29 =	simm.s32 $0xA;
	_ =	strace $0x8000004B  }
0xc9: {  	_ =	swait.ge [sflag:s29], $0x1  }
0xca: {  	[sflag:s29] =	ssyncadd.s32 $0xFFFFFFFF  }
0xcb: {  	_ =	strace $0x9000004B  }
0xcc: {  	_ =	sfence  }
0xcd: {  	s30 =	sld [smem:$0x0];
	_ =	sdelay $0x2  }
0xce: {  	s31 =	sshll.u32 s1, $0xD;
	s1 =	sshrl.u32 s1, $0x2  }
0xcf: {  	s4 =	sand.u32 $0x4000, s31;
	s1 =	sadd.s32 s1, s30  }
0xd0: {  	s0 =	sor.u32 s4, s0;
	s1 =	sshll.u32 s1, $0x11  }
0xd1: {  	s0 =	sor.u32 s1, s0  }
0xd2: {  	s0 =	sadd.s32 $0x8F2B, s0  }
0xd3: {  	[sflag:s0] =	ssyncadd.remote.s32 $0x1  }
0xd4: {  	_ =	sfence.sel $0xFFFF  }
0xd5: {  	[dreg:$0x0] =	wrdreg $0xFFFFFFFF;
	(pc) =	sbr.abs _section_cstart, $3  }
0xd6: {  	[dreg:$0x1] =	wrdreg $0xFFFFFFFF  }
0xd7: {  	_ =	task.clear_ibuf [dreg:s22], $0x2FFFF;
	_ =	strace $0x9FFFFFFF  }
0xd8: {  	(tm) =	ssettm $0x7FFFFFFF  }
0xd9: {  	_ =	shalt  }
tec
execute0_lowered:
.L_overlay_start_1:
0x0: {  	(tag) =	ssettag $0x1  }
0x1: {  	s4 =	rddreg [dreg:$0x0]  }
0x2: {  	s5 =	rddreg [dreg:$0x1]  }
0x3: {  	s0 =	srdreg.scid;
	s2 =	rddreg [dreg:$0x2]  }
0x4: {  	s1 =	stileid.u32;
	s3 =	simm.s32 $0x0;
	s23 =	simm.s32 $0x2  }
0x5: {  	s24 =	simm.s32 $0x6800;
	s25 =	simm.s32 $0x50;
	s8 =	smul.u32 $0x14000, s1  }
0x6: {  	s28 =	simm.s32 $0x1;
	s6 =	sand.u32 $0x1, s0;
	s10 =	smul.u32 $0x50000, s1  }
0x7: {  	[smem:$0x7FF] =	sst s3;
	s30 =	sshll.u32 s1, $0xC;
	s7 =	smul.u32 $0x140000, s6  }
0x8: {  	_ =	strace $0x8000004A;
	s26 =	ssub.s32 $0x2, s6;
	s6 =	sshll.u32 s6, $0xB  }
0x9: {  	s9 =	sshrl.u32 s26, $0x1;
	s4 =	sadd.s32 s4, s6;
	s31 =	sshrl.u32 s10, $0x2  }
0xa: {  	s7 =	sadd.s32 s8, s7;
	s29 =	ssub.s32 s26, s9;
	s4 =	sadd.s32 s30, s4  }
0xb: {  	s6 =	sadd.s32 s31, s2;
	s26 =	simm.s32 $0x4000;
	s7 =	sshrl.u32 s7, $0x3  }
0xc: {  	s8 =	sadd.s32 $0x1400, s6;
	s9 =	sadd.s32 $0x2800, s6;
	s10 =	sadd.s32 $0x3C00, s6  }
0xd: {  	s11 =	sadd.s32 $0x5000, s6;
	s12 =	sadd.s32 $0x6400, s6;
	s13 =	sadd.s32 $0x7800, s6  }
0xe: {  	s14 =	sadd.s32 $0x8C00, s6;
	s15 =	sadd.s32 $0xA000, s6;
	s16 =	sadd.s32 $0xB400, s6  }
0xf: {  	s17 =	sadd.s32 $0xC800, s6;
	s18 =	sadd.s32 $0xDC00, s6;
	s19 =	sadd.s32 $0xF000, s6  }
0x10: {  	s20 =	sadd.s32 $0x10400, s6;
	s21 =	sadd.s32 $0x11800, s6;
	s5 =	sadd.s32 s7, s5  }
0x11: {  	v0 =	vimm.f32 $0.0e+00;
	v1 =	vimm.f32 $1.000000000e+00;
	s22 =	sadd.s32 $0x12C00, s6;
	s7 =	smax.u32 s29, $0x1;
	s5 =	sadd.s32 $0x74A00, s5  }
.LBB2_1:
0x12: {  	s29 =	simm.s32 $0x0;
	s30 =	simm.s32 $0x200  }
.LBB2_2:
0x13: {  	p0 =	sne.s32 s30, $0x4E00;
	[tilespmem:s29+$0x6870] =	vst v0  }
0x14: {  	[tilespmem:s29+$0x6800] =	vst v0  }
0x15: {  	[tilespmem:s29+$0x6810] =	vst v0  }
.Ltmp0:
0x16: {  	[tilespmem:s29+$0x6820] =	vst v0;
	(pc) =	sbr.rel @p0 .LBB2_2-.Ltmp0, $4  }
0x17: {  	[tilespmem:s29+$0x6830] =	vst v0  }
0x18: {  	[tilespmem:s29+$0x6840] =	vst v0  }
0x19: {  	[tilespmem:s29+$0x6850] =	vst v0  }
0x1a: {  	[tilespmem:s29+$0x6860] =	vst v0;
	s29 =	sshra.s32 s30, $0x2;
	s30 =	sadd.s32 $0x200, s30  }
0x1b: {  	[tilespmem:s29+$0x6870] =	vst v0  }
0x1c: {  	[tilespmem:s29+$0x6800] =	vst v0  }
0x1d: {  	[tilespmem:s29+$0x6810] =	vst v0  }
0x1e: {  	[tilespmem:s29+$0x6820] =	vst v0  }
0x1f: {  	[tilespmem:s29+$0x6830] =	vst v0  }
0x20: {  	[tilespmem:s29+$0x6840] =	vst v0  }
0x21: {  	[tilespmem:s29+$0x6850] =	vst v0  }
0x22: {  	[tilespmem:s29+$0x6860] =	vst v0;
	s29 =	simm.s32 $0x0;
	s30 =	simm.s32 $0x200  }
.LBB2_4:
0x23: {  	p0 =	sne.s32 s30, $0x9E00;
	[tilespmem:s29+$0x4070] =	vst v1  }
0x24: {  	[tilespmem:s29+$0x4000] =	vst v1  }
0x25: {  	[tilespmem:s29+$0x4010] =	vst v1  }
.Ltmp1:
0x26: {  	[tilespmem:s29+$0x4020] =	vst v1;
	(pc) =	sbr.rel @p0 .LBB2_4-.Ltmp1, $4  }
0x27: {  	[tilespmem:s29+$0x4030] =	vst v1  }
0x28: {  	[tilespmem:s29+$0x4040] =	vst v1  }
0x29: {  	[tilespmem:s29+$0x4050] =	vst v1  }
0x2a: {  	[tilespmem:s29+$0x4060] =	vst v1;
	s29 =	sshra.s32 s30, $0x2;
	s30 =	sadd.s32 $0x200, s30  }
0x2b: {  	[tilespmem:s29+$0x4070] =	vst v1  }
0x2c: {  	[tilespmem:s29+$0x4000] =	vst v1  }
0x2d: {  	[tilespmem:s29+$0x4010] =	vst v1  }
0x2e: {  	[tilespmem:s29+$0x4020] =	vst v1  }
0x2f: {  	[tilespmem:s29+$0x4030] =	vst v1  }
0x30: {  	[tilespmem:s29+$0x4040] =	vst v1  }
0x31: {  	[tilespmem:s29+$0x4050] =	vst v1  }
0x32: {  	[tilespmem:s29+$0x4060] =	vst v1;
	s29 =	simm.s32 $0x0  }
0x33: {  	[tilespmem:s29], [sflag:$0x2] =	stream.linear.gather [hbm4b:s4+s29], $0x3E80, $0x38;
	[tilespmem:$0x1BC00] =	vst v63  }
0x34: {  	_ =	swait.ge [sflag:s23], $0x3E80  }
0x35: {  	[sflag:s23] =	ssyncset.done $0x0  }
0x36: {  	[sflag:s23] =	ssyncadd.s32 $0xFFFFC180  }
0x37: {  	[spmem:s6] =	stream.linear.scatter [tilespmem:s24], [sflag:$0x2], $0x1400, $0x38;
	[tilespmem:$0x1BC00] =	vst v63  }
0x38: {  	_ =	swait.ge [sflag:s23], $0x1400  }
0x39: {  	[sflag:s23] =	ssyncset.done $0x0  }
0x3a: {  	[sflag:s23] =	ssyncadd.s32 $0xFFFFEC00  }
0x3b: {  	[spmem:s8] =	stream.linear.scatter [tilespmem:s24], [sflag:$0x2], $0x1400, $0x38;
	[tilespmem:$0x1BC00] =	vst v63  }
0x3c: {  	_ =	swait.ge [sflag:s23], $0x1400  }
0x3d: {  	[sflag:s23] =	ssyncset.done $0x0  }
0x3e: {  	[sflag:s23] =	ssyncadd.s32 $0xFFFFEC00  }
0x3f: {  	[spmem:s9] =	stream.linear.scatter [tilespmem:s24], [sflag:$0x2], $0x1400, $0x38;
	[tilespmem:$0x1BC00] =	vst v63  }
0x40: {  	_ =	swait.ge [sflag:s23], $0x1400  }
0x41: {  	[sflag:s23] =	ssyncset.done $0x0  }
0x42: {  	[sflag:s23] =	ssyncadd.s32 $0xFFFFEC00  }
0x43: {  	[spmem:s10] =	stream.linear.scatter [tilespmem:s24], [sflag:$0x2], $0x1400, $0x38;
	[tilespmem:$0x1BC00] =	vst v63  }
0x44: {  	_ =	swait.ge [sflag:s23], $0x1400  }
0x45: {  	[sflag:s23] =	ssyncset.done $0x0  }
0x46: {  	[sflag:s23] =	ssyncadd.s32 $0xFFFFEC00  }
0x47: {  	[spmem:s11] =	stream.linear.scatter [tilespmem:s24], [sflag:$0x2], $0x1400, $0x38;
	[tilespmem:$0x1BC00] =	vst v63  }
0x48: {  	_ =	swait.ge [sflag:s23], $0x1400  }
0x49: {  	[sflag:s23] =	ssyncset.done $0x0  }
0x4a: {  	[sflag:s23] =	ssyncadd.s32 $0xFFFFEC00  }
0x4b: {  	[spmem:s12] =	stream.linear.scatter [tilespmem:s24], [sflag:$0x2], $0x1400, $0x38;
	[tilespmem:$0x1BC00] =	vst v63  }
0x4c: {  	_ =	swait.ge [sflag:s23], $0x1400  }
0x4d: {  	[sflag:s23] =	ssyncset.done $0x0  }
0x4e: {  	[sflag:s23] =	ssyncadd.s32 $0xFFFFEC00  }
0x4f: {  	[spmem:s13] =	stream.linear.scatter [tilespmem:s24], [sflag:$0x2], $0x1400, $0x38;
	[tilespmem:$0x1BC00] =	vst v63  }
0x50: {  	_ =	swait.ge [sflag:s23], $0x1400  }
0x51: {  	[sflag:s23] =	ssyncset.done $0x0  }
0x52: {  	[sflag:s23] =	ssyncadd.s32 $0xFFFFEC00  }
0x53: {  	[spmem:s14] =	stream.linear.scatter [tilespmem:s24], [sflag:$0x2], $0x1400, $0x38;
	[tilespmem:$0x1BC00] =	vst v63  }
0x54: {  	_ =	swait.ge [sflag:s23], $0x1400  }
0x55: {  	[sflag:s23] =	ssyncset.done $0x0  }
0x56: {  	[sflag:s23] =	ssyncadd.s32 $0xFFFFEC00  }
0x57: {  	[spmem:s15] =	stream.linear.scatter [tilespmem:s24], [sflag:$0x2], $0x1400, $0x38;
	[tilespmem:$0x1BC00] =	vst v63  }
0x58: {  	_ =	swait.ge [sflag:s23], $0x1400  }
0x59: {  	[sflag:s23] =	ssyncset.done $0x0  }
0x5a: {  	[sflag:s23] =	ssyncadd.s32 $0xFFFFEC00  }
0x5b: {  	[spmem:s16] =	stream.linear.scatter [tilespmem:s24], [sflag:$0x2], $0x1400, $0x38;
	[tilespmem:$0x1BC00] =	vst v63  }
0x5c: {  	_ =	swait.ge [sflag:s23], $0x1400  }
0x5d: {  	[sflag:s23] =	ssyncset.done $0x0  }
0x5e: {  	[sflag:s23] =	ssyncadd.s32 $0xFFFFEC00  }
0x5f: {  	[spmem:s17] =	stream.linear.scatter [tilespmem:s24], [sflag:$0x2], $0x1400, $0x38;
	[tilespmem:$0x1BC00] =	vst v63  }
0x60: {  	_ =	swait.ge [sflag:s23], $0x1400  }
0x61: {  	[sflag:s23] =	ssyncset.done $0x0  }
0x62: {  	[sflag:s23] =	ssyncadd.s32 $0xFFFFEC00  }
0x63: {  	[spmem:s18] =	stream.linear.scatter [tilespmem:s24], [sflag:$0x2], $0x1400, $0x38;
	[tilespmem:$0x1BC00] =	vst v63  }
0x64: {  	_ =	swait.ge [sflag:s23], $0x1400  }
0x65: {  	[sflag:s23] =	ssyncset.done $0x0  }
0x66: {  	[sflag:s23] =	ssyncadd.s32 $0xFFFFEC00  }
0x67: {  	[spmem:s19] =	stream.linear.scatter [tilespmem:s24], [sflag:$0x2], $0x1400, $0x38;
	[tilespmem:$0x1BC00] =	vst v63  }
0x68: {  	_ =	swait.ge [sflag:s23], $0x1400  }
0x69: {  	[sflag:s23] =	ssyncset.done $0x0  }
0x6a: {  	[sflag:s23] =	ssyncadd.s32 $0xFFFFEC00  }
0x6b: {  	[spmem:s20] =	stream.linear.scatter [tilespmem:s24], [sflag:$0x2], $0x1400, $0x38;
	[tilespmem:$0x1BC00] =	vst v63  }
0x6c: {  	_ =	swait.ge [sflag:s23], $0x1400  }
0x6d: {  	[sflag:s23] =	ssyncset.done $0x0  }
0x6e: {  	[sflag:s23] =	ssyncadd.s32 $0xFFFFEC00  }
0x6f: {  	[spmem:s21] =	stream.linear.scatter [tilespmem:s24], [sflag:$0x2], $0x1400, $0x38;
	[tilespmem:$0x1BC00] =	vst v63  }
0x70: {  	_ =	swait.ge [sflag:s23], $0x1400  }
0x71: {  	[sflag:s23] =	ssyncset.done $0x0  }
0x72: {  	[sflag:s23] =	ssyncadd.s32 $0xFFFFEC00  }
0x73: {  	[spmem:s22] =	stream.linear.scatter [tilespmem:s24], [sflag:$0x2], $0x1400, $0x38;
	[tilespmem:$0x1BC00] =	vst v63  }
0x74: {  	_ =	swait.ge [sflag:s23], $0x1400  }
0x75: {  	[sflag:s23] =	ssyncset.done $0x0  }
0x76: {  	[sflag:s23] =	ssyncadd.s32 $0xFFFFEC00  }
0x77: {  	s29 =	simm.s32 $0x0;
	[bflag:$0x0] =	sbarrier.arrive $0xFFFF  }
0x78: {  	[spmem:s2] =	stream.indirect.scatter.add.f32 [tilespmem:s26], [sflag:$0x1], $0x80, s29, s25, $0xb8;
	[tilespmem:$0x1BC00] =	vst v63  }
0x79: {  	s29 =	simm.s32 $0x80  }
0x7a: {  	[spmem:s2] =	stream.indirect.scatter.add.f32 [tilespmem:s26], [sflag:$0x1], $0x80, s29, s25, $0xb8;
	[tilespmem:$0x1BC00] =	vst v63  }
0x7b: {  	s29 =	simm.s32 $0x100  }
0x7c: {  	[spmem:s2] =	stream.indirect.scatter.add.f32 [tilespmem:s26], [sflag:$0x1], $0x80, s29, s25, $0xb8;
	[tilespmem:$0x1BC00] =	vst v63  }
0x7d: {  	s29 =	simm.s32 $0x180  }
0x7e: {  	[spmem:s2] =	stream.indirect.scatter.add.f32 [tilespmem:s26], [sflag:$0x1], $0x80, s29, s25, $0xb8;
	[tilespmem:$0x1BC00] =	vst v63  }
0x7f: {  	s29 =	simm.s32 $0x200  }
0x80: {  	[spmem:s2] =	stream.indirect.scatter.add.f32 [tilespmem:s26], [sflag:$0x1], $0x80, s29, s25, $0xb8;
	[tilespmem:$0x1BC00] =	vst v63  }
0x81: {  	_ =	swait.ge [sflag:s28], $0x2800  }
0x82: {  	[sflag:s28] =	ssyncset.done $0x0  }
0x83: {  	[sflag:s28] =	ssyncadd.s32 $0xFFFFD800  }
0x84: {  	_ =	swait.ge [sflag:s28], $0x2800  }
0x85: {  	[sflag:s28] =	ssyncset.done $0x0  }
0x86: {  	[sflag:s28] =	ssyncadd.s32 $0xFFFFD800  }
0x87: {  	_ =	swait.ge [sflag:s28], $0x2800  }
0x88: {  	[sflag:s28] =	ssyncset.done $0x0  }
0x89: {  	[sflag:s28] =	ssyncadd.s32 $0xFFFFD800  }
0x8a: {  	_ =	swait.ge [sflag:s28], $0x2800  }
0x8b: {  	[sflag:s28] =	ssyncset.done $0x0  }
0x8c: {  	[sflag:s28] =	ssyncadd.s32 $0xFFFFD800  }
0x8d: {  	_ =	swait.ge [sflag:s28], $0x2800  }
0x8e: {  	s30 =	simm.s32 $0x1400;
	s29 =	simm.s32 $0xA00;
	[sflag:s28] =	ssyncset.done $0x0  }
.LBB2_6:
0x8f: {  	s31 =	sshra.s32 s29, $0x2  }
0x90: {  	[sflag:s28] =	ssyncadd.s32 $0xFFFFD800;
	s29 =	smov.u32 s30;
	s0 =	sadd.s32 $0xA00, s30  }
0x91: {  	[spmem:s2] =	stream.indirect.scatter.add.f32 [tilespmem:s26], [sflag:$0x1], $0x80, s31, s25, $0xb8;
	[tilespmem:$0x1BC00] =	vst v63  }
0x92: {  	p0 =	sne.s32 s30, $0xF000;
	s30 =	sadd.s32 $0x80, s31  }
0x93: {  	[spmem:s2] =	stream.indirect.scatter.add.f32 [tilespmem:s26], [sflag:$0x1], $0x80, s30, s25, $0xb8;
	[tilespmem:$0x1BC00] =	vst v63  }
0x94: {  	s30 =	sadd.s32 $0x100, s31  }
0x95: {  	[spmem:s2] =	stream.indirect.scatter.add.f32 [tilespmem:s26], [sflag:$0x1], $0x80, s30, s25, $0xb8;
	[tilespmem:$0x1BC00] =	vst v63  }
0x96: {  	s30 =	sadd.s32 $0x180, s31  }
0x97: {  	[spmem:s2] =	stream.indirect.scatter.add.f32 [tilespmem:s26], [sflag:$0x1], $0x80, s30, s25, $0xb8;
	[tilespmem:$0x1BC00] =	vst v63  }
0x98: {  	s30 =	sadd.s32 $0x200, s31  }
0x99: {  	[spmem:s2] =	stream.indirect.scatter.add.f32 [tilespmem:s26], [sflag:$0x1], $0x80, s30, s25, $0xb8;
	[tilespmem:$0x1BC00] =	vst v63  }
0x9a: {  	_ =	swait.ge [sflag:s28], $0x2800  }
0x9b: {  	[sflag:s28] =	ssyncset.done $0x0  }
0x9c: {  	[sflag:s28] =	ssyncadd.s32 $0xFFFFD800  }
0x9d: {  	_ =	swait.ge [sflag:s28], $0x2800  }
0x9e: {  	[sflag:s28] =	ssyncset.done $0x0  }
0x9f: {  	[sflag:s28] =	ssyncadd.s32 $0xFFFFD800  }
0xa0: {  	_ =	swait.ge [sflag:s28], $0x2800  }
0xa1: {  	[sflag:s28] =	ssyncset.done $0x0  }
0xa2: {  	[sflag:s28] =	ssyncadd.s32 $0xFFFFD800  }
.Ltmp2:
0xa3: {  	_ =	swait.ge [sflag:s28], $0x2800;
	(pc) =	sbr.rel @p0 .LBB2_6-.Ltmp2, $4  }
0xa4: {  	[sflag:s28] =	ssyncset.done $0x0  }
0xa5: {  	[sflag:s28] =	ssyncadd.s32 $0xFFFFD800  }
0xa6: {  	_ =	swait.ge [sflag:s28], $0x2800  }
0xa7: {  	s30 =	smov.u32 s0;
	[sflag:s28] =	ssyncset.done $0x0  }
0xa8: {  	s0 =	sshra.s32 s29, $0x2;
	[sflag:s28] =	ssyncadd.s32 $0xFFFFD800  }
0xa9: {  	[spmem:s2] =	stream.indirect.scatter.add.f32 [tilespmem:s26], [sflag:$0x1], $0x80, s0, s25, $0xb8;
	[tilespmem:$0x1BC00] =	vst v63  }
0xaa: {  	s29 =	sadd.s32 $0x80, s0  }
0xab: {  	[spmem:s2] =	stream.indirect.scatter.add.f32 [tilespmem:s26], [sflag:$0x1], $0x80, s29, s25, $0xb8;
	[tilespmem:$0x1BC00] =	vst v63  }
0xac: {  	s30 =	sadd.s32 $0x100, s0  }
0xad: {  	[spmem:s2] =	stream.indirect.scatter.add.f32 [tilespmem:s26], [sflag:$0x1], $0x80, s30, s25, $0xb8;
	[tilespmem:$0x1BC00] =	vst v63  }
0xae: {  	s31 =	sadd.s32 $0x180, s0  }
0xaf: {  	[spmem:s2] =	stream.indirect.scatter.add.f32 [tilespmem:s26], [sflag:$0x1], $0x80, s31, s25, $0xb8;
	[tilespmem:$0x1BC00] =	vst v63  }
0xb0: {  	s0 =	sadd.s32 $0x200, s0  }
0xb1: {  	[spmem:s2] =	stream.indirect.scatter.add.f32 [tilespmem:s26], [sflag:$0x1], $0x80, s0, s25, $0xb8;
	[tilespmem:$0x1BC00] =	vst v63  }
0xb2: {  	_ =	swait.ge [sflag:s28], $0x2800  }
0xb3: {  	[sflag:s28] =	ssyncset.done $0x0  }
0xb4: {  	[sflag:s28] =	ssyncadd.s32 $0xFFFFD800  }
0xb5: {  	_ =	swait.ge [sflag:s28], $0x2800  }
0xb6: {  	[sflag:s28] =	ssyncset.done $0x0  }
0xb7: {  	[sflag:s28] =	ssyncadd.s32 $0xFFFFD800  }
0xb8: {  	_ =	swait.ge [sflag:s28], $0x2800  }
0xb9: {  	[sflag:s28] =	ssyncset.done $0x0  }
0xba: {  	[sflag:s28] =	ssyncadd.s32 $0xFFFFD800  }
0xbb: {  	_ =	swait.ge [sflag:s28], $0x2800  }
0xbc: {  	[sflag:s28] =	ssyncset.done $0x0  }
0xbd: {  	[sflag:s28] =	ssyncadd.s32 $0xFFFFD800  }
0xbe: {  	s3 =	sadd.s32 $0x1, s3;
	_ =	swait.ge [sflag:s28], $0x2800  }
0xbf: {  	p0 =	sne.s32 s3, s7;
	[sflag:s28] =	ssyncset.done $0x0  }
0xc0: {  	s30 =	sshll.u32 s1, $0x6;
	s31 =	sshrl.u32 s6, $0x3;
	[sflag:s28] =	ssyncadd.s32 $0xFFFFD800  }
.Ltmp3:
0xc1: {  	s0 =	sor.u32 $0x1C02, s30;
	[bflag:$0x0] =	sbarrier.arrive $0xFFFF;
	(pc) =	sbr.rel @p0 .LBB2_1-.Ltmp3, $4  }
0xc2: {  	[hbm:s5], [sflag:s0] =	dma.local [spmem:s31], $0x2800  }
0xc3: {  	_ =	swait.ge [sflag:s23], $0x2800  }
0xc4: {  	[sflag:s23] =	ssyncset.done $0x0  }
0xc5: {  	[sflag:s23] =	ssyncadd.s32 $0xFFFFD800  }
0xc6: {  	_ =	sfence.sel $0x180000  }
0xc7: {  	[bflag:$0x0] =	sbarrier.arrive $0xFFFF  }
0xc8: {  	_ =	strace $0x9000004A  }
0xc9: {  	[bflag:$0x2] =	sbarrier.arrive $0xFFFF  }
0xca: {  	p0 =	sne.s32 s1, $0x0;
	s0 =	rddreg [dreg:$0x3]  }
0xcb: {  	s0 =	sadd.s32 @!p0 $0x100000, s0  }
0xcc: {  	[sflag:s0] =	ssyncadd.tile.s32 @!p0 $0x1;
	_ =	shalt  }
.Lfunc_end2:
_tile_overlayer_lowered:
.L_overlay_start_2:
0xcd: {  	(tag) =	ssettag $0x2  }
0xce: {  	s0 =	rddreg [dreg:$0x0];
	s2 =	stileid.u32  }
0xcf: {  	s1 =	rddreg [dreg:$0x1];
	p0 =	sne.s32 s2, $0x0  }
0xd0: {  	s3 =	rddreg [dreg:$0x2];
	[bflag:$0x3] =	sbarrier.arrive $0xFFFF;
	s2 =	simm.s32 @!p0 $0x1C02  }
0xd1: {  	[timem:s3], [sflag:s2] =	dma.local @!p0 [hbm:s0], s1  }
0xd2: {  	s0 =	simm.s32 @!p0 $0x2  }
0xd3: {  	_ =	swait.ge @!p0 [sflag:s0], s1  }
0xd4: {  	s1 =	ssub.s32 @!p0 $0x0, s1;
	[sflag:s0] =	ssyncset.done @!p0 $0x0  }
0xd5: {  	[sflag:s0] =	ssyncadd.s32 @!p0 s1  }
0xd6: {  	[bflag:$0x3] =	sbarrier.arrive $0xFFFF  }
0xd7: {  	_ =	shalt  }

// kernel: kernel.17.cloned.1.call-start
scs
__scs_entry_jumppad:
0x0: {  	(pc) =	sbr.rel $0x88, $3  }
0x1: {  	(tag) =	ssettag $0x0;
	lr =	simm.s32 $0x1  }
0x2: {  	[smem:$0x3F8A] =	sst lr;
	_ =	strace $0xD0000000  }
0x3: {  	_ = 	snop  }
0x4: {  	_ = 	snop  }
0x5: {  	_ = 	snop  }
0x6: {  	_ = 	snop  }
0x7: {  	_ = 	snop  }
__scs_overlays_trampoline_lowered:
0x8: {  	[smem:$0x3F99] =	sst s0  }
0x9: {  	[smem:$0x3F9A] =	sst s1  }
0xa: {  	[smem:$0x3F9B] =	sst s2  }
0xb: {  	[smem:$0x3F9C] =	sst s3  }
0xc: {  	[smem:$0x3F9D] =	sst s4  }
0xd: {  	[smem:$0x3F9E] =	sst s5  }
0xe: {  	[smem:$0x3F9F] =	sst s6  }
0xf: {  	[smem:$0x3FA0] =	sst s7  }
0x10: {  	[smem:$0x3FA1] =	sst s8  }
0x11: {  	[smem:$0x3FA2] =	sst s9;
	s0 =	simm.s32 @!p0 $0x0  }
0x12: {  	s1 =	sld [smem:$0x3F88];
	s0 =	simm.s32 @p0 $0x1  }
0x13: {  	[smem:$0x3FA3] =	sst s0;
	s0 =	simm.s32 @!p1 $0x0  }
0x14: {  	s2 =	sld [smem:$0x3F87];
	s0 =	simm.s32 @p1 $0x1  }
0x15: {  	[smem:$0x3FA4] =	sst s0;
	s0 =	simm.s32 @!p2 $0x0  }
0x16: {  	s3 =	sld [smem:$0x3FDB];
	s0 =	simm.s32 @p2 $0x1  }
0x17: {  	s4 =	simm.s32 $0x1BF5;
	[smem:$0x3FA6] =	sst s0  }
0x18: {  	s0 =	sld [smem:$0x3F89];
	_ =	swait.ge [sflag:s4], $0x0  }
0x19: {  	s7 =	sld [smem:$0x3F8A]  }
0x1a: {  	s8 =	sadd.s32 $0xFFFFE003, lr  }
0x1b: {  	s9 =	sadd.s32 $0xFFFFFEF7, lr;
	s5 =	simm.s32 $0xFFFFFFFF;
	p2 =	slt.u32 s8, $0xFFFFF086  }
0x1c: {  	p1 =	slt.u32 s9, $0xF7A;
	s5 =	simm.s32 @!p2 $0x0  }
0x1d: {  	s5 =	simm.s32 @p1 $0x1;
	p0 =	seq.s32 s7, s2  }
0x1e: {  	s7 =	smul.u32 @!p0 $0xF7A, s2;
	p2 =	seq.s32 @!p0 s5, $0x0  }
0x1f: {  	s9 =	smul.u32 $0xF7A, s1;
	s8 =	simm.s32 @!p0 $0x1BF5;
	p2 =	por !p2, p0  }
0x20: {  	[sflag:s8] =	ssyncset.s32 @!p0 $0xFFFFF086;
	s6 =	sadd.s32 @!p0 s3, s7;
	s7 =	simm.s32 @!p0 $0x108  }
0x21: {  	s3 =	sadd.s32 s3, s9;
	s6 =	sadd.s32 @!p0 $0x88, s6;
	s7 =	simm.s32 @p2 $0x1082  }
0x22: {  	[simem:s7], [sflag:s8] =	dma.local @!p0 [hbm:s6], $0xF7A  }
0x23: {  	s9 =	sor.u32 $0xD0000000, s2;
	s6 =	simm.s32 $0x108;
	_ =	swait.ge @!p0 [sflag:s8], $0x0  }
0x24: {  	s3 =	sadd.s32 $0x88, s3;
	s6 =	simm.s32 @!p1 $0x1082;
	[sflag:s4] =	ssyncset.s32 $0xFFFFF086  }
0x25: {  	[simem:s6], [sflag:s4] =	dma.local [hbm:s3], $0xF7A  }
0x26: {  	[smem:$0x3F8A] =	sst s1;
	(tag) =	ssettag s2;
	_ =	strace s9  }
0x27: {  	s1 =	sld [smem:$0x3F9A]  }
0x28: {  	s2 =	sld [smem:$0x3F9B]  }
0x29: {  	s4 =	sld [smem:$0x3F9D]  }
0x2a: {  	p0 =	seq.s32 s5, $0x0;
	s5 =	sld [smem:$0x3F9E]  }
0x2b: {  	s6 =	sld [smem:$0x3F9F]  }
0x2c: {  	s7 =	sld [smem:$0x3FA0]  }
0x2d: {  	s3 =	simm.s32 $0x108;
	s8 =	sld [smem:$0x3FA1]  }
0x2e: {  	s3 =	simm.s32 @!p0 $0x1082;
	s9 =	sld [smem:$0x3FA2]  }
0x2f: {  	lr =	sadd.s32 s0, s3;
	s0 =	sld [smem:$0x3F99]  }
0x30: {  	s3 =	sld [smem:$0x3F9C]  }
0x31: {  	[smem:$0x3FA5] =	sst s10  }
0x32: {  	s10 =	sld [smem:$0x3FA3];
	_ =	sdelay $0x3  }
0x33: {  	p0 =	seq.s32 s10, $0x1;
	s10 =	sld [smem:$0x3FA5];
	_ =	sdelay $0x3  }
0x34: {  	[smem:$0x3FA5] =	sst s10  }
0x35: {  	s10 =	sld [smem:$0x3FA4];
	_ =	sdelay $0x3  }
0x36: {  	p1 =	seq.s32 s10, $0x1;
	s10 =	sld [smem:$0x3FA5];
	_ =	sdelay $0x3  }
0x37: {  	[smem:$0x3FA5] =	sst s10  }
0x38: {  	s10 =	sld [smem:$0x3FA6]  }
0x39: {  	_ = 	snop;
	(pc) =	sbr.ind lr, $3  }
0x3a: {  	_ = 	snop  }
0x3b: {  	_ = 	snop  }
0x3c: {  	p2 =	seq.s32 s10, $0x1;
	s10 =	sld [smem:$0x3FA5]  }
0x3d: {  	_ =	shalt  }
0x3e: {  	_ =	shalt  }
0x3f: {  	_ =	shalt  }
0x40: {  	_ =	shalt  }
0x41: {  	_ =	shalt  }
0x42: {  	_ =	shalt  }
0x43: {  	_ =	shalt  }
0x44: {  	_ =	shalt  }
0x45: {  	_ =	shalt  }
0x46: {  	_ =	shalt  }
0x47: {  	_ =	shalt  }
0x48: {  	_ =	shalt  }
0x49: {  	_ =	shalt  }
0x4a: {  	_ =	shalt  }
0x4b: {  	_ =	shalt  }
0x4c: {  	_ =	shalt  }
0x4d: {  	_ =	shalt  }
0x4e: {  	_ =	shalt  }
0x4f: {  	_ =	shalt  }
0x50: {  	_ =	shalt  }
0x51: {  	_ =	shalt  }
0x52: {  	_ =	shalt  }
0x53: {  	_ =	shalt  }
0x54: {  	_ =	shalt  }
0x55: {  	_ =	shalt  }
0x56: {  	_ =	shalt  }
0x57: {  	_ =	shalt  }
0x58: {  	_ =	shalt  }
0x59: {  	_ =	shalt  }
0x5a: {  	_ =	shalt  }
0x5b: {  	_ =	shalt  }
0x5c: {  	_ =	shalt  }
0x5d: {  	_ =	shalt  }
0x5e: {  	_ =	shalt  }
0x5f: {  	_ =	shalt  }
0x60: {  	_ =	shalt  }
0x61: {  	_ =	shalt  }
0x62: {  	_ =	shalt  }
0x63: {  	_ =	shalt  }
0x64: {  	_ =	shalt  }
0x65: {  	_ =	shalt  }
0x66: {  	_ =	shalt  }
0x67: {  	_ =	shalt  }
0x68: {  	_ =	shalt  }
0x69: {  	_ =	shalt  }
0x6a: {  	_ =	shalt  }
0x6b: {  	_ =	shalt  }
0x6c: {  	_ =	shalt  }
0x6d: {  	_ =	shalt  }
0x6e: {  	_ =	shalt  }
0x6f: {  	_ =	shalt  }
0x70: {  	_ =	shalt  }
0x71: {  	_ =	shalt  }
0x72: {  	_ =	shalt  }
0x73: {  	_ =	shalt  }
0x74: {  	_ =	shalt  }
0x75: {  	_ =	shalt  }
0x76: {  	_ =	shalt  }
0x77: {  	_ =	shalt  }
0x78: {  	_ =	shalt  }
0x79: {  	_ =	shalt  }
0x7a: {  	_ =	shalt  }
0x7b: {  	_ =	shalt  }
0x7c: {  	_ =	shalt  }
0x7d: {  	_ =	shalt  }
0x7e: {  	_ =	shalt  }
0x7f: {  	_ =	shalt  }
0x80: {  	_ =	shalt  }
0x81: {  	_ =	shalt  }
0x82: {  	_ =	shalt  }
0x83: {  	_ =	shalt  }
0x84: {  	_ =	shalt  }
0x85: {  	_ =	shalt  }
0x86: {  	_ =	shalt  }
0x87: {  	_ =	shalt  }
.Lfunc_end0:
.L_simem_size_0:
called_computation.2_lowered:
.L_overlay_start_0:
0x88: {  	s2 =	sld [smem:$0x3FD9]  }
0x89: {  	s3 =	sld [smem:$0x3FFE];
	_ =	sdelay $0x1  }
0x8a: {  	s1 =	srdreg.scid  }
0x8b: {  	s0 =	sand.u32 $0x1, s1  }
0x8c: {  	s14 =	sshll.u32 s0, $0xA;
	s2 =	sadd.s32 s3, s2  }
0x8d: {  	s2 =	sadd.s32 s2, s14  }
0x8e: {  	[smem:$0x3FB1] =	sst s2  }
0x8f: {  	_ = 	snop  }
0x90: {  	s2 =	sld [smem:$0x3FD0];
	_ =	sdelay $0x2  }
0x91: {  	s15 =	simm.s32 $0xB;
	s4 =	simm.s32 $0x10  }
0x92: {  	[smem:s4], [sflag:s15] =	dma.local [hbm:s2], $0x1  }
0x93: {  	_ =	swait.eq [sflag:s15], $0x1  }
0x94: {  	[sflag:s15] =	ssyncset.done $0x0  }
0x95: {  	[sflag:s15] =	ssyncadd.s32 $0xFFFFFFFF  }
0x96: {  	s16 =	sld [smem:$0x10];
	(tm) =	ssettm $0x1  }
0x97: {  	s17 =	sld [smem:$0x3FFB];
	_ =	sdelay $0x3  }
0x98: {  	_ =	strace s17  }
0x99: {  	s3 =	sld [smem:$0x3FFC];
	_ =	sdelay $0x3  }
0x9a: {  	_ =	strace s3  }
0x9b: {  	s3 =	sld [smem:$0x3FFD];
	_ =	sdelay $0x3  }
0x9c: {  	_ =	strace s3  }
0x9d: {  	_ =	strace $0x8FFFFFFF  }
0x9e: {  	s18 =	sld [smem:$0x3FDB];
	_ =	sdelay $0x1  }
0x9f: {  	s19 =	simm.s32 $_scs_section_size  }
0xa0: {  	s5 =	simm.s32 $_size__tile_overlayer_lowered;
	s6 =	simm.s32 $_tile_overlayer_lowered  }
0xa1: {  	s22 =	simm.s32 $0x1BFF;
	s21 =	sshll.u32 s6, $0x1;
	s3 =	sadd.s32 s19, s18  }
0xa2: {  	s7 =	simm.s32 $0x0;
	s20 =	sshll.u32 s5, $0x1;
	s5 =	sadd.s32 s21, s3  }
0xa3: {  	[timem:s7], [sflag:s22] =	dma.local [hbm:s5], s20  }
0xa4: {  	_ =	swait.ge [sflag:s22], s20  }
0xa5: {  	s4 =	ssub.s32 $0x0, s20;
	[sflag:s22] =	ssyncset.done $0x0  }
0xa6: {  	[sflag:s22] =	ssyncadd.s32 s4;
	_ =	sdelay $0x1  }
0xa7: {  	s23 =	simm.s32 $0x1B8B  }
0xa8: {  	_ =	swait.ge [sflag:s23], $0x1  }
0xa9: {  	[sflag:s23] =	ssyncset.done $0x0  }
0xaa: {  	s25 =	simm.s32 $0x1B8E;
	s24 =	sld [smem:$0x3FFE];
	[sflag:s23] =	ssyncadd.s32 $0xFFFFFFFF  }
0xab: {  	s26 =	simm.s32 $execute0_lowered;
	[smem:$0x3FD2] =	sst s25  }
0xac: {  	s5 =	sshll.u32 s26, $0x1;
	_ =	strace $0x8000004C;
	[dreg:$0x1] =	wrdreg $0xFFFFFFFF  }
0xad: {  	s28 =	simm.s32 $_size_execute0_lowered;
	s3 =	sadd.s32 s3, s5;
	[dreg:$0x0] =	wrdreg $0x0  }
0xae: {  	s5 =	sshll.u32 s28, $0x1;
	[dreg:$0x2] =	wrdreg s3  }
0xaf: {  	[dreg:$0x3] =	wrdreg s5  }
0xb0: {  	[dreg:$0x4] =	wrdreg $0xC0  }
0xb1: {  	_ =	task [dreg:s7], $0x5FFFF  }
0xb2: {  	[dreg:$0x1] =	wrdreg $0xFFFFFFFF  }
0xb3: {  	[dreg:$0x0] =	wrdreg $0x60  }
0xb4: {  	[dreg:$0x2] =	wrdreg s16  }
0xb5: {  	[dreg:$0x3] =	wrdreg s24  }
0xb6: {  	[dreg:$0x4] =	wrdreg $0x8F000  }
0xb7: {  	[dreg:$0x5] =	wrdreg $0x9  }
0xb8: {  	_ =	task.clear_ibuf [dreg:s7], $0x6FFFF;
	_ =	strace $0x9000004C  }
0xb9: {  	s29 =	simm.s32 $0x9;
	_ =	strace $0x8000004E  }
0xba: {  	_ =	swait.ge [sflag:s29], $0x1  }
0xbb: {  	[sflag:s29] =	ssyncadd.s32 $0xFFFFFFFF  }
0xbc: {  	_ =	strace $0x9000004E  }
0xbd: {  	_ =	sfence  }
0xbe: {  	s30 =	sld [smem:$0x0];
	_ =	sdelay $0x2  }
0xbf: {  	s31 =	sshll.u32 s1, $0xD;
	s1 =	sshrl.u32 s1, $0x2  }
0xc0: {  	s3 =	sand.u32 $0x4000, s31;
	s1 =	sadd.s32 s1, s30  }
0xc1: {  	s0 =	sor.u32 s3, s0;
	s1 =	sshll.u32 s1, $0x11  }
0xc2: {  	s0 =	sor.u32 s1, s0  }
0xc3: {  	s0 =	sadd.s32 $0x8F2B, s0  }
0xc4: {  	[sflag:s0] =	ssyncadd.remote.s32 $0x1  }
0xc5: {  	_ =	sfence.sel $0xFFFF  }
0xc6: {  	[dreg:$0x0] =	wrdreg $0xFFFFFFFF;
	(pc) =	sbr.abs _section_cstart, $3  }
0xc7: {  	[dreg:$0x1] =	wrdreg $0xFFFFFFFF  }
0xc8: {  	_ =	task.clear_ibuf [dreg:s7], $0x2FFFF;
	_ =	strace $0x9FFFFFFF  }
0xc9: {  	(tm) =	ssettm $0x7FFFFFFF  }
tec
execute0_lowered:
.L_overlay_start_1:
0x0: {  	(tag) =	ssettag $0x1  }
0x1: {  	s1 =	rddreg [dreg:$0x0]  }
0x2: {  	s5 =	rddreg [dreg:$0x1]  }
0x3: {  	s2 =	rddreg [dreg:$0x2]  }
0x4: {  	s3 =	srdreg.scid;
	s0 =	rddreg [dreg:$0x3]  }
0x5: {  	s4 =	simm.s32 $0x0;
	s17 =	simm.s32 $0x3F00;
	s18 =	simm.s32 $0x3  }
0x6: {  	s19 =	simm.s32 $0x50;
	s20 =	simm.s32 $0x6700;
	s21 =	simm.s32 $0x1  }
0x7: {  	s22 =	simm.s32 $0x2;
	s23 =	simm.s32 $0x3E00;
	s6 =	sand.u32 $0x1, s3  }
0x8: {  	s24 =	simm.s32 $0x3E80;
	s3 =	stileid.u32;
	s7 =	smul.u32 $0x140000, s6  }
0x9: {  	[smem:$0x7FF] =	sst s4;
	s8 =	smul.u32 $0x14000, s3;
	s9 =	sshll.u32 s3, $0x1  }
0xa: {  	s10 =	sadd.s32 $0x5600, s5;
	s12 =	smul.u32 $0x50000, s3;
	s9 =	sor.u32 s6, s9  }
0xb: {  	_ =	strace $0x8000004D;
	s6 =	ssub.s32 $0x2, s6;
	s29 =	smul.u32 $0x7D00, s9  }
0xc: {  	s7 =	sadd.s32 s8, s7;
	s9 =	smul.u32 $0xFA0, s9;
	s11 =	sshrl.u32 s6, $0x1  }
0xd: {  	s31 =	sshrl.u32 s12, $0x2;
	s7 =	sshrl.u32 s7, $0x3;
	s11 =	ssub.s32 s6, s11  }
0xe: {  	s8 =	sshrl.u32 s29, $0x3;
	s7 =	sadd.s32 s7, s5;
	s5 =	sadd.s32 s10, s9  }
0xf: {  	s9 =	smax.u32 s11, $0x1;
	s30 =	sadd.s32 s10, s8;
	s8 =	sadd.s32 s31, s2  }
0x10: {  	s7 =	sadd.s32 $0x4BC00, s7;
	s6 =	sadd.s32 $0x7E0, s30;
	s10 =	sadd.s32 $0x2800, s8  }
0x11: {  	s11 =	sadd.s32 $0x5000, s8;
	s12 =	sadd.s32 $0x7800, s8;
	s13 =	sadd.s32 $0xA000, s8  }
0x12: {  	v0 =	vimm.f32 $0.0e+00;
	s14 =	sadd.s32 $0xC800, s8;
	s15 =	sadd.s32 $0xF000, s8;
	s16 =	sadd.s32 $0x11800, s8  }
.LBB2_1:
0x13: {  	s25 =	simm.s32 $0x0;
	s26 =	simm.s32 $0x200  }
.LBB2_2:
0x14: {  	p0 =	sne.s32 s26, $0x9E00;
	[tilespmem:s25+$0x3F70] =	vst v0  }
0x15: {  	[tilespmem:s25+$0x3F00] =	vst v0  }
0x16: {  	[tilespmem:s25+$0x3F10] =	vst v0  }
.Ltmp0:
0x17: {  	[tilespmem:s25+$0x3F20] =	vst v0;
	(pc) =	sbr.rel @p0 .LBB2_2-.Ltmp0, $4  }
0x18: {  	[tilespmem:s25+$0x3F30] =	vst v0  }
0x19: {  	[tilespmem:s25+$0x3F40] =	vst v0  }
0x1a: {  	[tilespmem:s25+$0x3F50] =	vst v0  }
0x1b: {  	[tilespmem:s25+$0x3F60] =	vst v0;
	s25 =	sshra.s32 s26, $0x2;
	s26 =	sadd.s32 $0x200, s26  }
0x1c: {  	[tilespmem:s25+$0x3F70] =	vst v0  }
0x1d: {  	[tilespmem:s25+$0x3F00] =	vst v0  }
0x1e: {  	[tilespmem:s25+$0x3F10] =	vst v0  }
0x1f: {  	[tilespmem:s25+$0x3F20] =	vst v0  }
0x20: {  	[tilespmem:s25+$0x3F30] =	vst v0  }
0x21: {  	[tilespmem:s25+$0x3F40] =	vst v0  }
0x22: {  	[tilespmem:s25+$0x3F50] =	vst v0  }
0x23: {  	[tilespmem:s25+$0x3F60] =	vst v0  }
0x24: {  	[spmem:s8] =	stream.linear.scatter [tilespmem:s17], [sflag:$0x3], $0x2800, $0x38;
	[tilespmem:$0x1CF00] =	vst v63  }
0x25: {  	_ =	swait.ge [sflag:s18], $0x2800  }
0x26: {  	[sflag:s18] =	ssyncset.done $0x0  }
0x27: {  	[sflag:s18] =	ssyncadd.s32 $0xFFFFD800  }
0x28: {  	[spmem:s10] =	stream.linear.scatter [tilespmem:s17], [sflag:$0x3], $0x2800, $0x38;
	[tilespmem:$0x1CF00] =	vst v63  }
0x29: {  	_ =	swait.ge [sflag:s18], $0x2800  }
0x2a: {  	[sflag:s18] =	ssyncset.done $0x0  }
0x2b: {  	[sflag:s18] =	ssyncadd.s32 $0xFFFFD800  }
0x2c: {  	[spmem:s11] =	stream.linear.scatter [tilespmem:s17], [sflag:$0x3], $0x2800, $0x38;
	[tilespmem:$0x1CF00] =	vst v63  }
0x2d: {  	_ =	swait.ge [sflag:s18], $0x2800  }
0x2e: {  	[sflag:s18] =	ssyncset.done $0x0  }
0x2f: {  	[sflag:s18] =	ssyncadd.s32 $0xFFFFD800  }
0x30: {  	[spmem:s12] =	stream.linear.scatter [tilespmem:s17], [sflag:$0x3], $0x2800, $0x38;
	[tilespmem:$0x1CF00] =	vst v63  }
0x31: {  	_ =	swait.ge [sflag:s18], $0x2800  }
0x32: {  	[sflag:s18] =	ssyncset.done $0x0  }
0x33: {  	[sflag:s18] =	ssyncadd.s32 $0xFFFFD800  }
0x34: {  	[spmem:s13] =	stream.linear.scatter [tilespmem:s17], [sflag:$0x3], $0x2800, $0x38;
	[tilespmem:$0x1CF00] =	vst v63  }
0x35: {  	_ =	swait.ge [sflag:s18], $0x2800  }
0x36: {  	[sflag:s18] =	ssyncset.done $0x0  }
0x37: {  	[sflag:s18] =	ssyncadd.s32 $0xFFFFD800  }
0x38: {  	[spmem:s14] =	stream.linear.scatter [tilespmem:s17], [sflag:$0x3], $0x2800, $0x38;
	[tilespmem:$0x1CF00] =	vst v63  }
0x39: {  	_ =	swait.ge [sflag:s18], $0x2800  }
0x3a: {  	[sflag:s18] =	ssyncset.done $0x0  }
0x3b: {  	[sflag:s18] =	ssyncadd.s32 $0xFFFFD800  }
0x3c: {  	[spmem:s15] =	stream.linear.scatter [tilespmem:s17], [sflag:$0x3], $0x2800, $0x38;
	[tilespmem:$0x1CF00] =	vst v63  }
0x3d: {  	_ =	swait.ge [sflag:s18], $0x2800  }
0x3e: {  	[sflag:s18] =	ssyncset.done $0x0  }
0x3f: {  	[sflag:s18] =	ssyncadd.s32 $0xFFFFD800  }
0x40: {  	[spmem:s16] =	stream.linear.scatter [tilespmem:s17], [sflag:$0x3], $0x2800, $0x38;
	[tilespmem:$0x1CF00] =	vst v63  }
0x41: {  	_ =	swait.ge [sflag:s18], $0x2800  }
0x42: {  	[sflag:s18] =	ssyncset.done $0x0  }
0x43: {  	[sflag:s18] =	ssyncadd.s32 $0xFFFFD800  }
0x44: {  	s26 =	simm.s32 $0x0;
	[bflag:$0x0] =	sbarrier.arrive $0xFFFF  }
0x45: {  	[tilespmem:s26], [sflag:$0x3] =	stream.linear.gather [hbm4b:s5+s26], $0x3F00, $0x38;
	[tilespmem:$0x1CF00] =	vst v63  }
0x46: {  	_ =	swait.ge [sflag:s18], $0x3F00  }
0x47: {  	[sflag:s18] =	ssyncset.done $0x0  }
0x48: {  	s28 =	simm.s32 $0x0;
	[sflag:s18] =	ssyncadd.s32 $0xFFFFC100  }
0x49: {  	[tilespmem:s17], [sflag:$0x1] =	stream.indirect.gather [hbm4b:s1+s19], $0x80, s28, s19, $0xb8;
	[tilespmem:$0x1CF00] =	vst v63  }
0x4a: {  	s29 =	simm.s32 $0x100  }
0x4b: {  	[tilespmem:s20], [sflag:$0x1] =	stream.indirect.gather [hbm4b:s1+s19], $0x80, s29, s19, $0xb8;
	[tilespmem:$0x1CF00] =	vst v63  }
0x4c: {  	_ =	swait.ge [sflag:s21], $0x2800  }
0x4d: {  	[sflag:s21] =	ssyncset.done $0x0  }
0x4e: {  	[sflag:s21] =	ssyncadd.s32 $0xFFFFD800  }
0x4f: {  	_ =	swait.ge [sflag:s21], $0x2800  }
0x50: {  	[sflag:s21] =	ssyncset.done $0x0  }
0x51: {  	s30 =	simm.s32 $0x80;
	[sflag:s21] =	ssyncadd.s32 $0xFFFFD800  }
0x52: {  	[spmem:s2] =	stream.indirect.scatter.add.f32 [tilespmem:s17], [sflag:$0x2], $0x80, s30, s19, $0xb8;
	[tilespmem:$0x1CF00] =	vst v63  }
0x53: {  	s31 =	simm.s32 $0x180  }
0x54: {  	[spmem:s2] =	stream.indirect.scatter.add.f32 [tilespmem:s20], [sflag:$0x2], $0x80, s31, s19, $0xb8;
	[tilespmem:$0x1CF00] =	vst v63  }
0x55: {  	_ =	swait.ge [sflag:s22], $0x2800  }
0x56: {  	[sflag:s22] =	ssyncset.done $0x0  }
0x57: {  	[sflag:s22] =	ssyncadd.s32 $0xFFFFD800  }
0x58: {  	_ =	swait.ge [sflag:s22], $0x2800  }
0x59: {  	s25 =	simm.s32 $0x800;
	s26 =	simm.s32 $0x1000;
	[sflag:s22] =	ssyncset.done $0x0  }
.LBB2_4:
0x5a: {  	s28 =	sshra.s32 s25, $0x2  }
0x5b: {  	[sflag:s22] =	ssyncadd.s32 $0xFFFFD800;
	s25 =	smov.u32 s26;
	s29 =	sadd.s32 $0x800, s26  }
0x5c: {  	[tilespmem:s17], [sflag:$0x1] =	stream.indirect.gather [hbm4b:s1+s19], $0x80, s28, s19, $0xb8;
	[tilespmem:$0x1CF00] =	vst v63  }
0x5d: {  	p0 =	sne.s32 s26, $0xF000;
	s26 =	sadd.s32 $0x100, s28  }
0x5e: {  	[tilespmem:s20], [sflag:$0x1] =	stream.indirect.gather [hbm4b:s1+s19], $0x80, s26, s19, $0xb8;
	[tilespmem:$0x1CF00] =	vst v63  }
0x5f: {  	_ =	swait.ge [sflag:s21], $0x2800  }
0x60: {  	[sflag:s21] =	ssyncset.done $0x0  }
0x61: {  	[sflag:s21] =	ssyncadd.s32 $0xFFFFD800  }
0x62: {  	_ =	swait.ge [sflag:s21], $0x2800  }
0x63: {  	[sflag:s21] =	ssyncset.done $0x0  }
0x64: {  	s26 =	sadd.s32 $0x80, s28;
	[sflag:s21] =	ssyncadd.s32 $0xFFFFD800  }
0x65: {  	[spmem:s2] =	stream.indirect.scatter.add.f32 [tilespmem:s17], [sflag:$0x2], $0x80, s26, s19, $0xb8;
	[tilespmem:$0x1CF00] =	vst v63  }
0x66: {  	s26 =	sadd.s32 $0x180, s28  }
0x67: {  	[spmem:s2] =	stream.indirect.scatter.add.f32 [tilespmem:s20], [sflag:$0x2], $0x80, s26, s19, $0xb8;
	[tilespmem:$0x1CF00] =	vst v63  }
.Ltmp1:
0x68: {  	_ =	swait.ge [sflag:s22], $0x2800;
	(pc) =	sbr.rel @p0 .LBB2_4-.Ltmp1, $4  }
0x69: {  	[sflag:s22] =	ssyncset.done $0x0  }
0x6a: {  	[sflag:s22] =	ssyncadd.s32 $0xFFFFD800  }
0x6b: {  	_ =	swait.ge [sflag:s22], $0x2800  }
0x6c: {  	s26 =	smov.u32 s29;
	[sflag:s22] =	ssyncset.done $0x0  }
0x6d: {  	s25 =	sshra.s32 s25, $0x2;
	[sflag:s22] =	ssyncadd.s32 $0xFFFFD800  }
0x6e: {  	[tilespmem:s17], [sflag:$0x1] =	stream.indirect.gather [hbm4b:s1+s19], $0x80, s25, s19, $0xb8;
	[tilespmem:$0x1CF00] =	vst v63  }
0x6f: {  	s26 =	sadd.s32 $0x100, s25  }
0x70: {  	[tilespmem:s20], [sflag:$0x1] =	stream.indirect.gather [hbm4b:s1+s19], $0x80, s26, s19, $0xb8;
	[tilespmem:$0x1CF00] =	vst v63  }
0x71: {  	_ =	swait.ge [sflag:s21], $0x2800  }
0x72: {  	[sflag:s21] =	ssyncset.done $0x0  }
0x73: {  	[sflag:s21] =	ssyncadd.s32 $0xFFFFD800  }
0x74: {  	_ =	swait.ge [sflag:s21], $0x2800  }
0x75: {  	[sflag:s21] =	ssyncset.done $0x0  }
0x76: {  	s31 =	sadd.s32 $0x80, s25;
	[sflag:s21] =	ssyncadd.s32 $0xFFFFD800  }
0x77: {  	[spmem:s2] =	stream.indirect.scatter.add.f32 [tilespmem:s17], [sflag:$0x2], $0x80, s31, s19, $0xb8;
	[tilespmem:$0x1CF00] =	vst v63  }
0x78: {  	s25 =	sadd.s32 $0x180, s25  }
0x79: {  	[spmem:s2] =	stream.indirect.scatter.add.f32 [tilespmem:s20], [sflag:$0x2], $0x80, s25, s19, $0xb8;
	[tilespmem:$0x1CF00] =	vst v63  }
0x7a: {  	_ =	swait.ge [sflag:s22], $0x2800  }
0x7b: {  	[sflag:s22] =	ssyncset.done $0x0  }
0x7c: {  	[sflag:s22] =	ssyncadd.s32 $0xFFFFD800  }
0x7d: {  	_ =	swait.ge [sflag:s22], $0x2800  }
0x7e: {  	[sflag:s22] =	ssyncset.done $0x0  }
0x7f: {  	[sflag:s22] =	ssyncadd.s32 $0xFFFFD800  }
0x80: {  	[tilespmem:s17], [sflag:$0x1] =	stream.indirect.gather [hbm4b:s1+s19], $0x80, s23, s19, $0xb8;
	[tilespmem:$0x1CF00] =	vst v63  }
0x81: {  	_ =	swait.ge [sflag:s21], $0x2800  }
0x82: {  	[sflag:s21] =	ssyncset.done $0x0  }
0x83: {  	[sflag:s21] =	ssyncadd.s32 $0xFFFFD800  }
0x84: {  	[spmem:s2] =	stream.indirect.scatter.add.f32 [tilespmem:s17], [sflag:$0x2], $0x80, s24, s19, $0xb8;
	[tilespmem:$0x1CF00] =	vst v63  }
0x85: {  	_ =	swait.ge [sflag:s22], $0x2800  }
0x86: {  	[sflag:s22] =	ssyncset.done $0x0  }
0x87: {  	s26 =	simm.s32 $0x0;
	[sflag:s22] =	ssyncadd.s32 $0xFFFFD800  }
0x88: {  	[tilespmem:s26], [sflag:$0x3] =	stream.linear.gather [hbm4b:s6+s26], $0x3E00, $0x38;
	[tilespmem:$0x1CF00] =	vst v63  }
0x89: {  	_ =	swait.ge [sflag:s18], $0x3E00  }
0x8a: {  	[sflag:s18] =	ssyncset.done $0x0  }
0x8b: {  	s28 =	simm.s32 $0x0;
	[sflag:s18] =	ssyncadd.s32 $0xFFFFC200  }
0x8c: {  	[tilespmem:s17], [sflag:$0x1] =	stream.indirect.gather [hbm4b:s1+s19], $0x80, s28, s19, $0xb8;
	[tilespmem:$0x1CF00] =	vst v63  }
0x8d: {  	s29 =	simm.s32 $0x100  }
0x8e: {  	[tilespmem:s20], [sflag:$0x1] =	stream.indirect.gather [hbm4b:s1+s19], $0x80, s29, s19, $0xb8;
	[tilespmem:$0x1CF00] =	vst v63  }
0x8f: {  	_ =	swait.ge [sflag:s21], $0x2800  }
0x90: {  	[sflag:s21] =	ssyncset.done $0x0  }
0x91: {  	[sflag:s21] =	ssyncadd.s32 $0xFFFFD800  }
0x92: {  	_ =	swait.ge [sflag:s21], $0x2800  }
0x93: {  	[sflag:s21] =	ssyncset.done $0x0  }
0x94: {  	s30 =	simm.s32 $0x80;
	[sflag:s21] =	ssyncadd.s32 $0xFFFFD800  }
0x95: {  	[spmem:s2] =	stream.indirect.scatter.add.f32 [tilespmem:s17], [sflag:$0x2], $0x80, s30, s19, $0xb8;
	[tilespmem:$0x1CF00] =	vst v63  }
0x96: {  	s31 =	simm.s32 $0x180  }
0x97: {  	[spmem:s2] =	stream.indirect.scatter.add.f32 [tilespmem:s20], [sflag:$0x2], $0x80, s31, s19, $0xb8;
	[tilespmem:$0x1CF00] =	vst v63  }
0x98: {  	_ =	swait.ge [sflag:s22], $0x2800  }
0x99: {  	[sflag:s22] =	ssyncset.done $0x0  }
0x9a: {  	[sflag:s22] =	ssyncadd.s32 $0xFFFFD800  }
0x9b: {  	_ =	swait.ge [sflag:s22], $0x2800  }
0x9c: {  	s25 =	simm.s32 $0x800;
	s26 =	simm.s32 $0x1000;
	[sflag:s22] =	ssyncset.done $0x0  }
.LBB2_6:
0x9d: {  	s28 =	sshra.s32 s25, $0x2  }
0x9e: {  	[sflag:s22] =	ssyncadd.s32 $0xFFFFD800;
	s25 =	smov.u32 s26;
	s29 =	sadd.s32 $0x800, s26  }
0x9f: {  	[tilespmem:s17], [sflag:$0x1] =	stream.indirect.gather [hbm4b:s1+s19], $0x80, s28, s19, $0xb8;
	[tilespmem:$0x1CF00] =	vst v63  }
0xa0: {  	p0 =	sne.s32 s26, $0xF000;
	s26 =	sadd.s32 $0x100, s28  }
0xa1: {  	[tilespmem:s20], [sflag:$0x1] =	stream.indirect.gather [hbm4b:s1+s19], $0x80, s26, s19, $0xb8;
	[tilespmem:$0x1CF00] =	vst v63  }
0xa2: {  	_ =	swait.ge [sflag:s21], $0x2800  }
0xa3: {  	[sflag:s21] =	ssyncset.done $0x0  }
0xa4: {  	[sflag:s21] =	ssyncadd.s32 $0xFFFFD800  }
0xa5: {  	_ =	swait.ge [sflag:s21], $0x2800  }
0xa6: {  	[sflag:s21] =	ssyncset.done $0x0  }
0xa7: {  	s26 =	sadd.s32 $0x80, s28;
	[sflag:s21] =	ssyncadd.s32 $0xFFFFD800  }
0xa8: {  	[spmem:s2] =	stream.indirect.scatter.add.f32 [tilespmem:s17], [sflag:$0x2], $0x80, s26, s19, $0xb8;
	[tilespmem:$0x1CF00] =	vst v63  }
0xa9: {  	s26 =	sadd.s32 $0x180, s28  }
0xaa: {  	[spmem:s2] =	stream.indirect.scatter.add.f32 [tilespmem:s20], [sflag:$0x2], $0x80, s26, s19, $0xb8;
	[tilespmem:$0x1CF00] =	vst v63  }
.Ltmp2:
0xab: {  	_ =	swait.ge [sflag:s22], $0x2800;
	(pc) =	sbr.rel @p0 .LBB2_6-.Ltmp2, $4  }
0xac: {  	[sflag:s22] =	ssyncset.done $0x0  }
0xad: {  	[sflag:s22] =	ssyncadd.s32 $0xFFFFD800  }
0xae: {  	_ =	swait.ge [sflag:s22], $0x2800  }
0xaf: {  	s26 =	smov.u32 s29;
	[sflag:s22] =	ssyncset.done $0x0  }
0xb0: {  	s25 =	sshra.s32 s25, $0x2;
	[sflag:s22] =	ssyncadd.s32 $0xFFFFD800  }
0xb1: {  	[tilespmem:s17], [sflag:$0x1] =	stream.indirect.gather [hbm4b:s1+s19], $0x80, s25, s19, $0xb8;
	[tilespmem:$0x1CF00] =	vst v63  }
0xb2: {  	s26 =	sadd.s32 $0x100, s25  }
0xb3: {  	[tilespmem:s20], [sflag:$0x1] =	stream.indirect.gather [hbm4b:s1+s19], $0x80, s26, s19, $0xb8;
	[tilespmem:$0x1CF00] =	vst v63  }
0xb4: {  	_ =	swait.ge [sflag:s21], $0x2800  }
0xb5: {  	[sflag:s21] =	ssyncset.done $0x0  }
0xb6: {  	[sflag:s21] =	ssyncadd.s32 $0xFFFFD800  }
0xb7: {  	_ =	swait.ge [sflag:s21], $0x2800  }
0xb8: {  	[sflag:s21] =	ssyncset.done $0x0  }
0xb9: {  	s29 =	sadd.s32 $0x80, s25;
	[sflag:s21] =	ssyncadd.s32 $0xFFFFD800  }
0xba: {  	[spmem:s2] =	stream.indirect.scatter.add.f32 [tilespmem:s17], [sflag:$0x2], $0x80, s29, s19, $0xb8;
	[tilespmem:$0x1CF00] =	vst v63  }
0xbb: {  	s25 =	sadd.s32 $0x180, s25  }
0xbc: {  	[spmem:s2] =	stream.indirect.scatter.add.f32 [tilespmem:s20], [sflag:$0x2], $0x80, s25, s19, $0xb8;
	[tilespmem:$0x1CF00] =	vst v63  }
0xbd: {  	_ =	swait.ge [sflag:s22], $0x2800  }
0xbe: {  	[sflag:s22] =	ssyncset.done $0x0  }
0xbf: {  	[sflag:s22] =	ssyncadd.s32 $0xFFFFD800  }
0xc0: {  	_ =	swait.ge [sflag:s22], $0x2800  }
0xc1: {  	s30 =	sshll.u32 s3, $0x6;
	s4 =	sadd.s32 $0x1, s4;
	[sflag:s22] =	ssyncset.done $0x0  }
0xc2: {  	s31 =	sshrl.u32 s8, $0x3;
	p0 =	sne.s32 s4, s9;
	[sflag:s22] =	ssyncadd.s32 $0xFFFFD800  }
.Ltmp3:
0xc3: {  	s25 =	sor.u32 $0x1C03, s30;
	[bflag:$0x0] =	sbarrier.arrive $0xFFFF;
	(pc) =	sbr.rel @p0 .LBB2_1-.Ltmp3, $4  }
0xc4: {  	[hbm:s7], [sflag:s25] =	dma.local [spmem:s31], $0x2800  }
0xc5: {  	_ =	swait.ge [sflag:s18], $0x2800  }
0xc6: {  	[sflag:s18] =	ssyncset.done $0x0  }
0xc7: {  	[sflag:s18] =	ssyncadd.s32 $0xFFFFD800  }
0xc8: {  	_ =	sfence.sel $0x180000  }
0xc9: {  	[bflag:$0x0] =	sbarrier.arrive $0xFFFF  }
0xca: {  	p0 =	sne.s32 s3, $0x0;
	_ =	strace $0x9000004D  }
0xcb: {  	s0 =	sadd.s32 @!p0 $0x100000, s0;
	[bflag:$0x2] =	sbarrier.arrive $0xFFFF  }
0xcc: {  	[sflag:s0] =	ssyncadd.tile.s32 @!p0 $0x1;
	_ =	shalt  }
.Lfunc_end2:
_tile_overlayer_lowered:
.L_overlay_start_2:
0xcd: {  	(tag) =	ssettag $0x2  }
0xce: {  	s0 =	rddreg [dreg:$0x0];
	s2 =	stileid.u32  }
0xcf: {  	s1 =	rddreg [dreg:$0x1];
	p0 =	sne.s32 s2, $0x0  }
0xd0: {  	s3 =	rddreg [dreg:$0x2];
	[bflag:$0x3] =	sbarrier.arrive $0xFFFF;
	s2 =	simm.s32 @!p0 $0x1C03  }
0xd1: {  	[timem:s3], [sflag:s2] =	dma.local @!p0 [hbm:s0], s1  }
0xd2: {  	s0 =	simm.s32 @!p0 $0x3  }
0xd3: {  	_ =	swait.ge @!p0 [sflag:s0], s1  }
0xd4: {  	s1 =	ssub.s32 @!p0 $0x0, s1;
	[sflag:s0] =	ssyncset.done @!p0 $0x0  }
0xd5: {  	[sflag:s0] =	ssyncadd.s32 @!p0 s1  }
0xd6: {  	[bflag:$0x3] =	sbarrier.arrive $0xFFFF  }
0xd7: {  	_ =	shalt  }

// kernel: kernel.20.cloned.1.call-start
scs
__scs_entry_jumppad:
0x0: {  	(pc) =	sbr.rel $0x88, $3  }
0x1: {  	(tag) =	ssettag $0x0;
	lr =	simm.s32 $0x1  }
0x2: {  	[smem:$0x3F8A] =	sst lr;
	_ =	strace $0xD0000000  }
0x3: {  	_ = 	snop  }
0x4: {  	_ = 	snop  }
0x5: {  	_ = 	snop  }
0x6: {  	_ = 	snop  }
0x7: {  	_ = 	snop  }
__scs_overlays_trampoline_lowered:
0x8: {  	[smem:$0x3F99] =	sst s0  }
0x9: {  	[smem:$0x3F9A] =	sst s1  }
0xa: {  	[smem:$0x3F9B] =	sst s2  }
0xb: {  	[smem:$0x3F9C] =	sst s3  }
0xc: {  	[smem:$0x3F9D] =	sst s4  }
0xd: {  	[smem:$0x3F9E] =	sst s5  }
0xe: {  	[smem:$0x3F9F] =	sst s6  }
0xf: {  	[smem:$0x3FA0] =	sst s7  }
0x10: {  	[smem:$0x3FA1] =	sst s8  }
0x11: {  	[smem:$0x3FA2] =	sst s9;
	s0 =	simm.s32 @!p0 $0x0  }
0x12: {  	s1 =	sld [smem:$0x3F88];
	s0 =	simm.s32 @p0 $0x1  }
0x13: {  	[smem:$0x3FA3] =	sst s0;
	s0 =	simm.s32 @!p1 $0x0  }
0x14: {  	s2 =	sld [smem:$0x3F87];
	s0 =	simm.s32 @p1 $0x1  }
0x15: {  	[smem:$0x3FA4] =	sst s0;
	s0 =	simm.s32 @!p2 $0x0  }
0x16: {  	s3 =	sld [smem:$0x3FDB];
	s0 =	simm.s32 @p2 $0x1  }
0x17: {  	s4 =	simm.s32 $0x1BF5;
	[smem:$0x3FA6] =	sst s0  }
0x18: {  	s0 =	sld [smem:$0x3F89];
	_ =	swait.ge [sflag:s4], $0x0  }
0x19: {  	s7 =	sld [smem:$0x3F8A]  }
0x1a: {  	s8 =	sadd.s32 $0xFFFFE003, lr  }
0x1b: {  	s9 =	sadd.s32 $0xFFFFFEF7, lr;
	s5 =	simm.s32 $0xFFFFFFFF;
	p2 =	slt.u32 s8, $0xFFFFF086  }
0x1c: {  	p1 =	slt.u32 s9, $0xF7A;
	s5 =	simm.s32 @!p2 $0x0  }
0x1d: {  	s5 =	simm.s32 @p1 $0x1;
	p0 =	seq.s32 s7, s2  }
0x1e: {  	s7 =	smul.u32 @!p0 $0xF7A, s2;
	p2 =	seq.s32 @!p0 s5, $0x0  }
0x1f: {  	s9 =	smul.u32 $0xF7A, s1;
	s8 =	simm.s32 @!p0 $0x1BF5;
	p2 =	por !p2, p0  }
0x20: {  	[sflag:s8] =	ssyncset.s32 @!p0 $0xFFFFF086;
	s6 =	sadd.s32 @!p0 s3, s7;
	s7 =	simm.s32 @!p0 $0x108  }
0x21: {  	s3 =	sadd.s32 s3, s9;
	s6 =	sadd.s32 @!p0 $0x88, s6;
	s7 =	simm.s32 @p2 $0x1082  }
0x22: {  	[simem:s7], [sflag:s8] =	dma.local @!p0 [hbm:s6], $0xF7A  }
0x23: {  	s9 =	sor.u32 $0xD0000000, s2;
	s6 =	simm.s32 $0x108;
	_ =	swait.ge @!p0 [sflag:s8], $0x0  }
0x24: {  	s3 =	sadd.s32 $0x88, s3;
	s6 =	simm.s32 @!p1 $0x1082;
	[sflag:s4] =	ssyncset.s32 $0xFFFFF086  }
0x25: {  	[simem:s6], [sflag:s4] =	dma.local [hbm:s3], $0xF7A  }
0x26: {  	[smem:$0x3F8A] =	sst s1;
	(tag) =	ssettag s2;
	_ =	strace s9  }
0x27: {  	s1 =	sld [smem:$0x3F9A]  }
0x28: {  	s2 =	sld [smem:$0x3F9B]  }
0x29: {  	s4 =	sld [smem:$0x3F9D]  }
0x2a: {  	p0 =	seq.s32 s5, $0x0;
	s5 =	sld [smem:$0x3F9E]  }
0x2b: {  	s6 =	sld [smem:$0x3F9F]  }
0x2c: {  	s7 =	sld [smem:$0x3FA0]  }
0x2d: {  	s3 =	simm.s32 $0x108;
	s8 =	sld [smem:$0x3FA1]  }
0x2e: {  	s3 =	simm.s32 @!p0 $0x1082;
	s9 =	sld [smem:$0x3FA2]  }
0x2f: {  	lr =	sadd.s32 s0, s3;
	s0 =	sld [smem:$0x3F99]  }
0x30: {  	s3 =	sld [smem:$0x3F9C]  }
0x31: {  	[smem:$0x3FA5] =	sst s10  }
0x32: {  	s10 =	sld [smem:$0x3FA3];
	_ =	sdelay $0x3  }
0x33: {  	p0 =	seq.s32 s10, $0x1;
	s10 =	sld [smem:$0x3FA5];
	_ =	sdelay $0x3  }
0x34: {  	[smem:$0x3FA5] =	sst s10  }
0x35: {  	s10 =	sld [smem:$0x3FA4];
	_ =	sdelay $0x3  }
0x36: {  	p1 =	seq.s32 s10, $0x1;
	s10 =	sld [smem:$0x3FA5];
	_ =	sdelay $0x3  }
0x37: {  	[smem:$0x3FA5] =	sst s10  }
0x38: {  	s10 =	sld [smem:$0x3FA6]  }
0x39: {  	_ = 	snop;
	(pc) =	sbr.ind lr, $3  }
0x3a: {  	_ = 	snop  }
0x3b: {  	_ = 	snop  }
0x3c: {  	p2 =	seq.s32 s10, $0x1;
	s10 =	sld [smem:$0x3FA5]  }
0x3d: {  	_ =	shalt  }
0x3e: {  	_ =	shalt  }
0x3f: {  	_ =	shalt  }
0x40: {  	_ =	shalt  }
0x41: {  	_ =	shalt  }
0x42: {  	_ =	shalt  }
0x43: {  	_ =	shalt  }
0x44: {  	_ =	shalt  }
0x45: {  	_ =	shalt  }
0x46: {  	_ =	shalt  }
0x47: {  	_ =	shalt  }
0x48: {  	_ =	shalt  }
0x49: {  	_ =	shalt  }
0x4a: {  	_ =	shalt  }
0x4b: {  	_ =	shalt  }
0x4c: {  	_ =	shalt  }
0x4d: {  	_ =	shalt  }
0x4e: {  	_ =	shalt  }
0x4f: {  	_ =	shalt  }
0x50: {  	_ =	shalt  }
0x51: {  	_ =	shalt  }
0x52: {  	_ =	shalt  }
0x53: {  	_ =	shalt  }
0x54: {  	_ =	shalt  }
0x55: {  	_ =	shalt  }
0x56: {  	_ =	shalt  }
0x57: {  	_ =	shalt  }
0x58: {  	_ =	shalt  }
0x59: {  	_ =	shalt  }
0x5a: {  	_ =	shalt  }
0x5b: {  	_ =	shalt  }
0x5c: {  	_ =	shalt  }
0x5d: {  	_ =	shalt  }
0x5e: {  	_ =	shalt  }
0x5f: {  	_ =	shalt  }
0x60: {  	_ =	shalt  }
0x61: {  	_ =	shalt  }
0x62: {  	_ =	shalt  }
0x63: {  	_ =	shalt  }
0x64: {  	_ =	shalt  }
0x65: {  	_ =	shalt  }
0x66: {  	_ =	shalt  }
0x67: {  	_ =	shalt  }
0x68: {  	_ =	shalt  }
0x69: {  	_ =	shalt  }
0x6a: {  	_ =	shalt  }
0x6b: {  	_ =	shalt  }
0x6c: {  	_ =	shalt  }
0x6d: {  	_ =	shalt  }
0x6e: {  	_ =	shalt  }
0x6f: {  	_ =	shalt  }
0x70: {  	_ =	shalt  }
0x71: {  	_ =	shalt  }
0x72: {  	_ =	shalt  }
0x73: {  	_ =	shalt  }
0x74: {  	_ =	shalt  }
0x75: {  	_ =	shalt  }
0x76: {  	_ =	shalt  }
0x77: {  	_ =	shalt  }
0x78: {  	_ =	shalt  }
0x79: {  	_ =	shalt  }
0x7a: {  	_ =	shalt  }
0x7b: {  	_ =	shalt  }
0x7c: {  	_ =	shalt  }
0x7d: {  	_ =	shalt  }
0x7e: {  	_ =	shalt  }
0x7f: {  	_ =	shalt  }
0x80: {  	_ =	shalt  }
0x81: {  	_ =	shalt  }
0x82: {  	_ =	shalt  }
0x83: {  	_ =	shalt  }
0x84: {  	_ =	shalt  }
0x85: {  	_ =	shalt  }
0x86: {  	_ =	shalt  }
0x87: {  	_ =	shalt  }
.Lfunc_end0:
.L_simem_size_0:
called_computation.3_lowered:
.L_overlay_start_0:
0x88: {  	s2 =	sld [smem:$0x3FD9]  }
0x89: {  	s3 =	sld [smem:$0x3FFE];
	_ =	sdelay $0x1  }
0x8a: {  	s1 =	srdreg.scid  }
0x8b: {  	s0 =	sand.u32 $0x1, s1  }
0x8c: {  	s16 =	sshll.u32 s0, $0xA;
	s2 =	sadd.s32 s3, s2  }
0x8d: {  	s2 =	sadd.s32 s2, s16  }
0x8e: {  	[smem:$0x3FB1] =	sst s2  }
0x8f: {  	_ = 	snop  }
0x90: {  	(tm) =	ssettm $0x1  }
0x91: {  	s17 =	sld [smem:$0x3FFB];
	_ =	sdelay $0x3  }
0x92: {  	_ =	strace s17  }
0x93: {  	s2 =	sld [smem:$0x3FFC];
	_ =	sdelay $0x3  }
0x94: {  	_ =	strace s2  }
0x95: {  	s2 =	sld [smem:$0x3FFD];
	_ =	sdelay $0x3  }
0x96: {  	_ =	strace s2  }
0x97: {  	_ =	strace $0x8FFFFFFF  }
0x98: {  	s18 =	sld [smem:$0x3FDB];
	_ =	sdelay $0x1  }
0x99: {  	s19 =	simm.s32 $_scs_section_size  }
0x9a: {  	s4 =	simm.s32 $_size__tile_overlayer_lowered;
	s5 =	simm.s32 $_tile_overlayer_lowered  }
0x9b: {  	s22 =	simm.s32 $0x1BFF;
	s21 =	sshll.u32 s5, $0x1;
	s2 =	sadd.s32 s19, s18  }
0x9c: {  	s6 =	simm.s32 $0x0;
	s20 =	sshll.u32 s4, $0x1;
	s4 =	sadd.s32 s21, s2  }
0x9d: {  	[timem:s6], [sflag:s22] =	dma.local [hbm:s4], s20  }
0x9e: {  	_ =	swait.ge [sflag:s22], s20  }
0x9f: {  	s3 =	ssub.s32 $0x0, s20;
	[sflag:s22] =	ssyncset.done $0x0  }
0xa0: {  	[sflag:s22] =	ssyncadd.s32 s3;
	_ =	sdelay $0x1  }
0xa1: {  	s23 =	simm.s32 $0x1B8B  }
0xa2: {  	_ =	swait.ge [sflag:s23], $0x1  }
0xa3: {  	[sflag:s23] =	ssyncset.done $0x0  }
0xa4: {  	s25 =	simm.s32 $0x1B8E;
	s24 =	sld [smem:$0x3FFE];
	[sflag:s23] =	ssyncadd.s32 $0xFFFFFFFF  }
0xa5: {  	s26 =	simm.s32 $execute0_lowered;
	[smem:$0x3FD2] =	sst s25  }
0xa6: {  	s4 =	sshll.u32 s26, $0x1;
	_ =	strace $0x8000004F;
	[dreg:$0x1] =	wrdreg $0xFFFFFFFF  }
0xa7: {  	s28 =	simm.s32 $_size_execute0_lowered;
	s2 =	sadd.s32 s2, s4;
	[dreg:$0x0] =	wrdreg $0x0  }
0xa8: {  	s4 =	sshll.u32 s28, $0x1;
	[dreg:$0x2] =	wrdreg s2  }
0xa9: {  	[dreg:$0x3] =	wrdreg s4  }
0xaa: {  	[dreg:$0x4] =	wrdreg $0xC0  }
0xab: {  	_ =	task [dreg:s6], $0x5FFFF  }
0xac: {  	[dreg:$0x1] =	wrdreg $0xFFFFFFFF  }
0xad: {  	[dreg:$0x0] =	wrdreg $0x60  }
0xae: {  	[dreg:$0x2] =	wrdreg s24  }
0xaf: {  	[dreg:$0x3] =	wrdreg $0x9  }
0xb0: {  	_ =	task.clear_ibuf [dreg:s6], $0x4FFFF;
	_ =	strace $0x9000004F  }
0xb1: {  	s29 =	simm.s32 $0x9;
	_ =	strace $0x80000051  }
0xb2: {  	_ =	swait.ge [sflag:s29], $0x1  }
0xb3: {  	[sflag:s29] =	ssyncadd.s32 $0xFFFFFFFF  }
0xb4: {  	_ =	strace $0x90000051  }
0xb5: {  	_ =	sfence  }
0xb6: {  	s30 =	sld [smem:$0x0];
	_ =	sdelay $0x2  }
0xb7: {  	s31 =	sshll.u32 s1, $0xD;
	s1 =	sshrl.u32 s1, $0x2  }
0xb8: {  	s3 =	sand.u32 $0x4000, s31;
	s1 =	sadd.s32 s1, s30  }
0xb9: {  	s0 =	sor.u32 s3, s0;
	s1 =	sshll.u32 s1, $0x11  }
0xba: {  	s0 =	sor.u32 s1, s0  }
0xbb: {  	s0 =	sadd.s32 $0x8F2B, s0  }
0xbc: {  	[sflag:s0] =	ssyncadd.remote.s32 $0x1  }
0xbd: {  	_ =	sfence.sel $0xFFFF  }
0xbe: {  	[dreg:$0x0] =	wrdreg $0xFFFFFFFF;
	(pc) =	sbr.abs _section_cstart, $3  }
0xbf: {  	[dreg:$0x1] =	wrdreg $0xFFFFFFFF  }
0xc0: {  	_ =	task.clear_ibuf [dreg:s6], $0x2FFFF;
	_ =	strace $0x9FFFFFFF  }
0xc1: {  	(tm) =	ssettm $0x7FFFFFFF  }
tec
execute0_lowered:
.L_overlay_start_1:
0x0: {  	(tag) =	ssettag $0x1  }
0x1: {  	s1 =	srdreg.scid;
	s0 =	stileid.u32  }
0x2: {  	s6 =	rddreg [dreg:$0x0];
	s2 =	simm.s32 $0x0;
	s14 =	simm.s32 $0xF000  }
0x3: {  	s5 =	sand.u32 $0x1, s1;
	s1 =	rddreg [dreg:$0x1];
	s8 =	smul.u32 $0x19000, s0  }
0x4: {  	s15 =	sshll.u32 s0, $0x1;
	[smem:$0x7FF] =	sst s2;
	s9 =	smul.u32 $0xC8000, s0  }
0x5: {  	s4 =	sadd.s32 $0x2C800, s6;
	s11 =	sadd.s32 $0xCCE00, s6;
	s10 =	smul.u32 $0x64000, s5  }
0x6: {  	s3 =	sor.u32 s5, s15;
	_ =	strace $0x80000050;
	s12 =	smul.u32 $0xC800, s5  }
0x7: {  	s5 =	ssub.s32 $0x2, s5;
	s15 =	simm.s32 $0x11800;
	s7 =	smul.u32 $0x500, s3  }
0x8: {  	s3 =	sadd.s32 $0x5600, s6;
	s13 =	sadd.s32 s8, s11;
	s30 =	sshrl.u32 s5, $0x1  }
0x9: {  	s9 =	sadd.s32 s10, s9;
	s16 =	sadd.s32 s12, s13;
	s31 =	ssub.s32 s5, s30  }
0xa: {  	s10 =	simm.s32 $0x5000;
	s13 =	simm.s32 $0xC800;
	s7 =	sadd.s32 s7, s6  }
0xb: {  	s6 =	sadd.s32 $0x25CE00, s6;
	s17 =	sadd.s32 $0xA000, s9;
	[dreg:$0x2] =	wrdreg s16  }
0xc: {  	s20 =	sadd.s32 $0x7800, s9;
	s24 =	sadd.s32 $0x5000, s9;
	s9 =	sor.u32 $0x2800, s9  }
0xd: {  	s16 =	simm.s32 $0x14000;
	s8 =	sadd.s32 s8, s6;
	s18 =	sshrl.u32 s17, $0x3  }
0xe: {  	s22 =	sshrl.u32 s20, $0x3;
	s26 =	sshrl.u32 s24, $0x3;
	s8 =	sadd.s32 s12, s8  }
0xf: {  	s9 =	sshrl.u32 s9, $0x3;
	s19 =	sadd.s32 s18, s6;
	[dreg:$0x3] =	wrdreg s8  }
0x10: {  	s5 =	sadd.s32 $0xC2E00, s7;
	s21 =	sadd.s32 s18, s11;
	[dreg:$0x4] =	wrdreg s19  }
0x11: {  	s7 =	simm.s32 $0x3;
	s23 =	sadd.s32 s22, s6;
	[dreg:$0x5] =	wrdreg s21  }
0x12: {  	s17 =	simm.s32 $0x16800;
	s25 =	sadd.s32 s22, s11;
	[dreg:$0x6] =	wrdreg s23  }
0x13: {  	s20 =	simm.s32 $0x2;
	s28 =	sadd.s32 s26, s6;
	[dreg:$0x7] =	wrdreg s25  }
0x14: {  	s29 =	sadd.s32 s26, s11;
	s6 =	sadd.s32 s9, s6;
	[dreg:$0x8] =	wrdreg s28  }
0x15: {  	s9 =	sadd.s32 s9, s11;
	s11 =	simm.s32 $0x7800;
	[dreg:$0x9] =	wrdreg s29  }
0x16: {  	s12 =	simm.s32 $0xA000;
	s18 =	simm.s32 $0x19000;
	[dreg:$0xa] =	wrdreg s6  }
0x17: {  	s6 =	smax.u32 s31, $0x1;
	[dreg:$0xb] =	wrdreg s9;
	s8 =	simm.s32 $0x50  }
0x18: {  	s9 =	simm.s32 $0x2800;
	s19 =	simm.s32 $0x1;
	s21 =	simm.s32 $0x0  }
.LBB2_1:
0x19: {  	[tilespmem:s2], [sflag:$0x3] =	stream.linear.gather [hbm4b:s5+s2], $0x2800, $0x38;
	[tilespmem:$0x1B800] =	vst v63  }
0x1a: {  	_ =	swait.ge [sflag:s7], $0x2800  }
0x1b: {  	[sflag:s7] =	ssyncset.done $0x0  }
0x1c: {  	[sflag:s7] =	ssyncadd.s32 $0xFFFFD800  }
0x1d: {  	[tilespmem:s9], [sflag:$0x1] =	stream.indirect.gather [hbm4b:s3+s8], $0x80, s2, s8, $0xb8;
	[tilespmem:$0x1B800] =	vst v63  }
0x1e: {  	s22 =	simm.s32 $0x100  }
0x1f: {  	[tilespmem:s10], [sflag:$0x1] =	stream.indirect.gather [hbm4b:s3+s8], $0x80, s22, s8, $0xb8;
	[tilespmem:$0x1B800] =	vst v63  }
0x20: {  	s26 =	simm.s32 $0x200  }
0x21: {  	[tilespmem:s11], [sflag:$0x1] =	stream.indirect.gather [hbm4b:s3+s8], $0x80, s26, s8, $0xb8;
	[tilespmem:$0x1B800] =	vst v63  }
0x22: {  	s28 =	simm.s32 $0x300  }
0x23: {  	[tilespmem:s12], [sflag:$0x1] =	stream.indirect.gather [hbm4b:s3+s8], $0x80, s28, s8, $0xb8;
	[tilespmem:$0x1B800] =	vst v63  }
0x24: {  	s29 =	simm.s32 $0x400  }
0x25: {  	[tilespmem:s13], [sflag:$0x1] =	stream.indirect.gather [hbm4b:s3+s8], $0x80, s29, s8, $0xb8;
	[tilespmem:$0x1B800] =	vst v63  }
0x26: {  	s30 =	simm.s32 $0x80  }
0x27: {  	[tilespmem:s14], [sflag:$0x1] =	stream.indirect.gather [hbm4b:s4+s8], $0x80, s30, s8, $0xb8;
	[tilespmem:$0x1B800] =	vst v63  }
0x28: {  	s31 =	simm.s32 $0x180  }
0x29: {  	[tilespmem:s15], [sflag:$0x1] =	stream.indirect.gather [hbm4b:s4+s8], $0x80, s31, s8, $0xb8;
	[tilespmem:$0x1B800] =	vst v63  }
0x2a: {  	s23 =	simm.s32 $0x280  }
0x2b: {  	[tilespmem:s16], [sflag:$0x1] =	stream.indirect.gather [hbm4b:s4+s8], $0x80, s23, s8, $0xb8;
	[tilespmem:$0x1B800] =	vst v63  }
0x2c: {  	s24 =	simm.s32 $0x380  }
0x2d: {  	[tilespmem:s17], [sflag:$0x1] =	stream.indirect.gather [hbm4b:s4+s8], $0x80, s24, s8, $0xb8;
	[tilespmem:$0x1B800] =	vst v63  }
0x2e: {  	s25 =	simm.s32 $0x480  }
0x2f: {  	[tilespmem:s18], [sflag:$0x1] =	stream.indirect.gather [hbm4b:s4+s8], $0x80, s25, s8, $0xb8;
	[tilespmem:$0x1B800] =	vst v63  }
0x30: {  	_ =	swait.ge [sflag:s19], $0x2800  }
0x31: {  	[sflag:s19] =	ssyncset.done $0x0  }
0x32: {  	[sflag:s19] =	ssyncadd.s32 $0xFFFFD800  }
0x33: {  	_ =	swait.ge [sflag:s19], $0x2800  }
0x34: {  	[sflag:s19] =	ssyncset.done $0x0  }
0x35: {  	[sflag:s19] =	ssyncadd.s32 $0xFFFFD800  }
0x36: {  	_ =	swait.ge [sflag:s19], $0x2800  }
0x37: {  	[sflag:s19] =	ssyncset.done $0x0  }
0x38: {  	[sflag:s19] =	ssyncadd.s32 $0xFFFFD800  }
0x39: {  	_ =	swait.ge [sflag:s19], $0x2800  }
0x3a: {  	[sflag:s19] =	ssyncset.done $0x0  }
0x3b: {  	[sflag:s19] =	ssyncadd.s32 $0xFFFFD800  }
0x3c: {  	_ =	swait.ge [sflag:s19], $0x2800  }
0x3d: {  	[sflag:s19] =	ssyncset.done $0x0  }
0x3e: {  	[sflag:s19] =	ssyncadd.s32 $0xFFFFD800  }
0x3f: {  	_ =	swait.ge [sflag:s19], $0x2800  }
0x40: {  	[sflag:s19] =	ssyncset.done $0x0  }
0x41: {  	[sflag:s19] =	ssyncadd.s32 $0xFFFFD800  }
0x42: {  	_ =	swait.ge [sflag:s19], $0x2800  }
0x43: {  	[sflag:s19] =	ssyncset.done $0x0  }
0x44: {  	[sflag:s19] =	ssyncadd.s32 $0xFFFFD800  }
0x45: {  	_ =	swait.ge [sflag:s19], $0x2800  }
0x46: {  	[sflag:s19] =	ssyncset.done $0x0  }
0x47: {  	[sflag:s19] =	ssyncadd.s32 $0xFFFFD800  }
0x48: {  	_ =	swait.ge [sflag:s19], $0x2800  }
0x49: {  	[sflag:s19] =	ssyncset.done $0x0  }
0x4a: {  	[sflag:s19] =	ssyncadd.s32 $0xFFFFD800  }
0x4b: {  	_ =	swait.ge [sflag:s19], $0x2800  }
0x4c: {  	s26 =	rddreg [dreg:$0x2];
	[sflag:s19] =	ssyncset.done $0x0  }
0x4d: {  	s23 =	rddreg [dreg:$0x3];
	[sflag:s19] =	ssyncadd.s32 $0xFFFFD800;
	s22 =	sadd.s32 $0x0, s26  }
0x4e: {  	[hbm4b:s22+s2] =	stream.linear.scatter [tilespmem:s9], [sflag:$0x2], $0x2800, $0x38;
	[tilespmem:$0x1B800] =	vst v63  }
0x4f: {  	s24 =	rddreg [dreg:$0xb];
	s28 =	sadd.s32 $0x0, s23  }
0x50: {  	[hbm4b:s28+s2] =	stream.linear.scatter [tilespmem:s14], [sflag:$0x2], $0x2800, $0x38;
	[tilespmem:$0x1B800] =	vst v63  }
0x51: {  	s29 =	rddreg [dreg:$0xa];
	s30 =	sadd.s32 $0x0, s24  }
0x52: {  	[hbm4b:s30+s2] =	stream.linear.scatter [tilespmem:s10], [sflag:$0x2], $0x2800, $0x38;
	[tilespmem:$0x1B800] =	vst v63  }
0x53: {  	s31 =	rddreg [dreg:$0x9];
	s25 =	sadd.s32 $0x0, s29  }
0x54: {  	[hbm4b:s25+s2] =	stream.linear.scatter [tilespmem:s15], [sflag:$0x2], $0x2800, $0x38;
	[tilespmem:$0x1B800] =	vst v63  }
0x55: {  	s26 =	rddreg [dreg:$0x8];
	s28 =	sadd.s32 $0x0, s31  }
0x56: {  	[hbm4b:s28+s2] =	stream.linear.scatter [tilespmem:s11], [sflag:$0x2], $0x2800, $0x38;
	[tilespmem:$0x1B800] =	vst v63  }
0x57: {  	s29 =	rddreg [dreg:$0x7];
	s30 =	sadd.s32 $0x0, s26  }
0x58: {  	[hbm4b:s30+s2] =	stream.linear.scatter [tilespmem:s16], [sflag:$0x2], $0x2800, $0x38;
	[tilespmem:$0x1B800] =	vst v63  }
0x59: {  	s31 =	rddreg [dreg:$0x6];
	s25 =	sadd.s32 $0x0, s29  }
0x5a: {  	[hbm4b:s25+s2] =	stream.linear.scatter [tilespmem:s12], [sflag:$0x2], $0x2800, $0x38;
	[tilespmem:$0x1B800] =	vst v63  }
0x5b: {  	s26 =	rddreg [dreg:$0x5];
	s28 =	sadd.s32 $0x0, s31  }
0x5c: {  	[hbm4b:s28+s2] =	stream.linear.scatter [tilespmem:s17], [sflag:$0x2], $0x2800, $0x38;
	[tilespmem:$0x1B800] =	vst v63  }
0x5d: {  	s29 =	rddreg [dreg:$0x4];
	s30 =	sadd.s32 $0x0, s26  }
0x5e: {  	[hbm4b:s30+s2] =	stream.linear.scatter [tilespmem:s13], [sflag:$0x2], $0x2800, $0x38;
	[tilespmem:$0x1B800] =	vst v63  }
0x5f: {  	s31 =	sadd.s32 $0x0, s29  }
0x60: {  	[hbm4b:s31+s2] =	stream.linear.scatter [tilespmem:s18], [sflag:$0x2], $0x2800, $0x38;
	[tilespmem:$0x1B800] =	vst v63  }
0x61: {  	_ =	swait.ge [sflag:s20], $0x2800  }
0x62: {  	[sflag:s20] =	ssyncset.done $0x0  }
0x63: {  	[sflag:s20] =	ssyncadd.s32 $0xFFFFD800  }
0x64: {  	_ =	swait.ge [sflag:s20], $0x2800  }
0x65: {  	[sflag:s20] =	ssyncset.done $0x0  }
0x66: {  	[sflag:s20] =	ssyncadd.s32 $0xFFFFD800  }
0x67: {  	_ =	swait.ge [sflag:s20], $0x2800  }
0x68: {  	[sflag:s20] =	ssyncset.done $0x0  }
0x69: {  	[sflag:s20] =	ssyncadd.s32 $0xFFFFD800  }
0x6a: {  	_ =	swait.ge [sflag:s20], $0x2800  }
0x6b: {  	[sflag:s20] =	ssyncset.done $0x0  }
0x6c: {  	[sflag:s20] =	ssyncadd.s32 $0xFFFFD800  }
0x6d: {  	_ =	swait.ge [sflag:s20], $0x2800  }
0x6e: {  	[sflag:s20] =	ssyncset.done $0x0  }
0x6f: {  	[sflag:s20] =	ssyncadd.s32 $0xFFFFD800  }
0x70: {  	_ =	swait.ge [sflag:s20], $0x2800  }
0x71: {  	[sflag:s20] =	ssyncset.done $0x0  }
0x72: {  	[sflag:s20] =	ssyncadd.s32 $0xFFFFD800  }
0x73: {  	_ =	swait.ge [sflag:s20], $0x2800  }
0x74: {  	[sflag:s20] =	ssyncset.done $0x0  }
0x75: {  	[sflag:s20] =	ssyncadd.s32 $0xFFFFD800  }
0x76: {  	_ =	swait.ge [sflag:s20], $0x2800  }
0x77: {  	[sflag:s20] =	ssyncset.done $0x0  }
0x78: {  	[sflag:s20] =	ssyncadd.s32 $0xFFFFD800  }
0x79: {  	_ =	swait.ge [sflag:s20], $0x2800  }
0x7a: {  	[sflag:s20] =	ssyncset.done $0x0  }
0x7b: {  	[sflag:s20] =	ssyncadd.s32 $0xFFFFD800  }
0x7c: {  	_ =	swait.ge [sflag:s20], $0x2800  }
0x7d: {  	s23 =	simm.s32 $0x0;
	s22 =	simm.s32 $0x1900;
	[sflag:s20] =	ssyncset.done $0x0  }
.LBB2_2:
0x7e: {  	[sflag:s20] =	ssyncadd.s32 $0xFFFFD800;
	s23 =	sadd.s32 $0x500, s23  }
0x7f: {  	[tilespmem:s9], [sflag:$0x1] =	stream.indirect.gather [hbm4b:s3+s8], $0x80, s23, s8, $0xb8;
	[tilespmem:$0x1B800] =	vst v63  }
0x80: {  	s25 =	sadd.s32 $0x100, s23  }
0x81: {  	[tilespmem:s10], [sflag:$0x1] =	stream.indirect.gather [hbm4b:s3+s8], $0x80, s25, s8, $0xb8;
	[tilespmem:$0x1B800] =	vst v63  }
0x82: {  	s28 =	sadd.s32 $0x200, s23  }
0x83: {  	[tilespmem:s11], [sflag:$0x1] =	stream.indirect.gather [hbm4b:s3+s8], $0x80, s28, s8, $0xb8;
	[tilespmem:$0x1B800] =	vst v63  }
0x84: {  	s29 =	sadd.s32 $0x300, s23  }
0x85: {  	[tilespmem:s12], [sflag:$0x1] =	stream.indirect.gather [hbm4b:s3+s8], $0x80, s29, s8, $0xb8;
	[tilespmem:$0x1B800] =	vst v63  }
0x86: {  	s30 =	sadd.s32 $0x400, s23  }
0x87: {  	[tilespmem:s13], [sflag:$0x1] =	stream.indirect.gather [hbm4b:s3+s8], $0x80, s30, s8, $0xb8;
	[tilespmem:$0x1B800] =	vst v63  }
0x88: {  	s31 =	sadd.s32 $0x80, s23  }
0x89: {  	[tilespmem:s14], [sflag:$0x1] =	stream.indirect.gather [hbm4b:s4+s8], $0x80, s31, s8, $0xb8;
	[tilespmem:$0x1B800] =	vst v63  }
0x8a: {  	s26 =	sadd.s32 $0x180, s23  }
0x8b: {  	[tilespmem:s15], [sflag:$0x1] =	stream.indirect.gather [hbm4b:s4+s8], $0x80, s26, s8, $0xb8;
	[tilespmem:$0x1B800] =	vst v63  }
0x8c: {  	s28 =	sadd.s32 $0x280, s23  }
0x8d: {  	[tilespmem:s16], [sflag:$0x1] =	stream.indirect.gather [hbm4b:s4+s8], $0x80, s28, s8, $0xb8;
	[tilespmem:$0x1B800] =	vst v63  }
0x8e: {  	s29 =	sadd.s32 $0x380, s23  }
0x8f: {  	[tilespmem:s17], [sflag:$0x1] =	stream.indirect.gather [hbm4b:s4+s8], $0x80, s29, s8, $0xb8;
	[tilespmem:$0x1B800] =	vst v63  }
0x90: {  	s30 =	sadd.s32 $0x480, s23  }
0x91: {  	[tilespmem:s18], [sflag:$0x1] =	stream.indirect.gather [hbm4b:s4+s8], $0x80, s30, s8, $0xb8;
	[tilespmem:$0x1B800] =	vst v63  }
0x92: {  	_ =	swait.ge [sflag:s19], $0x2800  }
0x93: {  	[sflag:s19] =	ssyncset.done $0x0  }
0x94: {  	[sflag:s19] =	ssyncadd.s32 $0xFFFFD800  }
0x95: {  	_ =	swait.ge [sflag:s19], $0x2800  }
0x96: {  	[sflag:s19] =	ssyncset.done $0x0  }
0x97: {  	[sflag:s19] =	ssyncadd.s32 $0xFFFFD800  }
0x98: {  	_ =	swait.ge [sflag:s19], $0x2800  }
0x99: {  	[sflag:s19] =	ssyncset.done $0x0  }
0x9a: {  	[sflag:s19] =	ssyncadd.s32 $0xFFFFD800  }
0x9b: {  	_ =	swait.ge [sflag:s19], $0x2800  }
0x9c: {  	[sflag:s19] =	ssyncset.done $0x0  }
0x9d: {  	[sflag:s19] =	ssyncadd.s32 $0xFFFFD800  }
0x9e: {  	_ =	swait.ge [sflag:s19], $0x2800  }
0x9f: {  	[sflag:s19] =	ssyncset.done $0x0  }
0xa0: {  	[sflag:s19] =	ssyncadd.s32 $0xFFFFD800  }
0xa1: {  	_ =	swait.ge [sflag:s19], $0x2800  }
0xa2: {  	[sflag:s19] =	ssyncset.done $0x0  }
0xa3: {  	[sflag:s19] =	ssyncadd.s32 $0xFFFFD800  }
0xa4: {  	_ =	swait.ge [sflag:s19], $0x2800  }
0xa5: {  	[sflag:s19] =	ssyncset.done $0x0  }
0xa6: {  	[sflag:s19] =	ssyncadd.s32 $0xFFFFD800  }
0xa7: {  	_ =	swait.ge [sflag:s19], $0x2800  }
0xa8: {  	[sflag:s19] =	ssyncset.done $0x0  }
0xa9: {  	[sflag:s19] =	ssyncadd.s32 $0xFFFFD800  }
0xaa: {  	_ =	swait.ge [sflag:s19], $0x2800  }
0xab: {  	[sflag:s19] =	ssyncset.done $0x0  }
0xac: {  	[sflag:s19] =	ssyncadd.s32 $0xFFFFD800  }
0xad: {  	_ =	swait.ge [sflag:s19], $0x2800  }
0xae: {  	s24 =	smov.u32 s22;
	s31 =	rddreg [dreg:$0x2];
	[sflag:s19] =	ssyncset.done $0x0  }
0xaf: {  	s26 =	rddreg [dreg:$0x3];
	[sflag:s19] =	ssyncadd.s32 $0xFFFFD800;
	s25 =	sadd.s32 s24, s31  }
0xb0: {  	[hbm4b:s25+s2] =	stream.linear.scatter [tilespmem:s9], [sflag:$0x2], $0x2800, $0x38;
	[tilespmem:$0x1B800] =	vst v63  }
0xb1: {  	s28 =	rddreg [dreg:$0xb];
	s26 =	sadd.s32 s24, s26  }
0xb2: {  	[hbm4b:s26+s2] =	stream.linear.scatter [tilespmem:s14], [sflag:$0x2], $0x2800, $0x38;
	[tilespmem:$0x1B800] =	vst v63  }
0xb3: {  	s29 =	rddreg [dreg:$0xa];
	s30 =	sadd.s32 s24, s28  }
0xb4: {  	[hbm4b:s30+s2] =	stream.linear.scatter [tilespmem:s10], [sflag:$0x2], $0x2800, $0x38;
	[tilespmem:$0x1B800] =	vst v63  }
0xb5: {  	s31 =	rddreg [dreg:$0x9];
	s26 =	sadd.s32 s24, s29  }
0xb6: {  	[hbm4b:s26+s2] =	stream.linear.scatter [tilespmem:s15], [sflag:$0x2], $0x2800, $0x38;
	[tilespmem:$0x1B800] =	vst v63  }
0xb7: {  	s29 =	rddreg [dreg:$0x8];
	s30 =	sadd.s32 s24, s31  }
0xb8: {  	[hbm4b:s30+s2] =	stream.linear.scatter [tilespmem:s11], [sflag:$0x2], $0x2800, $0x38;
	[tilespmem:$0x1B800] =	vst v63  }
0xb9: {  	s31 =	rddreg [dreg:$0x7];
	s26 =	sadd.s32 s24, s29  }
0xba: {  	[hbm4b:s26+s2] =	stream.linear.scatter [tilespmem:s16], [sflag:$0x2], $0x2800, $0x38;
	[tilespmem:$0x1B800] =	vst v63  }
0xbb: {  	s29 =	rddreg [dreg:$0x6];
	s30 =	sadd.s32 s24, s31  }
0xbc: {  	[hbm4b:s30+s2] =	stream.linear.scatter [tilespmem:s12], [sflag:$0x2], $0x2800, $0x38;
	[tilespmem:$0x1B800] =	vst v63  }
0xbd: {  	s29 =	sadd.s32 s24, s29;
	s31 =	rddreg [dreg:$0x5]  }
0xbe: {  	[hbm4b:s29+s2] =	stream.linear.scatter [tilespmem:s17], [sflag:$0x2], $0x2800, $0x38;
	[tilespmem:$0x1B800] =	vst v63  }
0xbf: {  	s31 =	sadd.s32 s24, s31;
	s30 =	rddreg [dreg:$0x4]  }
0xc0: {  	[hbm4b:s31+s2] =	stream.linear.scatter [tilespmem:s13], [sflag:$0x2], $0x2800, $0x38;
	[tilespmem:$0x1B800] =	vst v63  }
0xc1: {  	s24 =	sadd.s32 s24, s30  }
0xc2: {  	[hbm4b:s24+s2] =	stream.linear.scatter [tilespmem:s18], [sflag:$0x2], $0x2800, $0x38;
	[tilespmem:$0x1B800] =	vst v63  }
0xc3: {  	_ =	swait.ge [sflag:s20], $0x2800  }
0xc4: {  	[sflag:s20] =	ssyncset.done $0x0  }
0xc5: {  	[sflag:s20] =	ssyncadd.s32 $0xFFFFD800  }
0xc6: {  	_ =	swait.ge [sflag:s20], $0x2800  }
0xc7: {  	[sflag:s20] =	ssyncset.done $0x0  }
0xc8: {  	[sflag:s20] =	ssyncadd.s32 $0xFFFFD800  }
0xc9: {  	_ =	swait.ge [sflag:s20], $0x2800  }
0xca: {  	[sflag:s20] =	ssyncset.done $0x0  }
0xcb: {  	[sflag:s20] =	ssyncadd.s32 $0xFFFFD800  }
0xcc: {  	_ =	swait.ge [sflag:s20], $0x2800  }
0xcd: {  	[sflag:s20] =	ssyncset.done $0x0  }
0xce: {  	[sflag:s20] =	ssyncadd.s32 $0xFFFFD800  }
0xcf: {  	_ =	swait.ge [sflag:s20], $0x2800  }
0xd0: {  	[sflag:s20] =	ssyncset.done $0x0  }
0xd1: {  	[sflag:s20] =	ssyncadd.s32 $0xFFFFD800  }
0xd2: {  	_ =	swait.ge [sflag:s20], $0x2800  }
0xd3: {  	[sflag:s20] =	ssyncset.done $0x0  }
0xd4: {  	[sflag:s20] =	ssyncadd.s32 $0xFFFFD800  }
0xd5: {  	_ =	swait.ge [sflag:s20], $0x2800  }
0xd6: {  	[sflag:s20] =	ssyncset.done $0x0  }
0xd7: {  	[sflag:s20] =	ssyncadd.s32 $0xFFFFD800  }
0xd8: {  	_ =	swait.ge [sflag:s20], $0x2800  }
0xd9: {  	[sflag:s20] =	ssyncset.done $0x0  }
0xda: {  	p0 =	sne.s32 s22, $0xAF00;
	[sflag:s20] =	ssyncadd.s32 $0xFFFFD800  }
.Ltmp0:
0xdb: {  	_ =	swait.ge [sflag:s20], $0x2800;
	(pc) =	sbr.rel @p0 .LBB2_2-.Ltmp0, $4  }
0xdc: {  	[sflag:s20] =	ssyncset.done $0x0  }
0xdd: {  	[sflag:s20] =	ssyncadd.s32 $0xFFFFD800  }
0xde: {  	_ =	swait.ge [sflag:s20], $0x2800  }
0xdf: {  	s22 =	sadd.s32 $0x1900, s22;
	[sflag:s20] =	ssyncset.done $0x0  }
0xe0: {  	s21 =	sadd.s32 $0x1, s21  }
0xe1: {  	p0 =	sne.s32 s21, s6  }
.Ltmp1:
0xe2: {  	_ = 	snop;
	(pc) =	sbr.rel @p0 .LBB2_1-.Ltmp1, $2  }
0xe3: {  	_ =	sdelay $0x2  }
0xe4: {  	[sflag:s20] =	ssyncadd.s32 $0xFFFFD800  }
0xe5: {  	_ =	sfence.sel $0x180000  }
0xe6: {  	[bflag:$0x0] =	sbarrier.arrive $0xFFFF  }
0xe7: {  	p0 =	sne.s32 s0, $0x0;
	_ =	strace $0x90000050  }
0xe8: {  	s0 =	sadd.s32 @!p0 $0x100000, s1;
	[bflag:$0x2] =	sbarrier.arrive $0xFFFF  }
0xe9: {  	[sflag:s0] =	ssyncadd.tile.s32 @!p0 $0x1;
	_ =	shalt  }
.Lfunc_end2:
_tile_overlayer_lowered:
.L_overlay_start_2:
0xea: {  	(tag) =	ssettag $0x2  }
0xeb: {  	s0 =	rddreg [dreg:$0x0];
	s2 =	stileid.u32  }
0xec: {  	s1 =	rddreg [dreg:$0x1];
	p0 =	sne.s32 s2, $0x0  }
0xed: {  	s3 =	rddreg [dreg:$0x2];
	[bflag:$0x3] =	sbarrier.arrive $0xFFFF;
	s2 =	simm.s32 @!p0 $0x1C03  }
0xee: {  	[timem:s3], [sflag:s2] =	dma.local @!p0 [hbm:s0], s1  }
0xef: {  	s0 =	simm.s32 @!p0 $0x3  }
0xf0: {  	_ =	swait.ge @!p0 [sflag:s0], s1  }
0xf1: {  	s1 =	ssub.s32 @!p0 $0x0, s1;
	[sflag:s0] =	ssyncset.done @!p0 $0x0  }
0xf2: {  	[sflag:s0] =	ssyncadd.s32 @!p0 s1  }
0xf3: {  	[bflag:$0x3] =	sbarrier.arrive $0xFFFF  }
0xf4: {  	_ =	shalt  }

</sc_bundles>
